<compile_context>
chip_gen: v7x
topology: tpu7x:2x2x1
jax: 0.10.2.dev20260603
libtpu: 0.0.44.dev20260713+nightly
codegen_flags: <defaults>
</compile_context>

<pallas_src>
import functools

import jax
import jax.numpy as jnp
from jax import lax
from jax.experimental import pallas as pl
from jax.experimental.pallas import tpu as pltpu
from jax.experimental.pallas import tpu_sc as plsc

EMBED_DIM = 256
BATCH = 16384
NUM_SLOTS = 3

_INFO = plsc.get_sparse_core_info()
_NC = _INFO.num_cores
_NS = _INFO.num_subcores
_NW = _NC * _NS
_ROWS_PER_W = BATCH // _NW
_CHUNK = 128
_NCHUNK = _ROWS_PER_W // _CHUNK
_NREG = EMBED_DIM // 16


@functools.partial(
    pl.kernel,
    mesh=plsc.VectorSubcoreMesh(core_axis_name="c", subcore_axis_name="s"),
    out_type=jax.ShapeDtypeStruct((NUM_SLOTS, BATCH, EMBED_DIM), jnp.float32),
    scratch_types=[
        pltpu.VMEM((10 * EMBED_DIM,), jnp.float32),
        pltpu.VMEM((_ROWS_PER_W + 16,), jnp.int32),
        pltpu.VMEM((_ROWS_PER_W + 16,), jnp.int32),
        pltpu.VMEM((_CHUNK, EMBED_DIM), jnp.float32),
        pltpu.VMEM((_CHUNK, EMBED_DIM), jnp.float32),
        pltpu.VMEM((_CHUNK, EMBED_DIM), jnp.float32),
        pltpu.SemaphoreType.DMA,
        pltpu.SemaphoreType.DMA,
    ],
)
def _emb_planes(g_hbm, a_hbm, tbl_hbm, out_hbm,
                tbl_v, g_v, a_v, clsbuf, buf0, buf1, csem, wsem):
    wid = lax.axis_index("s") * _NC + lax.axis_index("c")
    base = wid * _ROWS_PER_W

    pltpu.sync_copy(tbl_hbm, tbl_v)
    pltpu.sync_copy(g_hbm.at[pl.ds(base, _ROWS_PER_W)],
                    g_v.at[pl.ds(0, _ROWS_PER_W)])
    pltpu.sync_copy(a_hbm.at[pl.ds(base, _ROWS_PER_W)],
                    a_v.at[pl.ds(0, _ROWS_PER_W)])

    cls_regs = [tbl_v[pl.ds(16 * k, 16)] for k in range(_NREG)]

    @plsc.parallel_loop(0, _CHUNK, unroll=4)
    def fill_cls(r):
        for k in range(_NREG):
            clsbuf[r, pl.ds(16 * k, 16)] = cls_regs[k]

    writes = []

    def start_write(src_v, plane, c, sem):
        dst = out_hbm.at[plane, pl.ds(base + c * _CHUNK, _CHUNK)]
        writes.append(pltpu.async_copy(src_v, dst, sem))

    for c in range(_NCHUNK):
        start_write(clsbuf, 0, c, csem)

    def build_chunk(buf, idx_v, row_base, c):
        @plsc.parallel_loop(0, _CHUNK, unroll=4)
        def fill_row(r):
            m16 = idx_v[pl.ds(c * _CHUNK + r, 16)]
            src = (row_base + m16[0]) * EMBED_DIM
            for k in range(_NREG):
                buf[r, pl.ds(16 * k, 16)] = tbl_v[pl.ds(src + 16 * k, 16)]

    bufs = (buf0, buf1)
    steps = [(1, g_v, 1, c) for c in range(_NCHUNK)] + \
            [(2, a_v, 3, c) for c in range(_NCHUNK)]
    for i, (plane, idx_v, row_base, c) in enumerate(steps):
        buf = bufs[i % 2]
        if i >= 2:
            writes[_NCHUNK + i - 2].wait()
        build_chunk(buf, idx_v, row_base, c)
        start_write(buf, plane, c, wsem)

    for cp in writes[:_NCHUNK] + writes[-2:]:
        cp.wait()


def kernel(user_gender, user_age_bin, cls_param, gender_table, age_table):
    tbl = jnp.concatenate(
        [cls_param, gender_table, age_table], axis=0).reshape(-1)
    g = user_gender.astype(jnp.int32)
    a = user_age_bin.astype(jnp.int32)
    planes = _emb_planes(g, a, tbl)
    all_emb = planes.transpose(1, 0, 2)
    mask = jnp.ones((BATCH, NUM_SLOTS), dtype=jnp.int32)
    return (all_emb, mask)

# --- scband reference (transcript-rebuilt; emitter-appended) ---
"""Pipeline reference for scband-user-vectorizer-8031588843792 (READ-ONLY COPY).

The authoritative reference and input builder live on the scoring server;
editing this copy changes nothing except your own understanding.
"""

import jax, jax.numpy as jnp
import numpy as np

EMBED_DIM = 256
BATCH = 16384
N_GENDERS = 2
N_AGE_BINS = 7

def setup_inputs(seed: int = 0) -> dict:
    key = jax.random.key(seed)
    k1, k2, k3, k4, k5 = jax.random.split(key, 5)
    user_gender = jax.random.randint(k1, (BATCH,), 0, N_GENDERS, dtype=jnp.int64 if jax.config.jax_enable_x64 else jnp.int32)
    user_age_bin = jax.random.randint(k2, (BATCH,), 0, N_AGE_BINS, dtype=jnp.int64 if jax.config.jax_enable_x64 else jnp.int32)
    cls_param = jax.random.normal(k3, (1, EMBED_DIM), dtype=jnp.float32)
    gender_table = jax.random.normal(k4, (N_GENDERS, EMBED_DIM), dtype=jnp.float32)
    age_table = jax.random.normal(k5, (N_AGE_BINS, EMBED_DIM), dtype=jnp.float32)
    return {
        'user_gender': user_gender,
        'user_age_bin': user_age_bin,
        'cls_param': cls_param,
        'gender_table': gender_table,
        'age_table': age_table,
    }

def reference(user_gender, user_age_bin, cls_param, gender_table, age_table):
    # gender_emb = self._gender_emb(data['user_gender'])
    gender_emb = jnp.take(gender_table, user_gender, axis=0)
    # age_emb = self._age_emb(data['user_age_bin'])
    age_emb = jnp.take(age_table, user_age_bin, axis=0)
    # cls_emb = self._cls.repeat(B, 1)
    B = gender_emb.shape[0]
    cls_emb = jnp.broadcast_to(cls_param, (B, EMBED_DIM))
    # all_emb = torch.stack([cls_emb, gender_emb, age_emb], dim=1)
    all_emb = jnp.stack([cls_emb, gender_emb, age_emb], axis=1)
    mask = jnp.ones((all_emb.shape[0], all_emb.shape[1]), dtype=jnp.int32)
    return (all_emb, mask)

if __name__ == "__main__":
    import jax
    _d = setup_inputs()
    print(jax.jit(kernel)(*tuple(_d.values())))

</pallas_src>

<mosaic_0001>
#map = affine_map<(d0, d1) -> (0)>
#map1 = affine_map<(d0, d1) -> (0, 0, 0)>
module attributes {stable_mosaic.version = 14 : i64} {
  func.func @_emb_planes(%arg0: i32, %arg1: i32, %arg2: memref<16384xi32, #tpu.memory_space<hbm>>, %arg3: memref<16384xi32, #tpu.memory_space<hbm>>, %arg4: memref<2560xf32, #tpu.memory_space<hbm>>, %arg5: memref<3x16384x256xf32, #tpu.memory_space<hbm>>, %arg6: memref<2560xf32, #tpu.memory_space<vmem>>, %arg7: memref<528xi32, #tpu.memory_space<vmem>>, %arg8: memref<528xi32, #tpu.memory_space<vmem>>, %arg9: memref<128x256xf32, #tpu.memory_space<vmem>>, %arg10: memref<128x256xf32, #tpu.memory_space<vmem>>, %arg11: memref<128x256xf32, #tpu.memory_space<vmem>>, %arg12: memref<!tpu.dma_semaphore, #tpu.memory_space<semaphore_mem>>, %arg13: memref<!tpu.dma_semaphore, #tpu.memory_space<semaphore_mem>>) attributes {dimension_semantics = [#tpu.dimension_semantics<core_parallel>, #tpu.dimension_semantics<subcore_parallel>], iteration_bounds = array<i64: 2, 16>, scalar_prefetch = 0 : i64, scratch_operands = 8 : i64, tpu.core_type = #tpu.core_type<sc_vector_subcore>, window_params = [{transform_indices = #map}, {transform_indices = #map}, {transform_indices = #map}, {transform_indices = #map1}]} {
    %mul3A = arith.constant 2 : i32
    %mul3A_0 = arith.muli %arg1, %mul3A : i32
    %add3A = arith.addi %mul3A_0, %arg0 : i32
    %mul3A_1 = arith.constant 512 : i32
    %mul3A_2 = arith.muli %add3A, %mul3A_1 : i32
    "tpu.region"() ({
      %run_scoped3A = tpu.sem_alloc : memref<!tpu.dma_semaphore, #tpu.memory_space<semaphore_mem>>
      tpu.enqueue_dma source(%arg4 : memref<2560xf32, #tpu.memory_space<hbm>>) target(%arg6 : memref<2560xf32, #tpu.memory_space<vmem>>) target_semaphore(%run_scoped3A : memref<!tpu.dma_semaphore, #tpu.memory_space<semaphore_mem>>)
      tpu.wait_dma2 semaphore(%run_scoped3A : memref<!tpu.dma_semaphore, #tpu.memory_space<semaphore_mem>>) src(%arg4 : memref<2560xf32, #tpu.memory_space<hbm>>) dst(%arg6 : memref<2560xf32, #tpu.memory_space<vmem>>)
      tpu.yield
    }) : () -> ()
    "tpu.region"() ({
      %run_scoped3A = tpu.sem_alloc : memref<!tpu.dma_semaphore, #tpu.memory_space<semaphore_mem>>
      %dma_start3A_266 = arith.constant 0 : i32
      %dma_start3A_267 = tpu.memref_slice %arg7[%dma_start3A_266] : memref<528xi32, #tpu.memory_space<vmem>> -> memref<512xi32, #tpu.memory_space<vmem>>
      %dma_start3A_268 = tpu.memref_slice %arg2[%mul3A_2] : memref<16384xi32, #tpu.memory_space<hbm>> -> memref<512xi32, #tpu.memory_space<hbm>>
      %dma_start3A_269 = arith.constant 0 : i32
      %dma_start3A_270 = tpu.memref_slice %arg7[%dma_start3A_269] : memref<528xi32, #tpu.memory_space<vmem>> -> memref<512xi32, #tpu.memory_space<vmem>>
      %dma_start3A_271 = tpu.memref_slice %arg2[%mul3A_2] : memref<16384xi32, #tpu.memory_space<hbm>> -> memref<512xi32, #tpu.memory_space<hbm>>
      tpu.enqueue_dma source(%dma_start3A_271 : memref<512xi32, #tpu.memory_space<hbm>>) target(%dma_start3A_270 : memref<512xi32, #tpu.memory_space<vmem>>) target_semaphore(%run_scoped3A : memref<!tpu.dma_semaphore, #tpu.memory_space<semaphore_mem>>)
      %dma_wait3A_272 = arith.constant 0 : i32
      %dma_wait3A_273 = tpu.memref_slice %arg7[%dma_wait3A_272] : memref<528xi32, #tpu.memory_space<vmem>> -> memref<512xi32, #tpu.memory_space<vmem>>
      %dma_wait3A_274 = tpu.memref_slice %arg2[%mul3A_2] : memref<16384xi32, #tpu.memory_space<hbm>> -> memref<512xi32, #tpu.memory_space<hbm>>
      %dma_wait3A_275 = arith.constant 0 : i32
      %dma_wait3A_276 = tpu.memref_slice %arg7[%dma_wait3A_275] : memref<528xi32, #tpu.memory_space<vmem>> -> memref<512xi32, #tpu.memory_space<vmem>>
      %dma_wait3A_277 = tpu.memref_slice %arg2[%mul3A_2] : memref<16384xi32, #tpu.memory_space<hbm>> -> memref<512xi32, #tpu.memory_space<hbm>>
      tpu.wait_dma2 semaphore(%run_scoped3A : memref<!tpu.dma_semaphore, #tpu.memory_space<semaphore_mem>>) src(%dma_wait3A_277 : memref<512xi32, #tpu.memory_space<hbm>>) dst(%dma_wait3A_276 : memref<512xi32, #tpu.memory_space<vmem>>)
      tpu.yield
    }) : () -> ()
    "tpu.region"() ({
      %run_scoped3A = tpu.sem_alloc : memref<!tpu.dma_semaphore, #tpu.memory_space<semaphore_mem>>
      %dma_start3A_266 = arith.constant 0 : i32
      %dma_start3A_267 = tpu.memref_slice %arg8[%dma_start3A_266] : memref<528xi32, #tpu.memory_space<vmem>> -> memref<512xi32, #tpu.memory_space<vmem>>
      %dma_start3A_268 = tpu.memref_slice %arg3[%mul3A_2] : memref<16384xi32, #tpu.memory_space<hbm>> -> memref<512xi32, #tpu.memory_space<hbm>>
      %dma_start3A_269 = arith.constant 0 : i32
      %dma_start3A_270 = tpu.memref_slice %arg8[%dma_start3A_269] : memref<528xi32, #tpu.memory_space<vmem>> -> memref<512xi32, #tpu.memory_space<vmem>>
      %dma_start3A_271 = tpu.memref_slice %arg3[%mul3A_2] : memref<16384xi32, #tpu.memory_space<hbm>> -> memref<512xi32, #tpu.memory_space<hbm>>
      tpu.enqueue_dma source(%dma_start3A_271 : memref<512xi32, #tpu.memory_space<hbm>>) target(%dma_start3A_270 : memref<512xi32, #tpu.memory_space<vmem>>) target_semaphore(%run_scoped3A : memref<!tpu.dma_semaphore, #tpu.memory_space<semaphore_mem>>)
      %dma_wait3A_272 = arith.constant 0 : i32
      %dma_wait3A_273 = tpu.memref_slice %arg8[%dma_wait3A_272] : memref<528xi32, #tpu.memory_space<vmem>> -> memref<512xi32, #tpu.memory_space<vmem>>
      %dma_wait3A_274 = tpu.memref_slice %arg3[%mul3A_2] : memref<16384xi32, #tpu.memory_space<hbm>> -> memref<512xi32, #tpu.memory_space<hbm>>
      %dma_wait3A_275 = arith.constant 0 : i32
      %dma_wait3A_276 = tpu.memref_slice %arg8[%dma_wait3A_275] : memref<528xi32, #tpu.memory_space<vmem>> -> memref<512xi32, #tpu.memory_space<vmem>>
      %dma_wait3A_277 = tpu.memref_slice %arg3[%mul3A_2] : memref<16384xi32, #tpu.memory_space<hbm>> -> memref<512xi32, #tpu.memory_space<hbm>>
      tpu.wait_dma2 semaphore(%run_scoped3A : memref<!tpu.dma_semaphore, #tpu.memory_space<semaphore_mem>>) src(%dma_wait3A_277 : memref<512xi32, #tpu.memory_space<hbm>>) dst(%dma_wait3A_276 : memref<512xi32, #tpu.memory_space<vmem>>)
      tpu.yield
    }) : () -> ()
    %get3A = arith.constant 0 : index
    %get3A_3 = tpu.vector_load %arg6[%get3A] {strides = array<i32>} : memref<2560xf32, #tpu.memory_space<vmem>>, vector<16xf32>,
    %get3A_4 = vector.shape_cast %get3A_3 : vector<16xf32> to vector<16xf32>
    %get3A_5 = arith.constant 16 : index
    %get3A_6 = tpu.vector_load %arg6[%get3A_5] {strides = array<i32>} : memref<2560xf32, #tpu.memory_space<vmem>>, vector<16xf32>,
    %get3A_7 = vector.shape_cast %get3A_6 : vector<16xf32> to vector<16xf32>
    %get3A_8 = arith.constant 32 : index
    %get3A_9 = tpu.vector_load %arg6[%get3A_8] {strides = array<i32>} : memref<2560xf32, #tpu.memory_space<vmem>>, vector<16xf32>,
    %get3A_10 = vector.shape_cast %get3A_9 : vector<16xf32> to vector<16xf32>
    %get3A_11 = arith.constant 48 : index
    %get3A_12 = tpu.vector_load %arg6[%get3A_11] {strides = array<i32>} : memref<2560xf32, #tpu.memory_space<vmem>>, vector<16xf32>,
    %get3A_13 = vector.shape_cast %get3A_12 : vector<16xf32> to vector<16xf32>
    %get3A_14 = arith.constant 64 : index
    %get3A_15 = tpu.vector_load %arg6[%get3A_14] {strides = array<i32>} : memref<2560xf32, #tpu.memory_space<vmem>>, vector<16xf32>,
    %get3A_16 = vector.shape_cast %get3A_15 : vector<16xf32> to vector<16xf32>
    %get3A_17 = arith.constant 80 : index
    %get3A_18 = tpu.vector_load %arg6[%get3A_17] {strides = array<i32>} : memref<2560xf32, #tpu.memory_space<vmem>>, vector<16xf32>,
    %get3A_19 = vector.shape_cast %get3A_18 : vector<16xf32> to vector<16xf32>
    %get3A_20 = arith.constant 96 : index
    %get3A_21 = tpu.vector_load %arg6[%get3A_20] {strides = array<i32>} : memref<2560xf32, #tpu.memory_space<vmem>>, vector<16xf32>,
    %get3A_22 = vector.shape_cast %get3A_21 : vector<16xf32> to vector<16xf32>
    %get3A_23 = arith.constant 112 : index
    %get3A_24 = tpu.vector_load %arg6[%get3A_23] {strides = array<i32>} : memref<2560xf32, #tpu.memory_space<vmem>>, vector<16xf32>,
    %get3A_25 = vector.shape_cast %get3A_24 : vector<16xf32> to vector<16xf32>
    %get3A_26 = arith.constant 128 : index
    %get3A_27 = tpu.vector_load %arg6[%get3A_26] {strides = array<i32>} : memref<2560xf32, #tpu.memory_space<vmem>>, vector<16xf32>,
    %get3A_28 = vector.shape_cast %get3A_27 : vector<16xf32> to vector<16xf32>
    %get3A_29 = arith.constant 144 : index
    %get3A_30 = tpu.vector_load %arg6[%get3A_29] {strides = array<i32>} : memref<2560xf32, #tpu.memory_space<vmem>>, vector<16xf32>,
    %get3A_31 = vector.shape_cast %get3A_30 : vector<16xf32> to vector<16xf32>
    %get3A_32 = arith.constant 160 : index
    %get3A_33 = tpu.vector_load %arg6[%get3A_32] {strides = array<i32>} : memref<2560xf32, #tpu.memory_space<vmem>>, vector<16xf32>,
    %get3A_34 = vector.shape_cast %get3A_33 : vector<16xf32> to vector<16xf32>
    %get3A_35 = arith.constant 176 : index
    %get3A_36 = tpu.vector_load %arg6[%get3A_35] {strides = array<i32>} : memref<2560xf32, #tpu.memory_space<vmem>>, vector<16xf32>,
    %get3A_37 = vector.shape_cast %get3A_36 : vector<16xf32> to vector<16xf32>
    %get3A_38 = arith.constant 192 : index
    %get3A_39 = tpu.vector_load %arg6[%get3A_38] {strides = array<i32>} : memref<2560xf32, #tpu.memory_space<vmem>>, vector<16xf32>,
    %get3A_40 = vector.shape_cast %get3A_39 : vector<16xf32> to vector<16xf32>
    %get3A_41 = arith.constant 208 : index
    %get3A_42 = tpu.vector_load %arg6[%get3A_41] {strides = array<i32>} : memref<2560xf32, #tpu.memory_space<vmem>>, vector<16xf32>,
    %get3A_43 = vector.shape_cast %get3A_42 : vector<16xf32> to vector<16xf32>
    %get3A_44 = arith.constant 224 : index
    %get3A_45 = tpu.vector_load %arg6[%get3A_44] {strides = array<i32>} : memref<2560xf32, #tpu.memory_space<vmem>>, vector<16xf32>,
    %get3A_46 = vector.shape_cast %get3A_45 : vector<16xf32> to vector<16xf32>
    %get3A_47 = arith.constant 240 : index
    %get3A_48 = tpu.vector_load %arg6[%get3A_47] {strides = array<i32>} : memref<2560xf32, #tpu.memory_space<vmem>>, vector<16xf32>,
    %get3A_49 = vector.shape_cast %get3A_48 : vector<16xf32> to vector<16xf32>
    %parallel_loop3A = arith.constant 0 : i32
    %parallel_loop3A_50 = arith.constant 128 : i32
    %parallel_loop3A_51 = arith.constant 1 : i32
    scf.for %parallel_loop3A_266 = %parallel_loop3A to %parallel_loop3A_50 step %parallel_loop3A_51  : i32 {
      %parallel_loop3A_267 = arith.index_cast %parallel_loop3A_266 : i32 to index
      %parallel_loop3A_268 = arith.constant 0 : index
      %parallel_loop3A_269 = tpu.vector_load %arg9[%parallel_loop3A_267, %parallel_loop3A_268] {strides = array<i32>} : memref<128x256xf32, #tpu.memory_space<vmem>>, vector<1x16xf32>,
      %parallel_loop3A_270 = vector.shape_cast %parallel_loop3A_269 : vector<1x16xf32> to vector<16xf32>
      %parallel_loop3A_271 = vector.shape_cast %get3A_4 : vector<16xf32> to vector<1x16xf32>
      tpu.vector_store %arg9[%parallel_loop3A_267, %parallel_loop3A_268], %parallel_loop3A_271 {strides = array<i32>} : memref<128x256xf32, #tpu.memory_space<vmem>>, vector<1x16xf32>,
      %parallel_loop3A_272 = arith.index_cast %parallel_loop3A_266 : i32 to index
      %parallel_loop3A_273 = arith.constant 16 : index
      %parallel_loop3A_274 = tpu.vector_load %arg9[%parallel_loop3A_272, %parallel_loop3A_273] {strides = array<i32>} : memref<128x256xf32, #tpu.memory_space<vmem>>, vector<1x16xf32>,
      %parallel_loop3A_275 = vector.shape_cast %parallel_loop3A_274 : vector<1x16xf32> to vector<16xf32>
      %parallel_loop3A_276 = vector.shape_cast %get3A_7 : vector<16xf32> to vector<1x16xf32>
      tpu.vector_store %arg9[%parallel_loop3A_272, %parallel_loop3A_273], %parallel_loop3A_276 {strides = array<i32>} : memref<128x256xf32, #tpu.memory_space<vmem>>, vector<1x16xf32>,
      %parallel_loop3A_277 = arith.index_cast %parallel_loop3A_266 : i32 to index
      %parallel_loop3A_278 = arith.constant 32 : index
      %parallel_loop3A_279 = tpu.vector_load %arg9[%parallel_loop3A_277, %parallel_loop3A_278] {strides = array<i32>} : memref<128x256xf32, #tpu.memory_space<vmem>>, vector<1x16xf32>,
      %parallel_loop3A_280 = vector.shape_cast %parallel_loop3A_279 : vector<1x16xf32> to vector<16xf32>
      %parallel_loop3A_281 = vector.shape_cast %get3A_10 : vector<16xf32> to vector<1x16xf32>
      tpu.vector_store %arg9[%parallel_loop3A_277, %parallel_loop3A_278], %parallel_loop3A_281 {strides = array<i32>} : memref<128x256xf32, #tpu.memory_space<vmem>>, vector<1x16xf32>,
      %parallel_loop3A_282 = arith.index_cast %parallel_loop3A_266 : i32 to index
      %parallel_loop3A_283 = arith.constant 48 : index
      %parallel_loop3A_284 = tpu.vector_load %arg9[%parallel_loop3A_282, %parallel_loop3A_283] {strides = array<i32>} : memref<128x256xf32, #tpu.memory_space<vmem>>, vector<1x16xf32>,
      %parallel_loop3A_285 = vector.shape_cast %parallel_loop3A_284 : vector<1x16xf32> to vector<16xf32>
      %parallel_loop3A_286 = vector.shape_cast %get3A_13 : vector<16xf32> to vector<1x16xf32>
      tpu.vector_store %arg9[%parallel_loop3A_282, %parallel_loop3A_283], %parallel_loop3A_286 {strides = array<i32>} : memref<128x256xf32, #tpu.memory_space<vmem>>, vector<1x16xf32>,
      %parallel_loop3A_287 = arith.index_cast %parallel_loop3A_266 : i32 to index
      %parallel_loop3A_288 = arith.constant 64 : index
      %parallel_loop3A_289 = tpu.vector_load %arg9[%parallel_loop3A_287, %parallel_loop3A_288] {strides = array<i32>} : memref<128x256xf32, #tpu.memory_space<vmem>>, vector<1x16xf32>,
      %parallel_loop3A_290 = vector.shape_cast %parallel_loop3A_289 : vector<1x16xf32> to vector<16xf32>
      %parallel_loop3A_291 = vector.shape_cast %get3A_16 : vector<16xf32> to vector<1x16xf32>
      tpu.vector_store %arg9[%parallel_loop3A_287, %parallel_loop3A_288], %parallel_loop3A_291 {strides = array<i32>} : memref<128x256xf32, #tpu.memory_space<vmem>>, vector<1x16xf32>,
      %parallel_loop3A_292 = arith.index_cast %parallel_loop3A_266 : i32 to index
      %parallel_loop3A_293 = arith.constant 80 : index
      %parallel_loop3A_294 = tpu.vector_load %arg9[%parallel_loop3A_292, %parallel_loop3A_293] {strides = array<i32>} : memref<128x256xf32, #tpu.memory_space<vmem>>, vector<1x16xf32>,
      %parallel_loop3A_295 = vector.shape_cast %parallel_loop3A_294 : vector<1x16xf32> to vector<16xf32>
      %parallel_loop3A_296 = vector.shape_cast %get3A_19 : vector<16xf32> to vector<1x16xf32>
      tpu.vector_store %arg9[%parallel_loop3A_292, %parallel_loop3A_293], %parallel_loop3A_296 {strides = array<i32>} : memref<128x256xf32, #tpu.memory_space<vmem>>, vector<1x16xf32>,
      %parallel_loop3A_297 = arith.index_cast %parallel_loop3A_266 : i32 to index
      %parallel_loop3A_298 = arith.constant 96 : index
      %parallel_loop3A_299 = tpu.vector_load %arg9[%parallel_loop3A_297, %parallel_loop3A_298] {strides = array<i32>} : memref<128x256xf32, #tpu.memory_space<vmem>>, vector<1x16xf32>,
      %parallel_loop3A_300 = vector.shape_cast %parallel_loop3A_299 : vector<1x16xf32> to vector<16xf32>
      %parallel_loop3A_301 = vector.shape_cast %get3A_22 : vector<16xf32> to vector<1x16xf32>
      tpu.vector_store %arg9[%parallel_loop3A_297, %parallel_loop3A_298], %parallel_loop3A_301 {strides = array<i32>} : memref<128x256xf32, #tpu.memory_space<vmem>>, vector<1x16xf32>,
      %parallel_loop3A_302 = arith.index_cast %parallel_loop3A_266 : i32 to index
      %parallel_loop3A_303 = arith.constant 112 : index
      %parallel_loop3A_304 = tpu.vector_load %arg9[%parallel_loop3A_302, %parallel_loop3A_303] {strides = array<i32>} : memref<128x256xf32, #tpu.memory_space<vmem>>, vector<1x16xf32>,
      %parallel_loop3A_305 = vector.shape_cast %parallel_loop3A_304 : vector<1x16xf32> to vector<16xf32>
      %parallel_loop3A_306 = vector.shape_cast %get3A_25 : vector<16xf32> to vector<1x16xf32>
      tpu.vector_store %arg9[%parallel_loop3A_302, %parallel_loop3A_303], %parallel_loop3A_306 {strides = array<i32>} : memref<128x256xf32, #tpu.memory_space<vmem>>, vector<1x16xf32>,
      %parallel_loop3A_307 = arith.index_cast %parallel_loop3A_266 : i32 to index
      %parallel_loop3A_308 = arith.constant 128 : index
      %parallel_loop3A_309 = tpu.vector_load %arg9[%parallel_loop3A_307, %parallel_loop3A_308] {strides = array<i32>} : memref<128x256xf32, #tpu.memory_space<vmem>>, vector<1x16xf32>,
      %parallel_loop3A_310 = vector.shape_cast %parallel_loop3A_309 : vector<1x16xf32> to vector<16xf32>
      %parallel_loop3A_311 = vector.shape_cast %get3A_28 : vector<16xf32> to vector<1x16xf32>
      tpu.vector_store %arg9[%parallel_loop3A_307, %parallel_loop3A_308], %parallel_loop3A_311 {strides = array<i32>} : memref<128x256xf32, #tpu.memory_space<vmem>>, vector<1x16xf32>,
      %parallel_loop3A_312 = arith.index_cast %parallel_loop3A_266 : i32 to index
      %parallel_loop3A_313 = arith.constant 144 : index
      %parallel_loop3A_314 = tpu.vector_load %arg9[%parallel_loop3A_312, %parallel_loop3A_313] {strides = array<i32>} : memref<128x256xf32, #tpu.memory_space<vmem>>, vector<1x16xf32>,
      %parallel_loop3A_315 = vector.shape_cast %parallel_loop3A_314 : vector<1x16xf32> to vector<16xf32>
      %parallel_loop3A_316 = vector.shape_cast %get3A_31 : vector<16xf32> to vector<1x16xf32>
      tpu.vector_store %arg9[%parallel_loop3A_312, %parallel_loop3A_313], %parallel_loop3A_316 {strides = array<i32>} : memref<128x256xf32, #tpu.memory_space<vmem>>, vector<1x16xf32>,
      %parallel_loop3A_317 = arith.index_cast %parallel_loop3A_266 : i32 to index
      %parallel_loop3A_318 = arith.constant 160 : index
      %parallel_loop3A_319 = tpu.vector_load %arg9[%parallel_loop3A_317, %parallel_loop3A_318] {strides = array<i32>} : memref<128x256xf32, #tpu.memory_space<vmem>>, vector<1x16xf32>,
      %parallel_loop3A_320 = vector.shape_cast %parallel_loop3A_319 : vector<1x16xf32> to vector<16xf32>
      %parallel_loop3A_321 = vector.shape_cast %get3A_34 : vector<16xf32> to vector<1x16xf32>
      tpu.vector_store %arg9[%parallel_loop3A_317, %parallel_loop3A_318], %parallel_loop3A_321 {strides = array<i32>} : memref<128x256xf32, #tpu.memory_space<vmem>>, vector<1x16xf32>,
      %parallel_loop3A_322 = arith.index_cast %parallel_loop3A_266 : i32 to index
      %parallel_loop3A_323 = arith.constant 176 : index
      %parallel_loop3A_324 = tpu.vector_load %arg9[%parallel_loop3A_322, %parallel_loop3A_323] {strides = array<i32>} : memref<128x256xf32, #tpu.memory_space<vmem>>, vector<1x16xf32>,
      %parallel_loop3A_325 = vector.shape_cast %parallel_loop3A_324 : vector<1x16xf32> to vector<16xf32>
      %parallel_loop3A_326 = vector.shape_cast %get3A_37 : vector<16xf32> to vector<1x16xf32>
      tpu.vector_store %arg9[%parallel_loop3A_322, %parallel_loop3A_323], %parallel_loop3A_326 {strides = array<i32>} : memref<128x256xf32, #tpu.memory_space<vmem>>, vector<1x16xf32>,
      %parallel_loop3A_327 = arith.index_cast %parallel_loop3A_266 : i32 to index
      %parallel_loop3A_328 = arith.constant 192 : index
      %parallel_loop3A_329 = tpu.vector_load %arg9[%parallel_loop3A_327, %parallel_loop3A_328] {strides = array<i32>} : memref<128x256xf32, #tpu.memory_space<vmem>>, vector<1x16xf32>,
      %parallel_loop3A_330 = vector.shape_cast %parallel_loop3A_329 : vector<1x16xf32> to vector<16xf32>
      %parallel_loop3A_331 = vector.shape_cast %get3A_40 : vector<16xf32> to vector<1x16xf32>
      tpu.vector_store %arg9[%parallel_loop3A_327, %parallel_loop3A_328], %parallel_loop3A_331 {strides = array<i32>} : memref<128x256xf32, #tpu.memory_space<vmem>>, vector<1x16xf32>,
      %parallel_loop3A_332 = arith.index_cast %parallel_loop3A_266 : i32 to index
      %parallel_loop3A_333 = arith.constant 208 : index
      %parallel_loop3A_334 = tpu.vector_load %arg9[%parallel_loop3A_332, %parallel_loop3A_333] {strides = array<i32>} : memref<128x256xf32, #tpu.memory_space<vmem>>, vector<1x16xf32>,
      %parallel_loop3A_335 = vector.shape_cast %parallel_loop3A_334 : vector<1x16xf32> to vector<16xf32>
      %parallel_loop3A_336 = vector.shape_cast %get3A_43 : vector<16xf32> to vector<1x16xf32>
      tpu.vector_store %arg9[%parallel_loop3A_332, %parallel_loop3A_333], %parallel_loop3A_336 {strides = array<i32>} : memref<128x256xf32, #tpu.memory_space<vmem>>, vector<1x16xf32>,
      %parallel_loop3A_337 = arith.index_cast %parallel_loop3A_266 : i32 to index
      %parallel_loop3A_338 = arith.constant 224 : index
      %parallel_loop3A_339 = tpu.vector_load %arg9[%parallel_loop3A_337, %parallel_loop3A_338] {strides = array<i32>} : memref<128x256xf32, #tpu.memory_space<vmem>>, vector<1x16xf32>,
      %parallel_loop3A_340 = vector.shape_cast %parallel_loop3A_339 : vector<1x16xf32> to vector<16xf32>
      %parallel_loop3A_341 = vector.shape_cast %get3A_46 : vector<16xf32> to vector<1x16xf32>
      tpu.vector_store %arg9[%parallel_loop3A_337, %parallel_loop3A_338], %parallel_loop3A_341 {strides = array<i32>} : memref<128x256xf32, #tpu.memory_space<vmem>>, vector<1x16xf32>,
      %parallel_loop3A_342 = arith.index_cast %parallel_loop3A_266 : i32 to index
      %parallel_loop3A_343 = arith.constant 240 : index
      %parallel_loop3A_344 = tpu.vector_load %arg9[%parallel_loop3A_342, %parallel_loop3A_343] {strides = array<i32>} : memref<128x256xf32, #tpu.memory_space<vmem>>, vector<1x16xf32>,
      %parallel_loop3A_345 = vector.shape_cast %parallel_loop3A_344 : vector<1x16xf32> to vector<16xf32>
      %parallel_loop3A_346 = vector.shape_cast %get3A_49 : vector<16xf32> to vector<1x16xf32>
      tpu.vector_store %arg9[%parallel_loop3A_342, %parallel_loop3A_343], %parallel_loop3A_346 {strides = array<i32>} : memref<128x256xf32, #tpu.memory_space<vmem>>, vector<1x16xf32>,
    } {sc.loop_unroll_factor = 4 : i64, sc.parallel_access}
    %add3A_52 = arith.constant 0 : i32
    %add3A_53 = arith.addi %mul3A_2, %add3A_52 : i32
    %dma_start3A = arith.constant 0 : i32
    %dma_start3A_54 = arith.constant 0 : i32
    %dma_start3A_55 = tpu.memref_slice %arg5[%dma_start3A, %add3A_53, %dma_start3A_54] : memref<3x16384x256xf32, #tpu.memory_space<hbm>> -> memref<1x128x256xf32, #tpu.memory_space<hbm>>
    %dma_start3A_56 = tpu.memref_squeeze %dma_start3A_55 : memref<1x128x256xf32, #tpu.memory_space<hbm>> -> memref<128x256xf32, #tpu.memory_space<hbm>>
    %dma_start3A_57 = arith.constant 0 : i32
    %dma_start3A_58 = tpu.memref_slice %arg5[%dma_start3A, %add3A_53, %dma_start3A_57] : memref<3x16384x256xf32, #tpu.memory_space<hbm>> -> memref<1x128x256xf32, #tpu.memory_space<hbm>>
    %dma_start3A_59 = tpu.memref_squeeze %dma_start3A_58 : memref<1x128x256xf32, #tpu.memory_space<hbm>> -> memref<128x256xf32, #tpu.memory_space<hbm>>
    tpu.enqueue_dma source(%arg9 : memref<128x256xf32, #tpu.memory_space<vmem>>) target(%dma_start3A_59 : memref<128x256xf32, #tpu.memory_space<hbm>>) target_semaphore(%arg12 : memref<!tpu.dma_semaphore, #tpu.memory_space<semaphore_mem>>)
    %add3A_60 = arith.constant 128 : i32
    %add3A_61 = arith.addi %mul3A_2, %add3A_60 : i32
    %dma_start3A_62 = arith.constant 0 : i32
    %dma_start3A_63 = arith.constant 0 : i32
    %dma_start3A_64 = tpu.memref_slice %arg5[%dma_start3A_62, %add3A_61, %dma_start3A_63] : memref<3x16384x256xf32, #tpu.memory_space<hbm>> -> memref<1x128x256xf32, #tpu.memory_space<hbm>>
    %dma_start3A_65 = tpu.memref_squeeze %dma_start3A_64 : memref<1x128x256xf32, #tpu.memory_space<hbm>> -> memref<128x256xf32, #tpu.memory_space<hbm>>
    %dma_start3A_66 = arith.constant 0 : i32
    %dma_start3A_67 = tpu.memref_slice %arg5[%dma_start3A_62, %add3A_61, %dma_start3A_66] : memref<3x16384x256xf32, #tpu.memory_space<hbm>> -> memref<1x128x256xf32, #tpu.memory_space<hbm>>
    %dma_start3A_68 = tpu.memref_squeeze %dma_start3A_67 : memref<1x128x256xf32, #tpu.memory_space<hbm>> -> memref<128x256xf32, #tpu.memory_space<hbm>>
    tpu.enqueue_dma source(%arg9 : memref<128x256xf32, #tpu.memory_space<vmem>>) target(%dma_start3A_68 : memref<128x256xf32, #tpu.memory_space<hbm>>) target_semaphore(%arg12 : memref<!tpu.dma_semaphore, #tpu.memory_space<semaphore_mem>>)
    %add3A_69 = arith.constant 256 : i32
    %add3A_70 = arith.addi %mul3A_2, %add3A_69 : i32
    %dma_start3A_71 = arith.constant 0 : i32
    %dma_start3A_72 = arith.constant 0 : i32
    %dma_start3A_73 = tpu.memref_slice %arg5[%dma_start3A_71, %add3A_70, %dma_start3A_72] : memref<3x16384x256xf32, #tpu.memory_space<hbm>> -> memref<1x128x256xf32, #tpu.memory_space<hbm>>
    %dma_start3A_74 = tpu.memref_squeeze %dma_start3A_73 : memref<1x128x256xf32, #tpu.memory_space<hbm>> -> memref<128x256xf32, #tpu.memory_space<hbm>>
    %dma_start3A_75 = arith.constant 0 : i32
    %dma_start3A_76 = tpu.memref_slice %arg5[%dma_start3A_71, %add3A_70, %dma_start3A_75] : memref<3x16384x256xf32, #tpu.memory_space<hbm>> -> memref<1x128x256xf32, #tpu.memory_space<hbm>>
    %dma_start3A_77 = tpu.memref_squeeze %dma_start3A_76 : memref<1x128x256xf32, #tpu.memory_space<hbm>> -> memref<128x256xf32, #tpu.memory_space<hbm>>
    tpu.enqueue_dma source(%arg9 : memref<128x256xf32, #tpu.memory_space<vmem>>) target(%dma_start3A_77 : memref<128x256xf32, #tpu.memory_space<hbm>>) target_semaphore(%arg12 : memref<!tpu.dma_semaphore, #tpu.memory_space<semaphore_mem>>)
    %add3A_78 = arith.constant 384 : i32
    %add3A_79 = arith.addi %mul3A_2, %add3A_78 : i32
    %dma_start3A_80 = arith.constant 0 : i32
    %dma_start3A_81 = arith.constant 0 : i32
    %dma_start3A_82 = tpu.memref_slice %arg5[%dma_start3A_80, %add3A_79, %dma_start3A_81] : memref<3x16384x256xf32, #tpu.memory_space<hbm>> -> memref<1x128x256xf32, #tpu.memory_space<hbm>>
    %dma_start3A_83 = tpu.memref_squeeze %dma_start3A_82 : memref<1x128x256xf32, #tpu.memory_space<hbm>> -> memref<128x256xf32, #tpu.memory_space<hbm>>
    %dma_start3A_84 = arith.constant 0 : i32
    %dma_start3A_85 = tpu.memref_slice %arg5[%dma_start3A_80, %add3A_79, %dma_start3A_84] : memref<3x16384x256xf32, #tpu.memory_space<hbm>> -> memref<1x128x256xf32, #tpu.memory_space<hbm>>
    %dma_start3A_86 = tpu.memref_squeeze %dma_start3A_85 : memref<1x128x256xf32, #tpu.memory_space<hbm>> -> memref<128x256xf32, #tpu.memory_space<hbm>>
    tpu.enqueue_dma source(%arg9 : memref<128x256xf32, #tpu.memory_space<vmem>>) target(%dma_start3A_86 : memref<128x256xf32, #tpu.memory_space<hbm>>) target_semaphore(%arg12 : memref<!tpu.dma_semaphore, #tpu.memory_space<semaphore_mem>>)
    %parallel_loop3A_87 = arith.constant 0 : i32
    %parallel_loop3A_88 = arith.constant 128 : i32
    %parallel_loop3A_89 = arith.constant 1 : i32
    scf.for %parallel_loop3A_266 = %parallel_loop3A_87 to %parallel_loop3A_88 step %parallel_loop3A_89  : i32 {
      %parallel_loop3A_267 = arith.constant 0 : i32
      %parallel_loop3A_268 = arith.addi %parallel_loop3A_267, %parallel_loop3A_266 : i32
      %parallel_loop3A_269 = arith.index_cast %parallel_loop3A_268 : i32 to index
      %parallel_loop3A_270 = tpu.vector_load %arg7[%parallel_loop3A_269] {strides = array<i32>} : memref<528xi32, #tpu.memory_space<vmem>>, vector<16xi32>,
      %parallel_loop3A_271 = vector.shape_cast %parallel_loop3A_270 : vector<16xi32> to vector<16xi32>
      %parallel_loop3A_272 = vector.extract_strided_slice %parallel_loop3A_271 {offsets = [0], sizes = [1], strides = [1]} : vector<16xi32> to vector<1xi32>
      %parallel_loop3A_273 = vector.extract %parallel_loop3A_272[0] : i32 from vector<1xi32>
      %parallel_loop3A_274 = arith.constant 1 : i32
      %parallel_loop3A_275 = arith.addi %parallel_loop3A_274, %parallel_loop3A_273 : i32
      %parallel_loop3A_276 = arith.constant 256 : i32
      %parallel_loop3A_277 = arith.muli %parallel_loop3A_275, %parallel_loop3A_276 : i32
      %parallel_loop3A_278 = arith.constant 0 : i32
      %parallel_loop3A_279 = arith.addi %parallel_loop3A_277, %parallel_loop3A_278 : i32
      %parallel_loop3A_280 = arith.index_cast %parallel_loop3A_279 : i32 to index
      %parallel_loop3A_281 = tpu.vector_load %arg6[%parallel_loop3A_280] {strides = array<i32>} : memref<2560xf32, #tpu.memory_space<vmem>>, vector<16xf32>,
      %parallel_loop3A_282 = vector.shape_cast %parallel_loop3A_281 : vector<16xf32> to vector<16xf32>
      %parallel_loop3A_283 = arith.index_cast %parallel_loop3A_266 : i32 to index
      %parallel_loop3A_284 = arith.constant 0 : index
      %parallel_loop3A_285 = tpu.vector_load %arg10[%parallel_loop3A_283, %parallel_loop3A_284] {strides = array<i32>} : memref<128x256xf32, #tpu.memory_space<vmem>>, vector<1x16xf32>,
      %parallel_loop3A_286 = vector.shape_cast %parallel_loop3A_285 : vector<1x16xf32> to vector<16xf32>
      %parallel_loop3A_287 = vector.shape_cast %parallel_loop3A_282 : vector<16xf32> to vector<1x16xf32>
      tpu.vector_store %arg10[%parallel_loop3A_283, %parallel_loop3A_284], %parallel_loop3A_287 {strides = array<i32>} : memref<128x256xf32, #tpu.memory_space<vmem>>, vector<1x16xf32>,
      %parallel_loop3A_288 = arith.constant 16 : i32
      %parallel_loop3A_289 = arith.addi %parallel_loop3A_277, %parallel_loop3A_288 : i32
      %parallel_loop3A_290 = arith.index_cast %parallel_loop3A_289 : i32 to index
      %parallel_loop3A_291 = tpu.vector_load %arg6[%parallel_loop3A_290] {strides = array<i32>} : memref<2560xf32, #tpu.memory_space<vmem>>, vector<16xf32>,
      %parallel_loop3A_292 = vector.shape_cast %parallel_loop3A_291 : vector<16xf32> to vector<16xf32>
      %parallel_loop3A_293 = arith.index_cast %parallel_loop3A_266 : i32 to index
      %parallel_loop3A_294 = arith.constant 16 : index
      %parallel_loop3A_295 = tpu.vector_load %arg10[%parallel_loop3A_293, %parallel_loop3A_294] {strides = array<i32>} : memref<128x256xf32, #tpu.memory_space<vmem>>, vector<1x16xf32>,
      %parallel_loop3A_296 = vector.shape_cast %parallel_loop3A_295 : vector<1x16xf32> to vector<16xf32>
      %parallel_loop3A_297 = vector.shape_cast %parallel_loop3A_292 : vector<16xf32> to vector<1x16xf32>
      tpu.vector_store %arg10[%parallel_loop3A_293, %parallel_loop3A_294], %parallel_loop3A_297 {strides = array<i32>} : memref<128x256xf32, #tpu.memory_space<vmem>>, vector<1x16xf32>,
      %parallel_loop3A_298 = arith.constant 32 : i32
      %parallel_loop3A_299 = arith.addi %parallel_loop3A_277, %parallel_loop3A_298 : i32
      %parallel_loop3A_300 = arith.index_cast %parallel_loop3A_299 : i32 to index
      %parallel_loop3A_301 = tpu.vector_load %arg6[%parallel_loop3A_300] {strides = array<i32>} : memref<2560xf32, #tpu.memory_space<vmem>>, vector<16xf32>,
      %parallel_loop3A_302 = vector.shape_cast %parallel_loop3A_301 : vector<16xf32> to vector<16xf32>
      %parallel_loop3A_303 = arith.index_cast %parallel_loop3A_266 : i32 to index
      %parallel_loop3A_304 = arith.constant 32 : index
      %parallel_loop3A_305 = tpu.vector_load %arg10[%parallel_loop3A_303, %parallel_loop3A_304] {strides = array<i32>} : memref<128x256xf32, #tpu.memory_space<vmem>>, vector<1x16xf32>,
      %parallel_loop3A_306 = vector.shape_cast %parallel_loop3A_305 : vector<1x16xf32> to vector<16xf32>
      %parallel_loop3A_307 = vector.shape_cast %parallel_loop3A_302 : vector<16xf32> to vector<1x16xf32>
      tpu.vector_store %arg10[%parallel_loop3A_303, %parallel_loop3A_304], %parallel_loop3A_307 {strides = array<i32>} : memref<128x256xf32, #tpu.memory_space<vmem>>, vector<1x16xf32>,
      %parallel_loop3A_308 = arith.constant 48 : i32
      %parallel_loop3A_309 = arith.addi %parallel_loop3A_277, %parallel_loop3A_308 : i32
      %parallel_loop3A_310 = arith.index_cast %parallel_loop3A_309 : i32 to index
      %parallel_loop3A_311 = tpu.vector_load %arg6[%parallel_loop3A_310] {strides = array<i32>} : memref<2560xf32, #tpu.memory_space<vmem>>, vector<16xf32>,
      %parallel_loop3A_312 = vector.shape_cast %parallel_loop3A_311 : vector<16xf32> to vector<16xf32>
      %parallel_loop3A_313 = arith.index_cast %parallel_loop3A_266 : i32 to index
      %parallel_loop3A_314 = arith.constant 48 : index
      %parallel_loop3A_315 = tpu.vector_load %arg10[%parallel_loop3A_313, %parallel_loop3A_314] {strides = array<i32>} : memref<128x256xf32, #tpu.memory_space<vmem>>, vector<1x16xf32>,
      %parallel_loop3A_316 = vector.shape_cast %parallel_loop3A_315 : vector<1x16xf32> to vector<16xf32>
      %parallel_loop3A_317 = vector.shape_cast %parallel_loop3A_312 : vector<16xf32> to vector<1x16xf32>
      tpu.vector_store %arg10[%parallel_loop3A_313, %parallel_loop3A_314], %parallel_loop3A_317 {strides = array<i32>} : memref<128x256xf32, #tpu.memory_space<vmem>>, vector<1x16xf32>,
      %parallel_loop3A_318 = arith.constant 64 : i32
      %parallel_loop3A_319 = arith.addi %parallel_loop3A_277, %parallel_loop3A_318 : i32
      %parallel_loop3A_320 = arith.index_cast %parallel_loop3A_319 : i32 to index
      %parallel_loop3A_321 = tpu.vector_load %arg6[%parallel_loop3A_320] {strides = array<i32>} : memref<2560xf32, #tpu.memory_space<vmem>>, vector<16xf32>,
      %parallel_loop3A_322 = vector.shape_cast %parallel_loop3A_321 : vector<16xf32> to vector<16xf32>
      %parallel_loop3A_323 = arith.index_cast %parallel_loop3A_266 : i32 to index
      %parallel_loop3A_324 = arith.constant 64 : index
      %parallel_loop3A_325 = tpu.vector_load %arg10[%parallel_loop3A_323, %parallel_loop3A_324] {strides = array<i32>} : memref<128x256xf32, #tpu.memory_space<vmem>>, vector<1x16xf32>,
      %parallel_loop3A_326 = vector.shape_cast %parallel_loop3A_325 : vector<1x16xf32> to vector<16xf32>
      %parallel_loop3A_327 = vector.shape_cast %parallel_loop3A_322 : vector<16xf32> to vector<1x16xf32>
      tpu.vector_store %arg10[%parallel_loop3A_323, %parallel_loop3A_324], %parallel_loop3A_327 {strides = array<i32>} : memref<128x256xf32, #tpu.memory_space<vmem>>, vector<1x16xf32>,
      %parallel_loop3A_328 = arith.constant 80 : i32
      %parallel_loop3A_329 = arith.addi %parallel_loop3A_277, %parallel_loop3A_328 : i32
      %parallel_loop3A_330 = arith.index_cast %parallel_loop3A_329 : i32 to index
      %parallel_loop3A_331 = tpu.vector_load %arg6[%parallel_loop3A_330] {strides = array<i32>} : memref<2560xf32, #tpu.memory_space<vmem>>, vector<16xf32>,
      %parallel_loop3A_332 = vector.shape_cast %parallel_loop3A_331 : vector<16xf32> to vector<16xf32>
      %parallel_loop3A_333 = arith.index_cast %parallel_loop3A_266 : i32 to index
      %parallel_loop3A_334 = arith.constant 80 : index
      %parallel_loop3A_335 = tpu.vector_load %arg10[%parallel_loop3A_333, %parallel_loop3A_334] {strides = array<i32>} : memref<128x256xf32, #tpu.memory_space<vmem>>, vector<1x16xf32>,
      %parallel_loop3A_336 = vector.shape_cast %parallel_loop3A_335 : vector<1x16xf32> to vector<16xf32>
      %parallel_loop3A_337 = vector.shape_cast %parallel_loop3A_332 : vector<16xf32> to vector<1x16xf32>
      tpu.vector_store %arg10[%parallel_loop3A_333, %parallel_loop3A_334], %parallel_loop3A_337 {strides = array<i32>} : memref<128x256xf32, #tpu.memory_space<vmem>>, vector<1x16xf32>,
      %parallel_loop3A_338 = arith.constant 96 : i32
      %parallel_loop3A_339 = arith.addi %parallel_loop3A_277, %parallel_loop3A_338 : i32
      %parallel_loop3A_340 = arith.index_cast %parallel_loop3A_339 : i32 to index
      %parallel_loop3A_341 = tpu.vector_load %arg6[%parallel_loop3A_340] {strides = array<i32>} : memref<2560xf32, #tpu.memory_space<vmem>>, vector<16xf32>,
      %parallel_loop3A_342 = vector.shape_cast %parallel_loop3A_341 : vector<16xf32> to vector<16xf32>
      %parallel_loop3A_343 = arith.index_cast %parallel_loop3A_266 : i32 to index
      %parallel_loop3A_344 = arith.constant 96 : index
      %parallel_loop3A_345 = tpu.vector_load %arg10[%parallel_loop3A_343, %parallel_loop3A_344] {strides = array<i32>} : memref<128x256xf32, #tpu.memory_space<vmem>>, vector<1x16xf32>,
      %parallel_loop3A_346 = vector.shape_cast %parallel_loop3A_345 : vector<1x16xf32> to vector<16xf32>
      %parallel_loop3A_347 = vector.shape_cast %parallel_loop3A_342 : vector<16xf32> to vector<1x16xf32>
      tpu.vector_store %arg10[%parallel_loop3A_343, %parallel_loop3A_344], %parallel_loop3A_347 {strides = array<i32>} : memref<128x256xf32, #tpu.memory_space<vmem>>, vector<1x16xf32>,
      %parallel_loop3A_348 = arith.constant 112 : i32
      %parallel_loop3A_349 = arith.addi %parallel_loop3A_277, %parallel_loop3A_348 : i32
      %parallel_loop3A_350 = arith.index_cast %parallel_loop3A_349 : i32 to index
      %parallel_loop3A_351 = tpu.vector_load %arg6[%parallel_loop3A_350] {strides = array<i32>} : memref<2560xf32, #tpu.memory_space<vmem>>, vector<16xf32>,
      %parallel_loop3A_352 = vector.shape_cast %parallel_loop3A_351 : vector<16xf32> to vector<16xf32>
      %parallel_loop3A_353 = arith.index_cast %parallel_loop3A_266 : i32 to index
      %parallel_loop3A_354 = arith.constant 112 : index
      %parallel_loop3A_355 = tpu.vector_load %arg10[%parallel_loop3A_353, %parallel_loop3A_354] {strides = array<i32>} : memref<128x256xf32, #tpu.memory_space<vmem>>, vector<1x16xf32>,
      %parallel_loop3A_356 = vector.shape_cast %parallel_loop3A_355 : vector<1x16xf32> to vector<16xf32>
      %parallel_loop3A_357 = vector.shape_cast %parallel_loop3A_352 : vector<16xf32> to vector<1x16xf32>
      tpu.vector_store %arg10[%parallel_loop3A_353, %parallel_loop3A_354], %parallel_loop3A_357 {strides = array<i32>} : memref<128x256xf32, #tpu.memory_space<vmem>>, vector<1x16xf32>,
      %parallel_loop3A_358 = arith.constant 128 : i32
      %parallel_loop3A_359 = arith.addi %parallel_loop3A_277, %parallel_loop3A_358 : i32
      %parallel_loop3A_360 = arith.index_cast %parallel_loop3A_359 : i32 to index
      %parallel_loop3A_361 = tpu.vector_load %arg6[%parallel_loop3A_360] {strides = array<i32>} : memref<2560xf32, #tpu.memory_space<vmem>>, vector<16xf32>,
      %parallel_loop3A_362 = vector.shape_cast %parallel_loop3A_361 : vector<16xf32> to vector<16xf32>
      %parallel_loop3A_363 = arith.index_cast %parallel_loop3A_266 : i32 to index
      %parallel_loop3A_364 = arith.constant 128 : index
      %parallel_loop3A_365 = tpu.vector_load %arg10[%parallel_loop3A_363, %parallel_loop3A_364] {strides = array<i32>} : memref<128x256xf32, #tpu.memory_space<vmem>>, vector<1x16xf32>,
      %parallel_loop3A_366 = vector.shape_cast %parallel_loop3A_365 : vector<1x16xf32> to vector<16xf32>
      %parallel_loop3A_367 = vector.shape_cast %parallel_loop3A_362 : vector<16xf32> to vector<1x16xf32>
      tpu.vector_store %arg10[%parallel_loop3A_363, %parallel_loop3A_364], %parallel_loop3A_367 {strides = array<i32>} : memref<128x256xf32, #tpu.memory_space<vmem>>, vector<1x16xf32>,
      %parallel_loop3A_368 = arith.constant 144 : i32
      %parallel_loop3A_369 = arith.addi %parallel_loop3A_277, %parallel_loop3A_368 : i32
      %parallel_loop3A_370 = arith.index_cast %parallel_loop3A_369 : i32 to index
      %parallel_loop3A_371 = tpu.vector_load %arg6[%parallel_loop3A_370] {strides = array<i32>} : memref<2560xf32, #tpu.memory_space<vmem>>, vector<16xf32>,
      %parallel_loop3A_372 = vector.shape_cast %parallel_loop3A_371 : vector<16xf32> to vector<16xf32>
      %parallel_loop3A_373 = arith.index_cast %parallel_loop3A_266 : i32 to index
      %parallel_loop3A_374 = arith.constant 144 : index
      %parallel_loop3A_375 = tpu.vector_load %arg10[%parallel_loop3A_373, %parallel_loop3A_374] {strides = array<i32>} : memref<128x256xf32, #tpu.memory_space<vmem>>, vector<1x16xf32>,
      %parallel_loop3A_376 = vector.shape_cast %parallel_loop3A_375 : vector<1x16xf32> to vector<16xf32>
      %parallel_loop3A_377 = vector.shape_cast %parallel_loop3A_372 : vector<16xf32> to vector<1x16xf32>
      tpu.vector_store %arg10[%parallel_loop3A_373, %parallel_loop3A_374], %parallel_loop3A_377 {strides = array<i32>} : memref<128x256xf32, #tpu.memory_space<vmem>>, vector<1x16xf32>,
      %parallel_loop3A_378 = arith.constant 160 : i32
      %parallel_loop3A_379 = arith.addi %parallel_loop3A_277, %parallel_loop3A_378 : i32
      %parallel_loop3A_380 = arith.index_cast %parallel_loop3A_379 : i32 to index
      %parallel_loop3A_381 = tpu.vector_load %arg6[%parallel_loop3A_380] {strides = array<i32>} : memref<2560xf32, #tpu.memory_space<vmem>>, vector<16xf32>,
      %parallel_loop3A_382 = vector.shape_cast %parallel_loop3A_381 : vector<16xf32> to vector<16xf32>
      %parallel_loop3A_383 = arith.index_cast %parallel_loop3A_266 : i32 to index
      %parallel_loop3A_384 = arith.constant 160 : index
      %parallel_loop3A_385 = tpu.vector_load %arg10[%parallel_loop3A_383, %parallel_loop3A_384] {strides = array<i32>} : memref<128x256xf32, #tpu.memory_space<vmem>>, vector<1x16xf32>,
      %parallel_loop3A_386 = vector.shape_cast %parallel_loop3A_385 : vector<1x16xf32> to vector<16xf32>
      %parallel_loop3A_387 = vector.shape_cast %parallel_loop3A_382 : vector<16xf32> to vector<1x16xf32>
      tpu.vector_store %arg10[%parallel_loop3A_383, %parallel_loop3A_384], %parallel_loop3A_387 {strides = array<i32>} : memref<128x256xf32, #tpu.memory_space<vmem>>, vector<1x16xf32>,
      %parallel_loop3A_388 = arith.constant 176 : i32
      %parallel_loop3A_389 = arith.addi %parallel_loop3A_277, %parallel_loop3A_388 : i32
      %parallel_loop3A_390 = arith.index_cast %parallel_loop3A_389 : i32 to index
      %parallel_loop3A_391 = tpu.vector_load %arg6[%parallel_loop3A_390] {strides = array<i32>} : memref<2560xf32, #tpu.memory_space<vmem>>, vector<16xf32>,
      %parallel_loop3A_392 = vector.shape_cast %parallel_loop3A_391 : vector<16xf32> to vector<16xf32>
      %parallel_loop3A_393 = arith.index_cast %parallel_loop3A_266 : i32 to index
      %parallel_loop3A_394 = arith.constant 176 : index
      %parallel_loop3A_395 = tpu.vector_load %arg10[%parallel_loop3A_393, %parallel_loop3A_394] {strides = array<i32>} : memref<128x256xf32, #tpu.memory_space<vmem>>, vector<1x16xf32>,
      %parallel_loop3A_396 = vector.shape_cast %parallel_loop3A_395 : vector<1x16xf32> to vector<16xf32>
      %parallel_loop3A_397 = vector.shape_cast %parallel_loop3A_392 : vector<16xf32> to vector<1x16xf32>
      tpu.vector_store %arg10[%parallel_loop3A_393, %parallel_loop3A_394], %parallel_loop3A_397 {strides = array<i32>} : memref<128x256xf32, #tpu.memory_space<vmem>>, vector<1x16xf32>,
      %parallel_loop3A_398 = arith.constant 192 : i32
      %parallel_loop3A_399 = arith.addi %parallel_loop3A_277, %parallel_loop3A_398 : i32
      %parallel_loop3A_400 = arith.index_cast %parallel_loop3A_399 : i32 to index
      %parallel_loop3A_401 = tpu.vector_load %arg6[%parallel_loop3A_400] {strides = array<i32>} : memref<2560xf32, #tpu.memory_space<vmem>>, vector<16xf32>,
      %parallel_loop3A_402 = vector.shape_cast %parallel_loop3A_401 : vector<16xf32> to vector<16xf32>
      %parallel_loop3A_403 = arith.index_cast %parallel_loop3A_266 : i32 to index
      %parallel_loop3A_404 = arith.constant 192 : index
      %parallel_loop3A_405 = tpu.vector_load %arg10[%parallel_loop3A_403, %parallel_loop3A_404] {strides = array<i32>} : memref<128x256xf32, #tpu.memory_space<vmem>>, vector<1x16xf32>,
      %parallel_loop3A_406 = vector.shape_cast %parallel_loop3A_405 : vector<1x16xf32> to vector<16xf32>
      %parallel_loop3A_407 = vector.shape_cast %parallel_loop3A_402 : vector<16xf32> to vector<1x16xf32>
      tpu.vector_store %arg10[%parallel_loop3A_403, %parallel_loop3A_404], %parallel_loop3A_407 {strides = array<i32>} : memref<128x256xf32, #tpu.memory_space<vmem>>, vector<1x16xf32>,
      %parallel_loop3A_408 = arith.constant 208 : i32
      %parallel_loop3A_409 = arith.addi %parallel_loop3A_277, %parallel_loop3A_408 : i32
      %parallel_loop3A_410 = arith.index_cast %parallel_loop3A_409 : i32 to index
      %parallel_loop3A_411 = tpu.vector_load %arg6[%parallel_loop3A_410] {strides = array<i32>} : memref<2560xf32, #tpu.memory_space<vmem>>, vector<16xf32>,
      %parallel_loop3A_412 = vector.shape_cast %parallel_loop3A_411 : vector<16xf32> to vector<16xf32>
      %parallel_loop3A_413 = arith.index_cast %parallel_loop3A_266 : i32 to index
      %parallel_loop3A_414 = arith.constant 208 : index
      %parallel_loop3A_415 = tpu.vector_load %arg10[%parallel_loop3A_413, %parallel_loop3A_414] {strides = array<i32>} : memref<128x256xf32, #tpu.memory_space<vmem>>, vector<1x16xf32>,
      %parallel_loop3A_416 = vector.shape_cast %parallel_loop3A_415 : vector<1x16xf32> to vector<16xf32>
      %parallel_loop3A_417 = vector.shape_cast %parallel_loop3A_412 : vector<16xf32> to vector<1x16xf32>
      tpu.vector_store %arg10[%parallel_loop3A_413, %parallel_loop3A_414], %parallel_loop3A_417 {strides = array<i32>} : memref<128x256xf32, #tpu.memory_space<vmem>>, vector<1x16xf32>,
      %parallel_loop3A_418 = arith.constant 224 : i32
      %parallel_loop3A_419 = arith.addi %parallel_loop3A_277, %parallel_loop3A_418 : i32
      %parallel_loop3A_420 = arith.index_cast %parallel_loop3A_419 : i32 to index
      %parallel_loop3A_421 = tpu.vector_load %arg6[%parallel_loop3A_420] {strides = array<i32>} : memref<2560xf32, #tpu.memory_space<vmem>>, vector<16xf32>,
      %parallel_loop3A_422 = vector.shape_cast %parallel_loop3A_421 : vector<16xf32> to vector<16xf32>
      %parallel_loop3A_423 = arith.index_cast %parallel_loop3A_266 : i32 to index
      %parallel_loop3A_424 = arith.constant 224 : index
      %parallel_loop3A_425 = tpu.vector_load %arg10[%parallel_loop3A_423, %parallel_loop3A_424] {strides = array<i32>} : memref<128x256xf32, #tpu.memory_space<vmem>>, vector<1x16xf32>,
      %parallel_loop3A_426 = vector.shape_cast %parallel_loop3A_425 : vector<1x16xf32> to vector<16xf32>
      %parallel_loop3A_427 = vector.shape_cast %parallel_loop3A_422 : vector<16xf32> to vector<1x16xf32>
      tpu.vector_store %arg10[%parallel_loop3A_423, %parallel_loop3A_424], %parallel_loop3A_427 {strides = array<i32>} : memref<128x256xf32, #tpu.memory_space<vmem>>, vector<1x16xf32>,
      %parallel_loop3A_428 = arith.constant 240 : i32
      %parallel_loop3A_429 = arith.addi %parallel_loop3A_277, %parallel_loop3A_428 : i32
      %parallel_loop3A_430 = arith.index_cast %parallel_loop3A_429 : i32 to index
      %parallel_loop3A_431 = tpu.vector_load %arg6[%parallel_loop3A_430] {strides = array<i32>} : memref<2560xf32, #tpu.memory_space<vmem>>, vector<16xf32>,
      %parallel_loop3A_432 = vector.shape_cast %parallel_loop3A_431 : vector<16xf32> to vector<16xf32>
      %parallel_loop3A_433 = arith.index_cast %parallel_loop3A_266 : i32 to index
      %parallel_loop3A_434 = arith.constant 240 : index
      %parallel_loop3A_435 = tpu.vector_load %arg10[%parallel_loop3A_433, %parallel_loop3A_434] {strides = array<i32>} : memref<128x256xf32, #tpu.memory_space<vmem>>, vector<1x16xf32>,
      %parallel_loop3A_436 = vector.shape_cast %parallel_loop3A_435 : vector<1x16xf32> to vector<16xf32>
      %parallel_loop3A_437 = vector.shape_cast %parallel_loop3A_432 : vector<16xf32> to vector<1x16xf32>
      tpu.vector_store %arg10[%parallel_loop3A_433, %parallel_loop3A_434], %parallel_loop3A_437 {strides = array<i32>} : memref<128x256xf32, #tpu.memory_space<vmem>>, vector<1x16xf32>,
    } {sc.loop_unroll_factor = 4 : i64, sc.parallel_access}
    %add3A_90 = arith.constant 0 : i32
    %add3A_91 = arith.addi %mul3A_2, %add3A_90 : i32
    %dma_start3A_92 = arith.constant 1 : i32
    %dma_start3A_93 = arith.constant 0 : i32
    %dma_start3A_94 = tpu.memref_slice %arg5[%dma_start3A_92, %add3A_91, %dma_start3A_93] : memref<3x16384x256xf32, #tpu.memory_space<hbm>> -> memref<1x128x256xf32, #tpu.memory_space<hbm>>
    %dma_start3A_95 = tpu.memref_squeeze %dma_start3A_94 : memref<1x128x256xf32, #tpu.memory_space<hbm>> -> memref<128x256xf32, #tpu.memory_space<hbm>>
    %dma_start3A_96 = arith.constant 0 : i32
    %dma_start3A_97 = tpu.memref_slice %arg5[%dma_start3A_92, %add3A_91, %dma_start3A_96] : memref<3x16384x256xf32, #tpu.memory_space<hbm>> -> memref<1x128x256xf32, #tpu.memory_space<hbm>>
    %dma_start3A_98 = tpu.memref_squeeze %dma_start3A_97 : memref<1x128x256xf32, #tpu.memory_space<hbm>> -> memref<128x256xf32, #tpu.memory_space<hbm>>
    tpu.enqueue_dma source(%arg10 : memref<128x256xf32, #tpu.memory_space<vmem>>) target(%dma_start3A_98 : memref<128x256xf32, #tpu.memory_space<hbm>>) target_semaphore(%arg13 : memref<!tpu.dma_semaphore, #tpu.memory_space<semaphore_mem>>)
    %parallel_loop3A_99 = arith.constant 0 : i32
    %parallel_loop3A_100 = arith.constant 128 : i32
    %parallel_loop3A_101 = arith.constant 1 : i32
    scf.for %parallel_loop3A_266 = %parallel_loop3A_99 to %parallel_loop3A_100 step %parallel_loop3A_101  : i32 {
      %parallel_loop3A_267 = arith.constant 128 : i32
      %parallel_loop3A_268 = arith.addi %parallel_loop3A_267, %parallel_loop3A_266 : i32
      %parallel_loop3A_269 = arith.index_cast %parallel_loop3A_268 : i32 to index
      %parallel_loop3A_270 = tpu.vector_load %arg7[%parallel_loop3A_269] {strides = array<i32>} : memref<528xi32, #tpu.memory_space<vmem>>, vector<16xi32>,
      %parallel_loop3A_271 = vector.shape_cast %parallel_loop3A_270 : vector<16xi32> to vector<16xi32>
      %parallel_loop3A_272 = vector.extract_strided_slice %parallel_loop3A_271 {offsets = [0], sizes = [1], strides = [1]} : vector<16xi32> to vector<1xi32>
      %parallel_loop3A_273 = vector.extract %parallel_loop3A_272[0] : i32 from vector<1xi32>
      %parallel_loop3A_274 = arith.constant 1 : i32
      %parallel_loop3A_275 = arith.addi %parallel_loop3A_274, %parallel_loop3A_273 : i32
      %parallel_loop3A_276 = arith.constant 256 : i32
      %parallel_loop3A_277 = arith.muli %parallel_loop3A_275, %parallel_loop3A_276 : i32
      %parallel_loop3A_278 = arith.constant 0 : i32
      %parallel_loop3A_279 = arith.addi %parallel_loop3A_277, %parallel_loop3A_278 : i32
      %parallel_loop3A_280 = arith.index_cast %parallel_loop3A_279 : i32 to index
      %parallel_loop3A_281 = tpu.vector_load %arg6[%parallel_loop3A_280] {strides = array<i32>} : memref<2560xf32, #tpu.memory_space<vmem>>, vector<16xf32>,
      %parallel_loop3A_282 = vector.shape_cast %parallel_loop3A_281 : vector<16xf32> to vector<16xf32>
      %parallel_loop3A_283 = arith.index_cast %parallel_loop3A_266 : i32 to index
      %parallel_loop3A_284 = arith.constant 0 : index
      %parallel_loop3A_285 = tpu.vector_load %arg11[%parallel_loop3A_283, %parallel_loop3A_284] {strides = array<i32>} : memref<128x256xf32, #tpu.memory_space<vmem>>, vector<1x16xf32>,
      %parallel_loop3A_286 = vector.shape_cast %parallel_loop3A_285 : vector<1x16xf32> to vector<16xf32>
      %parallel_loop3A_287 = vector.shape_cast %parallel_loop3A_282 : vector<16xf32> to vector<1x16xf32>
      tpu.vector_store %arg11[%parallel_loop3A_283, %parallel_loop3A_284], %parallel_loop3A_287 {strides = array<i32>} : memref<128x256xf32, #tpu.memory_space<vmem>>, vector<1x16xf32>,
      %parallel_loop3A_288 = arith.constant 16 : i32
      %parallel_loop3A_289 = arith.addi %parallel_loop3A_277, %parallel_loop3A_288 : i32
      %parallel_loop3A_290 = arith.index_cast %parallel_loop3A_289 : i32 to index
      %parallel_loop3A_291 = tpu.vector_load %arg6[%parallel_loop3A_290] {strides = array<i32>} : memref<2560xf32, #tpu.memory_space<vmem>>, vector<16xf32>,
      %parallel_loop3A_292 = vector.shape_cast %parallel_loop3A_291 : vector<16xf32> to vector<16xf32>
      %parallel_loop3A_293 = arith.index_cast %parallel_loop3A_266 : i32 to index
      %parallel_loop3A_294 = arith.constant 16 : index
      %parallel_loop3A_295 = tpu.vector_load %arg11[%parallel_loop3A_293, %parallel_loop3A_294] {strides = array<i32>} : memref<128x256xf32, #tpu.memory_space<vmem>>, vector<1x16xf32>,
      %parallel_loop3A_296 = vector.shape_cast %parallel_loop3A_295 : vector<1x16xf32> to vector<16xf32>
      %parallel_loop3A_297 = vector.shape_cast %parallel_loop3A_292 : vector<16xf32> to vector<1x16xf32>
      tpu.vector_store %arg11[%parallel_loop3A_293, %parallel_loop3A_294], %parallel_loop3A_297 {strides = array<i32>} : memref<128x256xf32, #tpu.memory_space<vmem>>, vector<1x16xf32>,
      %parallel_loop3A_298 = arith.constant 32 : i32
      %parallel_loop3A_299 = arith.addi %parallel_loop3A_277, %parallel_loop3A_298 : i32
      %parallel_loop3A_300 = arith.index_cast %parallel_loop3A_299 : i32 to index
      %parallel_loop3A_301 = tpu.vector_load %arg6[%parallel_loop3A_300] {strides = array<i32>} : memref<2560xf32, #tpu.memory_space<vmem>>, vector<16xf32>,
      %parallel_loop3A_302 = vector.shape_cast %parallel_loop3A_301 : vector<16xf32> to vector<16xf32>
      %parallel_loop3A_303 = arith.index_cast %parallel_loop3A_266 : i32 to index
      %parallel_loop3A_304 = arith.constant 32 : index
      %parallel_loop3A_305 = tpu.vector_load %arg11[%parallel_loop3A_303, %parallel_loop3A_304] {strides = array<i32>} : memref<128x256xf32, #tpu.memory_space<vmem>>, vector<1x16xf32>,
      %parallel_loop3A_306 = vector.shape_cast %parallel_loop3A_305 : vector<1x16xf32> to vector<16xf32>
      %parallel_loop3A_307 = vector.shape_cast %parallel_loop3A_302 : vector<16xf32> to vector<1x16xf32>
      tpu.vector_store %arg11[%parallel_loop3A_303, %parallel_loop3A_304], %parallel_loop3A_307 {strides = array<i32>} : memref<128x256xf32, #tpu.memory_space<vmem>>, vector<1x16xf32>,
      %parallel_loop3A_308 = arith.constant 48 : i32
      %parallel_loop3A_309 = arith.addi %parallel_loop3A_277, %parallel_loop3A_308 : i32
      %parallel_loop3A_310 = arith.index_cast %parallel_loop3A_309 : i32 to index
      %parallel_loop3A_311 = tpu.vector_load %arg6[%parallel_loop3A_310] {strides = array<i32>} : memref<2560xf32, #tpu.memory_space<vmem>>, vector<16xf32>,
      %parallel_loop3A_312 = vector.shape_cast %parallel_loop3A_311 : vector<16xf32> to vector<16xf32>
      %parallel_loop3A_313 = arith.index_cast %parallel_loop3A_266 : i32 to index
      %parallel_loop3A_314 = arith.constant 48 : index
      %parallel_loop3A_315 = tpu.vector_load %arg11[%parallel_loop3A_313, %parallel_loop3A_314] {strides = array<i32>} : memref<128x256xf32, #tpu.memory_space<vmem>>, vector<1x16xf32>,
      %parallel_loop3A_316 = vector.shape_cast %parallel_loop3A_315 : vector<1x16xf32> to vector<16xf32>
      %parallel_loop3A_317 = vector.shape_cast %parallel_loop3A_312 : vector<16xf32> to vector<1x16xf32>
      tpu.vector_store %arg11[%parallel_loop3A_313, %parallel_loop3A_314], %parallel_loop3A_317 {strides = array<i32>} : memref<128x256xf32, #tpu.memory_space<vmem>>, vector<1x16xf32>,
      %parallel_loop3A_318 = arith.constant 64 : i32
      %parallel_loop3A_319 = arith.addi %parallel_loop3A_277, %parallel_loop3A_318 : i32
      %parallel_loop3A_320 = arith.index_cast %parallel_loop3A_319 : i32 to index
      %parallel_loop3A_321 = tpu.vector_load %arg6[%parallel_loop3A_320] {strides = array<i32>} : memref<2560xf32, #tpu.memory_space<vmem>>, vector<16xf32>,
      %parallel_loop3A_322 = vector.shape_cast %parallel_loop3A_321 : vector<16xf32> to vector<16xf32>
      %parallel_loop3A_323 = arith.index_cast %parallel_loop3A_266 : i32 to index
      %parallel_loop3A_324 = arith.constant 64 : index
      %parallel_loop3A_325 = tpu.vector_load %arg11[%parallel_loop3A_323, %parallel_loop3A_324] {strides = array<i32>} : memref<128x256xf32, #tpu.memory_space<vmem>>, vector<1x16xf32>,
      %parallel_loop3A_326 = vector.shape_cast %parallel_loop3A_325 : vector<1x16xf32> to vector<16xf32>
      %parallel_loop3A_327 = vector.shape_cast %parallel_loop3A_322 : vector<16xf32> to vector<1x16xf32>
      tpu.vector_store %arg11[%parallel_loop3A_323, %parallel_loop3A_324], %parallel_loop3A_327 {strides = array<i32>} : memref<128x256xf32, #tpu.memory_space<vmem>>, vector<1x16xf32>,
      %parallel_loop3A_328 = arith.constant 80 : i32
      %parallel_loop3A_329 = arith.addi %parallel_loop3A_277, %parallel_loop3A_328 : i32
      %parallel_loop3A_330 = arith.index_cast %parallel_loop3A_329 : i32 to index
      %parallel_loop3A_331 = tpu.vector_load %arg6[%parallel_loop3A_330] {strides = array<i32>} : memref<2560xf32, #tpu.memory_space<vmem>>, vector<16xf32>,
      %parallel_loop3A_332 = vector.shape_cast %parallel_loop3A_331 : vector<16xf32> to vector<16xf32>
      %parallel_loop3A_333 = arith.index_cast %parallel_loop3A_266 : i32 to index
      %parallel_loop3A_334 = arith.constant 80 : index
      %parallel_loop3A_335 = tpu.vector_load %arg11[%parallel_loop3A_333, %parallel_loop3A_334] {strides = array<i32>} : memref<128x256xf32, #tpu.memory_space<vmem>>, vector<1x16xf32>,
      %parallel_loop3A_336 = vector.shape_cast %parallel_loop3A_335 : vector<1x16xf32> to vector<16xf32>
      %parallel_loop3A_337 = vector.shape_cast %parallel_loop3A_332 : vector<16xf32> to vector<1x16xf32>
      tpu.vector_store %arg11[%parallel_loop3A_333, %parallel_loop3A_334], %parallel_loop3A_337 {strides = array<i32>} : memref<128x256xf32, #tpu.memory_space<vmem>>, vector<1x16xf32>,
      %parallel_loop3A_338 = arith.constant 96 : i32
      %parallel_loop3A_339 = arith.addi %parallel_loop3A_277, %parallel_loop3A_338 : i32
      %parallel_loop3A_340 = arith.index_cast %parallel_loop3A_339 : i32 to index
      %parallel_loop3A_341 = tpu.vector_load %arg6[%parallel_loop3A_340] {strides = array<i32>} : memref<2560xf32, #tpu.memory_space<vmem>>, vector<16xf32>,
      %parallel_loop3A_342 = vector.shape_cast %parallel_loop3A_341 : vector<16xf32> to vector<16xf32>
      %parallel_loop3A_343 = arith.index_cast %parallel_loop3A_266 : i32 to index
      %parallel_loop3A_344 = arith.constant 96 : index
      %parallel_loop3A_345 = tpu.vector_load %arg11[%parallel_loop3A_343, %parallel_loop3A_344] {strides = array<i32>} : memref<128x256xf32, #tpu.memory_space<vmem>>, vector<1x16xf32>,
      %parallel_loop3A_346 = vector.shape_cast %parallel_loop3A_345 : vector<1x16xf32> to vector<16xf32>
      %parallel_loop3A_347 = vector.shape_cast %parallel_loop3A_342 : vector<16xf32> to vector<1x16xf32>
      tpu.vector_store %arg11[%parallel_loop3A_343, %parallel_loop3A_344], %parallel_loop3A_347 {strides = array<i32>} : memref<128x256xf32, #tpu.memory_space<vmem>>, vector<1x16xf32>,
      %parallel_loop3A_348 = arith.constant 112 : i32
      %parallel_loop3A_349 = arith.addi %parallel_loop3A_277, %parallel_loop3A_348 : i32
      %parallel_loop3A_350 = arith.index_cast %parallel_loop3A_349 : i32 to index
      %parallel_loop3A_351 = tpu.vector_load %arg6[%parallel_loop3A_350] {strides = array<i32>} : memref<2560xf32, #tpu.memory_space<vmem>>, vector<16xf32>,
      %parallel_loop3A_352 = vector.shape_cast %parallel_loop3A_351 : vector<16xf32> to vector<16xf32>
      %parallel_loop3A_353 = arith.index_cast %parallel_loop3A_266 : i32 to index
      %parallel_loop3A_354 = arith.constant 112 : index
      %parallel_loop3A_355 = tpu.vector_load %arg11[%parallel_loop3A_353, %parallel_loop3A_354] {strides = array<i32>} : memref<128x256xf32, #tpu.memory_space<vmem>>, vector<1x16xf32>,
      %parallel_loop3A_356 = vector.shape_cast %parallel_loop3A_355 : vector<1x16xf32> to vector<16xf32>
      %parallel_loop3A_357 = vector.shape_cast %parallel_loop3A_352 : vector<16xf32> to vector<1x16xf32>
      tpu.vector_store %arg11[%parallel_loop3A_353, %parallel_loop3A_354], %parallel_loop3A_357 {strides = array<i32>} : memref<128x256xf32, #tpu.memory_space<vmem>>, vector<1x16xf32>,
      %parallel_loop3A_358 = arith.constant 128 : i32
      %parallel_loop3A_359 = arith.addi %parallel_loop3A_277, %parallel_loop3A_358 : i32
      %parallel_loop3A_360 = arith.index_cast %parallel_loop3A_359 : i32 to index
      %parallel_loop3A_361 = tpu.vector_load %arg6[%parallel_loop3A_360] {strides = array<i32>} : memref<2560xf32, #tpu.memory_space<vmem>>, vector<16xf32>,
      %parallel_loop3A_362 = vector.shape_cast %parallel_loop3A_361 : vector<16xf32> to vector<16xf32>
      %parallel_loop3A_363 = arith.index_cast %parallel_loop3A_266 : i32 to index
      %parallel_loop3A_364 = arith.constant 128 : index
      %parallel_loop3A_365 = tpu.vector_load %arg11[%parallel_loop3A_363, %parallel_loop3A_364] {strides = array<i32>} : memref<128x256xf32, #tpu.memory_space<vmem>>, vector<1x16xf32>,
      %parallel_loop3A_366 = vector.shape_cast %parallel_loop3A_365 : vector<1x16xf32> to vector<16xf32>
      %parallel_loop3A_367 = vector.shape_cast %parallel_loop3A_362 : vector<16xf32> to vector<1x16xf32>
      tpu.vector_store %arg11[%parallel_loop3A_363, %parallel_loop3A_364], %parallel_loop3A_367 {strides = array<i32>} : memref<128x256xf32, #tpu.memory_space<vmem>>, vector<1x16xf32>,
      %parallel_loop3A_368 = arith.constant 144 : i32
      %parallel_loop3A_369 = arith.addi %parallel_loop3A_277, %parallel_loop3A_368 : i32
      %parallel_loop3A_370 = arith.index_cast %parallel_loop3A_369 : i32 to index
      %parallel_loop3A_371 = tpu.vector_load %arg6[%parallel_loop3A_370] {strides = array<i32>} : memref<2560xf32, #tpu.memory_space<vmem>>, vector<16xf32>,
      %parallel_loop3A_372 = vector.shape_cast %parallel_loop3A_371 : vector<16xf32> to vector<16xf32>
      %parallel_loop3A_373 = arith.index_cast %parallel_loop3A_266 : i32 to index
      %parallel_loop3A_374 = arith.constant 144 : index
      %parallel_loop3A_375 = tpu.vector_load %arg11[%parallel_loop3A_373, %parallel_loop3A_374] {strides = array<i32>} : memref<128x256xf32, #tpu.memory_space<vmem>>, vector<1x16xf32>,
      %parallel_loop3A_376 = vector.shape_cast %parallel_loop3A_375 : vector<1x16xf32> to vector<16xf32>
      %parallel_loop3A_377 = vector.shape_cast %parallel_loop3A_372 : vector<16xf32> to vector<1x16xf32>
      tpu.vector_store %arg11[%parallel_loop3A_373, %parallel_loop3A_374], %parallel_loop3A_377 {strides = array<i32>} : memref<128x256xf32, #tpu.memory_space<vmem>>, vector<1x16xf32>,
      %parallel_loop3A_378 = arith.constant 160 : i32
      %parallel_loop3A_379 = arith.addi %parallel_loop3A_277, %parallel_loop3A_378 : i32
      %parallel_loop3A_380 = arith.index_cast %parallel_loop3A_379 : i32 to index
      %parallel_loop3A_381 = tpu.vector_load %arg6[%parallel_loop3A_380] {strides = array<i32>} : memref<2560xf32, #tpu.memory_space<vmem>>, vector<16xf32>,
      %parallel_loop3A_382 = vector.shape_cast %parallel_loop3A_381 : vector<16xf32> to vector<16xf32>
      %parallel_loop3A_383 = arith.index_cast %parallel_loop3A_266 : i32 to index
      %parallel_loop3A_384 = arith.constant 160 : index
      %parallel_loop3A_385 = tpu.vector_load %arg11[%parallel_loop3A_383, %parallel_loop3A_384] {strides = array<i32>} : memref<128x256xf32, #tpu.memory_space<vmem>>, vector<1x16xf32>,
      %parallel_loop3A_386 = vector.shape_cast %parallel_loop3A_385 : vector<1x16xf32> to vector<16xf32>
      %parallel_loop3A_387 = vector.shape_cast %parallel_loop3A_382 : vector<16xf32> to vector<1x16xf32>
      tpu.vector_store %arg11[%parallel_loop3A_383, %parallel_loop3A_384], %parallel_loop3A_387 {strides = array<i32>} : memref<128x256xf32, #tpu.memory_space<vmem>>, vector<1x16xf32>,
      %parallel_loop3A_388 = arith.constant 176 : i32
      %parallel_loop3A_389 = arith.addi %parallel_loop3A_277, %parallel_loop3A_388 : i32
      %parallel_loop3A_390 = arith.index_cast %parallel_loop3A_389 : i32 to index
      %parallel_loop3A_391 = tpu.vector_load %arg6[%parallel_loop3A_390] {strides = array<i32>} : memref<2560xf32, #tpu.memory_space<vmem>>, vector<16xf32>,
      %parallel_loop3A_392 = vector.shape_cast %parallel_loop3A_391 : vector<16xf32> to vector<16xf32>
      %parallel_loop3A_393 = arith.index_cast %parallel_loop3A_266 : i32 to index
      %parallel_loop3A_394 = arith.constant 176 : index
      %parallel_loop3A_395 = tpu.vector_load %arg11[%parallel_loop3A_393, %parallel_loop3A_394] {strides = array<i32>} : memref<128x256xf32, #tpu.memory_space<vmem>>, vector<1x16xf32>,
      %parallel_loop3A_396 = vector.shape_cast %parallel_loop3A_395 : vector<1x16xf32> to vector<16xf32>
      %parallel_loop3A_397 = vector.shape_cast %parallel_loop3A_392 : vector<16xf32> to vector<1x16xf32>
      tpu.vector_store %arg11[%parallel_loop3A_393, %parallel_loop3A_394], %parallel_loop3A_397 {strides = array<i32>} : memref<128x256xf32, #tpu.memory_space<vmem>>, vector<1x16xf32>,
      %parallel_loop3A_398 = arith.constant 192 : i32
      %parallel_loop3A_399 = arith.addi %parallel_loop3A_277, %parallel_loop3A_398 : i32
      %parallel_loop3A_400 = arith.index_cast %parallel_loop3A_399 : i32 to index
      %parallel_loop3A_401 = tpu.vector_load %arg6[%parallel_loop3A_400] {strides = array<i32>} : memref<2560xf32, #tpu.memory_space<vmem>>, vector<16xf32>,
      %parallel_loop3A_402 = vector.shape_cast %parallel_loop3A_401 : vector<16xf32> to vector<16xf32>
      %parallel_loop3A_403 = arith.index_cast %parallel_loop3A_266 : i32 to index
      %parallel_loop3A_404 = arith.constant 192 : index
      %parallel_loop3A_405 = tpu.vector_load %arg11[%parallel_loop3A_403, %parallel_loop3A_404] {strides = array<i32>} : memref<128x256xf32, #tpu.memory_space<vmem>>, vector<1x16xf32>,
      %parallel_loop3A_406 = vector.shape_cast %parallel_loop3A_405 : vector<1x16xf32> to vector<16xf32>
      %parallel_loop3A_407 = vector.shape_cast %parallel_loop3A_402 : vector<16xf32> to vector<1x16xf32>
      tpu.vector_store %arg11[%parallel_loop3A_403, %parallel_loop3A_404], %parallel_loop3A_407 {strides = array<i32>} : memref<128x256xf32, #tpu.memory_space<vmem>>, vector<1x16xf32>,
      %parallel_loop3A_408 = arith.constant 208 : i32
      %parallel_loop3A_409 = arith.addi %parallel_loop3A_277, %parallel_loop3A_408 : i32
      %parallel_loop3A_410 = arith.index_cast %parallel_loop3A_409 : i32 to index
      %parallel_loop3A_411 = tpu.vector_load %arg6[%parallel_loop3A_410] {strides = array<i32>} : memref<2560xf32, #tpu.memory_space<vmem>>, vector<16xf32>,
      %parallel_loop3A_412 = vector.shape_cast %parallel_loop3A_411 : vector<16xf32> to vector<16xf32>
      %parallel_loop3A_413 = arith.index_cast %parallel_loop3A_266 : i32 to index
      %parallel_loop3A_414 = arith.constant 208 : index
      %parallel_loop3A_415 = tpu.vector_load %arg11[%parallel_loop3A_413, %parallel_loop3A_414] {strides = array<i32>} : memref<128x256xf32, #tpu.memory_space<vmem>>, vector<1x16xf32>,
      %parallel_loop3A_416 = vector.shape_cast %parallel_loop3A_415 : vector<1x16xf32> to vector<16xf32>
      %parallel_loop3A_417 = vector.shape_cast %parallel_loop3A_412 : vector<16xf32> to vector<1x16xf32>
      tpu.vector_store %arg11[%parallel_loop3A_413, %parallel_loop3A_414], %parallel_loop3A_417 {strides = array<i32>} : memref<128x256xf32, #tpu.memory_space<vmem>>, vector<1x16xf32>,
      %parallel_loop3A_418 = arith.constant 224 : i32
      %parallel_loop3A_419 = arith.addi %parallel_loop3A_277, %parallel_loop3A_418 : i32
      %parallel_loop3A_420 = arith.index_cast %parallel_loop3A_419 : i32 to index
      %parallel_loop3A_421 = tpu.vector_load %arg6[%parallel_loop3A_420] {strides = array<i32>} : memref<2560xf32, #tpu.memory_space<vmem>>, vector<16xf32>,
      %parallel_loop3A_422 = vector.shape_cast %parallel_loop3A_421 : vector<16xf32> to vector<16xf32>
      %parallel_loop3A_423 = arith.index_cast %parallel_loop3A_266 : i32 to index
      %parallel_loop3A_424 = arith.constant 224 : index
      %parallel_loop3A_425 = tpu.vector_load %arg11[%parallel_loop3A_423, %parallel_loop3A_424] {strides = array<i32>} : memref<128x256xf32, #tpu.memory_space<vmem>>, vector<1x16xf32>,
      %parallel_loop3A_426 = vector.shape_cast %parallel_loop3A_425 : vector<1x16xf32> to vector<16xf32>
      %parallel_loop3A_427 = vector.shape_cast %parallel_loop3A_422 : vector<16xf32> to vector<1x16xf32>
      tpu.vector_store %arg11[%parallel_loop3A_423, %parallel_loop3A_424], %parallel_loop3A_427 {strides = array<i32>} : memref<128x256xf32, #tpu.memory_space<vmem>>, vector<1x16xf32>,
      %parallel_loop3A_428 = arith.constant 240 : i32
      %parallel_loop3A_429 = arith.addi %parallel_loop3A_277, %parallel_loop3A_428 : i32
      %parallel_loop3A_430 = arith.index_cast %parallel_loop3A_429 : i32 to index
      %parallel_loop3A_431 = tpu.vector_load %arg6[%parallel_loop3A_430] {strides = array<i32>} : memref<2560xf32, #tpu.memory_space<vmem>>, vector<16xf32>,
      %parallel_loop3A_432 = vector.shape_cast %parallel_loop3A_431 : vector<16xf32> to vector<16xf32>
      %parallel_loop3A_433 = arith.index_cast %parallel_loop3A_266 : i32 to index
      %parallel_loop3A_434 = arith.constant 240 : index
      %parallel_loop3A_435 = tpu.vector_load %arg11[%parallel_loop3A_433, %parallel_loop3A_434] {strides = array<i32>} : memref<128x256xf32, #tpu.memory_space<vmem>>, vector<1x16xf32>,
      %parallel_loop3A_436 = vector.shape_cast %parallel_loop3A_435 : vector<1x16xf32> to vector<16xf32>
      %parallel_loop3A_437 = vector.shape_cast %parallel_loop3A_432 : vector<16xf32> to vector<1x16xf32>
      tpu.vector_store %arg11[%parallel_loop3A_433, %parallel_loop3A_434], %parallel_loop3A_437 {strides = array<i32>} : memref<128x256xf32, #tpu.memory_space<vmem>>, vector<1x16xf32>,
    } {sc.loop_unroll_factor = 4 : i64, sc.parallel_access}
    %add3A_102 = arith.constant 128 : i32
    %add3A_103 = arith.addi %mul3A_2, %add3A_102 : i32
    %dma_start3A_104 = arith.constant 1 : i32
    %dma_start3A_105 = arith.constant 0 : i32
    %dma_start3A_106 = tpu.memref_slice %arg5[%dma_start3A_104, %add3A_103, %dma_start3A_105] : memref<3x16384x256xf32, #tpu.memory_space<hbm>> -> memref<1x128x256xf32, #tpu.memory_space<hbm>>
    %dma_start3A_107 = tpu.memref_squeeze %dma_start3A_106 : memref<1x128x256xf32, #tpu.memory_space<hbm>> -> memref<128x256xf32, #tpu.memory_space<hbm>>
    %dma_start3A_108 = arith.constant 0 : i32
    %dma_start3A_109 = tpu.memref_slice %arg5[%dma_start3A_104, %add3A_103, %dma_start3A_108] : memref<3x16384x256xf32, #tpu.memory_space<hbm>> -> memref<1x128x256xf32, #tpu.memory_space<hbm>>
    %dma_start3A_110 = tpu.memref_squeeze %dma_start3A_109 : memref<1x128x256xf32, #tpu.memory_space<hbm>> -> memref<128x256xf32, #tpu.memory_space<hbm>>
    tpu.enqueue_dma source(%arg11 : memref<128x256xf32, #tpu.memory_space<vmem>>) target(%dma_start3A_110 : memref<128x256xf32, #tpu.memory_space<hbm>>) target_semaphore(%arg13 : memref<!tpu.dma_semaphore, #tpu.memory_space<semaphore_mem>>)
    %dma_wait3A = arith.constant 1 : i32
    %dma_wait3A_111 = arith.constant 0 : i32
    %dma_wait3A_112 = tpu.memref_slice %arg5[%dma_wait3A, %add3A_91, %dma_wait3A_111] : memref<3x16384x256xf32, #tpu.memory_space<hbm>> -> memref<1x128x256xf32, #tpu.memory_space<hbm>>
    %dma_wait3A_113 = tpu.memref_squeeze %dma_wait3A_112 : memref<1x128x256xf32, #tpu.memory_space<hbm>> -> memref<128x256xf32, #tpu.memory_space<hbm>>
    %dma_wait3A_114 = arith.constant 0 : i32
    %dma_wait3A_115 = tpu.memref_slice %arg5[%dma_wait3A, %add3A_91, %dma_wait3A_114] : memref<3x16384x256xf32, #tpu.memory_space<hbm>> -> memref<1x128x256xf32, #tpu.memory_space<hbm>>
    %dma_wait3A_116 = tpu.memref_squeeze %dma_wait3A_115 : memref<1x128x256xf32, #tpu.memory_space<hbm>> -> memref<128x256xf32, #tpu.memory_space<hbm>>
    tpu.wait_dma2 semaphore(%arg13 : memref<!tpu.dma_semaphore, #tpu.memory_space<semaphore_mem>>) src(%arg10 : memref<128x256xf32, #tpu.memory_space<vmem>>) dst(%dma_wait3A_116 : memref<128x256xf32, #tpu.memory_space<hbm>>)
    %parallel_loop3A_117 = arith.constant 0 : i32
    %parallel_loop3A_118 = arith.constant 128 : i32
    %parallel_loop3A_119 = arith.constant 1 : i32
    scf.for %parallel_loop3A_266 = %parallel_loop3A_117 to %parallel_loop3A_118 step %parallel_loop3A_119  : i32 {
      %parallel_loop3A_267 = arith.constant 256 : i32
      %parallel_loop3A_268 = arith.addi %parallel_loop3A_267, %parallel_loop3A_266 : i32
      %parallel_loop3A_269 = arith.index_cast %parallel_loop3A_268 : i32 to index
      %parallel_loop3A_270 = tpu.vector_load %arg7[%parallel_loop3A_269] {strides = array<i32>} : memref<528xi32, #tpu.memory_space<vmem>>, vector<16xi32>,
      %parallel_loop3A_271 = vector.shape_cast %parallel_loop3A_270 : vector<16xi32> to vector<16xi32>
      %parallel_loop3A_272 = vector.extract_strided_slice %parallel_loop3A_271 {offsets = [0], sizes = [1], strides = [1]} : vector<16xi32> to vector<1xi32>
      %parallel_loop3A_273 = vector.extract %parallel_loop3A_272[0] : i32 from vector<1xi32>
      %parallel_loop3A_274 = arith.constant 1 : i32
      %parallel_loop3A_275 = arith.addi %parallel_loop3A_274, %parallel_loop3A_273 : i32
      %parallel_loop3A_276 = arith.constant 256 : i32
      %parallel_loop3A_277 = arith.muli %parallel_loop3A_275, %parallel_loop3A_276 : i32
      %parallel_loop3A_278 = arith.constant 0 : i32
      %parallel_loop3A_279 = arith.addi %parallel_loop3A_277, %parallel_loop3A_278 : i32
      %parallel_loop3A_280 = arith.index_cast %parallel_loop3A_279 : i32 to index
      %parallel_loop3A_281 = tpu.vector_load %arg6[%parallel_loop3A_280] {strides = array<i32>} : memref<2560xf32, #tpu.memory_space<vmem>>, vector<16xf32>,
      %parallel_loop3A_282 = vector.shape_cast %parallel_loop3A_281 : vector<16xf32> to vector<16xf32>
      %parallel_loop3A_283 = arith.index_cast %parallel_loop3A_266 : i32 to index
      %parallel_loop3A_284 = arith.constant 0 : index
      %parallel_loop3A_285 = tpu.vector_load %arg10[%parallel_loop3A_283, %parallel_loop3A_284] {strides = array<i32>} : memref<128x256xf32, #tpu.memory_space<vmem>>, vector<1x16xf32>,
      %parallel_loop3A_286 = vector.shape_cast %parallel_loop3A_285 : vector<1x16xf32> to vector<16xf32>
      %parallel_loop3A_287 = vector.shape_cast %parallel_loop3A_282 : vector<16xf32> to vector<1x16xf32>
      tpu.vector_store %arg10[%parallel_loop3A_283, %parallel_loop3A_284], %parallel_loop3A_287 {strides = array<i32>} : memref<128x256xf32, #tpu.memory_space<vmem>>, vector<1x16xf32>,
      %parallel_loop3A_288 = arith.constant 16 : i32
      %parallel_loop3A_289 = arith.addi %parallel_loop3A_277, %parallel_loop3A_288 : i32
      %parallel_loop3A_290 = arith.index_cast %parallel_loop3A_289 : i32 to index
      %parallel_loop3A_291 = tpu.vector_load %arg6[%parallel_loop3A_290] {strides = array<i32>} : memref<2560xf32, #tpu.memory_space<vmem>>, vector<16xf32>,
      %parallel_loop3A_292 = vector.shape_cast %parallel_loop3A_291 : vector<16xf32> to vector<16xf32>
      %parallel_loop3A_293 = arith.index_cast %parallel_loop3A_266 : i32 to index
      %parallel_loop3A_294 = arith.constant 16 : index
      %parallel_loop3A_295 = tpu.vector_load %arg10[%parallel_loop3A_293, %parallel_loop3A_294] {strides = array<i32>} : memref<128x256xf32, #tpu.memory_space<vmem>>, vector<1x16xf32>,
      %parallel_loop3A_296 = vector.shape_cast %parallel_loop3A_295 : vector<1x16xf32> to vector<16xf32>
      %parallel_loop3A_297 = vector.shape_cast %parallel_loop3A_292 : vector<16xf32> to vector<1x16xf32>
      tpu.vector_store %arg10[%parallel_loop3A_293, %parallel_loop3A_294], %parallel_loop3A_297 {strides = array<i32>} : memref<128x256xf32, #tpu.memory_space<vmem>>, vector<1x16xf32>,
      %parallel_loop3A_298 = arith.constant 32 : i32
      %parallel_loop3A_299 = arith.addi %parallel_loop3A_277, %parallel_loop3A_298 : i32
      %parallel_loop3A_300 = arith.index_cast %parallel_loop3A_299 : i32 to index
      %parallel_loop3A_301 = tpu.vector_load %arg6[%parallel_loop3A_300] {strides = array<i32>} : memref<2560xf32, #tpu.memory_space<vmem>>, vector<16xf32>,
      %parallel_loop3A_302 = vector.shape_cast %parallel_loop3A_301 : vector<16xf32> to vector<16xf32>
      %parallel_loop3A_303 = arith.index_cast %parallel_loop3A_266 : i32 to index
      %parallel_loop3A_304 = arith.constant 32 : index
      %parallel_loop3A_305 = tpu.vector_load %arg10[%parallel_loop3A_303, %parallel_loop3A_304] {strides = array<i32>} : memref<128x256xf32, #tpu.memory_space<vmem>>, vector<1x16xf32>,
      %parallel_loop3A_306 = vector.shape_cast %parallel_loop3A_305 : vector<1x16xf32> to vector<16xf32>
      %parallel_loop3A_307 = vector.shape_cast %parallel_loop3A_302 : vector<16xf32> to vector<1x16xf32>
      tpu.vector_store %arg10[%parallel_loop3A_303, %parallel_loop3A_304], %parallel_loop3A_307 {strides = array<i32>} : memref<128x256xf32, #tpu.memory_space<vmem>>, vector<1x16xf32>,
      %parallel_loop3A_308 = arith.constant 48 : i32
      %parallel_loop3A_309 = arith.addi %parallel_loop3A_277, %parallel_loop3A_308 : i32
      %parallel_loop3A_310 = arith.index_cast %parallel_loop3A_309 : i32 to index
      %parallel_loop3A_311 = tpu.vector_load %arg6[%parallel_loop3A_310] {strides = array<i32>} : memref<2560xf32, #tpu.memory_space<vmem>>, vector<16xf32>,
      %parallel_loop3A_312 = vector.shape_cast %parallel_loop3A_311 : vector<16xf32> to vector<16xf32>
      %parallel_loop3A_313 = arith.index_cast %parallel_loop3A_266 : i32 to index
      %parallel_loop3A_314 = arith.constant 48 : index
      %parallel_loop3A_315 = tpu.vector_load %arg10[%parallel_loop3A_313, %parallel_loop3A_314] {strides = array<i32>} : memref<128x256xf32, #tpu.memory_space<vmem>>, vector<1x16xf32>,
      %parallel_loop3A_316 = vector.shape_cast %parallel_loop3A_315 : vector<1x16xf32> to vector<16xf32>
      %parallel_loop3A_317 = vector.shape_cast %parallel_loop3A_312 : vector<16xf32> to vector<1x16xf32>
      tpu.vector_store %arg10[%parallel_loop3A_313, %parallel_loop3A_314], %parallel_loop3A_317 {strides = array<i32>} : memref<128x256xf32, #tpu.memory_space<vmem>>, vector<1x16xf32>,
      %parallel_loop3A_318 = arith.constant 64 : i32
      %parallel_loop3A_319 = arith.addi %parallel_loop3A_277, %parallel_loop3A_318 : i32
      %parallel_loop3A_320 = arith.index_cast %parallel_loop3A_319 : i32 to index
      %parallel_loop3A_321 = tpu.vector_load %arg6[%parallel_loop3A_320] {strides = array<i32>} : memref<2560xf32, #tpu.memory_space<vmem>>, vector<16xf32>,
      %parallel_loop3A_322 = vector.shape_cast %parallel_loop3A_321 : vector<16xf32> to vector<16xf32>
      %parallel_loop3A_323 = arith.index_cast %parallel_loop3A_266 : i32 to index
      %parallel_loop3A_324 = arith.constant 64 : index
      %parallel_loop3A_325 = tpu.vector_load %arg10[%parallel_loop3A_323, %parallel_loop3A_324] {strides = array<i32>} : memref<128x256xf32, #tpu.memory_space<vmem>>, vector<1x16xf32>,
      %parallel_loop3A_326 = vector.shape_cast %parallel_loop3A_325 : vector<1x16xf32> to vector<16xf32>
      %parallel_loop3A_327 = vector.shape_cast %parallel_loop3A_322 : vector<16xf32> to vector<1x16xf32>
      tpu.vector_store %arg10[%parallel_loop3A_323, %parallel_loop3A_324], %parallel_loop3A_327 {strides = array<i32>} : memref<128x256xf32, #tpu.memory_space<vmem>>, vector<1x16xf32>,
      %parallel_loop3A_328 = arith.constant 80 : i32
      %parallel_loop3A_329 = arith.addi %parallel_loop3A_277, %parallel_loop3A_328 : i32
      %parallel_loop3A_330 = arith.index_cast %parallel_loop3A_329 : i32 to index
      %parallel_loop3A_331 = tpu.vector_load %arg6[%parallel_loop3A_330] {strides = array<i32>} : memref<2560xf32, #tpu.memory_space<vmem>>, vector<16xf32>,
      %parallel_loop3A_332 = vector.shape_cast %parallel_loop3A_331 : vector<16xf32> to vector<16xf32>
      %parallel_loop3A_333 = arith.index_cast %parallel_loop3A_266 : i32 to index
      %parallel_loop3A_334 = arith.constant 80 : index
      %parallel_loop3A_335 = tpu.vector_load %arg10[%parallel_loop3A_333, %parallel_loop3A_334] {strides = array<i32>} : memref<128x256xf32, #tpu.memory_space<vmem>>, vector<1x16xf32>,
      %parallel_loop3A_336 = vector.shape_cast %parallel_loop3A_335 : vector<1x16xf32> to vector<16xf32>
      %parallel_loop3A_337 = vector.shape_cast %parallel_loop3A_332 : vector<16xf32> to vector<1x16xf32>
      tpu.vector_store %arg10[%parallel_loop3A_333, %parallel_loop3A_334], %parallel_loop3A_337 {strides = array<i32>} : memref<128x256xf32, #tpu.memory_space<vmem>>, vector<1x16xf32>,
      %parallel_loop3A_338 = arith.constant 96 : i32
      %parallel_loop3A_339 = arith.addi %parallel_loop3A_277, %parallel_loop3A_338 : i32
      %parallel_loop3A_340 = arith.index_cast %parallel_loop3A_339 : i32 to index
      %parallel_loop3A_341 = tpu.vector_load %arg6[%parallel_loop3A_340] {strides = array<i32>} : memref<2560xf32, #tpu.memory_space<vmem>>, vector<16xf32>,
      %parallel_loop3A_342 = vector.shape_cast %parallel_loop3A_341 : vector<16xf32> to vector<16xf32>
      %parallel_loop3A_343 = arith.index_cast %parallel_loop3A_266 : i32 to index
      %parallel_loop3A_344 = arith.constant 96 : index
      %parallel_loop3A_345 = tpu.vector_load %arg10[%parallel_loop3A_343, %parallel_loop3A_344] {strides = array<i32>} : memref<128x256xf32, #tpu.memory_space<vmem>>, vector<1x16xf32>,
      %parallel_loop3A_346 = vector.shape_cast %parallel_loop3A_345 : vector<1x16xf32> to vector<16xf32>
      %parallel_loop3A_347 = vector.shape_cast %parallel_loop3A_342 : vector<16xf32> to vector<1x16xf32>
      tpu.vector_store %arg10[%parallel_loop3A_343, %parallel_loop3A_344], %parallel_loop3A_347 {strides = array<i32>} : memref<128x256xf32, #tpu.memory_space<vmem>>, vector<1x16xf32>,
      %parallel_loop3A_348 = arith.constant 112 : i32
      %parallel_loop3A_349 = arith.addi %parallel_loop3A_277, %parallel_loop3A_348 : i32
      %parallel_loop3A_350 = arith.index_cast %parallel_loop3A_349 : i32 to index
      %parallel_loop3A_351 = tpu.vector_load %arg6[%parallel_loop3A_350] {strides = array<i32>} : memref<2560xf32, #tpu.memory_space<vmem>>, vector<16xf32>,
      %parallel_loop3A_352 = vector.shape_cast %parallel_loop3A_351 : vector<16xf32> to vector<16xf32>
      %parallel_loop3A_353 = arith.index_cast %parallel_loop3A_266 : i32 to index
      %parallel_loop3A_354 = arith.constant 112 : index
      %parallel_loop3A_355 = tpu.vector_load %arg10[%parallel_loop3A_353, %parallel_loop3A_354] {strides = array<i32>} : memref<128x256xf32, #tpu.memory_space<vmem>>, vector<1x16xf32>,
      %parallel_loop3A_356 = vector.shape_cast %parallel_loop3A_355 : vector<1x16xf32> to vector<16xf32>
      %parallel_loop3A_357 = vector.shape_cast %parallel_loop3A_352 : vector<16xf32> to vector<1x16xf32>
      tpu.vector_store %arg10[%parallel_loop3A_353, %parallel_loop3A_354], %parallel_loop3A_357 {strides = array<i32>} : memref<128x256xf32, #tpu.memory_space<vmem>>, vector<1x16xf32>,
      %parallel_loop3A_358 = arith.constant 128 : i32
      %parallel_loop3A_359 = arith.addi %parallel_loop3A_277, %parallel_loop3A_358 : i32
      %parallel_loop3A_360 = arith.index_cast %parallel_loop3A_359 : i32 to index
      %parallel_loop3A_361 = tpu.vector_load %arg6[%parallel_loop3A_360] {strides = array<i32>} : memref<2560xf32, #tpu.memory_space<vmem>>, vector<16xf32>,
      %parallel_loop3A_362 = vector.shape_cast %parallel_loop3A_361 : vector<16xf32> to vector<16xf32>
      %parallel_loop3A_363 = arith.index_cast %parallel_loop3A_266 : i32 to index
      %parallel_loop3A_364 = arith.constant 128 : index
      %parallel_loop3A_365 = tpu.vector_load %arg10[%parallel_loop3A_363, %parallel_loop3A_364] {strides = array<i32>} : memref<128x256xf32, #tpu.memory_space<vmem>>, vector<1x16xf32>,
      %parallel_loop3A_366 = vector.shape_cast %parallel_loop3A_365 : vector<1x16xf32> to vector<16xf32>
      %parallel_loop3A_367 = vector.shape_cast %parallel_loop3A_362 : vector<16xf32> to vector<1x16xf32>
      tpu.vector_store %arg10[%parallel_loop3A_363, %parallel_loop3A_364], %parallel_loop3A_367 {strides = array<i32>} : memref<128x256xf32, #tpu.memory_space<vmem>>, vector<1x16xf32>,
      %parallel_loop3A_368 = arith.constant 144 : i32
      %parallel_loop3A_369 = arith.addi %parallel_loop3A_277, %parallel_loop3A_368 : i32
      %parallel_loop3A_370 = arith.index_cast %parallel_loop3A_369 : i32 to index
      %parallel_loop3A_371 = tpu.vector_load %arg6[%parallel_loop3A_370] {strides = array<i32>} : memref<2560xf32, #tpu.memory_space<vmem>>, vector<16xf32>,
      %parallel_loop3A_372 = vector.shape_cast %parallel_loop3A_371 : vector<16xf32> to vector<16xf32>
      %parallel_loop3A_373 = arith.index_cast %parallel_loop3A_266 : i32 to index
      %parallel_loop3A_374 = arith.constant 144 : index
      %parallel_loop3A_375 = tpu.vector_load %arg10[%parallel_loop3A_373, %parallel_loop3A_374] {strides = array<i32>} : memref<128x256xf32, #tpu.memory_space<vmem>>, vector<1x16xf32>,
      %parallel_loop3A_376 = vector.shape_cast %parallel_loop3A_375 : vector<1x16xf32> to vector<16xf32>
      %parallel_loop3A_377 = vector.shape_cast %parallel_loop3A_372 : vector<16xf32> to vector<1x16xf32>
      tpu.vector_store %arg10[%parallel_loop3A_373, %parallel_loop3A_374], %parallel_loop3A_377 {strides = array<i32>} : memref<128x256xf32, #tpu.memory_space<vmem>>, vector<1x16xf32>,
      %parallel_loop3A_378 = arith.constant 160 : i32
      %parallel_loop3A_379 = arith.addi %parallel_loop3A_277, %parallel_loop3A_378 : i32
      %parallel_loop3A_380 = arith.index_cast %parallel_loop3A_379 : i32 to index
      %parallel_loop3A_381 = tpu.vector_load %arg6[%parallel_loop3A_380] {strides = array<i32>} : memref<2560xf32, #tpu.memory_space<vmem>>, vector<16xf32>,
      %parallel_loop3A_382 = vector.shape_cast %parallel_loop3A_381 : vector<16xf32> to vector<16xf32>
      %parallel_loop3A_383 = arith.index_cast %parallel_loop3A_266 : i32 to index
      %parallel_loop3A_384 = arith.constant 160 : index
      %parallel_loop3A_385 = tpu.vector_load %arg10[%parallel_loop3A_383, %parallel_loop3A_384] {strides = array<i32>} : memref<128x256xf32, #tpu.memory_space<vmem>>, vector<1x16xf32>,
      %parallel_loop3A_386 = vector.shape_cast %parallel_loop3A_385 : vector<1x16xf32> to vector<16xf32>
      %parallel_loop3A_387 = vector.shape_cast %parallel_loop3A_382 : vector<16xf32> to vector<1x16xf32>
      tpu.vector_store %arg10[%parallel_loop3A_383, %parallel_loop3A_384], %parallel_loop3A_387 {strides = array<i32>} : memref<128x256xf32, #tpu.memory_space<vmem>>, vector<1x16xf32>,
      %parallel_loop3A_388 = arith.constant 176 : i32
      %parallel_loop3A_389 = arith.addi %parallel_loop3A_277, %parallel_loop3A_388 : i32
      %parallel_loop3A_390 = arith.index_cast %parallel_loop3A_389 : i32 to index
      %parallel_loop3A_391 = tpu.vector_load %arg6[%parallel_loop3A_390] {strides = array<i32>} : memref<2560xf32, #tpu.memory_space<vmem>>, vector<16xf32>,
      %parallel_loop3A_392 = vector.shape_cast %parallel_loop3A_391 : vector<16xf32> to vector<16xf32>
      %parallel_loop3A_393 = arith.index_cast %parallel_loop3A_266 : i32 to index
      %parallel_loop3A_394 = arith.constant 176 : index
      %parallel_loop3A_395 = tpu.vector_load %arg10[%parallel_loop3A_393, %parallel_loop3A_394] {strides = array<i32>} : memref<128x256xf32, #tpu.memory_space<vmem>>, vector<1x16xf32>,
      %parallel_loop3A_396 = vector.shape_cast %parallel_loop3A_395 : vector<1x16xf32> to vector<16xf32>
      %parallel_loop3A_397 = vector.shape_cast %parallel_loop3A_392 : vector<16xf32> to vector<1x16xf32>
      tpu.vector_store %arg10[%parallel_loop3A_393, %parallel_loop3A_394], %parallel_loop3A_397 {strides = array<i32>} : memref<128x256xf32, #tpu.memory_space<vmem>>, vector<1x16xf32>,
      %parallel_loop3A_398 = arith.constant 192 : i32
      %parallel_loop3A_399 = arith.addi %parallel_loop3A_277, %parallel_loop3A_398 : i32
      %parallel_loop3A_400 = arith.index_cast %parallel_loop3A_399 : i32 to index
      %parallel_loop3A_401 = tpu.vector_load %arg6[%parallel_loop3A_400] {strides = array<i32>} : memref<2560xf32, #tpu.memory_space<vmem>>, vector<16xf32>,
      %parallel_loop3A_402 = vector.shape_cast %parallel_loop3A_401 : vector<16xf32> to vector<16xf32>
      %parallel_loop3A_403 = arith.index_cast %parallel_loop3A_266 : i32 to index
      %parallel_loop3A_404 = arith.constant 192 : index
      %parallel_loop3A_405 = tpu.vector_load %arg10[%parallel_loop3A_403, %parallel_loop3A_404] {strides = array<i32>} : memref<128x256xf32, #tpu.memory_space<vmem>>, vector<1x16xf32>,
      %parallel_loop3A_406 = vector.shape_cast %parallel_loop3A_405 : vector<1x16xf32> to vector<16xf32>
      %parallel_loop3A_407 = vector.shape_cast %parallel_loop3A_402 : vector<16xf32> to vector<1x16xf32>
      tpu.vector_store %arg10[%parallel_loop3A_403, %parallel_loop3A_404], %parallel_loop3A_407 {strides = array<i32>} : memref<128x256xf32, #tpu.memory_space<vmem>>, vector<1x16xf32>,
      %parallel_loop3A_408 = arith.constant 208 : i32
      %parallel_loop3A_409 = arith.addi %parallel_loop3A_277, %parallel_loop3A_408 : i32
      %parallel_loop3A_410 = arith.index_cast %parallel_loop3A_409 : i32 to index
      %parallel_loop3A_411 = tpu.vector_load %arg6[%parallel_loop3A_410] {strides = array<i32>} : memref<2560xf32, #tpu.memory_space<vmem>>, vector<16xf32>,
      %parallel_loop3A_412 = vector.shape_cast %parallel_loop3A_411 : vector<16xf32> to vector<16xf32>
      %parallel_loop3A_413 = arith.index_cast %parallel_loop3A_266 : i32 to index
      %parallel_loop3A_414 = arith.constant 208 : index
      %parallel_loop3A_415 = tpu.vector_load %arg10[%parallel_loop3A_413, %parallel_loop3A_414] {strides = array<i32>} : memref<128x256xf32, #tpu.memory_space<vmem>>, vector<1x16xf32>,
      %parallel_loop3A_416 = vector.shape_cast %parallel_loop3A_415 : vector<1x16xf32> to vector<16xf32>
      %parallel_loop3A_417 = vector.shape_cast %parallel_loop3A_412 : vector<16xf32> to vector<1x16xf32>
      tpu.vector_store %arg10[%parallel_loop3A_413, %parallel_loop3A_414], %parallel_loop3A_417 {strides = array<i32>} : memref<128x256xf32, #tpu.memory_space<vmem>>, vector<1x16xf32>,
      %parallel_loop3A_418 = arith.constant 224 : i32
      %parallel_loop3A_419 = arith.addi %parallel_loop3A_277, %parallel_loop3A_418 : i32
      %parallel_loop3A_420 = arith.index_cast %parallel_loop3A_419 : i32 to index
      %parallel_loop3A_421 = tpu.vector_load %arg6[%parallel_loop3A_420] {strides = array<i32>} : memref<2560xf32, #tpu.memory_space<vmem>>, vector<16xf32>,
      %parallel_loop3A_422 = vector.shape_cast %parallel_loop3A_421 : vector<16xf32> to vector<16xf32>
      %parallel_loop3A_423 = arith.index_cast %parallel_loop3A_266 : i32 to index
      %parallel_loop3A_424 = arith.constant 224 : index
      %parallel_loop3A_425 = tpu.vector_load %arg10[%parallel_loop3A_423, %parallel_loop3A_424] {strides = array<i32>} : memref<128x256xf32, #tpu.memory_space<vmem>>, vector<1x16xf32>,
      %parallel_loop3A_426 = vector.shape_cast %parallel_loop3A_425 : vector<1x16xf32> to vector<16xf32>
      %parallel_loop3A_427 = vector.shape_cast %parallel_loop3A_422 : vector<16xf32> to vector<1x16xf32>
      tpu.vector_store %arg10[%parallel_loop3A_423, %parallel_loop3A_424], %parallel_loop3A_427 {strides = array<i32>} : memref<128x256xf32, #tpu.memory_space<vmem>>, vector<1x16xf32>,
      %parallel_loop3A_428 = arith.constant 240 : i32
      %parallel_loop3A_429 = arith.addi %parallel_loop3A_277, %parallel_loop3A_428 : i32
      %parallel_loop3A_430 = arith.index_cast %parallel_loop3A_429 : i32 to index
      %parallel_loop3A_431 = tpu.vector_load %arg6[%parallel_loop3A_430] {strides = array<i32>} : memref<2560xf32, #tpu.memory_space<vmem>>, vector<16xf32>,
      %parallel_loop3A_432 = vector.shape_cast %parallel_loop3A_431 : vector<16xf32> to vector<16xf32>
      %parallel_loop3A_433 = arith.index_cast %parallel_loop3A_266 : i32 to index
      %parallel_loop3A_434 = arith.constant 240 : index
      %parallel_loop3A_435 = tpu.vector_load %arg10[%parallel_loop3A_433, %parallel_loop3A_434] {strides = array<i32>} : memref<128x256xf32, #tpu.memory_space<vmem>>, vector<1x16xf32>,
      %parallel_loop3A_436 = vector.shape_cast %parallel_loop3A_435 : vector<1x16xf32> to vector<16xf32>
      %parallel_loop3A_437 = vector.shape_cast %parallel_loop3A_432 : vector<16xf32> to vector<1x16xf32>
      tpu.vector_store %arg10[%parallel_loop3A_433, %parallel_loop3A_434], %parallel_loop3A_437 {strides = array<i32>} : memref<128x256xf32, #tpu.memory_space<vmem>>, vector<1x16xf32>,
    } {sc.loop_unroll_factor = 4 : i64, sc.parallel_access}
    %add3A_120 = arith.constant 256 : i32
    %add3A_121 = arith.addi %mul3A_2, %add3A_120 : i32
    %dma_start3A_122 = arith.constant 1 : i32
    %dma_start3A_123 = arith.constant 0 : i32
    %dma_start3A_124 = tpu.memref_slice %arg5[%dma_start3A_122, %add3A_121, %dma_start3A_123] : memref<3x16384x256xf32, #tpu.memory_space<hbm>> -> memref<1x128x256xf32, #tpu.memory_space<hbm>>
    %dma_start3A_125 = tpu.memref_squeeze %dma_start3A_124 : memref<1x128x256xf32, #tpu.memory_space<hbm>> -> memref<128x256xf32, #tpu.memory_space<hbm>>
    %dma_start3A_126 = arith.constant 0 : i32
    %dma_start3A_127 = tpu.memref_slice %arg5[%dma_start3A_122, %add3A_121, %dma_start3A_126] : memref<3x16384x256xf32, #tpu.memory_space<hbm>> -> memref<1x128x256xf32, #tpu.memory_space<hbm>>
    %dma_start3A_128 = tpu.memref_squeeze %dma_start3A_127 : memref<1x128x256xf32, #tpu.memory_space<hbm>> -> memref<128x256xf32, #tpu.memory_space<hbm>>
    tpu.enqueue_dma source(%arg10 : memref<128x256xf32, #tpu.memory_space<vmem>>) target(%dma_start3A_128 : memref<128x256xf32, #tpu.memory_space<hbm>>) target_semaphore(%arg13 : memref<!tpu.dma_semaphore, #tpu.memory_space<semaphore_mem>>)
    %dma_wait3A_129 = arith.constant 1 : i32
    %dma_wait3A_130 = arith.constant 0 : i32
    %dma_wait3A_131 = tpu.memref_slice %arg5[%dma_wait3A_129, %add3A_103, %dma_wait3A_130] : memref<3x16384x256xf32, #tpu.memory_space<hbm>> -> memref<1x128x256xf32, #tpu.memory_space<hbm>>
    %dma_wait3A_132 = tpu.memref_squeeze %dma_wait3A_131 : memref<1x128x256xf32, #tpu.memory_space<hbm>> -> memref<128x256xf32, #tpu.memory_space<hbm>>
    %dma_wait3A_133 = arith.constant 0 : i32
    %dma_wait3A_134 = tpu.memref_slice %arg5[%dma_wait3A_129, %add3A_103, %dma_wait3A_133] : memref<3x16384x256xf32, #tpu.memory_space<hbm>> -> memref<1x128x256xf32, #tpu.memory_space<hbm>>
    %dma_wait3A_135 = tpu.memref_squeeze %dma_wait3A_134 : memref<1x128x256xf32, #tpu.memory_space<hbm>> -> memref<128x256xf32, #tpu.memory_space<hbm>>
    tpu.wait_dma2 semaphore(%arg13 : memref<!tpu.dma_semaphore, #tpu.memory_space<semaphore_mem>>) src(%arg11 : memref<128x256xf32, #tpu.memory_space<vmem>>) dst(%dma_wait3A_135 : memref<128x256xf32, #tpu.memory_space<hbm>>)
    %parallel_loop3A_136 = arith.constant 0 : i32
    %parallel_loop3A_137 = arith.constant 128 : i32
    %parallel_loop3A_138 = arith.constant 1 : i32
    scf.for %parallel_loop3A_266 = %parallel_loop3A_136 to %parallel_loop3A_137 step %parallel_loop3A_138  : i32 {
      %parallel_loop3A_267 = arith.constant 384 : i32
      %parallel_loop3A_268 = arith.addi %parallel_loop3A_267, %parallel_loop3A_266 : i32
      %parallel_loop3A_269 = arith.index_cast %parallel_loop3A_268 : i32 to index
      %parallel_loop3A_270 = tpu.vector_load %arg7[%parallel_loop3A_269] {strides = array<i32>} : memref<528xi32, #tpu.memory_space<vmem>>, vector<16xi32>,
      %parallel_loop3A_271 = vector.shape_cast %parallel_loop3A_270 : vector<16xi32> to vector<16xi32>
      %parallel_loop3A_272 = vector.extract_strided_slice %parallel_loop3A_271 {offsets = [0], sizes = [1], strides = [1]} : vector<16xi32> to vector<1xi32>
      %parallel_loop3A_273 = vector.extract %parallel_loop3A_272[0] : i32 from vector<1xi32>
      %parallel_loop3A_274 = arith.constant 1 : i32
      %parallel_loop3A_275 = arith.addi %parallel_loop3A_274, %parallel_loop3A_273 : i32
      %parallel_loop3A_276 = arith.constant 256 : i32
      %parallel_loop3A_277 = arith.muli %parallel_loop3A_275, %parallel_loop3A_276 : i32
      %parallel_loop3A_278 = arith.constant 0 : i32
      %parallel_loop3A_279 = arith.addi %parallel_loop3A_277, %parallel_loop3A_278 : i32
      %parallel_loop3A_280 = arith.index_cast %parallel_loop3A_279 : i32 to index
      %parallel_loop3A_281 = tpu.vector_load %arg6[%parallel_loop3A_280] {strides = array<i32>} : memref<2560xf32, #tpu.memory_space<vmem>>, vector<16xf32>,
      %parallel_loop3A_282 = vector.shape_cast %parallel_loop3A_281 : vector<16xf32> to vector<16xf32>
      %parallel_loop3A_283 = arith.index_cast %parallel_loop3A_266 : i32 to index
      %parallel_loop3A_284 = arith.constant 0 : index
      %parallel_loop3A_285 = tpu.vector_load %arg11[%parallel_loop3A_283, %parallel_loop3A_284] {strides = array<i32>} : memref<128x256xf32, #tpu.memory_space<vmem>>, vector<1x16xf32>,
      %parallel_loop3A_286 = vector.shape_cast %parallel_loop3A_285 : vector<1x16xf32> to vector<16xf32>
      %parallel_loop3A_287 = vector.shape_cast %parallel_loop3A_282 : vector<16xf32> to vector<1x16xf32>
      tpu.vector_store %arg11[%parallel_loop3A_283, %parallel_loop3A_284], %parallel_loop3A_287 {strides = array<i32>} : memref<128x256xf32, #tpu.memory_space<vmem>>, vector<1x16xf32>,
      %parallel_loop3A_288 = arith.constant 16 : i32
      %parallel_loop3A_289 = arith.addi %parallel_loop3A_277, %parallel_loop3A_288 : i32
      %parallel_loop3A_290 = arith.index_cast %parallel_loop3A_289 : i32 to index
      %parallel_loop3A_291 = tpu.vector_load %arg6[%parallel_loop3A_290] {strides = array<i32>} : memref<2560xf32, #tpu.memory_space<vmem>>, vector<16xf32>,
      %parallel_loop3A_292 = vector.shape_cast %parallel_loop3A_291 : vector<16xf32> to vector<16xf32>
      %parallel_loop3A_293 = arith.index_cast %parallel_loop3A_266 : i32 to index
      %parallel_loop3A_294 = arith.constant 16 : index
      %parallel_loop3A_295 = tpu.vector_load %arg11[%parallel_loop3A_293, %parallel_loop3A_294] {strides = array<i32>} : memref<128x256xf32, #tpu.memory_space<vmem>>, vector<1x16xf32>,
      %parallel_loop3A_296 = vector.shape_cast %parallel_loop3A_295 : vector<1x16xf32> to vector<16xf32>
      %parallel_loop3A_297 = vector.shape_cast %parallel_loop3A_292 : vector<16xf32> to vector<1x16xf32>
      tpu.vector_store %arg11[%parallel_loop3A_293, %parallel_loop3A_294], %parallel_loop3A_297 {strides = array<i32>} : memref<128x256xf32, #tpu.memory_space<vmem>>, vector<1x16xf32>,
      %parallel_loop3A_298 = arith.constant 32 : i32
      %parallel_loop3A_299 = arith.addi %parallel_loop3A_277, %parallel_loop3A_298 : i32
      %parallel_loop3A_300 = arith.index_cast %parallel_loop3A_299 : i32 to index
      %parallel_loop3A_301 = tpu.vector_load %arg6[%parallel_loop3A_300] {strides = array<i32>} : memref<2560xf32, #tpu.memory_space<vmem>>, vector<16xf32>,
      %parallel_loop3A_302 = vector.shape_cast %parallel_loop3A_301 : vector<16xf32> to vector<16xf32>
      %parallel_loop3A_303 = arith.index_cast %parallel_loop3A_266 : i32 to index
      %parallel_loop3A_304 = arith.constant 32 : index
      %parallel_loop3A_305 = tpu.vector_load %arg11[%parallel_loop3A_303, %parallel_loop3A_304] {strides = array<i32>} : memref<128x256xf32, #tpu.memory_space<vmem>>, vector<1x16xf32>,
      %parallel_loop3A_306 = vector.shape_cast %parallel_loop3A_305 : vector<1x16xf32> to vector<16xf32>
      %parallel_loop3A_307 = vector.shape_cast %parallel_loop3A_302 : vector<16xf32> to vector<1x16xf32>
      tpu.vector_store %arg11[%parallel_loop3A_303, %parallel_loop3A_304], %parallel_loop3A_307 {strides = array<i32>} : memref<128x256xf32, #tpu.memory_space<vmem>>, vector<1x16xf32>,
      %parallel_loop3A_308 = arith.constant 48 : i32
      %parallel_loop3A_309 = arith.addi %parallel_loop3A_277, %parallel_loop3A_308 : i32
      %parallel_loop3A_310 = arith.index_cast %parallel_loop3A_309 : i32 to index
      %parallel_loop3A_311 = tpu.vector_load %arg6[%parallel_loop3A_310] {strides = array<i32>} : memref<2560xf32, #tpu.memory_space<vmem>>, vector<16xf32>,
      %parallel_loop3A_312 = vector.shape_cast %parallel_loop3A_311 : vector<16xf32> to vector<16xf32>
      %parallel_loop3A_313 = arith.index_cast %parallel_loop3A_266 : i32 to index
      %parallel_loop3A_314 = arith.constant 48 : index
      %parallel_loop3A_315 = tpu.vector_load %arg11[%parallel_loop3A_313, %parallel_loop3A_314] {strides = array<i32>} : memref<128x256xf32, #tpu.memory_space<vmem>>, vector<1x16xf32>,
      %parallel_loop3A_316 = vector.shape_cast %parallel_loop3A_315 : vector<1x16xf32> to vector<16xf32>
      %parallel_loop3A_317 = vector.shape_cast %parallel_loop3A_312 : vector<16xf32> to vector<1x16xf32>
      tpu.vector_store %arg11[%parallel_loop3A_313, %parallel_loop3A_314], %parallel_loop3A_317 {strides = array<i32>} : memref<128x256xf32, #tpu.memory_space<vmem>>, vector<1x16xf32>,
      %parallel_loop3A_318 = arith.constant 64 : i32
      %parallel_loop3A_319 = arith.addi %parallel_loop3A_277, %parallel_loop3A_318 : i32
      %parallel_loop3A_320 = arith.index_cast %parallel_loop3A_319 : i32 to index
      %parallel_loop3A_321 = tpu.vector_load %arg6[%parallel_loop3A_320] {strides = array<i32>} : memref<2560xf32, #tpu.memory_space<vmem>>, vector<16xf32>,
      %parallel_loop3A_322 = vector.shape_cast %parallel_loop3A_321 : vector<16xf32> to vector<16xf32>
      %parallel_loop3A_323 = arith.index_cast %parallel_loop3A_266 : i32 to index
      %parallel_loop3A_324 = arith.constant 64 : index
      %parallel_loop3A_325 = tpu.vector_load %arg11[%parallel_loop3A_323, %parallel_loop3A_324] {strides = array<i32>} : memref<128x256xf32, #tpu.memory_space<vmem>>, vector<1x16xf32>,
      %parallel_loop3A_326 = vector.shape_cast %parallel_loop3A_325 : vector<1x16xf32> to vector<16xf32>
      %parallel_loop3A_327 = vector.shape_cast %parallel_loop3A_322 : vector<16xf32> to vector<1x16xf32>
      tpu.vector_store %arg11[%parallel_loop3A_323, %parallel_loop3A_324], %parallel_loop3A_327 {strides = array<i32>} : memref<128x256xf32, #tpu.memory_space<vmem>>, vector<1x16xf32>,
      %parallel_loop3A_328 = arith.constant 80 : i32
      %parallel_loop3A_329 = arith.addi %parallel_loop3A_277, %parallel_loop3A_328 : i32
      %parallel_loop3A_330 = arith.index_cast %parallel_loop3A_329 : i32 to index
      %parallel_loop3A_331 = tpu.vector_load %arg6[%parallel_loop3A_330] {strides = array<i32>} : memref<2560xf32, #tpu.memory_space<vmem>>, vector<16xf32>,
      %parallel_loop3A_332 = vector.shape_cast %parallel_loop3A_331 : vector<16xf32> to vector<16xf32>
      %parallel_loop3A_333 = arith.index_cast %parallel_loop3A_266 : i32 to index
      %parallel_loop3A_334 = arith.constant 80 : index
      %parallel_loop3A_335 = tpu.vector_load %arg11[%parallel_loop3A_333, %parallel_loop3A_334] {strides = array<i32>} : memref<128x256xf32, #tpu.memory_space<vmem>>, vector<1x16xf32>,
      %parallel_loop3A_336 = vector.shape_cast %parallel_loop3A_335 : vector<1x16xf32> to vector<16xf32>
      %parallel_loop3A_337 = vector.shape_cast %parallel_loop3A_332 : vector<16xf32> to vector<1x16xf32>
      tpu.vector_store %arg11[%parallel_loop3A_333, %parallel_loop3A_334], %parallel_loop3A_337 {strides = array<i32>} : memref<128x256xf32, #tpu.memory_space<vmem>>, vector<1x16xf32>,
      %parallel_loop3A_338 = arith.constant 96 : i32
      %parallel_loop3A_339 = arith.addi %parallel_loop3A_277, %parallel_loop3A_338 : i32
      %parallel_loop3A_340 = arith.index_cast %parallel_loop3A_339 : i32 to index
      %parallel_loop3A_341 = tpu.vector_load %arg6[%parallel_loop3A_340] {strides = array<i32>} : memref<2560xf32, #tpu.memory_space<vmem>>, vector<16xf32>,
      %parallel_loop3A_342 = vector.shape_cast %parallel_loop3A_341 : vector<16xf32> to vector<16xf32>
      %parallel_loop3A_343 = arith.index_cast %parallel_loop3A_266 : i32 to index
      %parallel_loop3A_344 = arith.constant 96 : index
      %parallel_loop3A_345 = tpu.vector_load %arg11[%parallel_loop3A_343, %parallel_loop3A_344] {strides = array<i32>} : memref<128x256xf32, #tpu.memory_space<vmem>>, vector<1x16xf32>,
      %parallel_loop3A_346 = vector.shape_cast %parallel_loop3A_345 : vector<1x16xf32> to vector<16xf32>
      %parallel_loop3A_347 = vector.shape_cast %parallel_loop3A_342 : vector<16xf32> to vector<1x16xf32>
      tpu.vector_store %arg11[%parallel_loop3A_343, %parallel_loop3A_344], %parallel_loop3A_347 {strides = array<i32>} : memref<128x256xf32, #tpu.memory_space<vmem>>, vector<1x16xf32>,
      %parallel_loop3A_348 = arith.constant 112 : i32
      %parallel_loop3A_349 = arith.addi %parallel_loop3A_277, %parallel_loop3A_348 : i32
      %parallel_loop3A_350 = arith.index_cast %parallel_loop3A_349 : i32 to index
      %parallel_loop3A_351 = tpu.vector_load %arg6[%parallel_loop3A_350] {strides = array<i32>} : memref<2560xf32, #tpu.memory_space<vmem>>, vector<16xf32>,
      %parallel_loop3A_352 = vector.shape_cast %parallel_loop3A_351 : vector<16xf32> to vector<16xf32>
      %parallel_loop3A_353 = arith.index_cast %parallel_loop3A_266 : i32 to index
      %parallel_loop3A_354 = arith.constant 112 : index
      %parallel_loop3A_355 = tpu.vector_load %arg11[%parallel_loop3A_353, %parallel_loop3A_354] {strides = array<i32>} : memref<128x256xf32, #tpu.memory_space<vmem>>, vector<1x16xf32>,
      %parallel_loop3A_356 = vector.shape_cast %parallel_loop3A_355 : vector<1x16xf32> to vector<16xf32>
      %parallel_loop3A_357 = vector.shape_cast %parallel_loop3A_352 : vector<16xf32> to vector<1x16xf32>
      tpu.vector_store %arg11[%parallel_loop3A_353, %parallel_loop3A_354], %parallel_loop3A_357 {strides = array<i32>} : memref<128x256xf32, #tpu.memory_space<vmem>>, vector<1x16xf32>,
      %parallel_loop3A_358 = arith.constant 128 : i32
      %parallel_loop3A_359 = arith.addi %parallel_loop3A_277, %parallel_loop3A_358 : i32
      %parallel_loop3A_360 = arith.index_cast %parallel_loop3A_359 : i32 to index
      %parallel_loop3A_361 = tpu.vector_load %arg6[%parallel_loop3A_360] {strides = array<i32>} : memref<2560xf32, #tpu.memory_space<vmem>>, vector<16xf32>,
      %parallel_loop3A_362 = vector.shape_cast %parallel_loop3A_361 : vector<16xf32> to vector<16xf32>
      %parallel_loop3A_363 = arith.index_cast %parallel_loop3A_266 : i32 to index
      %parallel_loop3A_364 = arith.constant 128 : index
      %parallel_loop3A_365 = tpu.vector_load %arg11[%parallel_loop3A_363, %parallel_loop3A_364] {strides = array<i32>} : memref<128x256xf32, #tpu.memory_space<vmem>>, vector<1x16xf32>,
      %parallel_loop3A_366 = vector.shape_cast %parallel_loop3A_365 : vector<1x16xf32> to vector<16xf32>
      %parallel_loop3A_367 = vector.shape_cast %parallel_loop3A_362 : vector<16xf32> to vector<1x16xf32>
      tpu.vector_store %arg11[%parallel_loop3A_363, %parallel_loop3A_364], %parallel_loop3A_367 {strides = array<i32>} : memref<128x256xf32, #tpu.memory_space<vmem>>, vector<1x16xf32>,
      %parallel_loop3A_368 = arith.constant 144 : i32
      %parallel_loop3A_369 = arith.addi %parallel_loop3A_277, %parallel_loop3A_368 : i32
      %parallel_loop3A_370 = arith.index_cast %parallel_loop3A_369 : i32 to index
      %parallel_loop3A_371 = tpu.vector_load %arg6[%parallel_loop3A_370] {strides = array<i32>} : memref<2560xf32, #tpu.memory_space<vmem>>, vector<16xf32>,
      %parallel_loop3A_372 = vector.shape_cast %parallel_loop3A_371 : vector<16xf32> to vector<16xf32>
      %parallel_loop3A_373 = arith.index_cast %parallel_loop3A_266 : i32 to index
      %parallel_loop3A_374 = arith.constant 144 : index
      %parallel_loop3A_375 = tpu.vector_load %arg11[%parallel_loop3A_373, %parallel_loop3A_374] {strides = array<i32>} : memref<128x256xf32, #tpu.memory_space<vmem>>, vector<1x16xf32>,
      %parallel_loop3A_376 = vector.shape_cast %parallel_loop3A_375 : vector<1x16xf32> to vector<16xf32>
      %parallel_loop3A_377 = vector.shape_cast %parallel_loop3A_372 : vector<16xf32> to vector<1x16xf32>
      tpu.vector_store %arg11[%parallel_loop3A_373, %parallel_loop3A_374], %parallel_loop3A_377 {strides = array<i32>} : memref<128x256xf32, #tpu.memory_space<vmem>>, vector<1x16xf32>,
      %parallel_loop3A_378 = arith.constant 160 : i32
      %parallel_loop3A_379 = arith.addi %parallel_loop3A_277, %parallel_loop3A_378 : i32
      %parallel_loop3A_380 = arith.index_cast %parallel_loop3A_379 : i32 to index
      %parallel_loop3A_381 = tpu.vector_load %arg6[%parallel_loop3A_380] {strides = array<i32>} : memref<2560xf32, #tpu.memory_space<vmem>>, vector<16xf32>,
      %parallel_loop3A_382 = vector.shape_cast %parallel_loop3A_381 : vector<16xf32> to vector<16xf32>
      %parallel_loop3A_383 = arith.index_cast %parallel_loop3A_266 : i32 to index
      %parallel_loop3A_384 = arith.constant 160 : index
      %parallel_loop3A_385 = tpu.vector_load %arg11[%parallel_loop3A_383, %parallel_loop3A_384] {strides = array<i32>} : memref<128x256xf32, #tpu.memory_space<vmem>>, vector<1x16xf32>,
      %parallel_loop3A_386 = vector.shape_cast %parallel_loop3A_385 : vector<1x16xf32> to vector<16xf32>
      %parallel_loop3A_387 = vector.shape_cast %parallel_loop3A_382 : vector<16xf32> to vector<1x16xf32>
      tpu.vector_store %arg11[%parallel_loop3A_383, %parallel_loop3A_384], %parallel_loop3A_387 {strides = array<i32>} : memref<128x256xf32, #tpu.memory_space<vmem>>, vector<1x16xf32>,
      %parallel_loop3A_388 = arith.constant 176 : i32
      %parallel_loop3A_389 = arith.addi %parallel_loop3A_277, %parallel_loop3A_388 : i32
      %parallel_loop3A_390 = arith.index_cast %parallel_loop3A_389 : i32 to index
      %parallel_loop3A_391 = tpu.vector_load %arg6[%parallel_loop3A_390] {strides = array<i32>} : memref<2560xf32, #tpu.memory_space<vmem>>, vector<16xf32>,
      %parallel_loop3A_392 = vector.shape_cast %parallel_loop3A_391 : vector<16xf32> to vector<16xf32>
      %parallel_loop3A_393 = arith.index_cast %parallel_loop3A_266 : i32 to index
      %parallel_loop3A_394 = arith.constant 176 : index
      %parallel_loop3A_395 = tpu.vector_load %arg11[%parallel_loop3A_393, %parallel_loop3A_394] {strides = array<i32>} : memref<128x256xf32, #tpu.memory_space<vmem>>, vector<1x16xf32>,
      %parallel_loop3A_396 = vector.shape_cast %parallel_loop3A_395 : vector<1x16xf32> to vector<16xf32>
      %parallel_loop3A_397 = vector.shape_cast %parallel_loop3A_392 : vector<16xf32> to vector<1x16xf32>
      tpu.vector_store %arg11[%parallel_loop3A_393, %parallel_loop3A_394], %parallel_loop3A_397 {strides = array<i32>} : memref<128x256xf32, #tpu.memory_space<vmem>>, vector<1x16xf32>,
      %parallel_loop3A_398 = arith.constant 192 : i32
      %parallel_loop3A_399 = arith.addi %parallel_loop3A_277, %parallel_loop3A_398 : i32
      %parallel_loop3A_400 = arith.index_cast %parallel_loop3A_399 : i32 to index
      %parallel_loop3A_401 = tpu.vector_load %arg6[%parallel_loop3A_400] {strides = array<i32>} : memref<2560xf32, #tpu.memory_space<vmem>>, vector<16xf32>,
      %parallel_loop3A_402 = vector.shape_cast %parallel_loop3A_401 : vector<16xf32> to vector<16xf32>
      %parallel_loop3A_403 = arith.index_cast %parallel_loop3A_266 : i32 to index
      %parallel_loop3A_404 = arith.constant 192 : index
      %parallel_loop3A_405 = tpu.vector_load %arg11[%parallel_loop3A_403, %parallel_loop3A_404] {strides = array<i32>} : memref<128x256xf32, #tpu.memory_space<vmem>>, vector<1x16xf32>,
      %parallel_loop3A_406 = vector.shape_cast %parallel_loop3A_405 : vector<1x16xf32> to vector<16xf32>
      %parallel_loop3A_407 = vector.shape_cast %parallel_loop3A_402 : vector<16xf32> to vector<1x16xf32>
      tpu.vector_store %arg11[%parallel_loop3A_403, %parallel_loop3A_404], %parallel_loop3A_407 {strides = array<i32>} : memref<128x256xf32, #tpu.memory_space<vmem>>, vector<1x16xf32>,
      %parallel_loop3A_408 = arith.constant 208 : i32
      %parallel_loop3A_409 = arith.addi %parallel_loop3A_277, %parallel_loop3A_408 : i32
      %parallel_loop3A_410 = arith.index_cast %parallel_loop3A_409 : i32 to index
      %parallel_loop3A_411 = tpu.vector_load %arg6[%parallel_loop3A_410] {strides = array<i32>} : memref<2560xf32, #tpu.memory_space<vmem>>, vector<16xf32>,
      %parallel_loop3A_412 = vector.shape_cast %parallel_loop3A_411 : vector<16xf32> to vector<16xf32>
      %parallel_loop3A_413 = arith.index_cast %parallel_loop3A_266 : i32 to index
      %parallel_loop3A_414 = arith.constant 208 : index
      %parallel_loop3A_415 = tpu.vector_load %arg11[%parallel_loop3A_413, %parallel_loop3A_414] {strides = array<i32>} : memref<128x256xf32, #tpu.memory_space<vmem>>, vector<1x16xf32>,
      %parallel_loop3A_416 = vector.shape_cast %parallel_loop3A_415 : vector<1x16xf32> to vector<16xf32>
      %parallel_loop3A_417 = vector.shape_cast %parallel_loop3A_412 : vector<16xf32> to vector<1x16xf32>
      tpu.vector_store %arg11[%parallel_loop3A_413, %parallel_loop3A_414], %parallel_loop3A_417 {strides = array<i32>} : memref<128x256xf32, #tpu.memory_space<vmem>>, vector<1x16xf32>,
      %parallel_loop3A_418 = arith.constant 224 : i32
      %parallel_loop3A_419 = arith.addi %parallel_loop3A_277, %parallel_loop3A_418 : i32
      %parallel_loop3A_420 = arith.index_cast %parallel_loop3A_419 : i32 to index
      %parallel_loop3A_421 = tpu.vector_load %arg6[%parallel_loop3A_420] {strides = array<i32>} : memref<2560xf32, #tpu.memory_space<vmem>>, vector<16xf32>,
      %parallel_loop3A_422 = vector.shape_cast %parallel_loop3A_421 : vector<16xf32> to vector<16xf32>
      %parallel_loop3A_423 = arith.index_cast %parallel_loop3A_266 : i32 to index
      %parallel_loop3A_424 = arith.constant 224 : index
      %parallel_loop3A_425 = tpu.vector_load %arg11[%parallel_loop3A_423, %parallel_loop3A_424] {strides = array<i32>} : memref<128x256xf32, #tpu.memory_space<vmem>>, vector<1x16xf32>,
      %parallel_loop3A_426 = vector.shape_cast %parallel_loop3A_425 : vector<1x16xf32> to vector<16xf32>
      %parallel_loop3A_427 = vector.shape_cast %parallel_loop3A_422 : vector<16xf32> to vector<1x16xf32>
      tpu.vector_store %arg11[%parallel_loop3A_423, %parallel_loop3A_424], %parallel_loop3A_427 {strides = array<i32>} : memref<128x256xf32, #tpu.memory_space<vmem>>, vector<1x16xf32>,
      %parallel_loop3A_428 = arith.constant 240 : i32
      %parallel_loop3A_429 = arith.addi %parallel_loop3A_277, %parallel_loop3A_428 : i32
      %parallel_loop3A_430 = arith.index_cast %parallel_loop3A_429 : i32 to index
      %parallel_loop3A_431 = tpu.vector_load %arg6[%parallel_loop3A_430] {strides = array<i32>} : memref<2560xf32, #tpu.memory_space<vmem>>, vector<16xf32>,
      %parallel_loop3A_432 = vector.shape_cast %parallel_loop3A_431 : vector<16xf32> to vector<16xf32>
      %parallel_loop3A_433 = arith.index_cast %parallel_loop3A_266 : i32 to index
      %parallel_loop3A_434 = arith.constant 240 : index
      %parallel_loop3A_435 = tpu.vector_load %arg11[%parallel_loop3A_433, %parallel_loop3A_434] {strides = array<i32>} : memref<128x256xf32, #tpu.memory_space<vmem>>, vector<1x16xf32>,
      %parallel_loop3A_436 = vector.shape_cast %parallel_loop3A_435 : vector<1x16xf32> to vector<16xf32>
      %parallel_loop3A_437 = vector.shape_cast %parallel_loop3A_432 : vector<16xf32> to vector<1x16xf32>
      tpu.vector_store %arg11[%parallel_loop3A_433, %parallel_loop3A_434], %parallel_loop3A_437 {strides = array<i32>} : memref<128x256xf32, #tpu.memory_space<vmem>>, vector<1x16xf32>,
    } {sc.loop_unroll_factor = 4 : i64, sc.parallel_access}
    %add3A_139 = arith.constant 384 : i32
    %add3A_140 = arith.addi %mul3A_2, %add3A_139 : i32
    %dma_start3A_141 = arith.constant 1 : i32
    %dma_start3A_142 = arith.constant 0 : i32
    %dma_start3A_143 = tpu.memref_slice %arg5[%dma_start3A_141, %add3A_140, %dma_start3A_142] : memref<3x16384x256xf32, #tpu.memory_space<hbm>> -> memref<1x128x256xf32, #tpu.memory_space<hbm>>
    %dma_start3A_144 = tpu.memref_squeeze %dma_start3A_143 : memref<1x128x256xf32, #tpu.memory_space<hbm>> -> memref<128x256xf32, #tpu.memory_space<hbm>>
    %dma_start3A_145 = arith.constant 0 : i32
    %dma_start3A_146 = tpu.memref_slice %arg5[%dma_start3A_141, %add3A_140, %dma_start3A_145] : memref<3x16384x256xf32, #tpu.memory_space<hbm>> -> memref<1x128x256xf32, #tpu.memory_space<hbm>>
    %dma_start3A_147 = tpu.memref_squeeze %dma_start3A_146 : memref<1x128x256xf32, #tpu.memory_space<hbm>> -> memref<128x256xf32, #tpu.memory_space<hbm>>
    tpu.enqueue_dma source(%arg11 : memref<128x256xf32, #tpu.memory_space<vmem>>) target(%dma_start3A_147 : memref<128x256xf32, #tpu.memory_space<hbm>>) target_semaphore(%arg13 : memref<!tpu.dma_semaphore, #tpu.memory_space<semaphore_mem>>)
    %dma_wait3A_148 = arith.constant 1 : i32
    %dma_wait3A_149 = arith.constant 0 : i32
    %dma_wait3A_150 = tpu.memref_slice %arg5[%dma_wait3A_148, %add3A_121, %dma_wait3A_149] : memref<3x16384x256xf32, #tpu.memory_space<hbm>> -> memref<1x128x256xf32, #tpu.memory_space<hbm>>
    %dma_wait3A_151 = tpu.memref_squeeze %dma_wait3A_150 : memref<1x128x256xf32, #tpu.memory_space<hbm>> -> memref<128x256xf32, #tpu.memory_space<hbm>>
    %dma_wait3A_152 = arith.constant 0 : i32
    %dma_wait3A_153 = tpu.memref_slice %arg5[%dma_wait3A_148, %add3A_121, %dma_wait3A_152] : memref<3x16384x256xf32, #tpu.memory_space<hbm>> -> memref<1x128x256xf32, #tpu.memory_space<hbm>>
    %dma_wait3A_154 = tpu.memref_squeeze %dma_wait3A_153 : memref<1x128x256xf32, #tpu.memory_space<hbm>> -> memref<128x256xf32, #tpu.memory_space<hbm>>
    tpu.wait_dma2 semaphore(%arg13 : memref<!tpu.dma_semaphore, #tpu.memory_space<semaphore_mem>>) src(%arg10 : memref<128x256xf32, #tpu.memory_space<vmem>>) dst(%dma_wait3A_154 : memref<128x256xf32, #tpu.memory_space<hbm>>)
    %parallel_loop3A_155 = arith.constant 0 : i32
    %parallel_loop3A_156 = arith.constant 128 : i32
    %parallel_loop3A_157 = arith.constant 1 : i32
    scf.for %parallel_loop3A_266 = %parallel_loop3A_155 to %parallel_loop3A_156 step %parallel_loop3A_157  : i32 {
      %parallel_loop3A_267 = arith.constant 0 : i32
      %parallel_loop3A_268 = arith.addi %parallel_loop3A_267, %parallel_loop3A_266 : i32
      %parallel_loop3A_269 = arith.index_cast %parallel_loop3A_268 : i32 to index
      %parallel_loop3A_270 = tpu.vector_load %arg8[%parallel_loop3A_269] {strides = array<i32>} : memref<528xi32, #tpu.memory_space<vmem>>, vector<16xi32>,
      %parallel_loop3A_271 = vector.shape_cast %parallel_loop3A_270 : vector<16xi32> to vector<16xi32>
      %parallel_loop3A_272 = vector.extract_strided_slice %parallel_loop3A_271 {offsets = [0], sizes = [1], strides = [1]} : vector<16xi32> to vector<1xi32>
      %parallel_loop3A_273 = vector.extract %parallel_loop3A_272[0] : i32 from vector<1xi32>
      %parallel_loop3A_274 = arith.constant 3 : i32
      %parallel_loop3A_275 = arith.addi %parallel_loop3A_274, %parallel_loop3A_273 : i32
      %parallel_loop3A_276 = arith.constant 256 : i32
      %parallel_loop3A_277 = arith.muli %parallel_loop3A_275, %parallel_loop3A_276 : i32
      %parallel_loop3A_278 = arith.constant 0 : i32
      %parallel_loop3A_279 = arith.addi %parallel_loop3A_277, %parallel_loop3A_278 : i32
      %parallel_loop3A_280 = arith.index_cast %parallel_loop3A_279 : i32 to index
      %parallel_loop3A_281 = tpu.vector_load %arg6[%parallel_loop3A_280] {strides = array<i32>} : memref<2560xf32, #tpu.memory_space<vmem>>, vector<16xf32>,
      %parallel_loop3A_282 = vector.shape_cast %parallel_loop3A_281 : vector<16xf32> to vector<16xf32>
      %parallel_loop3A_283 = arith.index_cast %parallel_loop3A_266 : i32 to index
      %parallel_loop3A_284 = arith.constant 0 : index
      %parallel_loop3A_285 = tpu.vector_load %arg10[%parallel_loop3A_283, %parallel_loop3A_284] {strides = array<i32>} : memref<128x256xf32, #tpu.memory_space<vmem>>, vector<1x16xf32>,
      %parallel_loop3A_286 = vector.shape_cast %parallel_loop3A_285 : vector<1x16xf32> to vector<16xf32>
      %parallel_loop3A_287 = vector.shape_cast %parallel_loop3A_282 : vector<16xf32> to vector<1x16xf32>
      tpu.vector_store %arg10[%parallel_loop3A_283, %parallel_loop3A_284], %parallel_loop3A_287 {strides = array<i32>} : memref<128x256xf32, #tpu.memory_space<vmem>>, vector<1x16xf32>,
      %parallel_loop3A_288 = arith.constant 16 : i32
      %parallel_loop3A_289 = arith.addi %parallel_loop3A_277, %parallel_loop3A_288 : i32
      %parallel_loop3A_290 = arith.index_cast %parallel_loop3A_289 : i32 to index
      %parallel_loop3A_291 = tpu.vector_load %arg6[%parallel_loop3A_290] {strides = array<i32>} : memref<2560xf32, #tpu.memory_space<vmem>>, vector<16xf32>,
      %parallel_loop3A_292 = vector.shape_cast %parallel_loop3A_291 : vector<16xf32> to vector<16xf32>
      %parallel_loop3A_293 = arith.index_cast %parallel_loop3A_266 : i32 to index
      %parallel_loop3A_294 = arith.constant 16 : index
      %parallel_loop3A_295 = tpu.vector_load %arg10[%parallel_loop3A_293, %parallel_loop3A_294] {strides = array<i32>} : memref<128x256xf32, #tpu.memory_space<vmem>>, vector<1x16xf32>,
      %parallel_loop3A_296 = vector.shape_cast %parallel_loop3A_295 : vector<1x16xf32> to vector<16xf32>
      %parallel_loop3A_297 = vector.shape_cast %parallel_loop3A_292 : vector<16xf32> to vector<1x16xf32>
      tpu.vector_store %arg10[%parallel_loop3A_293, %parallel_loop3A_294], %parallel_loop3A_297 {strides = array<i32>} : memref<128x256xf32, #tpu.memory_space<vmem>>, vector<1x16xf32>,
      %parallel_loop3A_298 = arith.constant 32 : i32
      %parallel_loop3A_299 = arith.addi %parallel_loop3A_277, %parallel_loop3A_298 : i32
      %parallel_loop3A_300 = arith.index_cast %parallel_loop3A_299 : i32 to index
      %parallel_loop3A_301 = tpu.vector_load %arg6[%parallel_loop3A_300] {strides = array<i32>} : memref<2560xf32, #tpu.memory_space<vmem>>, vector<16xf32>,
      %parallel_loop3A_302 = vector.shape_cast %parallel_loop3A_301 : vector<16xf32> to vector<16xf32>
      %parallel_loop3A_303 = arith.index_cast %parallel_loop3A_266 : i32 to index
      %parallel_loop3A_304 = arith.constant 32 : index
      %parallel_loop3A_305 = tpu.vector_load %arg10[%parallel_loop3A_303, %parallel_loop3A_304] {strides = array<i32>} : memref<128x256xf32, #tpu.memory_space<vmem>>, vector<1x16xf32>,
      %parallel_loop3A_306 = vector.shape_cast %parallel_loop3A_305 : vector<1x16xf32> to vector<16xf32>
      %parallel_loop3A_307 = vector.shape_cast %parallel_loop3A_302 : vector<16xf32> to vector<1x16xf32>
      tpu.vector_store %arg10[%parallel_loop3A_303, %parallel_loop3A_304], %parallel_loop3A_307 {strides = array<i32>} : memref<128x256xf32, #tpu.memory_space<vmem>>, vector<1x16xf32>,
      %parallel_loop3A_308 = arith.constant 48 : i32
      %parallel_loop3A_309 = arith.addi %parallel_loop3A_277, %parallel_loop3A_308 : i32
      %parallel_loop3A_310 = arith.index_cast %parallel_loop3A_309 : i32 to index
      %parallel_loop3A_311 = tpu.vector_load %arg6[%parallel_loop3A_310] {strides = array<i32>} : memref<2560xf32, #tpu.memory_space<vmem>>, vector<16xf32>,
      %parallel_loop3A_312 = vector.shape_cast %parallel_loop3A_311 : vector<16xf32> to vector<16xf32>
      %parallel_loop3A_313 = arith.index_cast %parallel_loop3A_266 : i32 to index
      %parallel_loop3A_314 = arith.constant 48 : index
      %parallel_loop3A_315 = tpu.vector_load %arg10[%parallel_loop3A_313, %parallel_loop3A_314] {strides = array<i32>} : memref<128x256xf32, #tpu.memory_space<vmem>>, vector<1x16xf32>,
      %parallel_loop3A_316 = vector.shape_cast %parallel_loop3A_315 : vector<1x16xf32> to vector<16xf32>
      %parallel_loop3A_317 = vector.shape_cast %parallel_loop3A_312 : vector<16xf32> to vector<1x16xf32>
      tpu.vector_store %arg10[%parallel_loop3A_313, %parallel_loop3A_314], %parallel_loop3A_317 {strides = array<i32>} : memref<128x256xf32, #tpu.memory_space<vmem>>, vector<1x16xf32>,
      %parallel_loop3A_318 = arith.constant 64 : i32
      %parallel_loop3A_319 = arith.addi %parallel_loop3A_277, %parallel_loop3A_318 : i32
      %parallel_loop3A_320 = arith.index_cast %parallel_loop3A_319 : i32 to index
      %parallel_loop3A_321 = tpu.vector_load %arg6[%parallel_loop3A_320] {strides = array<i32>} : memref<2560xf32, #tpu.memory_space<vmem>>, vector<16xf32>,
      %parallel_loop3A_322 = vector.shape_cast %parallel_loop3A_321 : vector<16xf32> to vector<16xf32>
      %parallel_loop3A_323 = arith.index_cast %parallel_loop3A_266 : i32 to index
      %parallel_loop3A_324 = arith.constant 64 : index
      %parallel_loop3A_325 = tpu.vector_load %arg10[%parallel_loop3A_323, %parallel_loop3A_324] {strides = array<i32>} : memref<128x256xf32, #tpu.memory_space<vmem>>, vector<1x16xf32>,
      %parallel_loop3A_326 = vector.shape_cast %parallel_loop3A_325 : vector<1x16xf32> to vector<16xf32>
      %parallel_loop3A_327 = vector.shape_cast %parallel_loop3A_322 : vector<16xf32> to vector<1x16xf32>
      tpu.vector_store %arg10[%parallel_loop3A_323, %parallel_loop3A_324], %parallel_loop3A_327 {strides = array<i32>} : memref<128x256xf32, #tpu.memory_space<vmem>>, vector<1x16xf32>,
      %parallel_loop3A_328 = arith.constant 80 : i32
      %parallel_loop3A_329 = arith.addi %parallel_loop3A_277, %parallel_loop3A_328 : i32
      %parallel_loop3A_330 = arith.index_cast %parallel_loop3A_329 : i32 to index
      %parallel_loop3A_331 = tpu.vector_load %arg6[%parallel_loop3A_330] {strides = array<i32>} : memref<2560xf32, #tpu.memory_space<vmem>>, vector<16xf32>,
      %parallel_loop3A_332 = vector.shape_cast %parallel_loop3A_331 : vector<16xf32> to vector<16xf32>
      %parallel_loop3A_333 = arith.index_cast %parallel_loop3A_266 : i32 to index
      %parallel_loop3A_334 = arith.constant 80 : index
      %parallel_loop3A_335 = tpu.vector_load %arg10[%parallel_loop3A_333, %parallel_loop3A_334] {strides = array<i32>} : memref<128x256xf32, #tpu.memory_space<vmem>>, vector<1x16xf32>,
      %parallel_loop3A_336 = vector.shape_cast %parallel_loop3A_335 : vector<1x16xf32> to vector<16xf32>
      %parallel_loop3A_337 = vector.shape_cast %parallel_loop3A_332 : vector<16xf32> to vector<1x16xf32>
      tpu.vector_store %arg10[%parallel_loop3A_333, %parallel_loop3A_334], %parallel_loop3A_337 {strides = array<i32>} : memref<128x256xf32, #tpu.memory_space<vmem>>, vector<1x16xf32>,
      %parallel_loop3A_338 = arith.constant 96 : i32
      %parallel_loop3A_339 = arith.addi %parallel_loop3A_277, %parallel_loop3A_338 : i32
      %parallel_loop3A_340 = arith.index_cast %parallel_loop3A_339 : i32 to index
      %parallel_loop3A_341 = tpu.vector_load %arg6[%parallel_loop3A_340] {strides = array<i32>} : memref<2560xf32, #tpu.memory_space<vmem>>, vector<16xf32>,
      %parallel_loop3A_342 = vector.shape_cast %parallel_loop3A_341 : vector<16xf32> to vector<16xf32>
      %parallel_loop3A_343 = arith.index_cast %parallel_loop3A_266 : i32 to index
      %parallel_loop3A_344 = arith.constant 96 : index
      %parallel_loop3A_345 = tpu.vector_load %arg10[%parallel_loop3A_343, %parallel_loop3A_344] {strides = array<i32>} : memref<128x256xf32, #tpu.memory_space<vmem>>, vector<1x16xf32>,
      %parallel_loop3A_346 = vector.shape_cast %parallel_loop3A_345 : vector<1x16xf32> to vector<16xf32>
      %parallel_loop3A_347 = vector.shape_cast %parallel_loop3A_342 : vector<16xf32> to vector<1x16xf32>
      tpu.vector_store %arg10[%parallel_loop3A_343, %parallel_loop3A_344], %parallel_loop3A_347 {strides = array<i32>} : memref<128x256xf32, #tpu.memory_space<vmem>>, vector<1x16xf32>,
      %parallel_loop3A_348 = arith.constant 112 : i32
      %parallel_loop3A_349 = arith.addi %parallel_loop3A_277, %parallel_loop3A_348 : i32
      %parallel_loop3A_350 = arith.index_cast %parallel_loop3A_349 : i32 to index
      %parallel_loop3A_351 = tpu.vector_load %arg6[%parallel_loop3A_350] {strides = array<i32>} : memref<2560xf32, #tpu.memory_space<vmem>>, vector<16xf32>,
      %parallel_loop3A_352 = vector.shape_cast %parallel_loop3A_351 : vector<16xf32> to vector<16xf32>
      %parallel_loop3A_353 = arith.index_cast %parallel_loop3A_266 : i32 to index
      %parallel_loop3A_354 = arith.constant 112 : index
      %parallel_loop3A_355 = tpu.vector_load %arg10[%parallel_loop3A_353, %parallel_loop3A_354] {strides = array<i32>} : memref<128x256xf32, #tpu.memory_space<vmem>>, vector<1x16xf32>,
      %parallel_loop3A_356 = vector.shape_cast %parallel_loop3A_355 : vector<1x16xf32> to vector<16xf32>
      %parallel_loop3A_357 = vector.shape_cast %parallel_loop3A_352 : vector<16xf32> to vector<1x16xf32>
      tpu.vector_store %arg10[%parallel_loop3A_353, %parallel_loop3A_354], %parallel_loop3A_357 {strides = array<i32>} : memref<128x256xf32, #tpu.memory_space<vmem>>, vector<1x16xf32>,
      %parallel_loop3A_358 = arith.constant 128 : i32
      %parallel_loop3A_359 = arith.addi %parallel_loop3A_277, %parallel_loop3A_358 : i32
      %parallel_loop3A_360 = arith.index_cast %parallel_loop3A_359 : i32 to index
      %parallel_loop3A_361 = tpu.vector_load %arg6[%parallel_loop3A_360] {strides = array<i32>} : memref<2560xf32, #tpu.memory_space<vmem>>, vector<16xf32>,
      %parallel_loop3A_362 = vector.shape_cast %parallel_loop3A_361 : vector<16xf32> to vector<16xf32>
      %parallel_loop3A_363 = arith.index_cast %parallel_loop3A_266 : i32 to index
      %parallel_loop3A_364 = arith.constant 128 : index
      %parallel_loop3A_365 = tpu.vector_load %arg10[%parallel_loop3A_363, %parallel_loop3A_364] {strides = array<i32>} : memref<128x256xf32, #tpu.memory_space<vmem>>, vector<1x16xf32>,
      %parallel_loop3A_366 = vector.shape_cast %parallel_loop3A_365 : vector<1x16xf32> to vector<16xf32>
      %parallel_loop3A_367 = vector.shape_cast %parallel_loop3A_362 : vector<16xf32> to vector<1x16xf32>
      tpu.vector_store %arg10[%parallel_loop3A_363, %parallel_loop3A_364], %parallel_loop3A_367 {strides = array<i32>} : memref<128x256xf32, #tpu.memory_space<vmem>>, vector<1x16xf32>,
      %parallel_loop3A_368 = arith.constant 144 : i32
      %parallel_loop3A_369 = arith.addi %parallel_loop3A_277, %parallel_loop3A_368 : i32
      %parallel_loop3A_370 = arith.index_cast %parallel_loop3A_369 : i32 to index
      %parallel_loop3A_371 = tpu.vector_load %arg6[%parallel_loop3A_370] {strides = array<i32>} : memref<2560xf32, #tpu.memory_space<vmem>>, vector<16xf32>,
      %parallel_loop3A_372 = vector.shape_cast %parallel_loop3A_371 : vector<16xf32> to vector<16xf32>
      %parallel_loop3A_373 = arith.index_cast %parallel_loop3A_266 : i32 to index
      %parallel_loop3A_374 = arith.constant 144 : index
      %parallel_loop3A_375 = tpu.vector_load %arg10[%parallel_loop3A_373, %parallel_loop3A_374] {strides = array<i32>} : memref<128x256xf32, #tpu.memory_space<vmem>>, vector<1x16xf32>,
      %parallel_loop3A_376 = vector.shape_cast %parallel_loop3A_375 : vector<1x16xf32> to vector<16xf32>
      %parallel_loop3A_377 = vector.shape_cast %parallel_loop3A_372 : vector<16xf32> to vector<1x16xf32>
      tpu.vector_store %arg10[%parallel_loop3A_373, %parallel_loop3A_374], %parallel_loop3A_377 {strides = array<i32>} : memref<128x256xf32, #tpu.memory_space<vmem>>, vector<1x16xf32>,
      %parallel_loop3A_378 = arith.constant 160 : i32
      %parallel_loop3A_379 = arith.addi %parallel_loop3A_277, %parallel_loop3A_378 : i32
      %parallel_loop3A_380 = arith.index_cast %parallel_loop3A_379 : i32 to index
      %parallel_loop3A_381 = tpu.vector_load %arg6[%parallel_loop3A_380] {strides = array<i32>} : memref<2560xf32, #tpu.memory_space<vmem>>, vector<16xf32>,
      %parallel_loop3A_382 = vector.shape_cast %parallel_loop3A_381 : vector<16xf32> to vector<16xf32>
      %parallel_loop3A_383 = arith.index_cast %parallel_loop3A_266 : i32 to index
      %parallel_loop3A_384 = arith.constant 160 : index
      %parallel_loop3A_385 = tpu.vector_load %arg10[%parallel_loop3A_383, %parallel_loop3A_384] {strides = array<i32>} : memref<128x256xf32, #tpu.memory_space<vmem>>, vector<1x16xf32>,
      %parallel_loop3A_386 = vector.shape_cast %parallel_loop3A_385 : vector<1x16xf32> to vector<16xf32>
      %parallel_loop3A_387 = vector.shape_cast %parallel_loop3A_382 : vector<16xf32> to vector<1x16xf32>
      tpu.vector_store %arg10[%parallel_loop3A_383, %parallel_loop3A_384], %parallel_loop3A_387 {strides = array<i32>} : memref<128x256xf32, #tpu.memory_space<vmem>>, vector<1x16xf32>,
      %parallel_loop3A_388 = arith.constant 176 : i32
      %parallel_loop3A_389 = arith.addi %parallel_loop3A_277, %parallel_loop3A_388 : i32
      %parallel_loop3A_390 = arith.index_cast %parallel_loop3A_389 : i32 to index
      %parallel_loop3A_391 = tpu.vector_load %arg6[%parallel_loop3A_390] {strides = array<i32>} : memref<2560xf32, #tpu.memory_space<vmem>>, vector<16xf32>,
      %parallel_loop3A_392 = vector.shape_cast %parallel_loop3A_391 : vector<16xf32> to vector<16xf32>
      %parallel_loop3A_393 = arith.index_cast %parallel_loop3A_266 : i32 to index
      %parallel_loop3A_394 = arith.constant 176 : index
      %parallel_loop3A_395 = tpu.vector_load %arg10[%parallel_loop3A_393, %parallel_loop3A_394] {strides = array<i32>} : memref<128x256xf32, #tpu.memory_space<vmem>>, vector<1x16xf32>,
      %parallel_loop3A_396 = vector.shape_cast %parallel_loop3A_395 : vector<1x16xf32> to vector<16xf32>
      %parallel_loop3A_397 = vector.shape_cast %parallel_loop3A_392 : vector<16xf32> to vector<1x16xf32>
      tpu.vector_store %arg10[%parallel_loop3A_393, %parallel_loop3A_394], %parallel_loop3A_397 {strides = array<i32>} : memref<128x256xf32, #tpu.memory_space<vmem>>, vector<1x16xf32>,
      %parallel_loop3A_398 = arith.constant 192 : i32
      %parallel_loop3A_399 = arith.addi %parallel_loop3A_277, %parallel_loop3A_398 : i32
      %parallel_loop3A_400 = arith.index_cast %parallel_loop3A_399 : i32 to index
      %parallel_loop3A_401 = tpu.vector_load %arg6[%parallel_loop3A_400] {strides = array<i32>} : memref<2560xf32, #tpu.memory_space<vmem>>, vector<16xf32>,
      %parallel_loop3A_402 = vector.shape_cast %parallel_loop3A_401 : vector<16xf32> to vector<16xf32>
      %parallel_loop3A_403 = arith.index_cast %parallel_loop3A_266 : i32 to index
      %parallel_loop3A_404 = arith.constant 192 : index
      %parallel_loop3A_405 = tpu.vector_load %arg10[%parallel_loop3A_403, %parallel_loop3A_404] {strides = array<i32>} : memref<128x256xf32, #tpu.memory_space<vmem>>, vector<1x16xf32>,
      %parallel_loop3A_406 = vector.shape_cast %parallel_loop3A_405 : vector<1x16xf32> to vector<16xf32>
      %parallel_loop3A_407 = vector.shape_cast %parallel_loop3A_402 : vector<16xf32> to vector<1x16xf32>
      tpu.vector_store %arg10[%parallel_loop3A_403, %parallel_loop3A_404], %parallel_loop3A_407 {strides = array<i32>} : memref<128x256xf32, #tpu.memory_space<vmem>>, vector<1x16xf32>,
      %parallel_loop3A_408 = arith.constant 208 : i32
      %parallel_loop3A_409 = arith.addi %parallel_loop3A_277, %parallel_loop3A_408 : i32
      %parallel_loop3A_410 = arith.index_cast %parallel_loop3A_409 : i32 to index
      %parallel_loop3A_411 = tpu.vector_load %arg6[%parallel_loop3A_410] {strides = array<i32>} : memref<2560xf32, #tpu.memory_space<vmem>>, vector<16xf32>,
      %parallel_loop3A_412 = vector.shape_cast %parallel_loop3A_411 : vector<16xf32> to vector<16xf32>
      %parallel_loop3A_413 = arith.index_cast %parallel_loop3A_266 : i32 to index
      %parallel_loop3A_414 = arith.constant 208 : index
      %parallel_loop3A_415 = tpu.vector_load %arg10[%parallel_loop3A_413, %parallel_loop3A_414] {strides = array<i32>} : memref<128x256xf32, #tpu.memory_space<vmem>>, vector<1x16xf32>,
      %parallel_loop3A_416 = vector.shape_cast %parallel_loop3A_415 : vector<1x16xf32> to vector<16xf32>
      %parallel_loop3A_417 = vector.shape_cast %parallel_loop3A_412 : vector<16xf32> to vector<1x16xf32>
      tpu.vector_store %arg10[%parallel_loop3A_413, %parallel_loop3A_414], %parallel_loop3A_417 {strides = array<i32>} : memref<128x256xf32, #tpu.memory_space<vmem>>, vector<1x16xf32>,
      %parallel_loop3A_418 = arith.constant 224 : i32
      %parallel_loop3A_419 = arith.addi %parallel_loop3A_277, %parallel_loop3A_418 : i32
      %parallel_loop3A_420 = arith.index_cast %parallel_loop3A_419 : i32 to index
      %parallel_loop3A_421 = tpu.vector_load %arg6[%parallel_loop3A_420] {strides = array<i32>} : memref<2560xf32, #tpu.memory_space<vmem>>, vector<16xf32>,
      %parallel_loop3A_422 = vector.shape_cast %parallel_loop3A_421 : vector<16xf32> to vector<16xf32>
      %parallel_loop3A_423 = arith.index_cast %parallel_loop3A_266 : i32 to index
      %parallel_loop3A_424 = arith.constant 224 : index
      %parallel_loop3A_425 = tpu.vector_load %arg10[%parallel_loop3A_423, %parallel_loop3A_424] {strides = array<i32>} : memref<128x256xf32, #tpu.memory_space<vmem>>, vector<1x16xf32>,
      %parallel_loop3A_426 = vector.shape_cast %parallel_loop3A_425 : vector<1x16xf32> to vector<16xf32>
      %parallel_loop3A_427 = vector.shape_cast %parallel_loop3A_422 : vector<16xf32> to vector<1x16xf32>
      tpu.vector_store %arg10[%parallel_loop3A_423, %parallel_loop3A_424], %parallel_loop3A_427 {strides = array<i32>} : memref<128x256xf32, #tpu.memory_space<vmem>>, vector<1x16xf32>,
      %parallel_loop3A_428 = arith.constant 240 : i32
      %parallel_loop3A_429 = arith.addi %parallel_loop3A_277, %parallel_loop3A_428 : i32
      %parallel_loop3A_430 = arith.index_cast %parallel_loop3A_429 : i32 to index
      %parallel_loop3A_431 = tpu.vector_load %arg6[%parallel_loop3A_430] {strides = array<i32>} : memref<2560xf32, #tpu.memory_space<vmem>>, vector<16xf32>,
      %parallel_loop3A_432 = vector.shape_cast %parallel_loop3A_431 : vector<16xf32> to vector<16xf32>
      %parallel_loop3A_433 = arith.index_cast %parallel_loop3A_266 : i32 to index
      %parallel_loop3A_434 = arith.constant 240 : index
      %parallel_loop3A_435 = tpu.vector_load %arg10[%parallel_loop3A_433, %parallel_loop3A_434] {strides = array<i32>} : memref<128x256xf32, #tpu.memory_space<vmem>>, vector<1x16xf32>,
      %parallel_loop3A_436 = vector.shape_cast %parallel_loop3A_435 : vector<1x16xf32> to vector<16xf32>
      %parallel_loop3A_437 = vector.shape_cast %parallel_loop3A_432 : vector<16xf32> to vector<1x16xf32>
      tpu.vector_store %arg10[%parallel_loop3A_433, %parallel_loop3A_434], %parallel_loop3A_437 {strides = array<i32>} : memref<128x256xf32, #tpu.memory_space<vmem>>, vector<1x16xf32>,
    } {sc.loop_unroll_factor = 4 : i64, sc.parallel_access}
    %add3A_158 = arith.constant 0 : i32
    %add3A_159 = arith.addi %mul3A_2, %add3A_158 : i32
    %dma_start3A_160 = arith.constant 2 : i32
    %dma_start3A_161 = arith.constant 0 : i32
    %dma_start3A_162 = tpu.memref_slice %arg5[%dma_start3A_160, %add3A_159, %dma_start3A_161] : memref<3x16384x256xf32, #tpu.memory_space<hbm>> -> memref<1x128x256xf32, #tpu.memory_space<hbm>>
    %dma_start3A_163 = tpu.memref_squeeze %dma_start3A_162 : memref<1x128x256xf32, #tpu.memory_space<hbm>> -> memref<128x256xf32, #tpu.memory_space<hbm>>
    %dma_start3A_164 = arith.constant 0 : i32
    %dma_start3A_165 = tpu.memref_slice %arg5[%dma_start3A_160, %add3A_159, %dma_start3A_164] : memref<3x16384x256xf32, #tpu.memory_space<hbm>> -> memref<1x128x256xf32, #tpu.memory_space<hbm>>
    %dma_start3A_166 = tpu.memref_squeeze %dma_start3A_165 : memref<1x128x256xf32, #tpu.memory_space<hbm>> -> memref<128x256xf32, #tpu.memory_space<hbm>>
    tpu.enqueue_dma source(%arg10 : memref<128x256xf32, #tpu.memory_space<vmem>>) target(%dma_start3A_166 : memref<128x256xf32, #tpu.memory_space<hbm>>) target_semaphore(%arg13 : memref<!tpu.dma_semaphore, #tpu.memory_space<semaphore_mem>>)
    %dma_wait3A_167 = arith.constant 1 : i32
    %dma_wait3A_168 = arith.constant 0 : i32
    %dma_wait3A_169 = tpu.memref_slice %arg5[%dma_wait3A_167, %add3A_140, %dma_wait3A_168] : memref<3x16384x256xf32, #tpu.memory_space<hbm>> -> memref<1x128x256xf32, #tpu.memory_space<hbm>>
    %dma_wait3A_170 = tpu.memref_squeeze %dma_wait3A_169 : memref<1x128x256xf32, #tpu.memory_space<hbm>> -> memref<128x256xf32, #tpu.memory_space<hbm>>
    %dma_wait3A_171 = arith.constant 0 : i32
    %dma_wait3A_172 = tpu.memref_slice %arg5[%dma_wait3A_167, %add3A_140, %dma_wait3A_171] : memref<3x16384x256xf32, #tpu.memory_space<hbm>> -> memref<1x128x256xf32, #tpu.memory_space<hbm>>
    %dma_wait3A_173 = tpu.memref_squeeze %dma_wait3A_172 : memref<1x128x256xf32, #tpu.memory_space<hbm>> -> memref<128x256xf32, #tpu.memory_space<hbm>>
    tpu.wait_dma2 semaphore(%arg13 : memref<!tpu.dma_semaphore, #tpu.memory_space<semaphore_mem>>) src(%arg11 : memref<128x256xf32, #tpu.memory_space<vmem>>) dst(%dma_wait3A_173 : memref<128x256xf32, #tpu.memory_space<hbm>>)
    %parallel_loop3A_174 = arith.constant 0 : i32
    %parallel_loop3A_175 = arith.constant 128 : i32
    %parallel_loop3A_176 = arith.constant 1 : i32
    scf.for %parallel_loop3A_266 = %parallel_loop3A_174 to %parallel_loop3A_175 step %parallel_loop3A_176  : i32 {
      %parallel_loop3A_267 = arith.constant 128 : i32
      %parallel_loop3A_268 = arith.addi %parallel_loop3A_267, %parallel_loop3A_266 : i32
      %parallel_loop3A_269 = arith.index_cast %parallel_loop3A_268 : i32 to index
      %parallel_loop3A_270 = tpu.vector_load %arg8[%parallel_loop3A_269] {strides = array<i32>} : memref<528xi32, #tpu.memory_space<vmem>>, vector<16xi32>,
      %parallel_loop3A_271 = vector.shape_cast %parallel_loop3A_270 : vector<16xi32> to vector<16xi32>
      %parallel_loop3A_272 = vector.extract_strided_slice %parallel_loop3A_271 {offsets = [0], sizes = [1], strides = [1]} : vector<16xi32> to vector<1xi32>
      %parallel_loop3A_273 = vector.extract %parallel_loop3A_272[0] : i32 from vector<1xi32>
      %parallel_loop3A_274 = arith.constant 3 : i32
      %parallel_loop3A_275 = arith.addi %parallel_loop3A_274, %parallel_loop3A_273 : i32
      %parallel_loop3A_276 = arith.constant 256 : i32
      %parallel_loop3A_277 = arith.muli %parallel_loop3A_275, %parallel_loop3A_276 : i32
      %parallel_loop3A_278 = arith.constant 0 : i32
      %parallel_loop3A_279 = arith.addi %parallel_loop3A_277, %parallel_loop3A_278 : i32
      %parallel_loop3A_280 = arith.index_cast %parallel_loop3A_279 : i32 to index
      %parallel_loop3A_281 = tpu.vector_load %arg6[%parallel_loop3A_280] {strides = array<i32>} : memref<2560xf32, #tpu.memory_space<vmem>>, vector<16xf32>,
      %parallel_loop3A_282 = vector.shape_cast %parallel_loop3A_281 : vector<16xf32> to vector<16xf32>
      %parallel_loop3A_283 = arith.index_cast %parallel_loop3A_266 : i32 to index
      %parallel_loop3A_284 = arith.constant 0 : index
      %parallel_loop3A_285 = tpu.vector_load %arg11[%parallel_loop3A_283, %parallel_loop3A_284] {strides = array<i32>} : memref<128x256xf32, #tpu.memory_space<vmem>>, vector<1x16xf32>,
      %parallel_loop3A_286 = vector.shape_cast %parallel_loop3A_285 : vector<1x16xf32> to vector<16xf32>
      %parallel_loop3A_287 = vector.shape_cast %parallel_loop3A_282 : vector<16xf32> to vector<1x16xf32>
      tpu.vector_store %arg11[%parallel_loop3A_283, %parallel_loop3A_284], %parallel_loop3A_287 {strides = array<i32>} : memref<128x256xf32, #tpu.memory_space<vmem>>, vector<1x16xf32>,
      %parallel_loop3A_288 = arith.constant 16 : i32
      %parallel_loop3A_289 = arith.addi %parallel_loop3A_277, %parallel_loop3A_288 : i32
      %parallel_loop3A_290 = arith.index_cast %parallel_loop3A_289 : i32 to index
      %parallel_loop3A_291 = tpu.vector_load %arg6[%parallel_loop3A_290] {strides = array<i32>} : memref<2560xf32, #tpu.memory_space<vmem>>, vector<16xf32>,
      %parallel_loop3A_292 = vector.shape_cast %parallel_loop3A_291 : vector<16xf32> to vector<16xf32>
      %parallel_loop3A_293 = arith.index_cast %parallel_loop3A_266 : i32 to index
      %parallel_loop3A_294 = arith.constant 16 : index
      %parallel_loop3A_295 = tpu.vector_load %arg11[%parallel_loop3A_293, %parallel_loop3A_294] {strides = array<i32>} : memref<128x256xf32, #tpu.memory_space<vmem>>, vector<1x16xf32>,
      %parallel_loop3A_296 = vector.shape_cast %parallel_loop3A_295 : vector<1x16xf32> to vector<16xf32>
      %parallel_loop3A_297 = vector.shape_cast %parallel_loop3A_292 : vector<16xf32> to vector<1x16xf32>
      tpu.vector_store %arg11[%parallel_loop3A_293, %parallel_loop3A_294], %parallel_loop3A_297 {strides = array<i32>} : memref<128x256xf32, #tpu.memory_space<vmem>>, vector<1x16xf32>,
      %parallel_loop3A_298 = arith.constant 32 : i32
      %parallel_loop3A_299 = arith.addi %parallel_loop3A_277, %parallel_loop3A_298 : i32
      %parallel_loop3A_300 = arith.index_cast %parallel_loop3A_299 : i32 to index
      %parallel_loop3A_301 = tpu.vector_load %arg6[%parallel_loop3A_300] {strides = array<i32>} : memref<2560xf32, #tpu.memory_space<vmem>>, vector<16xf32>,
      %parallel_loop3A_302 = vector.shape_cast %parallel_loop3A_301 : vector<16xf32> to vector<16xf32>
      %parallel_loop3A_303 = arith.index_cast %parallel_loop3A_266 : i32 to index
      %parallel_loop3A_304 = arith.constant 32 : index
      %parallel_loop3A_305 = tpu.vector_load %arg11[%parallel_loop3A_303, %parallel_loop3A_304] {strides = array<i32>} : memref<128x256xf32, #tpu.memory_space<vmem>>, vector<1x16xf32>,
      %parallel_loop3A_306 = vector.shape_cast %parallel_loop3A_305 : vector<1x16xf32> to vector<16xf32>
      %parallel_loop3A_307 = vector.shape_cast %parallel_loop3A_302 : vector<16xf32> to vector<1x16xf32>
      tpu.vector_store %arg11[%parallel_loop3A_303, %parallel_loop3A_304], %parallel_loop3A_307 {strides = array<i32>} : memref<128x256xf32, #tpu.memory_space<vmem>>, vector<1x16xf32>,
      %parallel_loop3A_308 = arith.constant 48 : i32
      %parallel_loop3A_309 = arith.addi %parallel_loop3A_277, %parallel_loop3A_308 : i32
      %parallel_loop3A_310 = arith.index_cast %parallel_loop3A_309 : i32 to index
      %parallel_loop3A_311 = tpu.vector_load %arg6[%parallel_loop3A_310] {strides = array<i32>} : memref<2560xf32, #tpu.memory_space<vmem>>, vector<16xf32>,
      %parallel_loop3A_312 = vector.shape_cast %parallel_loop3A_311 : vector<16xf32> to vector<16xf32>
      %parallel_loop3A_313 = arith.index_cast %parallel_loop3A_266 : i32 to index
      %parallel_loop3A_314 = arith.constant 48 : index
      %parallel_loop3A_315 = tpu.vector_load %arg11[%parallel_loop3A_313, %parallel_loop3A_314] {strides = array<i32>} : memref<128x256xf32, #tpu.memory_space<vmem>>, vector<1x16xf32>,
      %parallel_loop3A_316 = vector.shape_cast %parallel_loop3A_315 : vector<1x16xf32> to vector<16xf32>
      %parallel_loop3A_317 = vector.shape_cast %parallel_loop3A_312 : vector<16xf32> to vector<1x16xf32>
      tpu.vector_store %arg11[%parallel_loop3A_313, %parallel_loop3A_314], %parallel_loop3A_317 {strides = array<i32>} : memref<128x256xf32, #tpu.memory_space<vmem>>, vector<1x16xf32>,
      %parallel_loop3A_318 = arith.constant 64 : i32
      %parallel_loop3A_319 = arith.addi %parallel_loop3A_277, %parallel_loop3A_318 : i32
      %parallel_loop3A_320 = arith.index_cast %parallel_loop3A_319 : i32 to index
      %parallel_loop3A_321 = tpu.vector_load %arg6[%parallel_loop3A_320] {strides = array<i32>} : memref<2560xf32, #tpu.memory_space<vmem>>, vector<16xf32>,
      %parallel_loop3A_322 = vector.shape_cast %parallel_loop3A_321 : vector<16xf32> to vector<16xf32>
      %parallel_loop3A_323 = arith.index_cast %parallel_loop3A_266 : i32 to index
      %parallel_loop3A_324 = arith.constant 64 : index
      %parallel_loop3A_325 = tpu.vector_load %arg11[%parallel_loop3A_323, %parallel_loop3A_324] {strides = array<i32>} : memref<128x256xf32, #tpu.memory_space<vmem>>, vector<1x16xf32>,
      %parallel_loop3A_326 = vector.shape_cast %parallel_loop3A_325 : vector<1x16xf32> to vector<16xf32>
      %parallel_loop3A_327 = vector.shape_cast %parallel_loop3A_322 : vector<16xf32> to vector<1x16xf32>
      tpu.vector_store %arg11[%parallel_loop3A_323, %parallel_loop3A_324], %parallel_loop3A_327 {strides = array<i32>} : memref<128x256xf32, #tpu.memory_space<vmem>>, vector<1x16xf32>,
      %parallel_loop3A_328 = arith.constant 80 : i32
      %parallel_loop3A_329 = arith.addi %parallel_loop3A_277, %parallel_loop3A_328 : i32
      %parallel_loop3A_330 = arith.index_cast %parallel_loop3A_329 : i32 to index
      %parallel_loop3A_331 = tpu.vector_load %arg6[%parallel_loop3A_330] {strides = array<i32>} : memref<2560xf32, #tpu.memory_space<vmem>>, vector<16xf32>,
      %parallel_loop3A_332 = vector.shape_cast %parallel_loop3A_331 : vector<16xf32> to vector<16xf32>
      %parallel_loop3A_333 = arith.index_cast %parallel_loop3A_266 : i32 to index
      %parallel_loop3A_334 = arith.constant 80 : index
      %parallel_loop3A_335 = tpu.vector_load %arg11[%parallel_loop3A_333, %parallel_loop3A_334] {strides = array<i32>} : memref<128x256xf32, #tpu.memory_space<vmem>>, vector<1x16xf32>,
      %parallel_loop3A_336 = vector.shape_cast %parallel_loop3A_335 : vector<1x16xf32> to vector<16xf32>
      %parallel_loop3A_337 = vector.shape_cast %parallel_loop3A_332 : vector<16xf32> to vector<1x16xf32>
      tpu.vector_store %arg11[%parallel_loop3A_333, %parallel_loop3A_334], %parallel_loop3A_337 {strides = array<i32>} : memref<128x256xf32, #tpu.memory_space<vmem>>, vector<1x16xf32>,
      %parallel_loop3A_338 = arith.constant 96 : i32
      %parallel_loop3A_339 = arith.addi %parallel_loop3A_277, %parallel_loop3A_338 : i32
      %parallel_loop3A_340 = arith.index_cast %parallel_loop3A_339 : i32 to index
      %parallel_loop3A_341 = tpu.vector_load %arg6[%parallel_loop3A_340] {strides = array<i32>} : memref<2560xf32, #tpu.memory_space<vmem>>, vector<16xf32>,
      %parallel_loop3A_342 = vector.shape_cast %parallel_loop3A_341 : vector<16xf32> to vector<16xf32>
      %parallel_loop3A_343 = arith.index_cast %parallel_loop3A_266 : i32 to index
      %parallel_loop3A_344 = arith.constant 96 : index
      %parallel_loop3A_345 = tpu.vector_load %arg11[%parallel_loop3A_343, %parallel_loop3A_344] {strides = array<i32>} : memref<128x256xf32, #tpu.memory_space<vmem>>, vector<1x16xf32>,
      %parallel_loop3A_346 = vector.shape_cast %parallel_loop3A_345 : vector<1x16xf32> to vector<16xf32>
      %parallel_loop3A_347 = vector.shape_cast %parallel_loop3A_342 : vector<16xf32> to vector<1x16xf32>
      tpu.vector_store %arg11[%parallel_loop3A_343, %parallel_loop3A_344], %parallel_loop3A_347 {strides = array<i32>} : memref<128x256xf32, #tpu.memory_space<vmem>>, vector<1x16xf32>,
      %parallel_loop3A_348 = arith.constant 112 : i32
      %parallel_loop3A_349 = arith.addi %parallel_loop3A_277, %parallel_loop3A_348 : i32
      %parallel_loop3A_350 = arith.index_cast %parallel_loop3A_349 : i32 to index
      %parallel_loop3A_351 = tpu.vector_load %arg6[%parallel_loop3A_350] {strides = array<i32>} : memref<2560xf32, #tpu.memory_space<vmem>>, vector<16xf32>,
      %parallel_loop3A_352 = vector.shape_cast %parallel_loop3A_351 : vector<16xf32> to vector<16xf32>
      %parallel_loop3A_353 = arith.index_cast %parallel_loop3A_266 : i32 to index
      %parallel_loop3A_354 = arith.constant 112 : index
      %parallel_loop3A_355 = tpu.vector_load %arg11[%parallel_loop3A_353, %parallel_loop3A_354] {strides = array<i32>} : memref<128x256xf32, #tpu.memory_space<vmem>>, vector<1x16xf32>,
      %parallel_loop3A_356 = vector.shape_cast %parallel_loop3A_355 : vector<1x16xf32> to vector<16xf32>
      %parallel_loop3A_357 = vector.shape_cast %parallel_loop3A_352 : vector<16xf32> to vector<1x16xf32>
      tpu.vector_store %arg11[%parallel_loop3A_353, %parallel_loop3A_354], %parallel_loop3A_357 {strides = array<i32>} : memref<128x256xf32, #tpu.memory_space<vmem>>, vector<1x16xf32>,
      %parallel_loop3A_358 = arith.constant 128 : i32
      %parallel_loop3A_359 = arith.addi %parallel_loop3A_277, %parallel_loop3A_358 : i32
      %parallel_loop3A_360 = arith.index_cast %parallel_loop3A_359 : i32 to index
      %parallel_loop3A_361 = tpu.vector_load %arg6[%parallel_loop3A_360] {strides = array<i32>} : memref<2560xf32, #tpu.memory_space<vmem>>, vector<16xf32>,
      %parallel_loop3A_362 = vector.shape_cast %parallel_loop3A_361 : vector<16xf32> to vector<16xf32>
      %parallel_loop3A_363 = arith.index_cast %parallel_loop3A_266 : i32 to index
      %parallel_loop3A_364 = arith.constant 128 : index
      %parallel_loop3A_365 = tpu.vector_load %arg11[%parallel_loop3A_363, %parallel_loop3A_364] {strides = array<i32>} : memref<128x256xf32, #tpu.memory_space<vmem>>, vector<1x16xf32>,
      %parallel_loop3A_366 = vector.shape_cast %parallel_loop3A_365 : vector<1x16xf32> to vector<16xf32>
      %parallel_loop3A_367 = vector.shape_cast %parallel_loop3A_362 : vector<16xf32> to vector<1x16xf32>
      tpu.vector_store %arg11[%parallel_loop3A_363, %parallel_loop3A_364], %parallel_loop3A_367 {strides = array<i32>} : memref<128x256xf32, #tpu.memory_space<vmem>>, vector<1x16xf32>,
      %parallel_loop3A_368 = arith.constant 144 : i32
      %parallel_loop3A_369 = arith.addi %parallel_loop3A_277, %parallel_loop3A_368 : i32
      %parallel_loop3A_370 = arith.index_cast %parallel_loop3A_369 : i32 to index
      %parallel_loop3A_371 = tpu.vector_load %arg6[%parallel_loop3A_370] {strides = array<i32>} : memref<2560xf32, #tpu.memory_space<vmem>>, vector<16xf32>,
      %parallel_loop3A_372 = vector.shape_cast %parallel_loop3A_371 : vector<16xf32> to vector<16xf32>
      %parallel_loop3A_373 = arith.index_cast %parallel_loop3A_266 : i32 to index
      %parallel_loop3A_374 = arith.constant 144 : index
      %parallel_loop3A_375 = tpu.vector_load %arg11[%parallel_loop3A_373, %parallel_loop3A_374] {strides = array<i32>} : memref<128x256xf32, #tpu.memory_space<vmem>>, vector<1x16xf32>,
      %parallel_loop3A_376 = vector.shape_cast %parallel_loop3A_375 : vector<1x16xf32> to vector<16xf32>
      %parallel_loop3A_377 = vector.shape_cast %parallel_loop3A_372 : vector<16xf32> to vector<1x16xf32>
      tpu.vector_store %arg11[%parallel_loop3A_373, %parallel_loop3A_374], %parallel_loop3A_377 {strides = array<i32>} : memref<128x256xf32, #tpu.memory_space<vmem>>, vector<1x16xf32>,
      %parallel_loop3A_378 = arith.constant 160 : i32
      %parallel_loop3A_379 = arith.addi %parallel_loop3A_277, %parallel_loop3A_378 : i32
      %parallel_loop3A_380 = arith.index_cast %parallel_loop3A_379 : i32 to index
      %parallel_loop3A_381 = tpu.vector_load %arg6[%parallel_loop3A_380] {strides = array<i32>} : memref<2560xf32, #tpu.memory_space<vmem>>, vector<16xf32>,
      %parallel_loop3A_382 = vector.shape_cast %parallel_loop3A_381 : vector<16xf32> to vector<16xf32>
      %parallel_loop3A_383 = arith.index_cast %parallel_loop3A_266 : i32 to index
      %parallel_loop3A_384 = arith.constant 160 : index
      %parallel_loop3A_385 = tpu.vector_load %arg11[%parallel_loop3A_383, %parallel_loop3A_384] {strides = array<i32>} : memref<128x256xf32, #tpu.memory_space<vmem>>, vector<1x16xf32>,
      %parallel_loop3A_386 = vector.shape_cast %parallel_loop3A_385 : vector<1x16xf32> to vector<16xf32>
      %parallel_loop3A_387 = vector.shape_cast %parallel_loop3A_382 : vector<16xf32> to vector<1x16xf32>
      tpu.vector_store %arg11[%parallel_loop3A_383, %parallel_loop3A_384], %parallel_loop3A_387 {strides = array<i32>} : memref<128x256xf32, #tpu.memory_space<vmem>>, vector<1x16xf32>,
      %parallel_loop3A_388 = arith.constant 176 : i32
      %parallel_loop3A_389 = arith.addi %parallel_loop3A_277, %parallel_loop3A_388 : i32
      %parallel_loop3A_390 = arith.index_cast %parallel_loop3A_389 : i32 to index
      %parallel_loop3A_391 = tpu.vector_load %arg6[%parallel_loop3A_390] {strides = array<i32>} : memref<2560xf32, #tpu.memory_space<vmem>>, vector<16xf32>,
      %parallel_loop3A_392 = vector.shape_cast %parallel_loop3A_391 : vector<16xf32> to vector<16xf32>
      %parallel_loop3A_393 = arith.index_cast %parallel_loop3A_266 : i32 to index
      %parallel_loop3A_394 = arith.constant 176 : index
      %parallel_loop3A_395 = tpu.vector_load %arg11[%parallel_loop3A_393, %parallel_loop3A_394] {strides = array<i32>} : memref<128x256xf32, #tpu.memory_space<vmem>>, vector<1x16xf32>,
      %parallel_loop3A_396 = vector.shape_cast %parallel_loop3A_395 : vector<1x16xf32> to vector<16xf32>
      %parallel_loop3A_397 = vector.shape_cast %parallel_loop3A_392 : vector<16xf32> to vector<1x16xf32>
      tpu.vector_store %arg11[%parallel_loop3A_393, %parallel_loop3A_394], %parallel_loop3A_397 {strides = array<i32>} : memref<128x256xf32, #tpu.memory_space<vmem>>, vector<1x16xf32>,
      %parallel_loop3A_398 = arith.constant 192 : i32
      %parallel_loop3A_399 = arith.addi %parallel_loop3A_277, %parallel_loop3A_398 : i32
      %parallel_loop3A_400 = arith.index_cast %parallel_loop3A_399 : i32 to index
      %parallel_loop3A_401 = tpu.vector_load %arg6[%parallel_loop3A_400] {strides = array<i32>} : memref<2560xf32, #tpu.memory_space<vmem>>, vector<16xf32>,
      %parallel_loop3A_402 = vector.shape_cast %parallel_loop3A_401 : vector<16xf32> to vector<16xf32>
      %parallel_loop3A_403 = arith.index_cast %parallel_loop3A_266 : i32 to index
      %parallel_loop3A_404 = arith.constant 192 : index
      %parallel_loop3A_405 = tpu.vector_load %arg11[%parallel_loop3A_403, %parallel_loop3A_404] {strides = array<i32>} : memref<128x256xf32, #tpu.memory_space<vmem>>, vector<1x16xf32>,
      %parallel_loop3A_406 = vector.shape_cast %parallel_loop3A_405 : vector<1x16xf32> to vector<16xf32>
      %parallel_loop3A_407 = vector.shape_cast %parallel_loop3A_402 : vector<16xf32> to vector<1x16xf32>
      tpu.vector_store %arg11[%parallel_loop3A_403, %parallel_loop3A_404], %parallel_loop3A_407 {strides = array<i32>} : memref<128x256xf32, #tpu.memory_space<vmem>>, vector<1x16xf32>,
      %parallel_loop3A_408 = arith.constant 208 : i32
      %parallel_loop3A_409 = arith.addi %parallel_loop3A_277, %parallel_loop3A_408 : i32
      %parallel_loop3A_410 = arith.index_cast %parallel_loop3A_409 : i32 to index
      %parallel_loop3A_411 = tpu.vector_load %arg6[%parallel_loop3A_410] {strides = array<i32>} : memref<2560xf32, #tpu.memory_space<vmem>>, vector<16xf32>,
      %parallel_loop3A_412 = vector.shape_cast %parallel_loop3A_411 : vector<16xf32> to vector<16xf32>
      %parallel_loop3A_413 = arith.index_cast %parallel_loop3A_266 : i32 to index
      %parallel_loop3A_414 = arith.constant 208 : index
      %parallel_loop3A_415 = tpu.vector_load %arg11[%parallel_loop3A_413, %parallel_loop3A_414] {strides = array<i32>} : memref<128x256xf32, #tpu.memory_space<vmem>>, vector<1x16xf32>,
      %parallel_loop3A_416 = vector.shape_cast %parallel_loop3A_415 : vector<1x16xf32> to vector<16xf32>
      %parallel_loop3A_417 = vector.shape_cast %parallel_loop3A_412 : vector<16xf32> to vector<1x16xf32>
      tpu.vector_store %arg11[%parallel_loop3A_413, %parallel_loop3A_414], %parallel_loop3A_417 {strides = array<i32>} : memref<128x256xf32, #tpu.memory_space<vmem>>, vector<1x16xf32>,
      %parallel_loop3A_418 = arith.constant 224 : i32
      %parallel_loop3A_419 = arith.addi %parallel_loop3A_277, %parallel_loop3A_418 : i32
      %parallel_loop3A_420 = arith.index_cast %parallel_loop3A_419 : i32 to index
      %parallel_loop3A_421 = tpu.vector_load %arg6[%parallel_loop3A_420] {strides = array<i32>} : memref<2560xf32, #tpu.memory_space<vmem>>, vector<16xf32>,
      %parallel_loop3A_422 = vector.shape_cast %parallel_loop3A_421 : vector<16xf32> to vector<16xf32>
      %parallel_loop3A_423 = arith.index_cast %parallel_loop3A_266 : i32 to index
      %parallel_loop3A_424 = arith.constant 224 : index
      %parallel_loop3A_425 = tpu.vector_load %arg11[%parallel_loop3A_423, %parallel_loop3A_424] {strides = array<i32>} : memref<128x256xf32, #tpu.memory_space<vmem>>, vector<1x16xf32>,
      %parallel_loop3A_426 = vector.shape_cast %parallel_loop3A_425 : vector<1x16xf32> to vector<16xf32>
      %parallel_loop3A_427 = vector.shape_cast %parallel_loop3A_422 : vector<16xf32> to vector<1x16xf32>
      tpu.vector_store %arg11[%parallel_loop3A_423, %parallel_loop3A_424], %parallel_loop3A_427 {strides = array<i32>} : memref<128x256xf32, #tpu.memory_space<vmem>>, vector<1x16xf32>,
      %parallel_loop3A_428 = arith.constant 240 : i32
      %parallel_loop3A_429 = arith.addi %parallel_loop3A_277, %parallel_loop3A_428 : i32
      %parallel_loop3A_430 = arith.index_cast %parallel_loop3A_429 : i32 to index
      %parallel_loop3A_431 = tpu.vector_load %arg6[%parallel_loop3A_430] {strides = array<i32>} : memref<2560xf32, #tpu.memory_space<vmem>>, vector<16xf32>,
      %parallel_loop3A_432 = vector.shape_cast %parallel_loop3A_431 : vector<16xf32> to vector<16xf32>
      %parallel_loop3A_433 = arith.index_cast %parallel_loop3A_266 : i32 to index
      %parallel_loop3A_434 = arith.constant 240 : index
      %parallel_loop3A_435 = tpu.vector_load %arg11[%parallel_loop3A_433, %parallel_loop3A_434] {strides = array<i32>} : memref<128x256xf32, #tpu.memory_space<vmem>>, vector<1x16xf32>,
      %parallel_loop3A_436 = vector.shape_cast %parallel_loop3A_435 : vector<1x16xf32> to vector<16xf32>
      %parallel_loop3A_437 = vector.shape_cast %parallel_loop3A_432 : vector<16xf32> to vector<1x16xf32>
      tpu.vector_store %arg11[%parallel_loop3A_433, %parallel_loop3A_434], %parallel_loop3A_437 {strides = array<i32>} : memref<128x256xf32, #tpu.memory_space<vmem>>, vector<1x16xf32>,
    } {sc.loop_unroll_factor = 4 : i64, sc.parallel_access}
    %add3A_177 = arith.constant 128 : i32
    %add3A_178 = arith.addi %mul3A_2, %add3A_177 : i32
    %dma_start3A_179 = arith.constant 2 : i32
    %dma_start3A_180 = arith.constant 0 : i32
    %dma_start3A_181 = tpu.memref_slice %arg5[%dma_start3A_179, %add3A_178, %dma_start3A_180] : memref<3x16384x256xf32, #tpu.memory_space<hbm>> -> memref<1x128x256xf32, #tpu.memory_space<hbm>>
    %dma_start3A_182 = tpu.memref_squeeze %dma_start3A_181 : memref<1x128x256xf32, #tpu.memory_space<hbm>> -> memref<128x256xf32, #tpu.memory_space<hbm>>
    %dma_start3A_183 = arith.constant 0 : i32
    %dma_start3A_184 = tpu.memref_slice %arg5[%dma_start3A_179, %add3A_178, %dma_start3A_183] : memref<3x16384x256xf32, #tpu.memory_space<hbm>> -> memref<1x128x256xf32, #tpu.memory_space<hbm>>
    %dma_start3A_185 = tpu.memref_squeeze %dma_start3A_184 : memref<1x128x256xf32, #tpu.memory_space<hbm>> -> memref<128x256xf32, #tpu.memory_space<hbm>>
    tpu.enqueue_dma source(%arg11 : memref<128x256xf32, #tpu.memory_space<vmem>>) target(%dma_start3A_185 : memref<128x256xf32, #tpu.memory_space<hbm>>) target_semaphore(%arg13 : memref<!tpu.dma_semaphore, #tpu.memory_space<semaphore_mem>>)
    %dma_wait3A_186 = arith.constant 2 : i32
    %dma_wait3A_187 = arith.constant 0 : i32
    %dma_wait3A_188 = tpu.memref_slice %arg5[%dma_wait3A_186, %add3A_159, %dma_wait3A_187] : memref<3x16384x256xf32, #tpu.memory_space<hbm>> -> memref<1x128x256xf32, #tpu.memory_space<hbm>>
    %dma_wait3A_189 = tpu.memref_squeeze %dma_wait3A_188 : memref<1x128x256xf32, #tpu.memory_space<hbm>> -> memref<128x256xf32, #tpu.memory_space<hbm>>
    %dma_wait3A_190 = arith.constant 0 : i32
    %dma_wait3A_191 = tpu.memref_slice %arg5[%dma_wait3A_186, %add3A_159, %dma_wait3A_190] : memref<3x16384x256xf32, #tpu.memory_space<hbm>> -> memref<1x128x256xf32, #tpu.memory_space<hbm>>
    %dma_wait3A_192 = tpu.memref_squeeze %dma_wait3A_191 : memref<1x128x256xf32, #tpu.memory_space<hbm>> -> memref<128x256xf32, #tpu.memory_space<hbm>>
    tpu.wait_dma2 semaphore(%arg13 : memref<!tpu.dma_semaphore, #tpu.memory_space<semaphore_mem>>) src(%arg10 : memref<128x256xf32, #tpu.memory_space<vmem>>) dst(%dma_wait3A_192 : memref<128x256xf32, #tpu.memory_space<hbm>>)
    %parallel_loop3A_193 = arith.constant 0 : i32
    %parallel_loop3A_194 = arith.constant 128 : i32
    %parallel_loop3A_195 = arith.constant 1 : i32
    scf.for %parallel_loop3A_266 = %parallel_loop3A_193 to %parallel_loop3A_194 step %parallel_loop3A_195  : i32 {
      %parallel_loop3A_267 = arith.constant 256 : i32
      %parallel_loop3A_268 = arith.addi %parallel_loop3A_267, %parallel_loop3A_266 : i32
      %parallel_loop3A_269 = arith.index_cast %parallel_loop3A_268 : i32 to index
      %parallel_loop3A_270 = tpu.vector_load %arg8[%parallel_loop3A_269] {strides = array<i32>} : memref<528xi32, #tpu.memory_space<vmem>>, vector<16xi32>,
      %parallel_loop3A_271 = vector.shape_cast %parallel_loop3A_270 : vector<16xi32> to vector<16xi32>
      %parallel_loop3A_272 = vector.extract_strided_slice %parallel_loop3A_271 {offsets = [0], sizes = [1], strides = [1]} : vector<16xi32> to vector<1xi32>
      %parallel_loop3A_273 = vector.extract %parallel_loop3A_272[0] : i32 from vector<1xi32>
      %parallel_loop3A_274 = arith.constant 3 : i32
      %parallel_loop3A_275 = arith.addi %parallel_loop3A_274, %parallel_loop3A_273 : i32
      %parallel_loop3A_276 = arith.constant 256 : i32
      %parallel_loop3A_277 = arith.muli %parallel_loop3A_275, %parallel_loop3A_276 : i32
      %parallel_loop3A_278 = arith.constant 0 : i32
      %parallel_loop3A_279 = arith.addi %parallel_loop3A_277, %parallel_loop3A_278 : i32
      %parallel_loop3A_280 = arith.index_cast %parallel_loop3A_279 : i32 to index
      %parallel_loop3A_281 = tpu.vector_load %arg6[%parallel_loop3A_280] {strides = array<i32>} : memref<2560xf32, #tpu.memory_space<vmem>>, vector<16xf32>,
      %parallel_loop3A_282 = vector.shape_cast %parallel_loop3A_281 : vector<16xf32> to vector<16xf32>
      %parallel_loop3A_283 = arith.index_cast %parallel_loop3A_266 : i32 to index
      %parallel_loop3A_284 = arith.constant 0 : index
      %parallel_loop3A_285 = tpu.vector_load %arg10[%parallel_loop3A_283, %parallel_loop3A_284] {strides = array<i32>} : memref<128x256xf32, #tpu.memory_space<vmem>>, vector<1x16xf32>,
      %parallel_loop3A_286 = vector.shape_cast %parallel_loop3A_285 : vector<1x16xf32> to vector<16xf32>
      %parallel_loop3A_287 = vector.shape_cast %parallel_loop3A_282 : vector<16xf32> to vector<1x16xf32>
      tpu.vector_store %arg10[%parallel_loop3A_283, %parallel_loop3A_284], %parallel_loop3A_287 {strides = array<i32>} : memref<128x256xf32, #tpu.memory_space<vmem>>, vector<1x16xf32>,
      %parallel_loop3A_288 = arith.constant 16 : i32
      %parallel_loop3A_289 = arith.addi %parallel_loop3A_277, %parallel_loop3A_288 : i32
      %parallel_loop3A_290 = arith.index_cast %parallel_loop3A_289 : i32 to index
      %parallel_loop3A_291 = tpu.vector_load %arg6[%parallel_loop3A_290] {strides = array<i32>} : memref<2560xf32, #tpu.memory_space<vmem>>, vector<16xf32>,
      %parallel_loop3A_292 = vector.shape_cast %parallel_loop3A_291 : vector<16xf32> to vector<16xf32>
      %parallel_loop3A_293 = arith.index_cast %parallel_loop3A_266 : i32 to index
      %parallel_loop3A_294 = arith.constant 16 : index
      %parallel_loop3A_295 = tpu.vector_load %arg10[%parallel_loop3A_293, %parallel_loop3A_294] {strides = array<i32>} : memref<128x256xf32, #tpu.memory_space<vmem>>, vector<1x16xf32>,
      %parallel_loop3A_296 = vector.shape_cast %parallel_loop3A_295 : vector<1x16xf32> to vector<16xf32>
      %parallel_loop3A_297 = vector.shape_cast %parallel_loop3A_292 : vector<16xf32> to vector<1x16xf32>
      tpu.vector_store %arg10[%parallel_loop3A_293, %parallel_loop3A_294], %parallel_loop3A_297 {strides = array<i32>} : memref<128x256xf32, #tpu.memory_space<vmem>>, vector<1x16xf32>,
      %parallel_loop3A_298 = arith.constant 32 : i32
      %parallel_loop3A_299 = arith.addi %parallel_loop3A_277, %parallel_loop3A_298 : i32
      %parallel_loop3A_300 = arith.index_cast %parallel_loop3A_299 : i32 to index
      %parallel_loop3A_301 = tpu.vector_load %arg6[%parallel_loop3A_300] {strides = array<i32>} : memref<2560xf32, #tpu.memory_space<vmem>>, vector<16xf32>,
      %parallel_loop3A_302 = vector.shape_cast %parallel_loop3A_301 : vector<16xf32> to vector<16xf32>
      %parallel_loop3A_303 = arith.index_cast %parallel_loop3A_266 : i32 to index
      %parallel_loop3A_304 = arith.constant 32 : index
      %parallel_loop3A_305 = tpu.vector_load %arg10[%parallel_loop3A_303, %parallel_loop3A_304] {strides = array<i32>} : memref<128x256xf32, #tpu.memory_space<vmem>>, vector<1x16xf32>,
      %parallel_loop3A_306 = vector.shape_cast %parallel_loop3A_305 : vector<1x16xf32> to vector<16xf32>
      %parallel_loop3A_307 = vector.shape_cast %parallel_loop3A_302 : vector<16xf32> to vector<1x16xf32>
      tpu.vector_store %arg10[%parallel_loop3A_303, %parallel_loop3A_304], %parallel_loop3A_307 {strides = array<i32>} : memref<128x256xf32, #tpu.memory_space<vmem>>, vector<1x16xf32>,
      %parallel_loop3A_308 = arith.constant 48 : i32
      %parallel_loop3A_309 = arith.addi %parallel_loop3A_277, %parallel_loop3A_308 : i32
      %parallel_loop3A_310 = arith.index_cast %parallel_loop3A_309 : i32 to index
      %parallel_loop3A_311 = tpu.vector_load %arg6[%parallel_loop3A_310] {strides = array<i32>} : memref<2560xf32, #tpu.memory_space<vmem>>, vector<16xf32>,
      %parallel_loop3A_312 = vector.shape_cast %parallel_loop3A_311 : vector<16xf32> to vector<16xf32>
      %parallel_loop3A_313 = arith.index_cast %parallel_loop3A_266 : i32 to index
      %parallel_loop3A_314 = arith.constant 48 : index
      %parallel_loop3A_315 = tpu.vector_load %arg10[%parallel_loop3A_313, %parallel_loop3A_314] {strides = array<i32>} : memref<128x256xf32, #tpu.memory_space<vmem>>, vector<1x16xf32>,
      %parallel_loop3A_316 = vector.shape_cast %parallel_loop3A_315 : vector<1x16xf32> to vector<16xf32>
      %parallel_loop3A_317 = vector.shape_cast %parallel_loop3A_312 : vector<16xf32> to vector<1x16xf32>
      tpu.vector_store %arg10[%parallel_loop3A_313, %parallel_loop3A_314], %parallel_loop3A_317 {strides = array<i32>} : memref<128x256xf32, #tpu.memory_space<vmem>>, vector<1x16xf32>,
      %parallel_loop3A_318 = arith.constant 64 : i32
      %parallel_loop3A_319 = arith.addi %parallel_loop3A_277, %parallel_loop3A_318 : i32
      %parallel_loop3A_320 = arith.index_cast %parallel_loop3A_319 : i32 to index
      %parallel_loop3A_321 = tpu.vector_load %arg6[%parallel_loop3A_320] {strides = array<i32>} : memref<2560xf32, #tpu.memory_space<vmem>>, vector<16xf32>,
      %parallel_loop3A_322 = vector.shape_cast %parallel_loop3A_321 : vector<16xf32> to vector<16xf32>
      %parallel_loop3A_323 = arith.index_cast %parallel_loop3A_266 : i32 to index
      %parallel_loop3A_324 = arith.constant 64 : index
      %parallel_loop3A_325 = tpu.vector_load %arg10[%parallel_loop3A_323, %parallel_loop3A_324] {strides = array<i32>} : memref<128x256xf32, #tpu.memory_space<vmem>>, vector<1x16xf32>,
      %parallel_loop3A_326 = vector.shape_cast %parallel_loop3A_325 : vector<1x16xf32> to vector<16xf32>
      %parallel_loop3A_327 = vector.shape_cast %parallel_loop3A_322 : vector<16xf32> to vector<1x16xf32>
      tpu.vector_store %arg10[%parallel_loop3A_323, %parallel_loop3A_324], %parallel_loop3A_327 {strides = array<i32>} : memref<128x256xf32, #tpu.memory_space<vmem>>, vector<1x16xf32>,
      %parallel_loop3A_328 = arith.constant 80 : i32
      %parallel_loop3A_329 = arith.addi %parallel_loop3A_277, %parallel_loop3A_328 : i32
      %parallel_loop3A_330 = arith.index_cast %parallel_loop3A_329 : i32 to index
      %parallel_loop3A_331 = tpu.vector_load %arg6[%parallel_loop3A_330] {strides = array<i32>} : memref<2560xf32, #tpu.memory_space<vmem>>, vector<16xf32>,
      %parallel_loop3A_332 = vector.shape_cast %parallel_loop3A_331 : vector<16xf32> to vector<16xf32>
      %parallel_loop3A_333 = arith.index_cast %parallel_loop3A_266 : i32 to index
      %parallel_loop3A_334 = arith.constant 80 : index
      %parallel_loop3A_335 = tpu.vector_load %arg10[%parallel_loop3A_333, %parallel_loop3A_334] {strides = array<i32>} : memref<128x256xf32, #tpu.memory_space<vmem>>, vector<1x16xf32>,
      %parallel_loop3A_336 = vector.shape_cast %parallel_loop3A_335 : vector<1x16xf32> to vector<16xf32>
      %parallel_loop3A_337 = vector.shape_cast %parallel_loop3A_332 : vector<16xf32> to vector<1x16xf32>
      tpu.vector_store %arg10[%parallel_loop3A_333, %parallel_loop3A_334], %parallel_loop3A_337 {strides = array<i32>} : memref<128x256xf32, #tpu.memory_space<vmem>>, vector<1x16xf32>,
      %parallel_loop3A_338 = arith.constant 96 : i32
      %parallel_loop3A_339 = arith.addi %parallel_loop3A_277, %parallel_loop3A_338 : i32
      %parallel_loop3A_340 = arith.index_cast %parallel_loop3A_339 : i32 to index
      %parallel_loop3A_341 = tpu.vector_load %arg6[%parallel_loop3A_340] {strides = array<i32>} : memref<2560xf32, #tpu.memory_space<vmem>>, vector<16xf32>,
      %parallel_loop3A_342 = vector.shape_cast %parallel_loop3A_341 : vector<16xf32> to vector<16xf32>
      %parallel_loop3A_343 = arith.index_cast %parallel_loop3A_266 : i32 to index
      %parallel_loop3A_344 = arith.constant 96 : index
      %parallel_loop3A_345 = tpu.vector_load %arg10[%parallel_loop3A_343, %parallel_loop3A_344] {strides = array<i32>} : memref<128x256xf32, #tpu.memory_space<vmem>>, vector<1x16xf32>,
      %parallel_loop3A_346 = vector.shape_cast %parallel_loop3A_345 : vector<1x16xf32> to vector<16xf32>
      %parallel_loop3A_347 = vector.shape_cast %parallel_loop3A_342 : vector<16xf32> to vector<1x16xf32>
      tpu.vector_store %arg10[%parallel_loop3A_343, %parallel_loop3A_344], %parallel_loop3A_347 {strides = array<i32>} : memref<128x256xf32, #tpu.memory_space<vmem>>, vector<1x16xf32>,
      %parallel_loop3A_348 = arith.constant 112 : i32
      %parallel_loop3A_349 = arith.addi %parallel_loop3A_277, %parallel_loop3A_348 : i32
      %parallel_loop3A_350 = arith.index_cast %parallel_loop3A_349 : i32 to index
      %parallel_loop3A_351 = tpu.vector_load %arg6[%parallel_loop3A_350] {strides = array<i32>} : memref<2560xf32, #tpu.memory_space<vmem>>, vector<16xf32>,
      %parallel_loop3A_352 = vector.shape_cast %parallel_loop3A_351 : vector<16xf32> to vector<16xf32>
      %parallel_loop3A_353 = arith.index_cast %parallel_loop3A_266 : i32 to index
      %parallel_loop3A_354 = arith.constant 112 : index
      %parallel_loop3A_355 = tpu.vector_load %arg10[%parallel_loop3A_353, %parallel_loop3A_354] {strides = array<i32>} : memref<128x256xf32, #tpu.memory_space<vmem>>, vector<1x16xf32>,
      %parallel_loop3A_356 = vector.shape_cast %parallel_loop3A_355 : vector<1x16xf32> to vector<16xf32>
      %parallel_loop3A_357 = vector.shape_cast %parallel_loop3A_352 : vector<16xf32> to vector<1x16xf32>
      tpu.vector_store %arg10[%parallel_loop3A_353, %parallel_loop3A_354], %parallel_loop3A_357 {strides = array<i32>} : memref<128x256xf32, #tpu.memory_space<vmem>>, vector<1x16xf32>,
      %parallel_loop3A_358 = arith.constant 128 : i32
      %parallel_loop3A_359 = arith.addi %parallel_loop3A_277, %parallel_loop3A_358 : i32
      %parallel_loop3A_360 = arith.index_cast %parallel_loop3A_359 : i32 to index
      %parallel_loop3A_361 = tpu.vector_load %arg6[%parallel_loop3A_360] {strides = array<i32>} : memref<2560xf32, #tpu.memory_space<vmem>>, vector<16xf32>,
      %parallel_loop3A_362 = vector.shape_cast %parallel_loop3A_361 : vector<16xf32> to vector<16xf32>
      %parallel_loop3A_363 = arith.index_cast %parallel_loop3A_266 : i32 to index
      %parallel_loop3A_364 = arith.constant 128 : index
      %parallel_loop3A_365 = tpu.vector_load %arg10[%parallel_loop3A_363, %parallel_loop3A_364] {strides = array<i32>} : memref<128x256xf32, #tpu.memory_space<vmem>>, vector<1x16xf32>,
      %parallel_loop3A_366 = vector.shape_cast %parallel_loop3A_365 : vector<1x16xf32> to vector<16xf32>
      %parallel_loop3A_367 = vector.shape_cast %parallel_loop3A_362 : vector<16xf32> to vector<1x16xf32>
      tpu.vector_store %arg10[%parallel_loop3A_363, %parallel_loop3A_364], %parallel_loop3A_367 {strides = array<i32>} : memref<128x256xf32, #tpu.memory_space<vmem>>, vector<1x16xf32>,
      %parallel_loop3A_368 = arith.constant 144 : i32
      %parallel_loop3A_369 = arith.addi %parallel_loop3A_277, %parallel_loop3A_368 : i32
      %parallel_loop3A_370 = arith.index_cast %parallel_loop3A_369 : i32 to index
      %parallel_loop3A_371 = tpu.vector_load %arg6[%parallel_loop3A_370] {strides = array<i32>} : memref<2560xf32, #tpu.memory_space<vmem>>, vector<16xf32>,
      %parallel_loop3A_372 = vector.shape_cast %parallel_loop3A_371 : vector<16xf32> to vector<16xf32>
      %parallel_loop3A_373 = arith.index_cast %parallel_loop3A_266 : i32 to index
      %parallel_loop3A_374 = arith.constant 144 : index
      %parallel_loop3A_375 = tpu.vector_load %arg10[%parallel_loop3A_373, %parallel_loop3A_374] {strides = array<i32>} : memref<128x256xf32, #tpu.memory_space<vmem>>, vector<1x16xf32>,
      %parallel_loop3A_376 = vector.shape_cast %parallel_loop3A_375 : vector<1x16xf32> to vector<16xf32>
      %parallel_loop3A_377 = vector.shape_cast %parallel_loop3A_372 : vector<16xf32> to vector<1x16xf32>
      tpu.vector_store %arg10[%parallel_loop3A_373, %parallel_loop3A_374], %parallel_loop3A_377 {strides = array<i32>} : memref<128x256xf32, #tpu.memory_space<vmem>>, vector<1x16xf32>,
      %parallel_loop3A_378 = arith.constant 160 : i32
      %parallel_loop3A_379 = arith.addi %parallel_loop3A_277, %parallel_loop3A_378 : i32
      %parallel_loop3A_380 = arith.index_cast %parallel_loop3A_379 : i32 to index
      %parallel_loop3A_381 = tpu.vector_load %arg6[%parallel_loop3A_380] {strides = array<i32>} : memref<2560xf32, #tpu.memory_space<vmem>>, vector<16xf32>,
      %parallel_loop3A_382 = vector.shape_cast %parallel_loop3A_381 : vector<16xf32> to vector<16xf32>
      %parallel_loop3A_383 = arith.index_cast %parallel_loop3A_266 : i32 to index
      %parallel_loop3A_384 = arith.constant 160 : index
      %parallel_loop3A_385 = tpu.vector_load %arg10[%parallel_loop3A_383, %parallel_loop3A_384] {strides = array<i32>} : memref<128x256xf32, #tpu.memory_space<vmem>>, vector<1x16xf32>,
      %parallel_loop3A_386 = vector.shape_cast %parallel_loop3A_385 : vector<1x16xf32> to vector<16xf32>
      %parallel_loop3A_387 = vector.shape_cast %parallel_loop3A_382 : vector<16xf32> to vector<1x16xf32>
      tpu.vector_store %arg10[%parallel_loop3A_383, %parallel_loop3A_384], %parallel_loop3A_387 {strides = array<i32>} : memref<128x256xf32, #tpu.memory_space<vmem>>, vector<1x16xf32>,
      %parallel_loop3A_388 = arith.constant 176 : i32
      %parallel_loop3A_389 = arith.addi %parallel_loop3A_277, %parallel_loop3A_388 : i32
      %parallel_loop3A_390 = arith.index_cast %parallel_loop3A_389 : i32 to index
      %parallel_loop3A_391 = tpu.vector_load %arg6[%parallel_loop3A_390] {strides = array<i32>} : memref<2560xf32, #tpu.memory_space<vmem>>, vector<16xf32>,
      %parallel_loop3A_392 = vector.shape_cast %parallel_loop3A_391 : vector<16xf32> to vector<16xf32>
      %parallel_loop3A_393 = arith.index_cast %parallel_loop3A_266 : i32 to index
      %parallel_loop3A_394 = arith.constant 176 : index
      %parallel_loop3A_395 = tpu.vector_load %arg10[%parallel_loop3A_393, %parallel_loop3A_394] {strides = array<i32>} : memref<128x256xf32, #tpu.memory_space<vmem>>, vector<1x16xf32>,
      %parallel_loop3A_396 = vector.shape_cast %parallel_loop3A_395 : vector<1x16xf32> to vector<16xf32>
      %parallel_loop3A_397 = vector.shape_cast %parallel_loop3A_392 : vector<16xf32> to vector<1x16xf32>
      tpu.vector_store %arg10[%parallel_loop3A_393, %parallel_loop3A_394], %parallel_loop3A_397 {strides = array<i32>} : memref<128x256xf32, #tpu.memory_space<vmem>>, vector<1x16xf32>,
      %parallel_loop3A_398 = arith.constant 192 : i32
      %parallel_loop3A_399 = arith.addi %parallel_loop3A_277, %parallel_loop3A_398 : i32
      %parallel_loop3A_400 = arith.index_cast %parallel_loop3A_399 : i32 to index
      %parallel_loop3A_401 = tpu.vector_load %arg6[%parallel_loop3A_400] {strides = array<i32>} : memref<2560xf32, #tpu.memory_space<vmem>>, vector<16xf32>,
      %parallel_loop3A_402 = vector.shape_cast %parallel_loop3A_401 : vector<16xf32> to vector<16xf32>
      %parallel_loop3A_403 = arith.index_cast %parallel_loop3A_266 : i32 to index
      %parallel_loop3A_404 = arith.constant 192 : index
      %parallel_loop3A_405 = tpu.vector_load %arg10[%parallel_loop3A_403, %parallel_loop3A_404] {strides = array<i32>} : memref<128x256xf32, #tpu.memory_space<vmem>>, vector<1x16xf32>,
      %parallel_loop3A_406 = vector.shape_cast %parallel_loop3A_405 : vector<1x16xf32> to vector<16xf32>
      %parallel_loop3A_407 = vector.shape_cast %parallel_loop3A_402 : vector<16xf32> to vector<1x16xf32>
      tpu.vector_store %arg10[%parallel_loop3A_403, %parallel_loop3A_404], %parallel_loop3A_407 {strides = array<i32>} : memref<128x256xf32, #tpu.memory_space<vmem>>, vector<1x16xf32>,
      %parallel_loop3A_408 = arith.constant 208 : i32
      %parallel_loop3A_409 = arith.addi %parallel_loop3A_277, %parallel_loop3A_408 : i32
      %parallel_loop3A_410 = arith.index_cast %parallel_loop3A_409 : i32 to index
      %parallel_loop3A_411 = tpu.vector_load %arg6[%parallel_loop3A_410] {strides = array<i32>} : memref<2560xf32, #tpu.memory_space<vmem>>, vector<16xf32>,
      %parallel_loop3A_412 = vector.shape_cast %parallel_loop3A_411 : vector<16xf32> to vector<16xf32>
      %parallel_loop3A_413 = arith.index_cast %parallel_loop3A_266 : i32 to index
      %parallel_loop3A_414 = arith.constant 208 : index
      %parallel_loop3A_415 = tpu.vector_load %arg10[%parallel_loop3A_413, %parallel_loop3A_414] {strides = array<i32>} : memref<128x256xf32, #tpu.memory_space<vmem>>, vector<1x16xf32>,
      %parallel_loop3A_416 = vector.shape_cast %parallel_loop3A_415 : vector<1x16xf32> to vector<16xf32>
      %parallel_loop3A_417 = vector.shape_cast %parallel_loop3A_412 : vector<16xf32> to vector<1x16xf32>
      tpu.vector_store %arg10[%parallel_loop3A_413, %parallel_loop3A_414], %parallel_loop3A_417 {strides = array<i32>} : memref<128x256xf32, #tpu.memory_space<vmem>>, vector<1x16xf32>,
      %parallel_loop3A_418 = arith.constant 224 : i32
      %parallel_loop3A_419 = arith.addi %parallel_loop3A_277, %parallel_loop3A_418 : i32
      %parallel_loop3A_420 = arith.index_cast %parallel_loop3A_419 : i32 to index
      %parallel_loop3A_421 = tpu.vector_load %arg6[%parallel_loop3A_420] {strides = array<i32>} : memref<2560xf32, #tpu.memory_space<vmem>>, vector<16xf32>,
      %parallel_loop3A_422 = vector.shape_cast %parallel_loop3A_421 : vector<16xf32> to vector<16xf32>
      %parallel_loop3A_423 = arith.index_cast %parallel_loop3A_266 : i32 to index
      %parallel_loop3A_424 = arith.constant 224 : index
      %parallel_loop3A_425 = tpu.vector_load %arg10[%parallel_loop3A_423, %parallel_loop3A_424] {strides = array<i32>} : memref<128x256xf32, #tpu.memory_space<vmem>>, vector<1x16xf32>,
      %parallel_loop3A_426 = vector.shape_cast %parallel_loop3A_425 : vector<1x16xf32> to vector<16xf32>
      %parallel_loop3A_427 = vector.shape_cast %parallel_loop3A_422 : vector<16xf32> to vector<1x16xf32>
      tpu.vector_store %arg10[%parallel_loop3A_423, %parallel_loop3A_424], %parallel_loop3A_427 {strides = array<i32>} : memref<128x256xf32, #tpu.memory_space<vmem>>, vector<1x16xf32>,
      %parallel_loop3A_428 = arith.constant 240 : i32
      %parallel_loop3A_429 = arith.addi %parallel_loop3A_277, %parallel_loop3A_428 : i32
      %parallel_loop3A_430 = arith.index_cast %parallel_loop3A_429 : i32 to index
      %parallel_loop3A_431 = tpu.vector_load %arg6[%parallel_loop3A_430] {strides = array<i32>} : memref<2560xf32, #tpu.memory_space<vmem>>, vector<16xf32>,
      %parallel_loop3A_432 = vector.shape_cast %parallel_loop3A_431 : vector<16xf32> to vector<16xf32>
      %parallel_loop3A_433 = arith.index_cast %parallel_loop3A_266 : i32 to index
      %parallel_loop3A_434 = arith.constant 240 : index
      %parallel_loop3A_435 = tpu.vector_load %arg10[%parallel_loop3A_433, %parallel_loop3A_434] {strides = array<i32>} : memref<128x256xf32, #tpu.memory_space<vmem>>, vector<1x16xf32>,
      %parallel_loop3A_436 = vector.shape_cast %parallel_loop3A_435 : vector<1x16xf32> to vector<16xf32>
      %parallel_loop3A_437 = vector.shape_cast %parallel_loop3A_432 : vector<16xf32> to vector<1x16xf32>
      tpu.vector_store %arg10[%parallel_loop3A_433, %parallel_loop3A_434], %parallel_loop3A_437 {strides = array<i32>} : memref<128x256xf32, #tpu.memory_space<vmem>>, vector<1x16xf32>,
    } {sc.loop_unroll_factor = 4 : i64, sc.parallel_access}
    %add3A_196 = arith.constant 256 : i32
    %add3A_197 = arith.addi %mul3A_2, %add3A_196 : i32
    %dma_start3A_198 = arith.constant 2 : i32
    %dma_start3A_199 = arith.constant 0 : i32
    %dma_start3A_200 = tpu.memref_slice %arg5[%dma_start3A_198, %add3A_197, %dma_start3A_199] : memref<3x16384x256xf32, #tpu.memory_space<hbm>> -> memref<1x128x256xf32, #tpu.memory_space<hbm>>
    %dma_start3A_201 = tpu.memref_squeeze %dma_start3A_200 : memref<1x128x256xf32, #tpu.memory_space<hbm>> -> memref<128x256xf32, #tpu.memory_space<hbm>>
    %dma_start3A_202 = arith.constant 0 : i32
    %dma_start3A_203 = tpu.memref_slice %arg5[%dma_start3A_198, %add3A_197, %dma_start3A_202] : memref<3x16384x256xf32, #tpu.memory_space<hbm>> -> memref<1x128x256xf32, #tpu.memory_space<hbm>>
    %dma_start3A_204 = tpu.memref_squeeze %dma_start3A_203 : memref<1x128x256xf32, #tpu.memory_space<hbm>> -> memref<128x256xf32, #tpu.memory_space<hbm>>
    tpu.enqueue_dma source(%arg10 : memref<128x256xf32, #tpu.memory_space<vmem>>) target(%dma_start3A_204 : memref<128x256xf32, #tpu.memory_space<hbm>>) target_semaphore(%arg13 : memref<!tpu.dma_semaphore, #tpu.memory_space<semaphore_mem>>)
    %dma_wait3A_205 = arith.constant 2 : i32
    %dma_wait3A_206 = arith.constant 0 : i32
    %dma_wait3A_207 = tpu.memref_slice %arg5[%dma_wait3A_205, %add3A_178, %dma_wait3A_206] : memref<3x16384x256xf32, #tpu.memory_space<hbm>> -> memref<1x128x256xf32, #tpu.memory_space<hbm>>
    %dma_wait3A_208 = tpu.memref_squeeze %dma_wait3A_207 : memref<1x128x256xf32, #tpu.memory_space<hbm>> -> memref<128x256xf32, #tpu.memory_space<hbm>>
    %dma_wait3A_209 = arith.constant 0 : i32
    %dma_wait3A_210 = tpu.memref_slice %arg5[%dma_wait3A_205, %add3A_178, %dma_wait3A_209] : memref<3x16384x256xf32, #tpu.memory_space<hbm>> -> memref<1x128x256xf32, #tpu.memory_space<hbm>>
    %dma_wait3A_211 = tpu.memref_squeeze %dma_wait3A_210 : memref<1x128x256xf32, #tpu.memory_space<hbm>> -> memref<128x256xf32, #tpu.memory_space<hbm>>
    tpu.wait_dma2 semaphore(%arg13 : memref<!tpu.dma_semaphore, #tpu.memory_space<semaphore_mem>>) src(%arg11 : memref<128x256xf32, #tpu.memory_space<vmem>>) dst(%dma_wait3A_211 : memref<128x256xf32, #tpu.memory_space<hbm>>)
    %parallel_loop3A_212 = arith.constant 0 : i32
    %parallel_loop3A_213 = arith.constant 128 : i32
    %parallel_loop3A_214 = arith.constant 1 : i32
    scf.for %parallel_loop3A_266 = %parallel_loop3A_212 to %parallel_loop3A_213 step %parallel_loop3A_214  : i32 {
      %parallel_loop3A_267 = arith.constant 384 : i32
      %parallel_loop3A_268 = arith.addi %parallel_loop3A_267, %parallel_loop3A_266 : i32
      %parallel_loop3A_269 = arith.index_cast %parallel_loop3A_268 : i32 to index
      %parallel_loop3A_270 = tpu.vector_load %arg8[%parallel_loop3A_269] {strides = array<i32>} : memref<528xi32, #tpu.memory_space<vmem>>, vector<16xi32>,
      %parallel_loop3A_271 = vector.shape_cast %parallel_loop3A_270 : vector<16xi32> to vector<16xi32>
      %parallel_loop3A_272 = vector.extract_strided_slice %parallel_loop3A_271 {offsets = [0], sizes = [1], strides = [1]} : vector<16xi32> to vector<1xi32>
      %parallel_loop3A_273 = vector.extract %parallel_loop3A_272[0] : i32 from vector<1xi32>
      %parallel_loop3A_274 = arith.constant 3 : i32
      %parallel_loop3A_275 = arith.addi %parallel_loop3A_274, %parallel_loop3A_273 : i32
      %parallel_loop3A_276 = arith.constant 256 : i32
      %parallel_loop3A_277 = arith.muli %parallel_loop3A_275, %parallel_loop3A_276 : i32
      %parallel_loop3A_278 = arith.constant 0 : i32
      %parallel_loop3A_279 = arith.addi %parallel_loop3A_277, %parallel_loop3A_278 : i32
      %parallel_loop3A_280 = arith.index_cast %parallel_loop3A_279 : i32 to index
      %parallel_loop3A_281 = tpu.vector_load %arg6[%parallel_loop3A_280] {strides = array<i32>} : memref<2560xf32, #tpu.memory_space<vmem>>, vector<16xf32>,
      %parallel_loop3A_282 = vector.shape_cast %parallel_loop3A_281 : vector<16xf32> to vector<16xf32>
      %parallel_loop3A_283 = arith.index_cast %parallel_loop3A_266 : i32 to index
      %parallel_loop3A_284 = arith.constant 0 : index
      %parallel_loop3A_285 = tpu.vector_load %arg11[%parallel_loop3A_283, %parallel_loop3A_284] {strides = array<i32>} : memref<128x256xf32, #tpu.memory_space<vmem>>, vector<1x16xf32>,
      %parallel_loop3A_286 = vector.shape_cast %parallel_loop3A_285 : vector<1x16xf32> to vector<16xf32>
      %parallel_loop3A_287 = vector.shape_cast %parallel_loop3A_282 : vector<16xf32> to vector<1x16xf32>
      tpu.vector_store %arg11[%parallel_loop3A_283, %parallel_loop3A_284], %parallel_loop3A_287 {strides = array<i32>} : memref<128x256xf32, #tpu.memory_space<vmem>>, vector<1x16xf32>,
      %parallel_loop3A_288 = arith.constant 16 : i32
      %parallel_loop3A_289 = arith.addi %parallel_loop3A_277, %parallel_loop3A_288 : i32
      %parallel_loop3A_290 = arith.index_cast %parallel_loop3A_289 : i32 to index
      %parallel_loop3A_291 = tpu.vector_load %arg6[%parallel_loop3A_290] {strides = array<i32>} : memref<2560xf32, #tpu.memory_space<vmem>>, vector<16xf32>,
      %parallel_loop3A_292 = vector.shape_cast %parallel_loop3A_291 : vector<16xf32> to vector<16xf32>
      %parallel_loop3A_293 = arith.index_cast %parallel_loop3A_266 : i32 to index
      %parallel_loop3A_294 = arith.constant 16 : index
      %parallel_loop3A_295 = tpu.vector_load %arg11[%parallel_loop3A_293, %parallel_loop3A_294] {strides = array<i32>} : memref<128x256xf32, #tpu.memory_space<vmem>>, vector<1x16xf32>,
      %parallel_loop3A_296 = vector.shape_cast %parallel_loop3A_295 : vector<1x16xf32> to vector<16xf32>
      %parallel_loop3A_297 = vector.shape_cast %parallel_loop3A_292 : vector<16xf32> to vector<1x16xf32>
      tpu.vector_store %arg11[%parallel_loop3A_293, %parallel_loop3A_294], %parallel_loop3A_297 {strides = array<i32>} : memref<128x256xf32, #tpu.memory_space<vmem>>, vector<1x16xf32>,
      %parallel_loop3A_298 = arith.constant 32 : i32
      %parallel_loop3A_299 = arith.addi %parallel_loop3A_277, %parallel_loop3A_298 : i32
      %parallel_loop3A_300 = arith.index_cast %parallel_loop3A_299 : i32 to index
      %parallel_loop3A_301 = tpu.vector_load %arg6[%parallel_loop3A_300] {strides = array<i32>} : memref<2560xf32, #tpu.memory_space<vmem>>, vector<16xf32>,
      %parallel_loop3A_302 = vector.shape_cast %parallel_loop3A_301 : vector<16xf32> to vector<16xf32>
      %parallel_loop3A_303 = arith.index_cast %parallel_loop3A_266 : i32 to index
      %parallel_loop3A_304 = arith.constant 32 : index
      %parallel_loop3A_305 = tpu.vector_load %arg11[%parallel_loop3A_303, %parallel_loop3A_304] {strides = array<i32>} : memref<128x256xf32, #tpu.memory_space<vmem>>, vector<1x16xf32>,
      %parallel_loop3A_306 = vector.shape_cast %parallel_loop3A_305 : vector<1x16xf32> to vector<16xf32>
      %parallel_loop3A_307 = vector.shape_cast %parallel_loop3A_302 : vector<16xf32> to vector<1x16xf32>
      tpu.vector_store %arg11[%parallel_loop3A_303, %parallel_loop3A_304], %parallel_loop3A_307 {strides = array<i32>} : memref<128x256xf32, #tpu.memory_space<vmem>>, vector<1x16xf32>,
      %parallel_loop3A_308 = arith.constant 48 : i32
      %parallel_loop3A_309 = arith.addi %parallel_loop3A_277, %parallel_loop3A_308 : i32
      %parallel_loop3A_310 = arith.index_cast %parallel_loop3A_309 : i32 to index
      %parallel_loop3A_311 = tpu.vector_load %arg6[%parallel_loop3A_310] {strides = array<i32>} : memref<2560xf32, #tpu.memory_space<vmem>>, vector<16xf32>,
      %parallel_loop3A_312 = vector.shape_cast %parallel_loop3A_311 : vector<16xf32> to vector<16xf32>
      %parallel_loop3A_313 = arith.index_cast %parallel_loop3A_266 : i32 to index
      %parallel_loop3A_314 = arith.constant 48 : index
      %parallel_loop3A_315 = tpu.vector_load %arg11[%parallel_loop3A_313, %parallel_loop3A_314] {strides = array<i32>} : memref<128x256xf32, #tpu.memory_space<vmem>>, vector<1x16xf32>,
      %parallel_loop3A_316 = vector.shape_cast %parallel_loop3A_315 : vector<1x16xf32> to vector<16xf32>
      %parallel_loop3A_317 = vector.shape_cast %parallel_loop3A_312 : vector<16xf32> to vector<1x16xf32>
      tpu.vector_store %arg11[%parallel_loop3A_313, %parallel_loop3A_314], %parallel_loop3A_317 {strides = array<i32>} : memref<128x256xf32, #tpu.memory_space<vmem>>, vector<1x16xf32>,
      %parallel_loop3A_318 = arith.constant 64 : i32
      %parallel_loop3A_319 = arith.addi %parallel_loop3A_277, %parallel_loop3A_318 : i32
      %parallel_loop3A_320 = arith.index_cast %parallel_loop3A_319 : i32 to index
      %parallel_loop3A_321 = tpu.vector_load %arg6[%parallel_loop3A_320] {strides = array<i32>} : memref<2560xf32, #tpu.memory_space<vmem>>, vector<16xf32>,
      %parallel_loop3A_322 = vector.shape_cast %parallel_loop3A_321 : vector<16xf32> to vector<16xf32>
      %parallel_loop3A_323 = arith.index_cast %parallel_loop3A_266 : i32 to index
      %parallel_loop3A_324 = arith.constant 64 : index
      %parallel_loop3A_325 = tpu.vector_load %arg11[%parallel_loop3A_323, %parallel_loop3A_324] {strides = array<i32>} : memref<128x256xf32, #tpu.memory_space<vmem>>, vector<1x16xf32>,
      %parallel_loop3A_326 = vector.shape_cast %parallel_loop3A_325 : vector<1x16xf32> to vector<16xf32>
      %parallel_loop3A_327 = vector.shape_cast %parallel_loop3A_322 : vector<16xf32> to vector<1x16xf32>
      tpu.vector_store %arg11[%parallel_loop3A_323, %parallel_loop3A_324], %parallel_loop3A_327 {strides = array<i32>} : memref<128x256xf32, #tpu.memory_space<vmem>>, vector<1x16xf32>,
      %parallel_loop3A_328 = arith.constant 80 : i32
      %parallel_loop3A_329 = arith.addi %parallel_loop3A_277, %parallel_loop3A_328 : i32
      %parallel_loop3A_330 = arith.index_cast %parallel_loop3A_329 : i32 to index
      %parallel_loop3A_331 = tpu.vector_load %arg6[%parallel_loop3A_330] {strides = array<i32>} : memref<2560xf32, #tpu.memory_space<vmem>>, vector<16xf32>,
      %parallel_loop3A_332 = vector.shape_cast %parallel_loop3A_331 : vector<16xf32> to vector<16xf32>
      %parallel_loop3A_333 = arith.index_cast %parallel_loop3A_266 : i32 to index
      %parallel_loop3A_334 = arith.constant 80 : index
      %parallel_loop3A_335 = tpu.vector_load %arg11[%parallel_loop3A_333, %parallel_loop3A_334] {strides = array<i32>} : memref<128x256xf32, #tpu.memory_space<vmem>>, vector<1x16xf32>,
      %parallel_loop3A_336 = vector.shape_cast %parallel_loop3A_335 : vector<1x16xf32> to vector<16xf32>
      %parallel_loop3A_337 = vector.shape_cast %parallel_loop3A_332 : vector<16xf32> to vector<1x16xf32>
      tpu.vector_store %arg11[%parallel_loop3A_333, %parallel_loop3A_334], %parallel_loop3A_337 {strides = array<i32>} : memref<128x256xf32, #tpu.memory_space<vmem>>, vector<1x16xf32>,
      %parallel_loop3A_338 = arith.constant 96 : i32
      %parallel_loop3A_339 = arith.addi %parallel_loop3A_277, %parallel_loop3A_338 : i32
      %parallel_loop3A_340 = arith.index_cast %parallel_loop3A_339 : i32 to index
      %parallel_loop3A_341 = tpu.vector_load %arg6[%parallel_loop3A_340] {strides = array<i32>} : memref<2560xf32, #tpu.memory_space<vmem>>, vector<16xf32>,
      %parallel_loop3A_342 = vector.shape_cast %parallel_loop3A_341 : vector<16xf32> to vector<16xf32>
      %parallel_loop3A_343 = arith.index_cast %parallel_loop3A_266 : i32 to index
      %parallel_loop3A_344 = arith.constant 96 : index
      %parallel_loop3A_345 = tpu.vector_load %arg11[%parallel_loop3A_343, %parallel_loop3A_344] {strides = array<i32>} : memref<128x256xf32, #tpu.memory_space<vmem>>, vector<1x16xf32>,
      %parallel_loop3A_346 = vector.shape_cast %parallel_loop3A_345 : vector<1x16xf32> to vector<16xf32>
      %parallel_loop3A_347 = vector.shape_cast %parallel_loop3A_342 : vector<16xf32> to vector<1x16xf32>
      tpu.vector_store %arg11[%parallel_loop3A_343, %parallel_loop3A_344], %parallel_loop3A_347 {strides = array<i32>} : memref<128x256xf32, #tpu.memory_space<vmem>>, vector<1x16xf32>,
      %parallel_loop3A_348 = arith.constant 112 : i32
      %parallel_loop3A_349 = arith.addi %parallel_loop3A_277, %parallel_loop3A_348 : i32
      %parallel_loop3A_350 = arith.index_cast %parallel_loop3A_349 : i32 to index
      %parallel_loop3A_351 = tpu.vector_load %arg6[%parallel_loop3A_350] {strides = array<i32>} : memref<2560xf32, #tpu.memory_space<vmem>>, vector<16xf32>,
      %parallel_loop3A_352 = vector.shape_cast %parallel_loop3A_351 : vector<16xf32> to vector<16xf32>
      %parallel_loop3A_353 = arith.index_cast %parallel_loop3A_266 : i32 to index
      %parallel_loop3A_354 = arith.constant 112 : index
      %parallel_loop3A_355 = tpu.vector_load %arg11[%parallel_loop3A_353, %parallel_loop3A_354] {strides = array<i32>} : memref<128x256xf32, #tpu.memory_space<vmem>>, vector<1x16xf32>,
      %parallel_loop3A_356 = vector.shape_cast %parallel_loop3A_355 : vector<1x16xf32> to vector<16xf32>
      %parallel_loop3A_357 = vector.shape_cast %parallel_loop3A_352 : vector<16xf32> to vector<1x16xf32>
      tpu.vector_store %arg11[%parallel_loop3A_353, %parallel_loop3A_354], %parallel_loop3A_357 {strides = array<i32>} : memref<128x256xf32, #tpu.memory_space<vmem>>, vector<1x16xf32>,
      %parallel_loop3A_358 = arith.constant 128 : i32
      %parallel_loop3A_359 = arith.addi %parallel_loop3A_277, %parallel_loop3A_358 : i32
      %parallel_loop3A_360 = arith.index_cast %parallel_loop3A_359 : i32 to index
      %parallel_loop3A_361 = tpu.vector_load %arg6[%parallel_loop3A_360] {strides = array<i32>} : memref<2560xf32, #tpu.memory_space<vmem>>, vector<16xf32>,
      %parallel_loop3A_362 = vector.shape_cast %parallel_loop3A_361 : vector<16xf32> to vector<16xf32>
      %parallel_loop3A_363 = arith.index_cast %parallel_loop3A_266 : i32 to index
      %parallel_loop3A_364 = arith.constant 128 : index
      %parallel_loop3A_365 = tpu.vector_load %arg11[%parallel_loop3A_363, %parallel_loop3A_364] {strides = array<i32>} : memref<128x256xf32, #tpu.memory_space<vmem>>, vector<1x16xf32>,
      %parallel_loop3A_366 = vector.shape_cast %parallel_loop3A_365 : vector<1x16xf32> to vector<16xf32>
      %parallel_loop3A_367 = vector.shape_cast %parallel_loop3A_362 : vector<16xf32> to vector<1x16xf32>
      tpu.vector_store %arg11[%parallel_loop3A_363, %parallel_loop3A_364], %parallel_loop3A_367 {strides = array<i32>} : memref<128x256xf32, #tpu.memory_space<vmem>>, vector<1x16xf32>,
      %parallel_loop3A_368 = arith.constant 144 : i32
      %parallel_loop3A_369 = arith.addi %parallel_loop3A_277, %parallel_loop3A_368 : i32
      %parallel_loop3A_370 = arith.index_cast %parallel_loop3A_369 : i32 to index
      %parallel_loop3A_371 = tpu.vector_load %arg6[%parallel_loop3A_370] {strides = array<i32>} : memref<2560xf32, #tpu.memory_space<vmem>>, vector<16xf32>,
      %parallel_loop3A_372 = vector.shape_cast %parallel_loop3A_371 : vector<16xf32> to vector<16xf32>
      %parallel_loop3A_373 = arith.index_cast %parallel_loop3A_266 : i32 to index
      %parallel_loop3A_374 = arith.constant 144 : index
      %parallel_loop3A_375 = tpu.vector_load %arg11[%parallel_loop3A_373, %parallel_loop3A_374] {strides = array<i32>} : memref<128x256xf32, #tpu.memory_space<vmem>>, vector<1x16xf32>,
      %parallel_loop3A_376 = vector.shape_cast %parallel_loop3A_375 : vector<1x16xf32> to vector<16xf32>
      %parallel_loop3A_377 = vector.shape_cast %parallel_loop3A_372 : vector<16xf32> to vector<1x16xf32>
      tpu.vector_store %arg11[%parallel_loop3A_373, %parallel_loop3A_374], %parallel_loop3A_377 {strides = array<i32>} : memref<128x256xf32, #tpu.memory_space<vmem>>, vector<1x16xf32>,
      %parallel_loop3A_378 = arith.constant 160 : i32
      %parallel_loop3A_379 = arith.addi %parallel_loop3A_277, %parallel_loop3A_378 : i32
      %parallel_loop3A_380 = arith.index_cast %parallel_loop3A_379 : i32 to index
      %parallel_loop3A_381 = tpu.vector_load %arg6[%parallel_loop3A_380] {strides = array<i32>} : memref<2560xf32, #tpu.memory_space<vmem>>, vector<16xf32>,
      %parallel_loop3A_382 = vector.shape_cast %parallel_loop3A_381 : vector<16xf32> to vector<16xf32>
      %parallel_loop3A_383 = arith.index_cast %parallel_loop3A_266 : i32 to index
      %parallel_loop3A_384 = arith.constant 160 : index
      %parallel_loop3A_385 = tpu.vector_load %arg11[%parallel_loop3A_383, %parallel_loop3A_384] {strides = array<i32>} : memref<128x256xf32, #tpu.memory_space<vmem>>, vector<1x16xf32>,
      %parallel_loop3A_386 = vector.shape_cast %parallel_loop3A_385 : vector<1x16xf32> to vector<16xf32>
      %parallel_loop3A_387 = vector.shape_cast %parallel_loop3A_382 : vector<16xf32> to vector<1x16xf32>
      tpu.vector_store %arg11[%parallel_loop3A_383, %parallel_loop3A_384], %parallel_loop3A_387 {strides = array<i32>} : memref<128x256xf32, #tpu.memory_space<vmem>>, vector<1x16xf32>,
      %parallel_loop3A_388 = arith.constant 176 : i32
      %parallel_loop3A_389 = arith.addi %parallel_loop3A_277, %parallel_loop3A_388 : i32
      %parallel_loop3A_390 = arith.index_cast %parallel_loop3A_389 : i32 to index
      %parallel_loop3A_391 = tpu.vector_load %arg6[%parallel_loop3A_390] {strides = array<i32>} : memref<2560xf32, #tpu.memory_space<vmem>>, vector<16xf32>,
      %parallel_loop3A_392 = vector.shape_cast %parallel_loop3A_391 : vector<16xf32> to vector<16xf32>
      %parallel_loop3A_393 = arith.index_cast %parallel_loop3A_266 : i32 to index
      %parallel_loop3A_394 = arith.constant 176 : index
      %parallel_loop3A_395 = tpu.vector_load %arg11[%parallel_loop3A_393, %parallel_loop3A_394] {strides = array<i32>} : memref<128x256xf32, #tpu.memory_space<vmem>>, vector<1x16xf32>,
      %parallel_loop3A_396 = vector.shape_cast %parallel_loop3A_395 : vector<1x16xf32> to vector<16xf32>
      %parallel_loop3A_397 = vector.shape_cast %parallel_loop3A_392 : vector<16xf32> to vector<1x16xf32>
      tpu.vector_store %arg11[%parallel_loop3A_393, %parallel_loop3A_394], %parallel_loop3A_397 {strides = array<i32>} : memref<128x256xf32, #tpu.memory_space<vmem>>, vector<1x16xf32>,
      %parallel_loop3A_398 = arith.constant 192 : i32
      %parallel_loop3A_399 = arith.addi %parallel_loop3A_277, %parallel_loop3A_398 : i32
      %parallel_loop3A_400 = arith.index_cast %parallel_loop3A_399 : i32 to index
      %parallel_loop3A_401 = tpu.vector_load %arg6[%parallel_loop3A_400] {strides = array<i32>} : memref<2560xf32, #tpu.memory_space<vmem>>, vector<16xf32>,
      %parallel_loop3A_402 = vector.shape_cast %parallel_loop3A_401 : vector<16xf32> to vector<16xf32>
      %parallel_loop3A_403 = arith.index_cast %parallel_loop3A_266 : i32 to index
      %parallel_loop3A_404 = arith.constant 192 : index
      %parallel_loop3A_405 = tpu.vector_load %arg11[%parallel_loop3A_403, %parallel_loop3A_404] {strides = array<i32>} : memref<128x256xf32, #tpu.memory_space<vmem>>, vector<1x16xf32>,
      %parallel_loop3A_406 = vector.shape_cast %parallel_loop3A_405 : vector<1x16xf32> to vector<16xf32>
      %parallel_loop3A_407 = vector.shape_cast %parallel_loop3A_402 : vector<16xf32> to vector<1x16xf32>
      tpu.vector_store %arg11[%parallel_loop3A_403, %parallel_loop3A_404], %parallel_loop3A_407 {strides = array<i32>} : memref<128x256xf32, #tpu.memory_space<vmem>>, vector<1x16xf32>,
      %parallel_loop3A_408 = arith.constant 208 : i32
      %parallel_loop3A_409 = arith.addi %parallel_loop3A_277, %parallel_loop3A_408 : i32
      %parallel_loop3A_410 = arith.index_cast %parallel_loop3A_409 : i32 to index
      %parallel_loop3A_411 = tpu.vector_load %arg6[%parallel_loop3A_410] {strides = array<i32>} : memref<2560xf32, #tpu.memory_space<vmem>>, vector<16xf32>,
      %parallel_loop3A_412 = vector.shape_cast %parallel_loop3A_411 : vector<16xf32> to vector<16xf32>
      %parallel_loop3A_413 = arith.index_cast %parallel_loop3A_266 : i32 to index
      %parallel_loop3A_414 = arith.constant 208 : index
      %parallel_loop3A_415 = tpu.vector_load %arg11[%parallel_loop3A_413, %parallel_loop3A_414] {strides = array<i32>} : memref<128x256xf32, #tpu.memory_space<vmem>>, vector<1x16xf32>,
      %parallel_loop3A_416 = vector.shape_cast %parallel_loop3A_415 : vector<1x16xf32> to vector<16xf32>
      %parallel_loop3A_417 = vector.shape_cast %parallel_loop3A_412 : vector<16xf32> to vector<1x16xf32>
      tpu.vector_store %arg11[%parallel_loop3A_413, %parallel_loop3A_414], %parallel_loop3A_417 {strides = array<i32>} : memref<128x256xf32, #tpu.memory_space<vmem>>, vector<1x16xf32>,
      %parallel_loop3A_418 = arith.constant 224 : i32
      %parallel_loop3A_419 = arith.addi %parallel_loop3A_277, %parallel_loop3A_418 : i32
      %parallel_loop3A_420 = arith.index_cast %parallel_loop3A_419 : i32 to index
      %parallel_loop3A_421 = tpu.vector_load %arg6[%parallel_loop3A_420] {strides = array<i32>} : memref<2560xf32, #tpu.memory_space<vmem>>, vector<16xf32>,
      %parallel_loop3A_422 = vector.shape_cast %parallel_loop3A_421 : vector<16xf32> to vector<16xf32>
      %parallel_loop3A_423 = arith.index_cast %parallel_loop3A_266 : i32 to index
      %parallel_loop3A_424 = arith.constant 224 : index
      %parallel_loop3A_425 = tpu.vector_load %arg11[%parallel_loop3A_423, %parallel_loop3A_424] {strides = array<i32>} : memref<128x256xf32, #tpu.memory_space<vmem>>, vector<1x16xf32>,
      %parallel_loop3A_426 = vector.shape_cast %parallel_loop3A_425 : vector<1x16xf32> to vector<16xf32>
      %parallel_loop3A_427 = vector.shape_cast %parallel_loop3A_422 : vector<16xf32> to vector<1x16xf32>
      tpu.vector_store %arg11[%parallel_loop3A_423, %parallel_loop3A_424], %parallel_loop3A_427 {strides = array<i32>} : memref<128x256xf32, #tpu.memory_space<vmem>>, vector<1x16xf32>,
      %parallel_loop3A_428 = arith.constant 240 : i32
      %parallel_loop3A_429 = arith.addi %parallel_loop3A_277, %parallel_loop3A_428 : i32
      %parallel_loop3A_430 = arith.index_cast %parallel_loop3A_429 : i32 to index
      %parallel_loop3A_431 = tpu.vector_load %arg6[%parallel_loop3A_430] {strides = array<i32>} : memref<2560xf32, #tpu.memory_space<vmem>>, vector<16xf32>,
      %parallel_loop3A_432 = vector.shape_cast %parallel_loop3A_431 : vector<16xf32> to vector<16xf32>
      %parallel_loop3A_433 = arith.index_cast %parallel_loop3A_266 : i32 to index
      %parallel_loop3A_434 = arith.constant 240 : index
      %parallel_loop3A_435 = tpu.vector_load %arg11[%parallel_loop3A_433, %parallel_loop3A_434] {strides = array<i32>} : memref<128x256xf32, #tpu.memory_space<vmem>>, vector<1x16xf32>,
      %parallel_loop3A_436 = vector.shape_cast %parallel_loop3A_435 : vector<1x16xf32> to vector<16xf32>
      %parallel_loop3A_437 = vector.shape_cast %parallel_loop3A_432 : vector<16xf32> to vector<1x16xf32>
      tpu.vector_store %arg11[%parallel_loop3A_433, %parallel_loop3A_434], %parallel_loop3A_437 {strides = array<i32>} : memref<128x256xf32, #tpu.memory_space<vmem>>, vector<1x16xf32>,
    } {sc.loop_unroll_factor = 4 : i64, sc.parallel_access}
    %add3A_215 = arith.constant 384 : i32
    %add3A_216 = arith.addi %mul3A_2, %add3A_215 : i32
    %dma_start3A_217 = arith.constant 2 : i32
    %dma_start3A_218 = arith.constant 0 : i32
    %dma_start3A_219 = tpu.memref_slice %arg5[%dma_start3A_217, %add3A_216, %dma_start3A_218] : memref<3x16384x256xf32, #tpu.memory_space<hbm>> -> memref<1x128x256xf32, #tpu.memory_space<hbm>>
    %dma_start3A_220 = tpu.memref_squeeze %dma_start3A_219 : memref<1x128x256xf32, #tpu.memory_space<hbm>> -> memref<128x256xf32, #tpu.memory_space<hbm>>
    %dma_start3A_221 = arith.constant 0 : i32
    %dma_start3A_222 = tpu.memref_slice %arg5[%dma_start3A_217, %add3A_216, %dma_start3A_221] : memref<3x16384x256xf32, #tpu.memory_space<hbm>> -> memref<1x128x256xf32, #tpu.memory_space<hbm>>
    %dma_start3A_223 = tpu.memref_squeeze %dma_start3A_222 : memref<1x128x256xf32, #tpu.memory_space<hbm>> -> memref<128x256xf32, #tpu.memory_space<hbm>>
    tpu.enqueue_dma source(%arg11 : memref<128x256xf32, #tpu.memory_space<vmem>>) target(%dma_start3A_223 : memref<128x256xf32, #tpu.memory_space<hbm>>) target_semaphore(%arg13 : memref<!tpu.dma_semaphore, #tpu.memory_space<semaphore_mem>>)
    %dma_wait3A_224 = arith.constant 0 : i32
    %dma_wait3A_225 = arith.constant 0 : i32
    %dma_wait3A_226 = tpu.memref_slice %arg5[%dma_wait3A_224, %add3A_53, %dma_wait3A_225] : memref<3x16384x256xf32, #tpu.memory_space<hbm>> -> memref<1x128x256xf32, #tpu.memory_space<hbm>>
    %dma_wait3A_227 = tpu.memref_squeeze %dma_wait3A_226 : memref<1x128x256xf32, #tpu.memory_space<hbm>> -> memref<128x256xf32, #tpu.memory_space<hbm>>
    %dma_wait3A_228 = arith.constant 0 : i32
    %dma_wait3A_229 = tpu.memref_slice %arg5[%dma_wait3A_224, %add3A_53, %dma_wait3A_228] : memref<3x16384x256xf32, #tpu.memory_space<hbm>> -> memref<1x128x256xf32, #tpu.memory_space<hbm>>
    %dma_wait3A_230 = tpu.memref_squeeze %dma_wait3A_229 : memref<1x128x256xf32, #tpu.memory_space<hbm>> -> memref<128x256xf32, #tpu.memory_space<hbm>>
    tpu.wait_dma2 semaphore(%arg12 : memref<!tpu.dma_semaphore, #tpu.memory_space<semaphore_mem>>) src(%arg9 : memref<128x256xf32, #tpu.memory_space<vmem>>) dst(%dma_wait3A_230 : memref<128x256xf32, #tpu.memory_space<hbm>>)
    %dma_wait3A_231 = arith.constant 0 : i32
    %dma_wait3A_232 = arith.constant 0 : i32
    %dma_wait3A_233 = tpu.memref_slice %arg5[%dma_wait3A_231, %add3A_61, %dma_wait3A_232] : memref<3x16384x256xf32, #tpu.memory_space<hbm>> -> memref<1x128x256xf32, #tpu.memory_space<hbm>>
    %dma_wait3A_234 = tpu.memref_squeeze %dma_wait3A_233 : memref<1x128x256xf32, #tpu.memory_space<hbm>> -> memref<128x256xf32, #tpu.memory_space<hbm>>
    %dma_wait3A_235 = arith.constant 0 : i32
    %dma_wait3A_236 = tpu.memref_slice %arg5[%dma_wait3A_231, %add3A_61, %dma_wait3A_235] : memref<3x16384x256xf32, #tpu.memory_space<hbm>> -> memref<1x128x256xf32, #tpu.memory_space<hbm>>
    %dma_wait3A_237 = tpu.memref_squeeze %dma_wait3A_236 : memref<1x128x256xf32, #tpu.memory_space<hbm>> -> memref<128x256xf32, #tpu.memory_space<hbm>>
    tpu.wait_dma2 semaphore(%arg12 : memref<!tpu.dma_semaphore, #tpu.memory_space<semaphore_mem>>) src(%arg9 : memref<128x256xf32, #tpu.memory_space<vmem>>) dst(%dma_wait3A_237 : memref<128x256xf32, #tpu.memory_space<hbm>>)
    %dma_wait3A_238 = arith.constant 0 : i32
    %dma_wait3A_239 = arith.constant 0 : i32
    %dma_wait3A_240 = tpu.memref_slice %arg5[%dma_wait3A_238, %add3A_70, %dma_wait3A_239] : memref<3x16384x256xf32, #tpu.memory_space<hbm>> -> memref<1x128x256xf32, #tpu.memory_space<hbm>>
    %dma_wait3A_241 = tpu.memref_squeeze %dma_wait3A_240 : memref<1x128x256xf32, #tpu.memory_space<hbm>> -> memref<128x256xf32, #tpu.memory_space<hbm>>
    %dma_wait3A_242 = arith.constant 0 : i32
    %dma_wait3A_243 = tpu.memref_slice %arg5[%dma_wait3A_238, %add3A_70, %dma_wait3A_242] : memref<3x16384x256xf32, #tpu.memory_space<hbm>> -> memref<1x128x256xf32, #tpu.memory_space<hbm>>
    %dma_wait3A_244 = tpu.memref_squeeze %dma_wait3A_243 : memref<1x128x256xf32, #tpu.memory_space<hbm>> -> memref<128x256xf32, #tpu.memory_space<hbm>>
    tpu.wait_dma2 semaphore(%arg12 : memref<!tpu.dma_semaphore, #tpu.memory_space<semaphore_mem>>) src(%arg9 : memref<128x256xf32, #tpu.memory_space<vmem>>) dst(%dma_wait3A_244 : memref<128x256xf32, #tpu.memory_space<hbm>>)
    %dma_wait3A_245 = arith.constant 0 : i32
    %dma_wait3A_246 = arith.constant 0 : i32
    %dma_wait3A_247 = tpu.memref_slice %arg5[%dma_wait3A_245, %add3A_79, %dma_wait3A_246] : memref<3x16384x256xf32, #tpu.memory_space<hbm>> -> memref<1x128x256xf32, #tpu.memory_space<hbm>>
    %dma_wait3A_248 = tpu.memref_squeeze %dma_wait3A_247 : memref<1x128x256xf32, #tpu.memory_space<hbm>> -> memref<128x256xf32, #tpu.memory_space<hbm>>
    %dma_wait3A_249 = arith.constant 0 : i32
    %dma_wait3A_250 = tpu.memref_slice %arg5[%dma_wait3A_245, %add3A_79, %dma_wait3A_249] : memref<3x16384x256xf32, #tpu.memory_space<hbm>> -> memref<1x128x256xf32, #tpu.memory_space<hbm>>
    %dma_wait3A_251 = tpu.memref_squeeze %dma_wait3A_250 : memref<1x128x256xf32, #tpu.memory_space<hbm>> -> memref<128x256xf32, #tpu.memory_space<hbm>>
    tpu.wait_dma2 semaphore(%arg12 : memref<!tpu.dma_semaphore, #tpu.memory_space<semaphore_mem>>) src(%arg9 : memref<128x256xf32, #tpu.memory_space<vmem>>) dst(%dma_wait3A_251 : memref<128x256xf32, #tpu.memory_space<hbm>>)
    %dma_wait3A_252 = arith.constant 2 : i32
    %dma_wait3A_253 = arith.constant 0 : i32
    %dma_wait3A_254 = tpu.memref_slice %arg5[%dma_wait3A_252, %add3A_197, %dma_wait3A_253] : memref<3x16384x256xf32, #tpu.memory_space<hbm>> -> memref<1x128x256xf32, #tpu.memory_space<hbm>>
    %dma_wait3A_255 = tpu.memref_squeeze %dma_wait3A_254 : memref<1x128x256xf32, #tpu.memory_space<hbm>> -> memref<128x256xf32, #tpu.memory_space<hbm>>
    %dma_wait3A_256 = arith.constant 0 : i32
    %dma_wait3A_257 = tpu.memref_slice %arg5[%dma_wait3A_252, %add3A_197, %dma_wait3A_256] : memref<3x16384x256xf32, #tpu.memory_space<hbm>> -> memref<1x128x256xf32, #tpu.memory_space<hbm>>
    %dma_wait3A_258 = tpu.memref_squeeze %dma_wait3A_257 : memref<1x128x256xf32, #tpu.memory_space<hbm>> -> memref<128x256xf32, #tpu.memory_space<hbm>>
    tpu.wait_dma2 semaphore(%arg13 : memref<!tpu.dma_semaphore, #tpu.memory_space<semaphore_mem>>) src(%arg10 : memref<128x256xf32, #tpu.memory_space<vmem>>) dst(%dma_wait3A_258 : memref<128x256xf32, #tpu.memory_space<hbm>>)
    %dma_wait3A_259 = arith.constant 2 : i32
    %dma_wait3A_260 = arith.constant 0 : i32
    %dma_wait3A_261 = tpu.memref_slice %arg5[%dma_wait3A_259, %add3A_216, %dma_wait3A_260] : memref<3x16384x256xf32, #tpu.memory_space<hbm>> -> memref<1x128x256xf32, #tpu.memory_space<hbm>>
    %dma_wait3A_262 = tpu.memref_squeeze %dma_wait3A_261 : memref<1x128x256xf32, #tpu.memory_space<hbm>> -> memref<128x256xf32, #tpu.memory_space<hbm>>
    %dma_wait3A_263 = arith.constant 0 : i32
    %dma_wait3A_264 = tpu.memref_slice %arg5[%dma_wait3A_259, %add3A_216, %dma_wait3A_263] : memref<3x16384x256xf32, #tpu.memory_space<hbm>> -> memref<1x128x256xf32, #tpu.memory_space<hbm>>
    %dma_wait3A_265 = tpu.memref_squeeze %dma_wait3A_264 : memref<1x128x256xf32, #tpu.memory_space<hbm>> -> memref<128x256xf32, #tpu.memory_space<hbm>>
    tpu.wait_dma2 semaphore(%arg13 : memref<!tpu.dma_semaphore, #tpu.memory_space<semaphore_mem>>) src(%arg11 : memref<128x256xf32, #tpu.memory_space<vmem>>) dst(%dma_wait3A_265 : memref<128x256xf32, #tpu.memory_space<hbm>>)
    return
  }
}

</mosaic_0001>

<sc_bundles>
// kernel: kernel.3.cloned.1.call-start
scs
__scs_entry_jumppad:
0x0: {  	(pc) =	sbr.rel $0x88, $3  }
0x1: {  	(tag) =	ssettag $0x0;
	lr =	simm.s32 $0x1  }
0x2: {  	[smem:$0x3F9C] =	sst lr;
	_ =	strace $0xD0000000  }
0x3: {  	_ = 	snop  }
0x4: {  	_ = 	snop  }
0x5: {  	_ = 	snop  }
0x6: {  	_ = 	snop  }
0x7: {  	_ = 	snop  }
__scs_overlays_trampoline_lowered:
0x8: {  	[smem:$0x3FAB] =	sst s0  }
0x9: {  	[smem:$0x3FAC] =	sst s1  }
0xa: {  	[smem:$0x3FAD] =	sst s2  }
0xb: {  	[smem:$0x3FAE] =	sst s3  }
0xc: {  	[smem:$0x3FAF] =	sst s4  }
0xd: {  	[smem:$0x3FB0] =	sst s5  }
0xe: {  	[smem:$0x3FB1] =	sst s6  }
0xf: {  	[smem:$0x3FB2] =	sst s7  }
0x10: {  	[smem:$0x3FB3] =	sst s8  }
0x11: {  	[smem:$0x3FB4] =	sst s9;
	s0 =	simm.s32 @!p0 $0x0  }
0x12: {  	s1 =	sld [smem:$0x3F9A];
	s0 =	simm.s32 @p0 $0x1  }
0x13: {  	[smem:$0x3FB5] =	sst s0;
	s0 =	simm.s32 @!p1 $0x0  }
0x14: {  	s2 =	sld [smem:$0x3F99];
	s0 =	simm.s32 @p1 $0x1  }
0x15: {  	[smem:$0x3FB6] =	sst s0;
	s0 =	simm.s32 @!p2 $0x0  }
0x16: {  	s3 =	sld [smem:$0x3FDB];
	s0 =	simm.s32 @p2 $0x1  }
0x17: {  	s4 =	simm.s32 $0x1BF5;
	[smem:$0x3FB8] =	sst s0  }
0x18: {  	s0 =	sld [smem:$0x3F9B];
	_ =	swait.ge [sflag:s4], $0x0  }
0x19: {  	s7 =	sld [smem:$0x3F9C]  }
0x1a: {  	s8 =	sadd.s32 $0xFFFFE003, lr  }
0x1b: {  	s9 =	sadd.s32 $0xFFFFFEF7, lr;
	s5 =	simm.s32 $0xFFFFFFFF;
	p2 =	slt.u32 s8, $0xFFFFF086  }
0x1c: {  	p1 =	slt.u32 s9, $0xF7A;
	s5 =	simm.s32 @!p2 $0x0  }
0x1d: {  	s5 =	simm.s32 @p1 $0x1;
	p0 =	seq.s32 s7, s2  }
0x1e: {  	s7 =	smul.u32 @!p0 $0xF7A, s2;
	p2 =	seq.s32 @!p0 s5, $0x0  }
0x1f: {  	s9 =	smul.u32 $0xF7A, s1;
	s8 =	simm.s32 @!p0 $0x1BF5;
	p2 =	por !p2, p0  }
0x20: {  	[sflag:s8] =	ssyncset.s32 @!p0 $0xFFFFF086;
	s6 =	sadd.s32 @!p0 s3, s7;
	s7 =	simm.s32 @!p0 $0x108  }
0x21: {  	s3 =	sadd.s32 s3, s9;
	s6 =	sadd.s32 @!p0 $0x88, s6;
	s7 =	simm.s32 @p2 $0x1082  }
0x22: {  	[simem:s7], [sflag:s8] =	dma.local @!p0 [hbm:s6], $0xF7A  }
0x23: {  	s9 =	sor.u32 $0xD0000000, s2;
	s6 =	simm.s32 $0x108;
	_ =	swait.ge @!p0 [sflag:s8], $0x0  }
0x24: {  	s3 =	sadd.s32 $0x88, s3;
	s6 =	simm.s32 @!p1 $0x1082;
	[sflag:s4] =	ssyncset.s32 $0xFFFFF086  }
0x25: {  	[simem:s6], [sflag:s4] =	dma.local [hbm:s3], $0xF7A  }
0x26: {  	[smem:$0x3F9C] =	sst s1;
	(tag) =	ssettag s2;
	_ =	strace s9  }
0x27: {  	s1 =	sld [smem:$0x3FAC]  }
0x28: {  	s2 =	sld [smem:$0x3FAD]  }
0x29: {  	s4 =	sld [smem:$0x3FAF]  }
0x2a: {  	p0 =	seq.s32 s5, $0x0;
	s5 =	sld [smem:$0x3FB0]  }
0x2b: {  	s6 =	sld [smem:$0x3FB1]  }
0x2c: {  	s7 =	sld [smem:$0x3FB2]  }
0x2d: {  	s3 =	simm.s32 $0x108;
	s8 =	sld [smem:$0x3FB3]  }
0x2e: {  	s3 =	simm.s32 @!p0 $0x1082;
	s9 =	sld [smem:$0x3FB4]  }
0x2f: {  	lr =	sadd.s32 s0, s3;
	s0 =	sld [smem:$0x3FAB]  }
0x30: {  	s3 =	sld [smem:$0x3FAE]  }
0x31: {  	[smem:$0x3FB7] =	sst s10  }
0x32: {  	s10 =	sld [smem:$0x3FB5];
	_ =	sdelay $0x3  }
0x33: {  	p0 =	seq.s32 s10, $0x1;
	s10 =	sld [smem:$0x3FB7];
	_ =	sdelay $0x3  }
0x34: {  	[smem:$0x3FB7] =	sst s10  }
0x35: {  	s10 =	sld [smem:$0x3FB6];
	_ =	sdelay $0x3  }
0x36: {  	p1 =	seq.s32 s10, $0x1;
	s10 =	sld [smem:$0x3FB7];
	_ =	sdelay $0x3  }
0x37: {  	[smem:$0x3FB7] =	sst s10  }
0x38: {  	s10 =	sld [smem:$0x3FB8]  }
0x39: {  	_ = 	snop;
	(pc) =	sbr.ind lr, $3  }
0x3a: {  	_ = 	snop  }
0x3b: {  	_ = 	snop  }
0x3c: {  	p2 =	seq.s32 s10, $0x1;
	s10 =	sld [smem:$0x3FB7]  }
0x3d: {  	_ =	shalt  }
0x3e: {  	_ =	shalt  }
0x3f: {  	_ =	shalt  }
0x40: {  	_ =	shalt  }
0x41: {  	_ =	shalt  }
0x42: {  	_ =	shalt  }
0x43: {  	_ =	shalt  }
0x44: {  	_ =	shalt  }
0x45: {  	_ =	shalt  }
0x46: {  	_ =	shalt  }
0x47: {  	_ =	shalt  }
0x48: {  	_ =	shalt  }
0x49: {  	_ =	shalt  }
0x4a: {  	_ =	shalt  }
0x4b: {  	_ =	shalt  }
0x4c: {  	_ =	shalt  }
0x4d: {  	_ =	shalt  }
0x4e: {  	_ =	shalt  }
0x4f: {  	_ =	shalt  }
0x50: {  	_ =	shalt  }
0x51: {  	_ =	shalt  }
0x52: {  	_ =	shalt  }
0x53: {  	_ =	shalt  }
0x54: {  	_ =	shalt  }
0x55: {  	_ =	shalt  }
0x56: {  	_ =	shalt  }
0x57: {  	_ =	shalt  }
0x58: {  	_ =	shalt  }
0x59: {  	_ =	shalt  }
0x5a: {  	_ =	shalt  }
0x5b: {  	_ =	shalt  }
0x5c: {  	_ =	shalt  }
0x5d: {  	_ =	shalt  }
0x5e: {  	_ =	shalt  }
0x5f: {  	_ =	shalt  }
0x60: {  	_ =	shalt  }
0x61: {  	_ =	shalt  }
0x62: {  	_ =	shalt  }
0x63: {  	_ =	shalt  }
0x64: {  	_ =	shalt  }
0x65: {  	_ =	shalt  }
0x66: {  	_ =	shalt  }
0x67: {  	_ =	shalt  }
0x68: {  	_ =	shalt  }
0x69: {  	_ =	shalt  }
0x6a: {  	_ =	shalt  }
0x6b: {  	_ =	shalt  }
0x6c: {  	_ =	shalt  }
0x6d: {  	_ =	shalt  }
0x6e: {  	_ =	shalt  }
0x6f: {  	_ =	shalt  }
0x70: {  	_ =	shalt  }
0x71: {  	_ =	shalt  }
0x72: {  	_ =	shalt  }
0x73: {  	_ =	shalt  }
0x74: {  	_ =	shalt  }
0x75: {  	_ =	shalt  }
0x76: {  	_ =	shalt  }
0x77: {  	_ =	shalt  }
0x78: {  	_ =	shalt  }
0x79: {  	_ =	shalt  }
0x7a: {  	_ =	shalt  }
0x7b: {  	_ =	shalt  }
0x7c: {  	_ =	shalt  }
0x7d: {  	_ =	shalt  }
0x7e: {  	_ =	shalt  }
0x7f: {  	_ =	shalt  }
0x80: {  	_ =	shalt  }
0x81: {  	_ =	shalt  }
0x82: {  	_ =	shalt  }
0x83: {  	_ =	shalt  }
0x84: {  	_ =	shalt  }
0x85: {  	_ =	shalt  }
0x86: {  	_ =	shalt  }
0x87: {  	_ =	shalt  }
.Lfunc_end0:
.L_simem_size_0:
called_computation_lowered:
.L_overlay_start_0:
0x88: {  	s2 =	sld [smem:$0x3FD9]  }
0x89: {  	s3 =	sld [smem:$0x3FFE];
	_ =	sdelay $0x1  }
0x8a: {  	s1 =	srdreg.scid  }
0x8b: {  	s0 =	sand.u32 $0x1, s1  }
0x8c: {  	s15 =	sshll.u32 s0, $0xA;
	s2 =	sadd.s32 s3, s2  }
0x8d: {  	s2 =	sadd.s32 s2, s15  }
0x8e: {  	[smem:$0x3FC3] =	sst s2  }
0x8f: {  	_ = 	snop  }
0x90: {  	s2 =	sld [smem:$0x3FD0];
	_ =	sdelay $0x1  }
0x91: {  	s16 =	sld [smem:$0x3FC9]  }
0x92: {  	s5 =	simm.s32 $0xA;
	s6 =	simm.s32 $0x10;
	s4 =	sld [smem:$0x3FC8]  }
0x93: {  	[smem:s6], [sflag:s5] =	dma.local [hbm:s2], $0x1  }
0x94: {  	_ =	swait.eq [sflag:s5], $0x1  }
0x95: {  	[sflag:s5] =	ssyncset.done $0x0  }
0x96: {  	s17 =	sld [smem:$0x10];
	[sflag:s5] =	ssyncadd.s32 $0xFFFFFFFF  }
0x97: {  	s18 =	sld [smem:$0x11];
	(tm) =	ssettm $0x1  }
0x98: {  	s19 =	sld [smem:$0x3FFB];
	_ =	sdelay $0x3  }
0x99: {  	_ =	strace s19  }
0x9a: {  	s6 =	sld [smem:$0x3FFC];
	_ =	sdelay $0x3  }
0x9b: {  	_ =	strace s6  }
0x9c: {  	s6 =	sld [smem:$0x3FFD];
	_ =	sdelay $0x3  }
0x9d: {  	_ =	strace s6  }
0x9e: {  	_ =	strace $0x8FFFFFFF  }
0x9f: {  	s20 =	sld [smem:$0x3FDB];
	_ =	sdelay $0x1  }
0xa0: {  	s7 =	simm.s32 $_scs_section_size  }
0xa1: {  	s8 =	simm.s32 $_size__tile_overlayer_lowered;
	s9 =	simm.s32 $_tile_overlayer_lowered  }
0xa2: {  	s23 =	simm.s32 $0x1BFF;
	s22 =	sshll.u32 s9, $0x1;
	s6 =	sadd.s32 s7, s20  }
0xa3: {  	s10 =	simm.s32 $0x0;
	s21 =	sshll.u32 s8, $0x1;
	s8 =	sadd.s32 s22, s6  }
0xa4: {  	[timem:s10], [sflag:s23] =	dma.local [hbm:s8], s21  }
0xa5: {  	_ =	swait.ge [sflag:s23], s21  }
0xa6: {  	s7 =	ssub.s32 $0x0, s21;
	[sflag:s23] =	ssyncset.done $0x0  }
0xa7: {  	[sflag:s23] =	ssyncadd.s32 s7;
	_ =	sdelay $0x1  }
0xa8: {  	s24 =	simm.s32 $0x1B8B  }
0xa9: {  	_ =	swait.ge [sflag:s24], $0x1  }
0xaa: {  	[sflag:s24] =	ssyncset.done $0x0  }
0xab: {  	s25 =	simm.s32 $0x1B8E;
	[sflag:s24] =	ssyncadd.s32 $0xFFFFFFFF  }
0xac: {  	s26 =	simm.s32 $execute0_lowered;
	[smem:$0x3FD2] =	sst s25  }
0xad: {  	s7 =	sshll.u32 s26, $0x1;
	_ =	strace $0x80000046;
	[dreg:$0x1] =	wrdreg $0xFFFFFFFF  }
0xae: {  	s28 =	simm.s32 $_size_execute0_lowered;
	s6 =	sadd.s32 s6, s7;
	[dreg:$0x0] =	wrdreg $0x0  }
0xaf: {  	s7 =	sshll.u32 s28, $0x1;
	[dreg:$0x2] =	wrdreg s6  }
0xb0: {  	[dreg:$0x3] =	wrdreg s7  }
0xb1: {  	[dreg:$0x4] =	wrdreg $0xC0  }
0xb2: {  	_ =	task [dreg:s10], $0x5FFFF  }
0xb3: {  	[dreg:$0x1] =	wrdreg $0xFFFFFFFF  }
0xb4: {  	[dreg:$0x0] =	wrdreg $0x60  }
0xb5: {  	[dreg:$0x2] =	wrdreg s16  }
0xb6: {  	[dreg:$0x3] =	wrdreg s4  }
0xb7: {  	[dreg:$0x4] =	wrdreg s18  }
0xb8: {  	[dreg:$0x5] =	wrdreg s17  }
0xb9: {  	[dreg:$0x6] =	wrdreg $0x9  }
0xba: {  	_ =	task.clear_ibuf [dreg:s10], $0x7FFFF;
	_ =	strace $0x90000046  }
0xbb: {  	s29 =	simm.s32 $0x9;
	_ =	strace $0x80000048  }
0xbc: {  	_ =	swait.ge [sflag:s29], $0x1  }
0xbd: {  	[sflag:s29] =	ssyncadd.s32 $0xFFFFFFFF  }
0xbe: {  	_ =	strace $0x90000048  }
0xbf: {  	_ =	sfence  }
0xc0: {  	s30 =	sld [smem:$0x0];
	_ =	sdelay $0x2  }
0xc1: {  	s31 =	sshll.u32 s1, $0xD;
	s1 =	sshrl.u32 s1, $0x2  }
0xc2: {  	s3 =	sand.u32 $0x4000, s31;
	s1 =	sadd.s32 s1, s30  }
0xc3: {  	s0 =	sor.u32 s3, s0;
	s1 =	sshll.u32 s1, $0x11  }
0xc4: {  	s0 =	sor.u32 s1, s0  }
0xc5: {  	s0 =	sadd.s32 $0x8F2B, s0  }
0xc6: {  	[sflag:s0] =	ssyncadd.remote.s32 $0x1  }
0xc7: {  	_ =	sfence.sel $0xFFFF  }
0xc8: {  	[dreg:$0x0] =	wrdreg $0xFFFFFFFF;
	(pc) =	sbr.abs _section_cstart, $3  }
0xc9: {  	[dreg:$0x1] =	wrdreg $0xFFFFFFFF  }
0xca: {  	_ =	task.clear_ibuf [dreg:s10], $0x2FFFF;
	_ =	strace $0x9FFFFFFF  }
0xcb: {  	(tm) =	ssettm $0x7FFFFFFF  }
tec
execute0_lowered:
.L_overlay_start_1:
0x0: {  	(tag) =	ssettag $0x1  }
0x1: {  	s0 =	rddreg [dreg:$0x0];
	s3 =	srdreg.scid  }
0x2: {  	s1 =	rddreg [dreg:$0x1];
	s5 =	stileid.u32;
	s3 =	sand.u32 $0x1, s3  }
0x3: {  	s5 =	sshll.u32 s5, $0xA;
	s4 =	ssub.s32 $0x2, s3;
	s3 =	sshll.u32 s3, $0x9  }
0x4: {  	s2 =	rddreg [dreg:$0x3];
	s7 =	simm.s32 $0x0;
	s3 =	sor.u32 s3, s5  }
0x5: {  	[smem:$0x7FF] =	sst s7;
	s5 =	sshrl.u32 s3, $0x3  }
0x6: {  	_ =	strace $0x80000047;
	s6 =	sshrl.u32 s4, $0x1;
	s0 =	sadd.s32 s0, s5  }
0x7: {  	s3 =	sshll.u32 s3, $0x5;
	s18 =	sadd.s32 s1, s5;
	[smem:$0x7EF] =	sst s0  }
0x8: {  	s4 =	ssub.s32 s4, s6;
	s19 =	sadd.s32 s2, s3;
	[smem:$0x7F0] =	sst s18  }
0x9: {  	s31 =	smax.u32 s4, $0x1;
	[smem:$0x7FB] =	sst s19  }
0xa: {  	s20 =	sadd.s32 $0x1000, s19;
	[smem:$0x7FD] =	sst s31  }
0xb: {  	s21 =	sadd.s32 $0x2000, s19;
	[smem:$0x7F1] =	sst s20  }
0xc: {  	s22 =	sadd.s32 $0x3000, s19;
	[smem:$0x7F2] =	sst s21  }
0xd: {  	s23 =	sadd.s32 $0x80000, s19;
	[smem:$0x7F3] =	sst s22  }
0xe: {  	s24 =	sadd.s32 $0x81000, s19;
	[smem:$0x7F4] =	sst s23  }
0xf: {  	s25 =	sadd.s32 $0x82000, s19;
	[smem:$0x7F5] =	sst s24  }
0x10: {  	s26 =	sadd.s32 $0x83000, s19;
	[smem:$0x7F6] =	sst s25  }
0x11: {  	s28 =	sadd.s32 $0x100000, s19;
	[smem:$0x7F7] =	sst s26  }
0x12: {  	s29 =	sadd.s32 $0x101000, s19;
	[smem:$0x7F8] =	sst s28  }
0x13: {  	s30 =	sadd.s32 $0x102000, s19;
	[smem:$0x7F9] =	sst s29  }
0x14: {  	s0 =	sadd.s32 $0x103000, s19;
	[smem:$0x7FA] =	sst s30  }
0x15: {  	s2 =	simm.s32 $0x0;
	[smem:$0x7FC] =	sst s0  }
.LBB2_1:
0x16: {  	[smem:$0x7EE] =	sst s2  }
0x17: {  	s0 =	rddreg [dreg:$0x2];
	s1 =	simm.s32 $0x3  }
0x18: {  	[tilespmem:s7], [sflag:$0x3] =	stream.linear.gather [hbm4b:s0+s7], $0xA00, $0x38;
	[tilespmem:$0x18F00] =	vst v63  }
0x19: {  	_ =	swait.ge [sflag:s1], $0xA00  }
0x1a: {  	s24 =	sld [smem:$0x7EF]  }
0x1b: {  	[sflag:s1] =	ssyncset.done $0x0  }
0x1c: {  	s25 =	simm.s32 $0xA00;
	[sflag:s1] =	ssyncadd.s32 $0xFFFFF600  }
0x1d: {  	[tilespmem:s25], [sflag:$0x3] =	stream.linear.gather [hbm4b:s24+s7], $0x200, $0x38;
	[tilespmem:$0x18F00] =	vst v63  }
0x1e: {  	_ =	swait.ge [sflag:s1], $0x200  }
0x1f: {  	s26 =	sld [smem:$0x7F0]  }
0x20: {  	[sflag:s1] =	ssyncset.done $0x0  }
0x21: {  	s28 =	simm.s32 $0xC80;
	[sflag:s1] =	ssyncadd.s32 $0xFFFFFE00  }
0x22: {  	[tilespmem:s28], [sflag:$0x3] =	stream.linear.gather [hbm4b:s26+s7], $0x200, $0x38;
	[tilespmem:$0x18F00] =	vst v63  }
0x23: {  	_ =	swait.ge [sflag:s1], $0x200  }
0x24: {  	[sflag:s1] =	ssyncset.done $0x0  }
0x25: {  	[sflag:s1] =	ssyncadd.s32 $0xFFFFFE00  }
0x26: {  	v0 =	vld [tilespmem:$0x0]  }
0x27: {  	v1 =	vld [tilespmem:$0x10]  }
0x28: {  	v2 =	vld [tilespmem:$0x20]  }
0x29: {  	v3 =	vld [tilespmem:$0x30]  }
0x2a: {  	v4 =	vld [tilespmem:$0x40]  }
0x2b: {  	v5 =	vld [tilespmem:$0x50]  }
0x2c: {  	v6 =	vld [tilespmem:$0x60]  }
0x2d: {  	v7 =	vld [tilespmem:$0x70]  }
0x2e: {  	v8 =	vld [tilespmem:$0x80]  }
0x2f: {  	v9 =	vld [tilespmem:$0x90]  }
0x30: {  	v10 =	vld [tilespmem:$0xA0]  }
0x31: {  	v11 =	vld [tilespmem:$0xB0]  }
0x32: {  	v12 =	vld [tilespmem:$0xC0]  }
0x33: {  	s29 =	sand.u32 $0x7800, s7;
	s30 =	sand.u32 $0x200, s7;
	v14 =	vld [tilespmem:$0xD0]  }
0x34: {  	s0 =	sor.u32 s30, s29;
	v13 =	vld [tilespmem:$0xE0]  }
0x35: {  	v15 =	vld [tilespmem:$0xF0];
	[tilespmem:s0+$0x10F0] =	vst v7  }
0x36: {  	[tilespmem:s0+$0xFC0] =	vst v4  }
0x37: {  	[tilespmem:s0+$0x1040] =	vst v4  }
0x38: {  	[tilespmem:s0+$0x10D0] =	vst v5  }
0x39: {  	[tilespmem:s0+$0x10B0] =	vst v3  }
0x3a: {  	[tilespmem:s0+$0x1050] =	vst v5  }
0x3b: {  	[tilespmem:s0+$0x1090] =	vst v1  }
0x3c: {  	[tilespmem:s0+$0x10E0] =	vst v6  }
0x3d: {  	[tilespmem:s0+$0xFF0] =	vst v7  }
0x3e: {  	[tilespmem:s0+$0x10C0] =	vst v4  }
0x3f: {  	[tilespmem:s0+$0xFE0] =	vst v6  }
0x40: {  	[tilespmem:s0+$0xFD0] =	vst v5  }
0x41: {  	[tilespmem:s0+$0x1030] =	vst v3  }
0x42: {  	[tilespmem:s0+$0xF70] =	vst v7  }
0x43: {  	[tilespmem:s0+$0x1060] =	vst v6  }
0x44: {  	[tilespmem:s0+$0xFB0] =	vst v3  }
0x45: {  	[tilespmem:s0+$0x1020] =	vst v2  }
0x46: {  	[tilespmem:s0+$0xF90] =	vst v1  }
0x47: {  	[tilespmem:s0+$0x1070] =	vst v7  }
0x48: {  	[tilespmem:s0+$0xF60] =	vst v6  }
0x49: {  	[tilespmem:s0+$0xFA0] =	vst v2  }
0x4a: {  	[tilespmem:s0+$0x1010] =	vst v1  }
0x4b: {  	[tilespmem:s0+$0xF80] =	vst v0  }
0x4c: {  	[tilespmem:s0+$0x1000] =	vst v0  }
0x4d: {  	[tilespmem:s0+$0x10A0] =	vst v2  }
0x4e: {  	[tilespmem:s0+$0xF20] =	vst v2  }
0x4f: {  	p0 =	por $0x0, $0x0;
	s1 =	simm.s32 $0x1;
	[tilespmem:s0+$0x1080] =	vst v0  }
0x50: {  	s1 =	simm.s32 @!p0 $0x0;
	[tilespmem:s0+$0xF50] =	vst v5  }
0x51: {  	s1 =	sshll.u32 s1, $0x9;
	[tilespmem:s0+$0xF40] =	vst v4  }
0x52: {  	s1 =	sadd.s32 $0x0, s1;
	[tilespmem:s0+$0xF30] =	vst v3  }
0x53: {  	s31 =	sadd.s32 $0x80, s1;
	[tilespmem:s0+$0xF10] =	vst v1  }
0x54: {  	s10 =	sadd.s32 $0x100, s1;
	s3 =	sor.u32 $0x400, s31;
	[tilespmem:s0+$0xF00] =	vst v0  }
0x55: {  	s17 =	sadd.s32 $0x180, s1;
	s11 =	sor.u32 $0x400, s10;
	[tilespmem:s3+$0xF00] =	vst v8  }
0x56: {  	s18 =	sor.u32 $0x400, s17;
	[tilespmem:s11+$0xF00] =	vst v8  }
0x57: {  	s25 =	sor.u32 $0x400, s1;
	[tilespmem:s18+$0xF00] =	vst v8  }
0x58: {  	s4 =	sor.u32 $0x410, s31;
	[tilespmem:s25+$0xF00] =	vst v8  }
0x59: {  	s19 =	sor.u32 $0x410, s17;
	[tilespmem:s4+$0xF00] =	vst v9  }
0x5a: {  	s26 =	sor.u32 $0x410, s1;
	[tilespmem:s19+$0xF00] =	vst v9  }
0x5b: {  	s5 =	sor.u32 $0x420, s31;
	[tilespmem:s26+$0xF00] =	vst v9  }
0x5c: {  	s4 =	sor.u32 $0x410, s10;
	[tilespmem:s5+$0xF00] =	vst v10  }
0x5d: {  	s20 =	sor.u32 $0x420, s17;
	[tilespmem:s4+$0xF00] =	vst v9  }
0x5e: {  	s28 =	sor.u32 $0x420, s1;
	[tilespmem:s20+$0xF00] =	vst v10  }
0x5f: {  	s6 =	sor.u32 $0x430, s31;
	[tilespmem:s28+$0xF00] =	vst v10  }
0x60: {  	s12 =	sor.u32 $0x420, s10;
	[tilespmem:s6+$0xF00] =	vst v11  }
0x61: {  	s21 =	sor.u32 $0x430, s17;
	[tilespmem:s12+$0xF00] =	vst v10  }
0x62: {  	s29 =	sor.u32 $0x430, s1;
	[tilespmem:s21+$0xF00] =	vst v11  }
0x63: {  	s7 =	sor.u32 $0x440, s31;
	[tilespmem:s29+$0xF00] =	vst v11  }
0x64: {  	s13 =	sor.u32 $0x430, s10;
	[tilespmem:s7+$0xF00] =	vst v12  }
0x65: {  	s22 =	sor.u32 $0x440, s17;
	[tilespmem:s13+$0xF00] =	vst v11  }
0x66: {  	s30 =	sor.u32 $0x440, s1;
	[tilespmem:s22+$0xF00] =	vst v12  }
0x67: {  	s8 =	sor.u32 $0x450, s31;
	[tilespmem:s30+$0xF00] =	vst v12  }
0x68: {  	s14 =	sor.u32 $0x440, s10;
	[tilespmem:s8+$0xF00] =	vst v14  }
0x69: {  	s23 =	sor.u32 $0x450, s17;
	[tilespmem:s14+$0xF00] =	vst v12  }
0x6a: {  	s9 =	sor.u32 $0x460, s31;
	s2 =	sor.u32 $0x470, s31;
	s31 =	sor.u32 $0x450, s1;
	[tilespmem:s23+$0xF00] =	vst v14  }
0x6b: {  	[tilespmem:s31+$0xF00] =	vst v14  }
0x6c: {  	s15 =	sor.u32 $0x450, s10;
	[tilespmem:s9+$0xF00] =	vst v13  }
0x6d: {  	s24 =	sor.u32 $0x460, s17;
	[tilespmem:s15+$0xF00] =	vst v14  }
0x6e: {  	[tilespmem:s24+$0xF00] =	vst v13  }
0x6f: {  	s16 =	sor.u32 $0x460, s10;
	[tilespmem:s2+$0xF00] =	vst v15  }
0x70: {  	p0 =	por !p0, !p0;
	[tilespmem:s16+$0xF00] =	vst v13;
	s2 =	sor.u32 $0x470, s10  }
0x71: {  	s0 =	simm.s32 $0x0;
	s11 =	sor.u32 $0x460, s1;
	[tilespmem:s2+$0xF00] =	vst v15;
	s2 =	sor.u32 $0x470, s17  }
0x72: {  	s3 =	sor.u32 $0x470, s1;
	s1 =	simm.s32 $0x200;
	[tilespmem:s2+$0xF00] =	vst v15;
	s2 =	simm.s32 $0x400  }
.LBB2_2:
0x73: {  	s4 =	simm.s32 $0x1  }
0x74: {  	s5 =	sand.u32 $0x7800, s2;
	s6 =	sand.u32 $0x200, s1;
	[tilespmem:s11+$0xF00] =	vst v13;
	s4 =	simm.s32 @!p0 $0x0  }
0x75: {  	s0 =	sadd.s32 $0x4, s0;
	s7 =	sshll.u32 s4, $0x9;
	s4 =	sor.u32 s6, s5;
	[tilespmem:s3+$0xF00] =	vst v15  }
0x76: {  	p1 =	slt.u32 s0, $0x7C;
	s3 =	sadd.s32 s7, s2;
	[tilespmem:s4+$0x10F0] =	vst v7  }
0x77: {  	[tilespmem:s4+$0xFC0] =	vst v4;
	s19 =	sadd.s32 $0x80, s3;
	s7 =	sadd.s32 $0x100, s3;
	s5 =	sadd.s32 $0x180, s3  }
0x78: {  	s11 =	sor.u32 $0x400, s19;
	[tilespmem:s4+$0x1040] =	vst v4;
	s6 =	sor.u32 $0x400, s5  }
0x79: {  	s18 =	sor.u32 $0x400, s7;
	[tilespmem:s4+$0x10D0] =	vst v5  }
0x7a: {  	[tilespmem:s4+$0x10B0] =	vst v3  }
0x7b: {  	[tilespmem:s4+$0x1050] =	vst v5  }
0x7c: {  	s9 =	sor.u32 $0x410, s5;
	[tilespmem:s4+$0x1090] =	vst v1  }
0x7d: {  	[tilespmem:s4+$0x10E0] =	vst v6  }
0x7e: {  	[tilespmem:s4+$0xFF0] =	vst v7  }
0x7f: {  	[tilespmem:s4+$0x10C0] =	vst v4  }
0x80: {  	s8 =	sor.u32 $0x450, s5;
	[tilespmem:s4+$0xFE0] =	vst v6  }
0x81: {  	[tilespmem:s4+$0xFD0] =	vst v5  }
0x82: {  	s20 =	sor.u32 $0x410, s7;
	s10 =	sor.u32 $0x470, s5;
	[tilespmem:s4+$0x1030] =	vst v3  }
0x83: {  	[tilespmem:s4+$0xF70] =	vst v7  }
0x84: {  	[tilespmem:s4+$0x1060] =	vst v6  }
0x85: {  	s21 =	sor.u32 $0x420, s7;
	[tilespmem:s4+$0xFB0] =	vst v3  }
0x86: {  	s22 =	sor.u32 $0x430, s7;
	[tilespmem:s4+$0x1020] =	vst v2  }
0x87: {  	s23 =	sor.u32 $0x440, s7;
	[tilespmem:s4+$0xF90] =	vst v1  }
0x88: {  	[tilespmem:s4+$0x1070] =	vst v7  }
0x89: {  	[tilespmem:s4+$0xF60] =	vst v6  }
0x8a: {  	[tilespmem:s4+$0xFA0] =	vst v2  }
0x8b: {  	s12 =	sor.u32 $0x400, s3;
	[tilespmem:s4+$0x1010] =	vst v1  }
0x8c: {  	s13 =	sor.u32 $0x410, s3;
	[tilespmem:s4+$0xF80] =	vst v0  }
0x8d: {  	s14 =	sor.u32 $0x420, s3;
	[tilespmem:s11+$0xF00] =	vst v8;
	s11 =	sor.u32 $0x410, s19  }
0x8e: {  	s15 =	sor.u32 $0x430, s3;
	[tilespmem:s11+$0xF00] =	vst v9;
	s11 =	sor.u32 $0x420, s19  }
0x8f: {  	s16 =	sor.u32 $0x440, s3;
	[tilespmem:s11+$0xF00] =	vst v10;
	s11 =	sor.u32 $0x430, s19  }
0x90: {  	s17 =	sor.u32 $0x450, s3;
	s24 =	sor.u32 $0x440, s19;
	[tilespmem:s11+$0xF00] =	vst v11  }
0x91: {  	s11 =	sor.u32 $0x460, s3;
	[tilespmem:s24+$0xF00] =	vst v12;
	s24 =	sor.u32 $0x450, s19  }
0x92: {  	[tilespmem:s24+$0xF00] =	vst v14;
	s24 =	sor.u32 $0x460, s19  }
0x93: {  	s19 =	sor.u32 $0x470, s19;
	[tilespmem:s24+$0xF00] =	vst v13;
	s24 =	sor.u32 $0x420, s5  }
0x94: {  	[tilespmem:s19+$0xF00] =	vst v15  }
0x95: {  	[tilespmem:s4+$0x1000] =	vst v0  }
0x96: {  	[tilespmem:s4+$0x10A0] =	vst v2  }
0x97: {  	[tilespmem:s18+$0xF00] =	vst v8  }
0x98: {  	[tilespmem:s20+$0xF00] =	vst v9  }
0x99: {  	[tilespmem:s21+$0xF00] =	vst v10  }
0x9a: {  	[tilespmem:s22+$0xF00] =	vst v11  }
0x9b: {  	s18 =	sor.u32 $0x450, s7;
	[tilespmem:s23+$0xF00] =	vst v12  }
0x9c: {  	[tilespmem:s18+$0xF00] =	vst v14;
	s18 =	sor.u32 $0x460, s7  }
0x9d: {  	s7 =	sor.u32 $0x470, s7;
	[tilespmem:s18+$0xF00] =	vst v13  }
0x9e: {  	[tilespmem:s7+$0xF00] =	vst v15  }
0x9f: {  	[tilespmem:s4+$0xF20] =	vst v2  }
0xa0: {  	[tilespmem:s4+$0x1080] =	vst v0  }
0xa1: {  	[tilespmem:s6+$0xF00] =	vst v8  }
0xa2: {  	[tilespmem:s9+$0xF00] =	vst v9  }
0xa3: {  	s6 =	sor.u32 $0x430, s5;
	[tilespmem:s24+$0xF00] =	vst v10  }
0xa4: {  	[tilespmem:s6+$0xF00] =	vst v11;
	s6 =	sor.u32 $0x440, s5  }
0xa5: {  	[tilespmem:s6+$0xF00] =	vst v12  }
0xa6: {  	s5 =	sor.u32 $0x460, s5;
	[tilespmem:s8+$0xF00] =	vst v14  }
0xa7: {  	[tilespmem:s5+$0xF00] =	vst v13  }
0xa8: {  	[tilespmem:s10+$0xF00] =	vst v15  }
0xa9: {  	[tilespmem:s4+$0xF50] =	vst v5  }
0xaa: {  	[tilespmem:s4+$0xF40] =	vst v4  }
0xab: {  	[tilespmem:s4+$0xF30] =	vst v3  }
0xac: {  	[tilespmem:s4+$0xF10] =	vst v1  }
0xad: {  	[tilespmem:s4+$0xF00] =	vst v0  }
0xae: {  	[tilespmem:s12+$0xF00] =	vst v8  }
.Ltmp0:
0xaf: {  	[tilespmem:s13+$0xF00] =	vst v9;
	(pc) =	sbr.rel @p1 .LBB2_2-.Ltmp0, $4  }
0xb0: {  	[tilespmem:s14+$0xF00] =	vst v10  }
0xb1: {  	[tilespmem:s15+$0xF00] =	vst v11  }
0xb2: {  	p0 =	por !p0, !p0;
	[tilespmem:s16+$0xF00] =	vst v12  }
0xb3: {  	s1 =	sadd.s32 $0x200, s1;
	s2 =	sadd.s32 $0x400, s2;
	s3 =	sor.u32 $0x470, s3;
	[tilespmem:s17+$0xF00] =	vst v14  }
0xb4: {  	[tilespmem:s11+$0xF00] =	vst v13  }
0xb5: {  	[tilespmem:s3+$0xF00] =	vst v15  }
0xb6: {  	s1 =	sld [smem:$0x7FB];
	_ =	sdelay $0x1  }
0xb7: {  	s0 =	simm.s32 $0x0;
	s2 =	simm.s32 $0xF00;
	s11 =	sld [smem:$0x7F1]  }
0xb8: {  	[hbm4b:s1+s0] =	stream.linear.scatter [tilespmem:s2], [sflag:$0x1], $0x8000, $0x38;
	[tilespmem:$0x18F00] =	vst v63  }
0xb9: {  	s12 =	sld [smem:$0x7F2]  }
0xba: {  	[hbm4b:s11+s0] =	stream.linear.scatter [tilespmem:s2], [sflag:$0x1], $0x8000, $0x38;
	[tilespmem:$0x18F00] =	vst v63  }
0xbb: {  	s13 =	sld [smem:$0x7F3]  }
0xbc: {  	[hbm4b:s12+s0] =	stream.linear.scatter [tilespmem:s2], [sflag:$0x1], $0x8000, $0x38;
	[tilespmem:$0x18F00] =	vst v63  }
0xbd: {  	s14 =	simm.s32 $0xA02  }
0xbe: {  	[hbm4b:s13+s0] =	stream.linear.scatter [tilespmem:s2], [sflag:$0x1], $0x8000, $0x38;
	[tilespmem:$0x18F00] =	vst v63  }
0xbf: {  	v0 =	vld [tilespmem:s14+$0x1];
	_ =	sdelay $0x3  }
0xc0: {  	v1 =	vld [tilespmem:s14+$0xFFFFFFFE]  }
0xc1: {  	(v2sf) =	vpush v0, $0x0;
	_ =	sdelay $0x2  }
0xc2: {  	v0 =	vld [tilespmem:s14+$0xFFFFFFFF]  }
0xc3: {  	v2 =	vld [tilespmem:s14+$0x0];
	(v2sf) =	vpush v1, $0x0;
	_ =	sdelay $0x3  }
0xc4: {  	(v2sf) =	vpush v0, $0x0  }
0xc5: {  	(v2sf) =	vpush v2, $0x0;
	_ =	sdelay $0x5  }
0xc6: {  	s15 =	spop (v2sf)  }
0xc7: {  	s1 =	sshll.u32 s15, $0xA  }
0xc8: {  	s4 =	sshra.s32 s1, $0x2  }
0xc9: {  	v0 =	vld [tilespmem:s4+$0x100]  }
0xca: {  	s16 =	spop (v2sf)  }
0xcb: {  	s18 =	simm.s32 $0x0;
	s17 =	sand.u32 $0x7800, s0;
	s1 =	sshll.u32 s16, $0xA  }
0xcc: {  	s3 =	sand.u32 $0x200, s18;
	s2 =	sadd.s32 $0x8F00, s17;
	s28 =	sshra.s32 s1, $0x2  }
0xcd: {  	s19 =	sadd.s32 s3, s2;
	v1 =	vld [tilespmem:s28+$0x100]  }
0xce: {  	s5 =	spop (v2sf);
	[tilespmem:s19+$0x180] =	vst v0  }
0xcf: {  	s20 =	sshll.u32 s5, $0xA;
	s21 =	spop (v2sf);
	v0 =	vld [tilespmem:s4+$0x110]  }
0xd0: {  	s5 =	sshll.u32 s21, $0xA;
	s31 =	sshra.s32 s20, $0x2  }
0xd1: {  	s30 =	sshra.s32 s5, $0x2;
	v2 =	vld [tilespmem:s31+$0x100]  }
0xd2: {  	v3 =	vld [tilespmem:s30+$0x100];
	[tilespmem:s19+$0x0] =	vst v1  }
0xd3: {  	s22 =	simm.s32 $0x80;
	v1 =	vld [tilespmem:s28+$0x110]  }
0xd4: {  	s23 =	simm.s32 $0x100;
	s3 =	sand.u32 $0x280, s22;
	[tilespmem:s19+$0x190] =	vst v0  }
0xd5: {  	s3 =	sadd.s32 s3, s2;
	s5 =	sand.u32 $0x300, s23;
	v0 =	vld [tilespmem:s4+$0x120]  }
0xd6: {  	s2 =	sadd.s32 s5, s2;
	[tilespmem:s3+$0x0] =	vst v2  }
0xd7: {  	v2 =	vld [tilespmem:s31+$0x110];
	[tilespmem:s2+$0x0] =	vst v3  }
0xd8: {  	v3 =	vld [tilespmem:s30+$0x110];
	[tilespmem:s19+$0x10] =	vst v1  }
0xd9: {  	v1 =	vld [tilespmem:s28+$0x120]  }
0xda: {  	[tilespmem:s19+$0x1A0] =	vst v0  }
0xdb: {  	v0 =	vld [tilespmem:s4+$0x130]  }
0xdc: {  	[tilespmem:s3+$0x10] =	vst v2  }
0xdd: {  	v2 =	vld [tilespmem:s31+$0x120];
	[tilespmem:s2+$0x10] =	vst v3  }
0xde: {  	v3 =	vld [tilespmem:s30+$0x120];
	[tilespmem:s19+$0x20] =	vst v1  }
0xdf: {  	v1 =	vld [tilespmem:s28+$0x130]  }
0xe0: {  	[tilespmem:s19+$0x1B0] =	vst v0  }
0xe1: {  	v0 =	vld [tilespmem:s4+$0x140]  }
0xe2: {  	[tilespmem:s3+$0x20] =	vst v2  }
0xe3: {  	v2 =	vld [tilespmem:s31+$0x130];
	[tilespmem:s2+$0x20] =	vst v3  }
0xe4: {  	v3 =	vld [tilespmem:s30+$0x130];
	[tilespmem:s19+$0x30] =	vst v1  }
0xe5: {  	v1 =	vld [tilespmem:s28+$0x140]  }
0xe6: {  	[tilespmem:s19+$0x1C0] =	vst v0  }
0xe7: {  	v0 =	vld [tilespmem:s4+$0x150]  }
0xe8: {  	[tilespmem:s3+$0x30] =	vst v2  }
0xe9: {  	v2 =	vld [tilespmem:s31+$0x140];
	[tilespmem:s2+$0x30] =	vst v3  }
0xea: {  	v3 =	vld [tilespmem:s30+$0x140];
	[tilespmem:s19+$0x40] =	vst v1  }
0xeb: {  	v1 =	vld [tilespmem:s28+$0x150]  }
0xec: {  	[tilespmem:s19+$0x1D0] =	vst v0  }
0xed: {  	v0 =	vld [tilespmem:s4+$0x160]  }
0xee: {  	[tilespmem:s3+$0x40] =	vst v2  }
0xef: {  	v2 =	vld [tilespmem:s31+$0x150];
	[tilespmem:s2+$0x40] =	vst v3  }
0xf0: {  	v3 =	vld [tilespmem:s30+$0x150];
	[tilespmem:s19+$0x50] =	vst v1  }
0xf1: {  	s6 =	simm.s32 $0xA06;
	v1 =	vld [tilespmem:s28+$0x160]  }
0xf2: {  	v4 =	vld [tilespmem:s6+$0x1];
	[tilespmem:s19+$0x1E0] =	vst v0  }
0xf3: {  	v0 =	vld [tilespmem:s4+$0x170]  }
0xf4: {  	v6 =	vld [tilespmem:s6+$0xFFFFFFFF];
	[tilespmem:s3+$0x50] =	vst v2  }
0xf5: {  	v2 =	vld [tilespmem:s31+$0x160];
	[tilespmem:s2+$0x50] =	vst v3  }
0xf6: {  	[tilespmem:s19+$0x60] =	vst v1;
	v1 =	vld [tilespmem:s6+$0xFFFFFFFE]  }
0xf7: {  	v3 =	vld [tilespmem:s30+$0x160]  }
0xf8: {  	p0 =	por $0x0, $0x0;
	s5 =	simm.s32 $0x1;
	v5 =	vld [tilespmem:s28+$0x170];
	[tilespmem:s19+$0x1F0] =	vst v0  }
0xf9: {  	s5 =	simm.s32 @!p0 $0x0;
	v0 =	vld [tilespmem:s4+$0x180]  }
0xfa: {  	(v2sf) =	vpush v4, $0x0;
	s5 =	sshll.u32 s5, $0x9  }
0xfb: {  	s5 =	sadd.s32 $0x0, s5;
	[tilespmem:s3+$0x60] =	vst v2;
	v2 =	vld [tilespmem:s6+$0x0];
	(v2sf) =	vpush v1, $0x0  }
0xfc: {  	s6 =	sadd.s32 $0x180, s5;
	[tilespmem:s2+$0x60] =	vst v3;
	v1 =	vld [tilespmem:s31+$0x170]  }
0xfd: {  	s7 =	sor.u32 $0x400, s6;
	v3 =	vld [tilespmem:s30+$0x170];
	[tilespmem:s19+$0x70] =	vst v5  }
0xfe: {  	(v2sf) =	vpush v6, $0x0;
	v4 =	vld [tilespmem:s28+$0x180];
	[tilespmem:s7+$0x8F00] =	vst v0  }
0xff: {  	v0 =	vld [tilespmem:s4+$0x190];
	_ =	sdelay $0x1  }
0x100: {  	(v2sf) =	vpush v2, $0x0;
	[tilespmem:s3+$0x70] =	vst v1  }
0x101: {  	s24 =	sand.u32 $0x7, s0;
	s26 =	sor.u32 $0x400, s5;
	v1 =	vld [tilespmem:s31+$0x180];
	[tilespmem:s2+$0x70] =	vst v3  }
0x102: {  	s0 =	sand.u32 $0x3, s0;
	s1 =	sshll.u32 s24, $0x7;
	s25 =	sor.u32 $0x410, s6;
	v2 =	vld [tilespmem:s30+$0x180];
	[tilespmem:s26+$0x8F00] =	vst v4  }
0x103: {  	s0 =	sshll.u32 s0, $0x8;
	s1 =	sadd.s32 $0x0, s1;
	v3 =	vld [tilespmem:s28+$0x190];
	[tilespmem:s25+$0x8F00] =	vst v0  }
0x104: {  	s0 =	sadd.s32 $0x0, s0;
	s9 =	sadd.s32 $0x80, s1;
	v0 =	vld [tilespmem:s4+$0x1A0]  }
0x105: {  	s8 =	sadd.s32 $0x100, s0;
	s1 =	sor.u32 $0x400, s9  }
0x106: {  	s2 =	sor.u32 $0x400, s8;
	[tilespmem:s1+$0x8F00] =	vst v1  }
0x107: {  	s7 =	sor.u32 $0x410, s5;
	v1 =	vld [tilespmem:s31+$0x190];
	[tilespmem:s2+$0x8F00] =	vst v2  }
0x108: {  	s10 =	spop (v2sf);
	s3 =	sor.u32 $0x420, s6;
	v2 =	vld [tilespmem:s30+$0x190];
	[tilespmem:s7+$0x8F00] =	vst v3  }
0x109: {  	s11 =	sshll.u32 s10, $0xA;
	v3 =	vld [tilespmem:s28+$0x1A0];
	s12 =	spop (v2sf);
	[tilespmem:s3+$0x8F00] =	vst v0  }
0x10a: {  	s18 =	simm.s32 $0x200;
	s0 =	sshra.s32 s11, $0x2;
	s1 =	sshll.u32 s12, $0xA;
	v0 =	vld [tilespmem:s4+$0x1B0]  }
0x10b: {  	s13 =	sor.u32 $0x410, s9;
	s21 =	simm.s32 $0x400;
	v4 =	vld [tilespmem:s0+$0x100];
	s20 =	sshra.s32 s1, $0x2  }
0x10c: {  	s14 =	sor.u32 $0x410, s8;
	s17 =	sand.u32 $0x7800, s21;
	s16 =	spop (v2sf);
	[tilespmem:s13+$0x8F00] =	vst v1;
	v1 =	vld [tilespmem:s20+$0x100]  }
0x10d: {  	s15 =	sor.u32 $0x420, s5;
	s10 =	sor.u32 $0x430, s6;
	s7 =	sshll.u32 s16, $0xA;
	[tilespmem:s14+$0x8F00] =	vst v2;
	v2 =	vld [tilespmem:s31+$0x1A0]  }
0x10e: {  	s19 =	sadd.s32 $0x8F00, s17;
	s3 =	sand.u32 $0x200, s18;
	s2 =	sshra.s32 s7, $0x2;
	v5 =	vld [tilespmem:s30+$0x1A0];
	[tilespmem:s15+$0x8F00] =	vst v3  }
0x10f: {  	s22 =	spop (v2sf);
	s3 =	sadd.s32 s3, s19;
	v3 =	vld [tilespmem:s2+$0x100];
	[tilespmem:s10+$0x8F00] =	vst v0  }
0x110: {  	s23 =	sshll.u32 s22, $0xA;
	[tilespmem:s3+$0x180] =	vst v4;
	v0 =	vld [tilespmem:s4+$0x1C0]  }
0x111: {  	s24 =	sor.u32 $0x420, s9;
	s12 =	simm.s32 $0x280;
	s1 =	sshra.s32 s23, $0x2;
	[tilespmem:s3+$0x0] =	vst v1;
	v1 =	vld [tilespmem:s0+$0x110]  }
0x112: {  	s25 =	sor.u32 $0x420, s8;
	s12 =	sand.u32 $0x280, s12;
	v4 =	vld [tilespmem:s1+$0x100];
	[tilespmem:s24+$0x8F00] =	vst v2  }
0x113: {  	s22 =	sadd.s32 s12, s19;
	[tilespmem:s25+$0x8F00] =	vst v5;
	v5 =	vld [tilespmem:s28+$0x1B0]  }
0x114: {  	s26 =	sor.u32 $0x440, s6;
	s7 =	simm.s32 $0x300;
	v2 =	vld [tilespmem:s20+$0x110];
	[tilespmem:s22+$0x0] =	vst v3  }
0x115: {  	s13 =	sand.u32 $0x300, s7;
	v3 =	vld [tilespmem:s2+$0x110];
	[tilespmem:s26+$0x8F00] =	vst v0  }
0x116: {  	s19 =	sadd.s32 s13, s19;
	[tilespmem:s3+$0x190] =	vst v1;
	v0 =	vld [tilespmem:s4+$0x1D0]  }
0x117: {  	s14 =	sor.u32 $0x430, s5;
	[tilespmem:s19+$0x0] =	vst v4;
	v1 =	vld [tilespmem:s0+$0x120]  }
0x118: {  	[tilespmem:s14+$0x8F00] =	vst v5;
	v5 =	vld [tilespmem:s31+$0x1B0]  }
0x119: {  	[tilespmem:s3+$0x10] =	vst v2;
	v2 =	vld [tilespmem:s1+$0x110]  }
0x11a: {  	s15 =	sor.u32 $0x450, s6;
	v4 =	vld [tilespmem:s20+$0x120];
	[tilespmem:s22+$0x10] =	vst v3  }
0x11b: {  	v3 =	vld [tilespmem:s2+$0x120];
	[tilespmem:s15+$0x8F00] =	vst v0  }
0x11c: {  	s16 =	sor.u32 $0x430, s9;
	[tilespmem:s3+$0x1A0] =	vst v1;
	v0 =	vld [tilespmem:s4+$0x1E0]  }
0x11d: {  	[tilespmem:s16+$0x8F00] =	vst v5;
	v5 =	vld [tilespmem:s30+$0x1B0]  }
0x11e: {  	[tilespmem:s19+$0x10] =	vst v2;
	v1 =	vld [tilespmem:s0+$0x130]  }
0x11f: {  	[tilespmem:s3+$0x20] =	vst v4;
	v2 =	vld [tilespmem:s1+$0x120]  }
0x120: {  	s17 =	sor.u32 $0x460, s6;
	v4 =	vld [tilespmem:s20+$0x130];
	[tilespmem:s22+$0x20] =	vst v3  }
0x121: {  	s18 =	sor.u32 $0x430, s8;
	v3 =	vld [tilespmem:s2+$0x130];
	[tilespmem:s17+$0x8F00] =	vst v0  }
0x122: {  	[tilespmem:s18+$0x8F00] =	vst v5;
	v0 =	vld [tilespmem:s4+$0x1F0]  }
0x123: {  	v5 =	vld [tilespmem:s28+$0x1C0];
	[tilespmem:s3+$0x1B0] =	vst v1  }
0x124: {  	[tilespmem:s19+$0x20] =	vst v2;
	v1 =	vld [tilespmem:s0+$0x140]  }
0x125: {  	[tilespmem:s3+$0x30] =	vst v4;
	v2 =	vld [tilespmem:s1+$0x130]  }
0x126: {  	s23 =	sor.u32 $0x470, s6;
	v4 =	vld [tilespmem:s20+$0x140];
	[tilespmem:s22+$0x30] =	vst v3  }
0x127: {  	s24 =	sor.u32 $0x440, s5;
	[tilespmem:s23+$0x8F00] =	vst v0;
	v0 =	vld [tilespmem:s31+$0x1C0]  }
0x128: {  	[tilespmem:s24+$0x8F00] =	vst v5  }
0x129: {  	v3 =	vld [tilespmem:s2+$0x140];
	[tilespmem:s3+$0x1C0] =	vst v1  }
0x12a: {  	[tilespmem:s19+$0x30] =	vst v2;
	v1 =	vld [tilespmem:s0+$0x150]  }
0x12b: {  	s25 =	sor.u32 $0x440, s9;
	[tilespmem:s3+$0x40] =	vst v4;
	v2 =	vld [tilespmem:s1+$0x140]  }
0x12c: {  	s11 =	sor.u32 $0x470, s9;
	v4 =	vld [tilespmem:s20+$0x150];
	[tilespmem:s25+$0x8F00] =	vst v0  }
0x12d: {  	v0 =	vld [tilespmem:s30+$0x1C0];
	[dreg:$0x11] =	wrdreg s11  }
0x12e: {  	s12 =	sor.u32 $0x470, s8;
	[tilespmem:s22+$0x40] =	vst v3  }
0x12f: {  	s24 =	simm.s32 $0x4;
	v3 =	vld [tilespmem:s28+$0x1D0];
	[dreg:$0x9] =	wrdreg s12  }
0x130: {  	s16 =	sand.u32 $0x7, s24;
	[tilespmem:s3+$0x1D0] =	vst v1  }
0x131: {  	s18 =	sor.u32 $0x450, s5;
	s6 =	sshll.u32 s16, $0x7;
	v5 =	vld [tilespmem:s2+$0x150];
	[tilespmem:s19+$0x40] =	vst v2  }
0x132: {  	s6 =	sadd.s32 $0x400, s6;
	s25 =	sor.u32 $0x460, s5;
	s5 =	sor.u32 $0x470, s5;
	[tilespmem:s3+$0x50] =	vst v4;
	v2 =	vld [tilespmem:s0+$0x160]  }
0x133: {  	s10 =	sor.u32 $0x440, s8;
	s6 =	sadd.s32 $0x80, s6;
	v4 =	vld [tilespmem:s1+$0x150];
	[dreg:$0x1f] =	wrdreg s5  }
0x134: {  	s11 =	sor.u32 $0x400, s6;
	[tilespmem:s10+$0x8F00] =	vst v0  }
0x135: {  	s23 =	simm.s32 $0x2;
	v6 =	vld [tilespmem:s20+$0x160];
	[smem:$0x7EA] =	sst s11  }
0x136: {  	s13 =	sand.u32 $0x3, s23;
	s12 =	sor.u32 $0x410, s6;
	[tilespmem:s18+$0x8F00] =	vst v3  }
0x137: {  	s4 =	sshll.u32 s13, $0x8;
	s13 =	sor.u32 $0x420, s6;
	[smem:$0x7EB] =	sst s12  }
0x138: {  	v3 =	vld [tilespmem:s31+$0x1D0];
	[dreg:$0x1b] =	wrdreg s13  }
0x139: {  	s16 =	sor.u32 $0x430, s6;
	[tilespmem:s22+$0x50] =	vst v5  }
0x13a: {  	s18 =	sor.u32 $0x460, s6;
	v0 =	vld [tilespmem:s30+$0x1D0];
	[dreg:$0xa] =	wrdreg s16  }
0x13b: {  	s4 =	sadd.s32 $0x400, s4;
	[smem:$0x7EC] =	sst s18  }
0x13c: {  	s14 =	sor.u32 $0x450, s9;
	s15 =	sor.u32 $0x460, s9;
	s9 =	sadd.s32 $0x100, s4;
	[tilespmem:s3+$0x1E0] =	vst v2  }
0x13d: {  	s26 =	sor.u32 $0x460, s8;
	s17 =	sor.u32 $0x450, s8;
	s8 =	sor.u32 $0x410, s9;
	v1 =	vld [tilespmem:s2+$0x160];
	[tilespmem:s19+$0x50] =	vst v4  }
0x13e: {  	s10 =	sor.u32 $0x420, s9;
	v2 =	vld [tilespmem:s0+$0x170];
	[smem:$0x7ED] =	sst s8  }
0x13f: {  	s13 =	sor.u32 $0x430, s9;
	[dreg:$0x1d] =	wrdreg s10  }
0x140: {  	s29 =	sor.u32 $0x440, s9;
	s5 =	sor.u32 $0x450, s6;
	[dreg:$0x15] =	wrdreg s13  }
0x141: {  	s11 =	sor.u32 $0x440, s6;
	s12 =	sor.u32 $0x400, s9;
	s18 =	sor.u32 $0x460, s9;
	[tilespmem:s3+$0x60] =	vst v6  }
0x142: {  	s16 =	sor.u32 $0x470, s6;
	s13 =	sor.u32 $0x450, s9;
	v4 =	vld [tilespmem:s1+$0x160];
	[dreg:$0x5] =	wrdreg s18  }
0x143: {  	s10 =	sor.u32 $0x470, s9;
	s8 =	simm.s32 $0x4;
	s9 =	simm.s32 $0xA0A;
	[tilespmem:s14+$0x8F00] =	vst v3;
	v3 =	vld [tilespmem:s20+$0x170]  }
.LBB2_4:
0x144: {  	_ =	sdelay $0x1  }
0x145: {  	v5 =	vld [tilespmem:s9+$0x1];
	[tilespmem:s17+$0x8F00] =	vst v0  }
0x146: {  	v0 =	vld [tilespmem:s9+$0xFFFFFFFE];
	[tilespmem:s22+$0x60] =	vst v1  }
0x147: {  	p0 =	por !p0, !p0;
	s6 =	simm.s32 $0x1;
	[tilespmem:s3+$0x1F0] =	vst v2;
	v1 =	vld [tilespmem:s9+$0xFFFFFFFF]  }
0x148: {  	s6 =	simm.s32 @!p0 $0x0;
	[tilespmem:s19+$0x60] =	vst v4;
	v2 =	vld [tilespmem:s0+$0x180]  }
0x149: {  	[smem:$0x7E1] =	sst s16;
	s6 =	sshll.u32 s6, $0x9;
	v4 =	vld [tilespmem:s9+$0x0]  }
0x14a: {  	[smem:$0x7E7] =	sst s29;
	s6 =	sadd.s32 s6, s21;
	[tilespmem:s3+$0x70] =	vst v3;
	(v2sf) =	vpush v5, $0x0;
	v3 =	vld [tilespmem:s2+$0x170]  }
0x14b: {  	[smem:$0x7E5] =	sst s11;
	s14 =	sadd.s32 $0x180, s6  }
0x14c: {  	[smem:$0x7E9] =	sst s5;
	s5 =	sor.u32 $0x400, s14;
	(v2sf) =	vpush v0, $0x0;
	v0 =	vld [tilespmem:s1+$0x170]  }
0x14d: {  	s4 =	smov.u32 s13;
	s13 =	sor.u32 $0x400, s6;
	s18 =	sor.u32 $0x430, s6;
	(v2sf) =	vpush v1, $0x0;
	v1 =	vld [tilespmem:s20+$0x180];
	[tilespmem:s5+$0x8F00] =	vst v2  }
0x14e: {  	s17 =	sor.u32 $0x410, s6;
	[smem:$0x7E0] =	sst s18;
	s18 =	sor.u32 $0x450, s6;
	(v2sf) =	vpush v4, $0x0;
	v4 =	vld [tilespmem:s0+$0x190]  }
0x14f: {  	s3 =	sor.u32 $0x420, s6;
	s11 =	sor.u32 $0x440, s6;
	[smem:$0x7E8] =	sst s18;
	v2 =	vld [tilespmem:s28+$0x1E0];
	[tilespmem:s22+$0x70] =	vst v3  }
0x150: {  	s16 =	sor.u32 $0x470, s6;
	s18 =	sor.u32 $0x460, s6;
	s6 =	sld [smem:$0x7EC];
	v3 =	vld [tilespmem:s31+$0x1E0]  }
0x151: {  	[smem:$0x7E3] =	sst s4;
	v5 =	vld [tilespmem:s2+$0x180];
	[tilespmem:s19+$0x70] =	vst v0  }
0x152: {  	[smem:$0x7E4] =	sst s11;
	s22 =	sor.u32 $0x410, s14;
	v0 =	vld [tilespmem:s1+$0x180];
	[tilespmem:s13+$0x8F00] =	vst v1  }
0x153: {  	s11 =	smov.u32 s6;
	s13 =	sld [smem:$0x7EA];
	v1 =	vld [tilespmem:s20+$0x190];
	[tilespmem:s22+$0x8F00] =	vst v4  }
0x154: {  	s24 =	sadd.s32 $0x4, s24;
	s5 =	smov.u32 s18;
	[smem:$0x7E2] =	sst s11;
	[tilespmem:s25+$0x8F00] =	vst v2;
	v4 =	vld [tilespmem:s0+$0x1A0]  }
0x155: {  	s23 =	sadd.s32 $0x2, s23;
	s18 =	sand.u32 $0x7, s24;
	[smem:$0x7E6] =	sst s5;
	v2 =	vld [tilespmem:s30+$0x1E0];
	[tilespmem:s15+$0x8F00] =	vst v3  }
0x156: {  	s29 =	smov.u32 s10;
	s5 =	sshll.u32 s18, $0x7;
	s18 =	sld [smem:$0x7ED];
	v3 =	vld [tilespmem:s28+$0x1F0];
	[tilespmem:s13+$0x8F00] =	vst v5  }
0x157: {  	s7 =	sadd.s32 $0x200, s7;
	s21 =	sadd.s32 $0x400, s21;
	s25 =	rddreg [dreg:$0x1f];
	v5 =	vld [tilespmem:s2+$0x190];
	[tilespmem:s12+$0x8F00] =	vst v0  }
0x158: {  	s15 =	sor.u32 $0x420, s14;
	s28 =	smov.u32 s20;
	s13 =	rddreg [dreg:$0x1d];
	v0 =	vld [tilespmem:s1+$0x190];
	[tilespmem:s17+$0x8F00] =	vst v1  }
0x159: {  	s5 =	sadd.s32 s21, s5;
	s19 =	spop (v2sf);
	v1 =	vld [tilespmem:s28+$0x1A0];
	[tilespmem:s15+$0x8F00] =	vst v4;
	s15 =	sld [smem:$0x7EB]  }
0x15a: {  	[tilespmem:s26+$0x8F00] =	vst v2;
	s17 =	sand.u32 $0x3, s23;
	v2 =	vld [tilespmem:s31+$0x1F0];
	s20 =	sshll.u32 s19, $0xA;
	s31 =	sadd.s32 $0x80, s5  }
0x15b: {  	s4 =	sshll.u32 s17, $0x8;
	[tilespmem:s25+$0x8F00] =	vst v3;
	s25 =	sadd.s32 $0xFFFFFF00, s7;
	s22 =	spop (v2sf);
	v4 =	vld [tilespmem:s0+$0x1B0]  }
0x15c: {  	s17 =	sshra.s32 s20, $0x2;
	v3 =	vld [tilespmem:s30+$0x1F0];
	s11 =	sand.u32 $0x200, s25;
	s12 =	sshll.u32 s22, $0xA;
	[tilespmem:s15+$0x8F00] =	vst v5  }
0x15d: {  	s4 =	sadd.s32 s21, s4;
	s25 =	sand.u32 $0x300, s7;
	s20 =	sshra.s32 s12, $0x2;
	v5 =	vld [tilespmem:s17+$0x100];
	[tilespmem:s18+$0x8F00] =	vst v0  }
0x15e: {  	s22 =	sand.u32 $0x7800, s21;
	s26 =	spop (v2sf);
	s15 =	rddreg [dreg:$0x11];
	v0 =	vld [tilespmem:s20+$0x100];
	[tilespmem:s3+$0x8F00] =	vst v1  }
0x15f: {  	s6 =	sshll.u32 s26, $0xA;
	s19 =	spop (v2sf);
	s26 =	sor.u32 $0x430, s14;
	v1 =	vld [tilespmem:s2+$0x1A0];
	[tilespmem:s15+$0x8F00] =	vst v2  }
0x160: {  	s18 =	sadd.s32 $0x8F00, s22;
	s10 =	sshll.u32 s19, $0xA;
	v2 =	vld [tilespmem:s1+$0x1A0];
	s19 =	rddreg [dreg:$0x9];
	[tilespmem:s26+$0x8F00] =	vst v4  }
0x161: {  	s22 =	sadd.s32 $0xFFFFFF80, s7;
	s3 =	sadd.s32 s11, s18;
	s30 =	sshra.s32 s6, $0x2;
	[tilespmem:s19+$0x8F00] =	vst v3;
	v4 =	vld [tilespmem:s0+$0x1C0]  }
0x162: {  	s6 =	sand.u32 $0x280, s22;
	s11 =	rddreg [dreg:$0x1b];
	s26 =	sshra.s32 s10, $0x2;
	v3 =	vld [tilespmem:s30+$0x100];
	[tilespmem:s3+$0x180] =	vst v5  }
0x163: {  	s19 =	sadd.s32 s25, s18;
	s22 =	sadd.s32 s6, s18;
	s18 =	sor.u32 $0x410, s31;
	v5 =	vld [tilespmem:s26+$0x100];
	[tilespmem:s3+$0x0] =	vst v0  }
0x164: {  	s4 =	sadd.s32 $0x100, s4;
	s25 =	sor.u32 $0x420, s31;
	[smem:$0x7EB] =	sst s18;
	v0 =	vld [tilespmem:s17+$0x110];
	[tilespmem:s11+$0x8F00] =	vst v1  }
0x165: {  	s15 =	sor.u32 $0x440, s14;
	s10 =	sor.u32 $0x410, s4;
	[dreg:$0x1b] =	wrdreg s25;
	v1 =	vld [tilespmem:s20+$0x110];
	[tilespmem:s13+$0x8F00] =	vst v2  }
0x166: {  	s12 =	sor.u32 $0x400, s31;
	[smem:$0x7ED] =	sst s10;
	s25 =	sor.u32 $0x440, s31;
	v2 =	vld [tilespmem:s28+$0x1B0];
	[tilespmem:s15+$0x8F00] =	vst v4  }
0x167: {  	s18 =	sor.u32 $0x450, s31;
	s10 =	sor.u32 $0x470, s31;
	s13 =	sor.u32 $0x460, s31;
	[tilespmem:s22+$0x0] =	vst v3;
	v3 =	vld [tilespmem:s0+$0x1D0]  }
0x168: {  	s15 =	sor.u32 $0x430, s31;
	s31 =	smov.u32 s16;
	s16 =	sld [smem:$0x7E0];
	[tilespmem:s19+$0x0] =	vst v5  }
0x169: {  	[tilespmem:s3+$0x190] =	vst v0  }
0x16a: {  	s5 =	sor.u32 $0x460, s4;
	v4 =	vld [tilespmem:s30+$0x110];
	[tilespmem:s3+$0x10] =	vst v1  }
0x16b: {  	[dreg:$0x1f] =	wrdreg s31;
	s31 =	smov.u32 s2;
	v5 =	vld [tilespmem:s20+$0x120];
	[tilespmem:s16+$0x8F00] =	vst v2;
	s16 =	sor.u32 $0x450, s14  }
0x16c: {  	s2 =	smov.u32 s30;
	s30 =	smov.u32 s1;
	v0 =	vld [tilespmem:s17+$0x120];
	[tilespmem:s16+$0x8F00] =	vst v3;
	s16 =	rddreg [dreg:$0x5]  }
0x16d: {  	s1 =	smov.u32 s26;
	v1 =	vld [tilespmem:s26+$0x110];
	s26 =	smov.u32 s16;
	s16 =	smov.u32 s5  }
0x16e: {  	[dreg:$0x5] =	wrdreg s16  }
0x16f: {  	s16 =	sld [smem:$0x7E1]  }
0x170: {  	[smem:$0x7EA] =	sst s12;
	s11 =	sor.u32 $0x420, s4;
	v2 =	vld [tilespmem:s31+$0x1B0]  }
0x171: {  	s12 =	sor.u32 $0x400, s4;
	s6 =	sor.u32 $0x440, s4;
	[dreg:$0x1d] =	wrdreg s11;
	[tilespmem:s22+$0x10] =	vst v4;
	v3 =	vld [tilespmem:s0+$0x1E0]  }
0x172: {  	s11 =	sor.u32 $0x430, s4;
	[smem:$0x7EC] =	sst s13;
	v4 =	vld [tilespmem:s2+$0x120];
	[tilespmem:s3+$0x1A0] =	vst v0;
	s5 =	smov.u32 s16  }
0x173: {  	s13 =	sor.u32 $0x450, s4;
	s4 =	sor.u32 $0x470, s4;
	[tilespmem:s19+$0x10] =	vst v1;
	v0 =	vld [tilespmem:s17+$0x130];
	[dreg:$0x11] =	wrdreg s5  }
0x174: {  	[tilespmem:s3+$0x20] =	vst v5;
	v1 =	vld [tilespmem:s1+$0x120];
	s16 =	smov.u32 s10;
	s10 =	smov.u32 s29;
	s5 =	rddreg [dreg:$0xa]  }
0x175: {  	v5 =	vld [tilespmem:s20+$0x130];
	[dreg:$0x9] =	wrdreg s10;
	s10 =	smov.u32 s4;
	s4 =	sor.u32 $0x460, s14;
	[tilespmem:s5+$0x8F00] =	vst v2  }
0x176: {  	v2 =	vld [tilespmem:s30+$0x1B0];
	[tilespmem:s4+$0x8F00] =	vst v3  }
0x177: {  	[tilespmem:s22+$0x20] =	vst v4;
	v3 =	vld [tilespmem:s0+$0x1F0]  }
0x178: {  	s5 =	smov.u32 s15;
	s0 =	smov.u32 s17;
	[tilespmem:s3+$0x1B0] =	vst v0;
	v4 =	vld [tilespmem:s2+$0x130]  }
0x179: {  	[dreg:$0xa] =	wrdreg s5;
	[tilespmem:s19+$0x20] =	vst v1;
	v0 =	vld [tilespmem:s0+$0x140]  }
0x17a: {  	s5 =	rddreg [dreg:$0x15];
	[tilespmem:s3+$0x30] =	vst v5;
	v1 =	vld [tilespmem:s1+$0x130]  }
0x17b: {  	s4 =	sor.u32 $0x470, s14;
	[tilespmem:s5+$0x8F00] =	vst v2  }
0x17c: {  	v5 =	vld [tilespmem:s20+$0x140];
	[tilespmem:s4+$0x8F00] =	vst v3  }
0x17d: {  	v2 =	vld [tilespmem:s28+$0x1C0];
	[tilespmem:s22+$0x30] =	vst v4  }
0x17e: {  	s14 =	smov.u32 s11;
	s11 =	sld [smem:$0x7E4];
	[tilespmem:s3+$0x1C0] =	vst v0;
	v3 =	vld [tilespmem:s31+$0x1C0]  }
0x17f: {  	[dreg:$0x15] =	wrdreg s14;
	[tilespmem:s19+$0x30] =	vst v1;
	v0 =	vld [tilespmem:s0+$0x150]  }
0x180: {  	s14 =	sld [smem:$0x7E5];
	v1 =	vld [tilespmem:s1+$0x140]  }
0x181: {  	v4 =	vld [tilespmem:s2+$0x140];
	[tilespmem:s3+$0x40] =	vst v5  }
0x182: {  	v5 =	vld [tilespmem:s20+$0x150];
	[tilespmem:s11+$0x8F00] =	vst v2  }
0x183: {  	[tilespmem:s14+$0x8F00] =	vst v3  }
0x184: {  	v2 =	vld [tilespmem:s30+$0x1C0];
	[tilespmem:s3+$0x1D0] =	vst v0  }
0x185: {  	v3 =	vld [tilespmem:s28+$0x1D0];
	[tilespmem:s19+$0x40] =	vst v1  }
0x186: {  	s5 =	sld [smem:$0x7E7];
	[tilespmem:s22+$0x40] =	vst v4;
	v6 =	vld [tilespmem:s0+$0x160]  }
0x187: {  	s29 =	smov.u32 s6;
	s6 =	sld [smem:$0x7E8];
	[tilespmem:s3+$0x50] =	vst v5;
	v5 =	vld [tilespmem:s1+$0x150]  }
0x188: {  	v4 =	vld [tilespmem:s2+$0x150]  }
0x189: {  	s8 =	sadd.s32 $0x4, s8;
	v7 =	vld [tilespmem:s20+$0x160];
	[tilespmem:s5+$0x8F00] =	vst v2  }
0x18a: {  	p1 =	slt.u32 s8, $0x7C;
	v8 =	vld [tilespmem:s31+$0x1D0];
	[tilespmem:s6+$0x8F00] =	vst v3  }
.Ltmp1:
0x18b: {  	v0 =	vld [tilespmem:s30+$0x1D0];
	[tilespmem:s3+$0x1E0] =	vst v6;
	(pc) =	sbr.rel @p1 .LBB2_4-.Ltmp1, $4  }
0x18c: {  	s14 =	sld [smem:$0x7E9];
	[tilespmem:s19+$0x50] =	vst v5;
	v2 =	vld [tilespmem:s0+$0x170]  }
0x18d: {  	s15 =	sld [smem:$0x7E2];
	[tilespmem:s22+$0x50] =	vst v4;
	v4 =	vld [tilespmem:s1+$0x160]  }
0x18e: {  	s9 =	sadd.s32 $0x4, s9;
	s17 =	sld [smem:$0x7E3];
	[tilespmem:s3+$0x60] =	vst v7;
	v1 =	vld [tilespmem:s2+$0x160]  }
0x18f: {  	s11 =	smov.u32 s25;
	s25 =	sld [smem:$0x7E6];
	s5 =	smov.u32 s18;
	v3 =	vld [tilespmem:s20+$0x170];
	[tilespmem:s14+$0x8F00] =	vst v8  }
0x190: {  	_ =	sdelay $0x2  }
0x191: {  	[tilespmem:s22+$0x60] =	vst v1  }
0x192: {  	v1 =	vld [tilespmem:s2+$0x170]  }
0x193: {  	[tilespmem:s19+$0x60] =	vst v4  }
0x194: {  	v4 =	vld [tilespmem:s1+$0x170]  }
0x195: {  	p0 =	por !p0, !p0;
	s4 =	simm.s32 $0x1;
	[tilespmem:s3+$0x1F0] =	vst v2  }
0x196: {  	s4 =	simm.s32 @!p0 $0x0;
	v2 =	vld [tilespmem:s0+$0x180];
	[tilespmem:s3+$0x70] =	vst v3  }
0x197: {  	s7 =	sshll.u32 s4, $0x9;
	[tilespmem:s22+$0x70] =	vst v1;
	v1 =	vld [tilespmem:s20+$0x180]  }
0x198: {  	s3 =	sadd.s32 s7, s21  }
0x199: {  	s6 =	sadd.s32 $0x180, s3;
	[tilespmem:s19+$0x70] =	vst v4  }
0x19a: {  	s8 =	sor.u32 $0x400, s6;
	v4 =	vld [tilespmem:s1+$0x180]  }
0x19b: {  	s9 =	sor.u32 $0x400, s3;
	[tilespmem:s8+$0x8F00] =	vst v2;
	v3 =	vld [tilespmem:s2+$0x180]  }
0x19c: {  	[tilespmem:s9+$0x8F00] =	vst v1;
	v1 =	vld [tilespmem:s0+$0x190]  }
0x19d: {  	s4 =	sld [smem:$0x7EA];
	v2 =	vld [tilespmem:s20+$0x190];
	_ =	sdelay $0x1  }
0x19e: {  	[tilespmem:s12+$0x8F00] =	vst v4  }
0x19f: {  	s12 =	sor.u32 $0x410, s6;
	[tilespmem:s4+$0x8F00] =	vst v3  }
0x1a0: {  	s14 =	sor.u32 $0x410, s3;
	v3 =	vld [tilespmem:s2+$0x190];
	[tilespmem:s12+$0x8F00] =	vst v1  }
0x1a1: {  	[tilespmem:s14+$0x8F00] =	vst v2  }
0x1a2: {  	s4 =	sld [smem:$0x7EB]  }
0x1a3: {  	v1 =	vld [tilespmem:s0+$0x1A0]  }
0x1a4: {  	v4 =	vld [tilespmem:s1+$0x190]  }
0x1a5: {  	v2 =	vld [tilespmem:s20+$0x1A0];
	[tilespmem:s4+$0x8F00] =	vst v3  }
0x1a6: {  	s4 =	sld [smem:$0x7ED]  }
0x1a7: {  	s18 =	sor.u32 $0x420, s6;
	v3 =	vld [tilespmem:s2+$0x1A0]  }
0x1a8: {  	[tilespmem:s18+$0x8F00] =	vst v1  }
0x1a9: {  	s19 =	sor.u32 $0x420, s3;
	v1 =	vld [tilespmem:s0+$0x1B0];
	[tilespmem:s4+$0x8F00] =	vst v4  }
0x1aa: {  	[tilespmem:s19+$0x8F00] =	vst v2;
	v4 =	vld [tilespmem:s1+$0x1A0]  }
0x1ab: {  	v2 =	vld [tilespmem:s20+$0x1B0];
	s4 =	rddreg [dreg:$0x1b]  }
0x1ac: {  	[tilespmem:s4+$0x8F00] =	vst v3  }
0x1ad: {  	s21 =	sor.u32 $0x430, s6;
	v3 =	vld [tilespmem:s2+$0x1B0]  }
0x1ae: {  	s4 =	rddreg [dreg:$0x1d];
	[tilespmem:s21+$0x8F00] =	vst v1  }
0x1af: {  	s22 =	sor.u32 $0x430, s3;
	[tilespmem:s4+$0x8F00] =	vst v4  }
0x1b0: {  	[tilespmem:s22+$0x8F00] =	vst v2;
	v4 =	vld [tilespmem:s1+$0x1B0]  }
0x1b1: {  	v1 =	vld [tilespmem:s0+$0x1C0];
	s4 =	rddreg [dreg:$0xa]  }
0x1b2: {  	v2 =	vld [tilespmem:s20+$0x1C0];
	[tilespmem:s4+$0x8F00] =	vst v3  }
0x1b3: {  	v3 =	vld [tilespmem:s2+$0x1C0]  }
0x1b4: {  	s4 =	rddreg [dreg:$0x15];
	[tilespmem:s17+$0x8F00] =	vst v0  }
0x1b5: {  	s23 =	sor.u32 $0x440, s6;
	v0 =	vld [tilespmem:s28+$0x1E0];
	[tilespmem:s4+$0x8F00] =	vst v4  }
0x1b6: {  	s24 =	sor.u32 $0x440, s3;
	[tilespmem:s23+$0x8F00] =	vst v1;
	v4 =	vld [tilespmem:s1+$0x1C0]  }
0x1b7: {  	[tilespmem:s24+$0x8F00] =	vst v2;
	v2 =	vld [tilespmem:s0+$0x1D0]  }
0x1b8: {  	[tilespmem:s11+$0x8F00] =	vst v3;
	v3 =	vld [tilespmem:s20+$0x1D0]  }
0x1b9: {  	v1 =	vld [tilespmem:s31+$0x1E0]  }
0x1ba: {  	v5 =	vld [tilespmem:s30+$0x1E0];
	[tilespmem:s25+$0x8F00] =	vst v0  }
0x1bb: {  	s7 =	sor.u32 $0x450, s6;
	[tilespmem:s29+$0x8F00] =	vst v4;
	v4 =	vld [tilespmem:s2+$0x1D0]  }
0x1bc: {  	s8 =	sor.u32 $0x450, s3;
	[tilespmem:s7+$0x8F00] =	vst v2;
	v0 =	vld [tilespmem:s1+$0x1D0]  }
0x1bd: {  	v2 =	vld [tilespmem:s0+$0x1E0];
	[tilespmem:s8+$0x8F00] =	vst v3  }
0x1be: {  	[tilespmem:s15+$0x8F00] =	vst v1;
	v3 =	vld [tilespmem:s20+$0x1E0]  }
0x1bf: {  	v1 =	vld [tilespmem:s28+$0x1F0];
	[tilespmem:s26+$0x8F00] =	vst v5  }
0x1c0: {  	[tilespmem:s5+$0x8F00] =	vst v4  }
0x1c1: {  	s9 =	sor.u32 $0x460, s6;
	[tilespmem:s13+$0x8F00] =	vst v0  }
0x1c2: {  	s11 =	sor.u32 $0x460, s3;
	s4 =	rddreg [dreg:$0x1f];
	[tilespmem:s9+$0x8F00] =	vst v2  }
0x1c3: {  	v0 =	vld [tilespmem:s2+$0x1E0];
	[tilespmem:s11+$0x8F00] =	vst v3  }
0x1c4: {  	[tilespmem:s4+$0x8F00] =	vst v1  }
0x1c5: {  	v4 =	vld [tilespmem:s1+$0x1E0];
	s12 =	sld [smem:$0x7EC];
	_ =	sdelay $0x1  }
0x1c6: {  	v5 =	vld [tilespmem:s31+$0x1F0]  }
0x1c7: {  	v2 =	vld [tilespmem:s0+$0x1F0];
	[tilespmem:s12+$0x8F00] =	vst v0  }
0x1c8: {  	v0 =	vld [tilespmem:s20+$0x1F0];
	s0 =	rddreg [dreg:$0x5]  }
0x1c9: {  	v1 =	vld [tilespmem:s30+$0x1F0];
	[tilespmem:s0+$0x8F00] =	vst v4  }
0x1ca: {  	v3 =	vld [tilespmem:s2+$0x1F0];
	s0 =	rddreg [dreg:$0x11]  }
0x1cb: {  	s13 =	sor.u32 $0x470, s6;
	v4 =	vld [tilespmem:s1+$0x1F0];
	[tilespmem:s0+$0x8F00] =	vst v5  }
0x1cc: {  	s14 =	sor.u32 $0x470, s3;
	s0 =	rddreg [dreg:$0x9];
	[tilespmem:s13+$0x8F00] =	vst v2  }
0x1cd: {  	[tilespmem:s14+$0x8F00] =	vst v0  }
0x1ce: {  	[tilespmem:s0+$0x8F00] =	vst v1  }
0x1cf: {  	[tilespmem:s16+$0x8F00] =	vst v3  }
0x1d0: {  	[tilespmem:s10+$0x8F00] =	vst v4  }
0x1d1: {  	s1 =	sld [smem:$0x7F4];
	_ =	sdelay $0x1  }
0x1d2: {  	s17 =	simm.s32 $0xA83;
	s15 =	simm.s32 $0x0;
	s16 =	simm.s32 $0x8F00  }
0x1d3: {  	[hbm4b:s1+s15] =	stream.linear.scatter [tilespmem:s16], [sflag:$0x2], $0x8000, $0x38;
	[tilespmem:$0x18F00] =	vst v63  }
0x1d4: {  	v0 =	vld [tilespmem:s17+$0x0];
	_ =	sdelay $0x1  }
0x1d5: {  	v1 =	vld [tilespmem:s17+$0xFFFFFFFD];
	_ =	sdelay $0x2  }
0x1d6: {  	(v2sf) =	vpush v0, $0x0;
	v0 =	vld [tilespmem:s17+$0xFFFFFFFE];
	_ =	sdelay $0x1  }
0x1d7: {  	v2 =	vld [tilespmem:s17+$0xFFFFFFFF];
	(v2sf) =	vpush v1, $0x0;
	_ =	sdelay $0x2  }
0x1d8: {  	(v2sf) =	vpush v0, $0x0;
	_ =	sdelay $0x1  }
0x1d9: {  	(v2sf) =	vpush v2, $0x0;
	_ =	sdelay $0x7  }
0x1da: {  	s18 =	spop (v2sf)  }
0x1db: {  	s1 =	sshll.u32 s18, $0xA  }
0x1dc: {  	s19 =	spop (v2sf);
	s6 =	sshra.s32 s1, $0x2  }
0x1dd: {  	s1 =	sshll.u32 s19, $0xA;
	v0 =	vld [tilespmem:s6+$0x100]  }
0x1de: {  	s31 =	sshra.s32 s1, $0x2  }
0x1df: {  	s20 =	sand.u32 $0x7800, s15;
	s0 =	sand.u32 $0x200, s15;
	v1 =	vld [tilespmem:s31+$0x100];
	s21 =	spop (v2sf)  }
0x1e0: {  	s2 =	sor.u32 s0, s20;
	s22 =	sshll.u32 s21, $0xA  }
0x1e1: {  	s0 =	sadd.s32 $0x10F00, s2;
	s23 =	spop (v2sf);
	s24 =	sshra.s32 s22, $0x2  }
0x1e2: {  	s25 =	sshll.u32 s23, $0xA;
	[tilespmem:s0+$0x180] =	vst v0;
	v2 =	vld [tilespmem:s24+$0x100]  }
0x1e3: {  	s30 =	sshra.s32 s25, $0x2;
	v0 =	vld [tilespmem:s6+$0x110]  }
0x1e4: {  	v3 =	vld [tilespmem:s30+$0x100];
	[tilespmem:s2+$0x10F00] =	vst v1  }
0x1e5: {  	v1 =	vld [tilespmem:s31+$0x110];
	_ =	sdelay $0x1  }
0x1e6: {  	[tilespmem:s0+$0x80] =	vst v2  }
0x1e7: {  	[tilespmem:s0+$0x190] =	vst v0;
	v2 =	vld [tilespmem:s24+$0x110]  }
0x1e8: {  	[tilespmem:s0+$0x100] =	vst v3;
	v0 =	vld [tilespmem:s6+$0x120]  }
0x1e9: {  	v3 =	vld [tilespmem:s30+$0x110];
	[tilespmem:s0+$0x10] =	vst v1  }
0x1ea: {  	v1 =	vld [tilespmem:s31+$0x120];
	_ =	sdelay $0x1  }
0x1eb: {  	[tilespmem:s0+$0x90] =	vst v2  }
0x1ec: {  	[tilespmem:s0+$0x1A0] =	vst v0;
	v2 =	vld [tilespmem:s24+$0x120]  }
0x1ed: {  	[tilespmem:s0+$0x110] =	vst v3;
	v0 =	vld [tilespmem:s6+$0x130]  }
0x1ee: {  	v3 =	vld [tilespmem:s30+$0x120];
	[tilespmem:s0+$0x20] =	vst v1  }
0x1ef: {  	v1 =	vld [tilespmem:s31+$0x130];
	_ =	sdelay $0x1  }
0x1f0: {  	[tilespmem:s0+$0xA0] =	vst v2  }
0x1f1: {  	[tilespmem:s0+$0x1B0] =	vst v0;
	v2 =	vld [tilespmem:s24+$0x130]  }
0x1f2: {  	[tilespmem:s0+$0x120] =	vst v3;
	v0 =	vld [tilespmem:s6+$0x140]  }
0x1f3: {  	v3 =	vld [tilespmem:s30+$0x130];
	[tilespmem:s0+$0x30] =	vst v1  }
0x1f4: {  	v1 =	vld [tilespmem:s31+$0x140];
	_ =	sdelay $0x1  }
0x1f5: {  	[tilespmem:s0+$0xB0] =	vst v2  }
0x1f6: {  	[tilespmem:s0+$0x1C0] =	vst v0;
	v2 =	vld [tilespmem:s24+$0x140]  }
0x1f7: {  	[tilespmem:s0+$0x130] =	vst v3;
	v0 =	vld [tilespmem:s6+$0x150]  }
0x1f8: {  	v3 =	vld [tilespmem:s30+$0x140];
	[tilespmem:s0+$0x40] =	vst v1  }
0x1f9: {  	v1 =	vld [tilespmem:s31+$0x150];
	_ =	sdelay $0x1  }
0x1fa: {  	[tilespmem:s0+$0xC0] =	vst v2  }
0x1fb: {  	[tilespmem:s0+$0x1D0] =	vst v0;
	v2 =	vld [tilespmem:s24+$0x150]  }
0x1fc: {  	[tilespmem:s0+$0x140] =	vst v3;
	v0 =	vld [tilespmem:s6+$0x160]  }
0x1fd: {  	v3 =	vld [tilespmem:s30+$0x150];
	[tilespmem:s0+$0x50] =	vst v1  }
0x1fe: {  	v1 =	vld [tilespmem:s31+$0x160]  }
0x1ff: {  	s26 =	simm.s32 $0xA87  }
0x200: {  	v4 =	vld [tilespmem:s26+$0x0];
	[tilespmem:s0+$0xD0] =	vst v2  }
0x201: {  	[tilespmem:s0+$0x1E0] =	vst v0;
	v2 =	vld [tilespmem:s24+$0x160]  }
0x202: {  	[tilespmem:s0+$0x150] =	vst v3;
	v0 =	vld [tilespmem:s6+$0x170]  }
0x203: {  	[tilespmem:s0+$0x60] =	vst v1;
	v1 =	vld [tilespmem:s26+$0xFFFFFFFD]  }
0x204: {  	v3 =	vld [tilespmem:s30+$0x160]  }
0x205: {  	v6 =	vld [tilespmem:s26+$0xFFFFFFFE]  }
0x206: {  	(v2sf) =	vpush v4, $0x0;
	v5 =	vld [tilespmem:s31+$0x170]  }
0x207: {  	[tilespmem:s0+$0xE0] =	vst v2;
	v2 =	vld [tilespmem:s26+$0xFFFFFFFF]  }
0x208: {  	p0 =	por $0x0, $0x0;
	s2 =	simm.s32 $0x1;
	[tilespmem:s0+$0x1F0] =	vst v0;
	(v2sf) =	vpush v1, $0x0;
	v1 =	vld [tilespmem:s24+$0x170]  }
0x209: {  	s2 =	simm.s32 @!p0 $0x0;
	[tilespmem:s0+$0x160] =	vst v3;
	v0 =	vld [tilespmem:s6+$0x180]  }
0x20a: {  	s2 =	sshll.u32 s2, $0x9;
	v3 =	vld [tilespmem:s30+$0x170]  }
0x20b: {  	s7 =	sadd.s32 $0x0, s2  }
0x20c: {  	s9 =	sadd.s32 $0x180, s7;
	[tilespmem:s0+$0x70] =	vst v5;
	(v2sf) =	vpush v6, $0x0  }
0x20d: {  	s28 =	sor.u32 $0x400, s9;
	v4 =	vld [tilespmem:s31+$0x180];
	(v2sf) =	vpush v2, $0x0;
	[tilespmem:s0+$0xF0] =	vst v1  }
0x20e: {  	[tilespmem:s28+$0x10F00] =	vst v0;
	v1 =	vld [tilespmem:s24+$0x180]  }
0x20f: {  	[tilespmem:s0+$0x170] =	vst v3;
	v0 =	vld [tilespmem:s6+$0x190]  }
0x210: {  	v2 =	vld [tilespmem:s30+$0x180]  }
0x211: {  	s3 =	sor.u32 $0x400, s7;
	s8 =	sadd.s32 $0x80, s7  }
0x212: {  	s4 =	sor.u32 $0x400, s8;
	[tilespmem:s3+$0x10F00] =	vst v4  }
0x213: {  	s14 =	sadd.s32 $0x100, s7;
	s2 =	sor.u32 $0x410, s9;
	v3 =	vld [tilespmem:s31+$0x190];
	[tilespmem:s4+$0x10F00] =	vst v1  }
0x214: {  	s5 =	sor.u32 $0x400, s14;
	[tilespmem:s2+$0x10F00] =	vst v0;
	v1 =	vld [tilespmem:s24+$0x190]  }
0x215: {  	s12 =	spop (v2sf);
	[tilespmem:s5+$0x10F00] =	vst v2;
	v0 =	vld [tilespmem:s6+$0x1A0]  }
0x216: {  	s13 =	sshll.u32 s12, $0xA;
	v2 =	vld [tilespmem:s30+$0x190]  }
0x217: {  	s11 =	sor.u32 $0x410, s7;
	s0 =	sshra.s32 s13, $0x2;
	s15 =	spop (v2sf)  }
0x218: {  	s10 =	sor.u32 $0x420, s9;
	s16 =	sor.u32 $0x410, s8;
	v4 =	vld [tilespmem:s0+$0x100];
	[tilespmem:s11+$0x10F00] =	vst v3;
	s1 =	sshll.u32 s15, $0xA  }
0x219: {  	s4 =	simm.s32 $0x400;
	s5 =	simm.s32 $0x200;
	v3 =	vld [tilespmem:s31+$0x1A0];
	s1 =	sshra.s32 s1, $0x2;
	[tilespmem:s16+$0x10F00] =	vst v1  }
0x21a: {  	s17 =	sor.u32 $0x410, s14;
	s19 =	sand.u32 $0x7800, s4;
	s20 =	sand.u32 $0x200, s5;
	[tilespmem:s10+$0x10F00] =	vst v0;
	v1 =	vld [tilespmem:s1+$0x100]  }
0x21b: {  	s23 =	sor.u32 s20, s19;
	s18 =	spop (v2sf);
	[tilespmem:s17+$0x10F00] =	vst v2;
	v2 =	vld [tilespmem:s24+$0x1A0]  }
0x21c: {  	s3 =	sadd.s32 $0x10F00, s23;
	s10 =	sshll.u32 s18, $0xA;
	v0 =	vld [tilespmem:s6+$0x1B0];
	s25 =	spop (v2sf)  }
0x21d: {  	s22 =	sor.u32 $0x420, s7;
	[tilespmem:s3+$0x180] =	vst v4;
	v5 =	vld [tilespmem:s30+$0x1A0];
	s20 =	sshra.s32 s10, $0x2;
	s2 =	sshll.u32 s25, $0xA  }
0x21e: {  	[tilespmem:s22+$0x10F00] =	vst v3;
	v3 =	vld [tilespmem:s20+$0x100];
	s2 =	sshra.s32 s2, $0x2  }
0x21f: {  	s26 =	sor.u32 $0x420, s8;
	v4 =	vld [tilespmem:s2+$0x100];
	[tilespmem:s23+$0x10F00] =	vst v1  }
0x220: {  	s21 =	sor.u32 $0x430, s9;
	v1 =	vld [tilespmem:s0+$0x110];
	[tilespmem:s26+$0x10F00] =	vst v2  }
0x221: {  	s28 =	sor.u32 $0x420, s14;
	[tilespmem:s21+$0x10F00] =	vst v0;
	v2 =	vld [tilespmem:s1+$0x110]  }
0x222: {  	[tilespmem:s28+$0x10F00] =	vst v5;
	v0 =	vld [tilespmem:s6+$0x1C0]  }
0x223: {  	[tilespmem:s3+$0x80] =	vst v3  }
0x224: {  	v5 =	vld [tilespmem:s31+$0x1B0];
	[tilespmem:s3+$0x100] =	vst v4  }
0x225: {  	v3 =	vld [tilespmem:s20+$0x110];
	[tilespmem:s3+$0x190] =	vst v1  }
0x226: {  	s11 =	sor.u32 $0x440, s9;
	v1 =	vld [tilespmem:s0+$0x120];
	[tilespmem:s3+$0x10] =	vst v2  }
0x227: {  	v2 =	vld [tilespmem:s2+$0x110];
	[tilespmem:s11+$0x10F00] =	vst v0  }
0x228: {  	s12 =	sor.u32 $0x430, s7;
	v0 =	vld [tilespmem:s6+$0x1D0]  }
0x229: {  	[tilespmem:s12+$0x10F00] =	vst v5;
	v4 =	vld [tilespmem:s1+$0x120]  }
0x22a: {  	v5 =	vld [tilespmem:s24+$0x1B0];
	[tilespmem:s3+$0x90] =	vst v3  }
0x22b: {  	v3 =	vld [tilespmem:s20+$0x120];
	[tilespmem:s3+$0x1A0] =	vst v1  }
0x22c: {  	s13 =	sor.u32 $0x450, s9;
	[tilespmem:s3+$0x110] =	vst v2;
	v1 =	vld [tilespmem:s0+$0x130]  }
0x22d: {  	v2 =	vld [tilespmem:s2+$0x120];
	[tilespmem:s13+$0x10F00] =	vst v0  }
0x22e: {  	s15 =	sor.u32 $0x430, s8;
	[tilespmem:s3+$0x20] =	vst v4;
	v0 =	vld [tilespmem:s6+$0x1E0]  }
0x22f: {  	[tilespmem:s15+$0x10F00] =	vst v5;
	v4 =	vld [tilespmem:s1+$0x130]  }
0x230: {  	v5 =	vld [tilespmem:s30+$0x1B0];
	[tilespmem:s3+$0xA0] =	vst v3  }
0x231: {  	v3 =	vld [tilespmem:s20+$0x130];
	[tilespmem:s3+$0x1B0] =	vst v1  }
0x232: {  	s16 =	sor.u32 $0x460, s9;
	[tilespmem:s3+$0x120] =	vst v2;
	v1 =	vld [tilespmem:s0+$0x140]  }
0x233: {  	v2 =	vld [tilespmem:s2+$0x130];
	[tilespmem:s16+$0x10F00] =	vst v0  }
0x234: {  	s17 =	sor.u32 $0x430, s14;
	[tilespmem:s3+$0x30] =	vst v4;
	v0 =	vld [tilespmem:s6+$0x1F0]  }
0x235: {  	[tilespmem:s17+$0x10F00] =	vst v5;
	v4 =	vld [tilespmem:s1+$0x140]  }
0x236: {  	v5 =	vld [tilespmem:s31+$0x1C0];
	[tilespmem:s3+$0xB0] =	vst v3  }
0x237: {  	v3 =	vld [tilespmem:s20+$0x140];
	[tilespmem:s3+$0x1C0] =	vst v1  }
0x238: {  	s18 =	sor.u32 $0x470, s9;
	[tilespmem:s3+$0x130] =	vst v2;
	v1 =	vld [tilespmem:s0+$0x150]  }
0x239: {  	[tilespmem:s18+$0x10F00] =	vst v0;
	v0 =	vld [tilespmem:s24+$0x1C0]  }
0x23a: {  	s19 =	sor.u32 $0x440, s7;
	[tilespmem:s3+$0x40] =	vst v4;
	v2 =	vld [tilespmem:s2+$0x140]  }
0x23b: {  	[tilespmem:s19+$0x10F00] =	vst v5;
	v4 =	vld [tilespmem:s1+$0x150]  }
0x23c: {  	[tilespmem:s3+$0xC0] =	vst v3;
	v3 =	vld [tilespmem:s31+$0x1D0]  }
0x23d: {  	s21 =	sor.u32 $0x440, s8;
	v5 =	vld [tilespmem:s20+$0x150];
	[tilespmem:s3+$0x1D0] =	vst v1  }
0x23e: {  	[tilespmem:s21+$0x10F00] =	vst v0;
	v0 =	vld [tilespmem:s30+$0x1C0]  }
0x23f: {  	[tilespmem:s3+$0x140] =	vst v2;
	v2 =	vld [tilespmem:s0+$0x160]  }
0x240: {  	s23 =	sor.u32 $0x450, s7;
	[tilespmem:s3+$0x50] =	vst v4  }
0x241: {  	v4 =	vld [tilespmem:s2+$0x150];
	[tilespmem:s23+$0x10F00] =	vst v3  }
0x242: {  	s22 =	sor.u32 $0x440, s14;
	v6 =	vld [tilespmem:s1+$0x160];
	[tilespmem:s3+$0xD0] =	vst v5  }
0x243: {  	v7 =	vld [tilespmem:s24+$0x1D0];
	[tilespmem:s22+$0x10F00] =	vst v0  }
0x244: {  	s26 =	sor.u32 $0x460, s8;
	v1 =	vld [tilespmem:s20+$0x160];
	[tilespmem:s3+$0x1E0] =	vst v2  }
0x245: {  	v0 =	vld [tilespmem:s30+$0x1D0];
	[dreg:$0xd] =	wrdreg s26  }
0x246: {  	s28 =	sor.u32 $0x460, s7;
	[tilespmem:s3+$0x150] =	vst v4  }
0x247: {  	s29 =	sor.u32 $0x470, s8;
	s25 =	sor.u32 $0x450, s8;
	v3 =	vld [tilespmem:s0+$0x170];
	[dreg:$0x17] =	wrdreg s28  }
0x248: {  	s12 =	sor.u32 $0x470, s7;
	s13 =	simm.s32 $0x4;
	s19 =	sor.u32 $0x460, s14;
	[tilespmem:s3+$0x60] =	vst v6;
	v4 =	vld [tilespmem:s2+$0x160]  }
0x249: {  	s23 =	sor.u32 $0x450, s14;
	s22 =	sor.u32 $0x470, s14;
	s14 =	simm.s32 $0xA8B;
	[tilespmem:s25+$0x10F00] =	vst v7;
	v2 =	vld [tilespmem:s1+$0x170]  }
.LBB2_6:
0x24a: {  	v5 =	vld [tilespmem:s14+$0x0];
	p0 =	por !p0, !p0;
	s6 =	simm.s32 $0x1;
	[tilespmem:s23+$0x10F00] =	vst v0  }
0x24b: {  	s6 =	simm.s32 @!p0 $0x0;
	v0 =	vld [tilespmem:s14+$0xFFFFFFFD];
	[tilespmem:s3+$0xE0] =	vst v1  }
0x24c: {  	s6 =	sshll.u32 s6, $0x9;
	v1 =	vld [tilespmem:s14+$0xFFFFFFFE]  }
0x24d: {  	s8 =	sadd.s32 s6, s4;
	[tilespmem:s3+$0x1F0] =	vst v3  }
0x24e: {  	[tilespmem:s3+$0x160] =	vst v4;
	s18 =	sadd.s32 $0x80, s8;
	v3 =	vld [tilespmem:s0+$0x180]  }
0x24f: {  	s28 =	sadd.s32 $0x100, s8;
	v4 =	vld [tilespmem:s14+$0xFFFFFFFF];
	(v2sf) =	vpush v5, $0x0;
	s11 =	sor.u32 $0x430, s18  }
0x250: {  	[tilespmem:s3+$0x70] =	vst v2;
	v2 =	vld [tilespmem:s20+$0x170];
	s23 =	sor.u32 $0x430, s28;
	[smem:$0x7D9] =	sst s11;
	(v2sf) =	vpush v0, $0x0  }
0x251: {  	[smem:$0x7DA] =	sst s23;
	s23 =	sor.u32 $0x430, s8;
	(v2sf) =	vpush v1, $0x0;
	v1 =	vld [tilespmem:s1+$0x180]  }
0x252: {  	s17 =	sadd.s32 $0x180, s8;
	s11 =	sor.u32 $0x440, s28;
	[smem:$0x7D8] =	sst s23;
	v0 =	vld [tilespmem:s2+$0x170]  }
0x253: {  	s15 =	sor.u32 $0x400, s17;
	s23 =	sor.u32 $0x440, s18;
	[smem:$0x7DD] =	sst s11  }
0x254: {  	s6 =	smov.u32 s19;
	s11 =	sor.u32 $0x450, s18;
	[smem:$0x7DC] =	sst s23;
	[tilespmem:s15+$0x10F00] =	vst v3;
	v3 =	vld [tilespmem:s31+$0x1E0]  }
0x255: {  	s21 =	sor.u32 $0x400, s8;
	s23 =	sor.u32 $0x440, s8;
	[smem:$0x7DF] =	sst s11;
	[tilespmem:s3+$0xF0] =	vst v2;
	(v2sf) =	vpush v4, $0x0;
	v4 =	vld [tilespmem:s0+$0x190]  }
0x256: {  	s19 =	sor.u32 $0x410, s8;
	[smem:$0x7DB] =	sst s23;
	v2 =	vld [tilespmem:s24+$0x1E0];
	[tilespmem:s21+$0x10F00] =	vst v1;
	s21 =	sor.u32 $0x450, s8  }
0x257: {  	s10 =	sor.u32 $0x400, s28;
	s7 =	sor.u32 $0x410, s28;
	v5 =	vld [tilespmem:s20+$0x180];
	[tilespmem:s3+$0x170] =	vst v0;
	[smem:$0x7DE] =	sst s21  }
0x258: {  	s25 =	sor.u32 $0x420, s28;
	s11 =	sor.u32 $0x410, s17;
	v0 =	vld [tilespmem:s2+$0x180];
	s21 =	rddreg [dreg:$0x17]  }
0x259: {  	s23 =	sor.u32 $0x450, s28;
	s15 =	sor.u32 $0x420, s8;
	v1 =	vld [tilespmem:s1+$0x190];
	[tilespmem:s21+$0x10F00] =	vst v3;
	s21 =	sor.u32 $0x460, s8  }
0x25a: {  	[tilespmem:s11+$0x10F00] =	vst v4;
	s11 =	sor.u32 $0x470, s8;
	s8 =	sor.u32 $0x470, s28;
	[dreg:$0x17] =	wrdreg s21  }
0x25b: {  	v3 =	vld [tilespmem:s30+$0x1E0];
	s21 =	smov.u32 s12;
	s12 =	sor.u32 $0x460, s28;
	s28 =	rddreg [dreg:$0xd]  }
0x25c: {  	v4 =	vld [tilespmem:s0+$0x1A0];
	[tilespmem:s28+$0x10F00] =	vst v2  }
0x25d: {  	s9 =	sor.u32 $0x400, s18;
	v2 =	vld [tilespmem:s31+$0x1F0];
	[tilespmem:s10+$0x10F00] =	vst v0  }
0x25e: {  	[tilespmem:s9+$0x10F00] =	vst v5;
	v0 =	vld [tilespmem:s2+$0x190]  }
0x25f: {  	s3 =	sor.u32 $0x460, s18;
	s31 =	smov.u32 s1;
	v5 =	vld [tilespmem:s20+$0x190];
	[tilespmem:s19+$0x10F00] =	vst v1  }
0x260: {  	s28 =	smov.u32 s3;
	s10 =	sor.u32 $0x420, s17;
	v1 =	vld [tilespmem:s31+$0x1A0];
	[tilespmem:s6+$0x10F00] =	vst v3  }
0x261: {  	s5 =	sadd.s32 $0x200, s5;
	[dreg:$0xd] =	wrdreg s28;
	s28 =	spop (v2sf);
	[tilespmem:s10+$0x10F00] =	vst v4;
	v3 =	vld [tilespmem:s24+$0x1F0]  }
0x262: {  	s4 =	sadd.s32 $0x400, s4;
	s6 =	sshll.u32 s28, $0xA;
	s9 =	spop (v2sf);
	v4 =	vld [tilespmem:s0+$0x1B0];
	[tilespmem:s21+$0x10F00] =	vst v2  }
0x263: {  	s16 =	sor.u32 $0x410, s18;
	s28 =	sshra.s32 s6, $0x2;
	s3 =	sshll.u32 s9, $0xA;
	v2 =	vld [tilespmem:s30+$0x1F0];
	[tilespmem:s7+$0x10F00] =	vst v0  }
0x264: {  	s19 =	smov.u32 s12;
	s12 =	smov.u32 s11;
	s1 =	sshra.s32 s3, $0x2;
	[tilespmem:s16+$0x10F00] =	vst v5;
	v5 =	vld [tilespmem:s28+$0x100]  }
0x265: {  	s24 =	smov.u32 s20;
	s20 =	sand.u32 $0x7800, s4;
	s6 =	sor.u32 $0x430, s17;
	v0 =	vld [tilespmem:s1+$0x100];
	[tilespmem:s15+$0x10F00] =	vst v1  }
0x266: {  	s30 =	smov.u32 s2;
	s21 =	sand.u32 $0x200, s5;
	s10 =	spop (v2sf);
	v1 =	vld [tilespmem:s24+$0x1A0];
	[tilespmem:s29+$0x10F00] =	vst v3  }
0x267: {  	s7 =	sor.u32 s21, s20;
	s11 =	sshll.u32 s10, $0xA;
	s16 =	spop (v2sf);
	v3 =	vld [tilespmem:s30+$0x1A0];
	[tilespmem:s6+$0x10F00] =	vst v4  }
0x268: {  	s3 =	sadd.s32 $0x10F00, s7;
	s20 =	sshra.s32 s11, $0x2;
	s2 =	sshll.u32 s16, $0xA;
	v4 =	vld [tilespmem:s0+$0x1C0];
	[tilespmem:s22+$0x10F00] =	vst v2  }
0x269: {  	s2 =	sshra.s32 s2, $0x2;
	v2 =	vld [tilespmem:s20+$0x100];
	[tilespmem:s3+$0x180] =	vst v5  }
0x26a: {  	s26 =	sor.u32 $0x420, s18;
	[tilespmem:s7+$0x10F00] =	vst v0;
	v5 =	vld [tilespmem:s2+$0x100]  }
0x26b: {  	v0 =	vld [tilespmem:s28+$0x110];
	[tilespmem:s26+$0x10F00] =	vst v1  }
0x26c: {  	s22 =	smov.u32 s8;
	s8 =	sor.u32 $0x440, s17;
	v1 =	vld [tilespmem:s1+$0x110];
	[tilespmem:s25+$0x10F00] =	vst v3  }
0x26d: {  	[tilespmem:s8+$0x10F00] =	vst v4  }
0x26e: {  	v3 =	vld [tilespmem:s31+$0x1B0];
	[tilespmem:s3+$0x80] =	vst v2  }
0x26f: {  	v4 =	vld [tilespmem:s20+$0x110];
	[tilespmem:s3+$0x100] =	vst v5  }
0x270: {  	s9 =	sld [smem:$0x7D8];
	v2 =	vld [tilespmem:s0+$0x1D0];
	[tilespmem:s3+$0x190] =	vst v0  }
0x271: {  	[tilespmem:s3+$0x10] =	vst v1;
	v1 =	vld [tilespmem:s2+$0x110]  }
0x272: {  	v0 =	vld [tilespmem:s28+$0x120]  }
0x273: {  	v5 =	vld [tilespmem:s1+$0x120];
	[tilespmem:s9+$0x10F00] =	vst v3  }
0x274: {  	s10 =	sor.u32 $0x450, s17;
	v3 =	vld [tilespmem:s24+$0x1B0];
	[tilespmem:s3+$0x90] =	vst v4  }
0x275: {  	[tilespmem:s10+$0x10F00] =	vst v2;
	v4 =	vld [tilespmem:s20+$0x120]  }
0x276: {  	s11 =	sld [smem:$0x7D9];
	v2 =	vld [tilespmem:s0+$0x1E0];
	[tilespmem:s3+$0x110] =	vst v1  }
0x277: {  	[tilespmem:s3+$0x1A0] =	vst v0;
	v1 =	vld [tilespmem:s2+$0x120]  }
0x278: {  	[tilespmem:s3+$0x20] =	vst v5;
	v0 =	vld [tilespmem:s28+$0x130]  }
0x279: {  	[tilespmem:s11+$0x10F00] =	vst v3;
	v5 =	vld [tilespmem:s1+$0x130]  }
0x27a: {  	s15 =	sor.u32 $0x460, s17;
	v3 =	vld [tilespmem:s30+$0x1B0];
	[tilespmem:s3+$0xA0] =	vst v4  }
0x27b: {  	[tilespmem:s15+$0x10F00] =	vst v2;
	v4 =	vld [tilespmem:s20+$0x130]  }
0x27c: {  	s16 =	sld [smem:$0x7DA];
	v2 =	vld [tilespmem:s0+$0x1F0];
	[tilespmem:s3+$0x120] =	vst v1  }
0x27d: {  	s0 =	smov.u32 s28;
	[tilespmem:s3+$0x1B0] =	vst v0;
	v1 =	vld [tilespmem:s2+$0x130]  }
0x27e: {  	[tilespmem:s3+$0x30] =	vst v5;
	v0 =	vld [tilespmem:s0+$0x140]  }
0x27f: {  	[tilespmem:s16+$0x10F00] =	vst v3;
	v5 =	vld [tilespmem:s1+$0x140]  }
0x280: {  	s17 =	sor.u32 $0x470, s17;
	v3 =	vld [tilespmem:s31+$0x1C0];
	[tilespmem:s3+$0xB0] =	vst v4  }
0x281: {  	s18 =	sor.u32 $0x470, s18;
	[tilespmem:s17+$0x10F00] =	vst v2;
	v2 =	vld [tilespmem:s24+$0x1C0]  }
0x282: {  	s29 =	smov.u32 s18;
	s18 =	sld [smem:$0x7DB];
	v4 =	vld [tilespmem:s20+$0x140];
	[tilespmem:s3+$0x130] =	vst v1  }
0x283: {  	s21 =	sld [smem:$0x7DC];
	[tilespmem:s3+$0x1C0] =	vst v0;
	v1 =	vld [tilespmem:s2+$0x140]  }
0x284: {  	[tilespmem:s3+$0x40] =	vst v5;
	v0 =	vld [tilespmem:s0+$0x150]  }
0x285: {  	v5 =	vld [tilespmem:s1+$0x150];
	[tilespmem:s18+$0x10F00] =	vst v3  }
0x286: {  	[tilespmem:s21+$0x10F00] =	vst v2  }
0x287: {  	v3 =	vld [tilespmem:s31+$0x1D0];
	[tilespmem:s3+$0xC0] =	vst v4  }
0x288: {  	v2 =	vld [tilespmem:s30+$0x1C0];
	[tilespmem:s3+$0x140] =	vst v1  }
0x289: {  	s26 =	sld [smem:$0x7DE];
	v4 =	vld [tilespmem:s20+$0x150];
	[tilespmem:s3+$0x1D0] =	vst v0  }
0x28a: {  	s25 =	sld [smem:$0x7DD];
	[tilespmem:s3+$0x50] =	vst v5;
	v5 =	vld [tilespmem:s2+$0x150]  }
0x28b: {  	v6 =	vld [tilespmem:s0+$0x160]  }
0x28c: {  	s13 =	sadd.s32 $0x4, s13;
	v7 =	vld [tilespmem:s1+$0x160];
	[tilespmem:s26+$0x10F00] =	vst v3  }
0x28d: {  	p1 =	slt.u32 s13, $0x7C;
	v8 =	vld [tilespmem:s24+$0x1D0];
	[tilespmem:s25+$0x10F00] =	vst v2  }
.Ltmp2:
0x28e: {  	v0 =	vld [tilespmem:s30+$0x1D0];
	[tilespmem:s3+$0xD0] =	vst v4;
	(pc) =	sbr.rel @p1 .LBB2_6-.Ltmp2, $4  }
0x28f: {  	s28 =	sld [smem:$0x7DF];
	v1 =	vld [tilespmem:s20+$0x160];
	[tilespmem:s3+$0x150] =	vst v5  }
0x290: {  	[tilespmem:s3+$0x1E0] =	vst v6;
	v4 =	vld [tilespmem:s2+$0x160]  }
0x291: {  	[tilespmem:s3+$0x60] =	vst v7;
	v3 =	vld [tilespmem:s0+$0x170]  }
0x292: {  	s14 =	sadd.s32 $0x4, s14;
	[tilespmem:s28+$0x10F00] =	vst v8;
	v2 =	vld [tilespmem:s1+$0x170]  }
0x293: {  	_ = 	snop  }
0x294: {  	[tilespmem:s3+$0xE0] =	vst v1  }
0x295: {  	[tilespmem:s3+$0x160] =	vst v4;
	v1 =	vld [tilespmem:s20+$0x170]  }
0x296: {  	v4 =	vld [tilespmem:s2+$0x170];
	_ =	sdelay $0x1  }
0x297: {  	p0 =	por !p0, !p0;
	s5 =	simm.s32 $0x1;
	[tilespmem:s3+$0x1F0] =	vst v3  }
0x298: {  	s5 =	simm.s32 @!p0 $0x0;
	v3 =	vld [tilespmem:s0+$0x180];
	[tilespmem:s3+$0x70] =	vst v2  }
0x299: {  	s5 =	sshll.u32 s5, $0x9;
	v2 =	vld [tilespmem:s1+$0x180];
	[tilespmem:s3+$0xF0] =	vst v1  }
0x29a: {  	s4 =	sadd.s32 s5, s4;
	v1 =	vld [tilespmem:s20+$0x180];
	[tilespmem:s3+$0x170] =	vst v4  }
0x29b: {  	s5 =	sadd.s32 $0x180, s4;
	v4 =	vld [tilespmem:s2+$0x180]  }
0x29c: {  	s7 =	sor.u32 $0x400, s5  }
0x29d: {  	s8 =	sor.u32 $0x400, s4;
	s3 =	sadd.s32 $0x80, s4;
	[tilespmem:s7+$0x10F00] =	vst v3  }
0x29e: {  	s13 =	sadd.s32 $0x100, s4;
	s18 =	sor.u32 $0x400, s3;
	[tilespmem:s8+$0x10F00] =	vst v2;
	v2 =	vld [tilespmem:s0+$0x190]  }
0x29f: {  	s21 =	sor.u32 $0x400, s13;
	[tilespmem:s18+$0x10F00] =	vst v1;
	v1 =	vld [tilespmem:s1+$0x190]  }
0x2a0: {  	v3 =	vld [tilespmem:s20+$0x190];
	[tilespmem:s21+$0x10F00] =	vst v4  }
0x2a1: {  	v4 =	vld [tilespmem:s2+$0x190]  }
0x2a2: {  	s25 =	sor.u32 $0x410, s5  }
0x2a3: {  	s26 =	sor.u32 $0x410, s4;
	[tilespmem:s25+$0x10F00] =	vst v2  }
0x2a4: {  	s28 =	sor.u32 $0x410, s3;
	[tilespmem:s26+$0x10F00] =	vst v1;
	v1 =	vld [tilespmem:s0+$0x1A0]  }
0x2a5: {  	s6 =	sor.u32 $0x410, s13;
	[tilespmem:s28+$0x10F00] =	vst v3;
	v2 =	vld [tilespmem:s1+$0x1A0]  }
0x2a6: {  	[tilespmem:s6+$0x10F00] =	vst v4;
	v3 =	vld [tilespmem:s20+$0x1A0]  }
0x2a7: {  	v4 =	vld [tilespmem:s2+$0x1A0]  }
0x2a8: {  	s8 =	sor.u32 $0x420, s5  }
0x2a9: {  	s9 =	sor.u32 $0x420, s4;
	[tilespmem:s8+$0x10F00] =	vst v1  }
0x2aa: {  	s10 =	sor.u32 $0x420, s3;
	[tilespmem:s9+$0x10F00] =	vst v2;
	v1 =	vld [tilespmem:s0+$0x1B0]  }
0x2ab: {  	s11 =	sor.u32 $0x420, s13;
	[tilespmem:s10+$0x10F00] =	vst v3;
	v2 =	vld [tilespmem:s1+$0x1B0]  }
0x2ac: {  	[tilespmem:s11+$0x10F00] =	vst v4;
	v3 =	vld [tilespmem:s20+$0x1B0]  }
0x2ad: {  	v4 =	vld [tilespmem:s2+$0x1B0]  }
0x2ae: {  	s14 =	sor.u32 $0x430, s5  }
0x2af: {  	s15 =	sor.u32 $0x430, s4;
	[tilespmem:s14+$0x10F00] =	vst v1  }
0x2b0: {  	s16 =	sor.u32 $0x430, s3;
	[tilespmem:s15+$0x10F00] =	vst v2;
	v1 =	vld [tilespmem:s0+$0x1C0]  }
0x2b1: {  	s17 =	sor.u32 $0x430, s13;
	[tilespmem:s16+$0x10F00] =	vst v3;
	v2 =	vld [tilespmem:s1+$0x1C0]  }
0x2b2: {  	[tilespmem:s17+$0x10F00] =	vst v4;
	v3 =	vld [tilespmem:s20+$0x1C0]  }
0x2b3: {  	v4 =	vld [tilespmem:s2+$0x1C0]  }
0x2b4: {  	[tilespmem:s23+$0x10F00] =	vst v0;
	s6 =	sor.u32 $0x440, s5  }
0x2b5: {  	v0 =	vld [tilespmem:s31+$0x1E0];
	s18 =	sor.u32 $0x440, s4;
	[tilespmem:s6+$0x10F00] =	vst v1  }
0x2b6: {  	s21 =	sor.u32 $0x440, s3;
	v1 =	vld [tilespmem:s0+$0x1D0];
	[tilespmem:s18+$0x10F00] =	vst v2  }
0x2b7: {  	v5 =	vld [tilespmem:s24+$0x1E0];
	s23 =	sor.u32 $0x440, s13;
	[tilespmem:s21+$0x10F00] =	vst v3  }
0x2b8: {  	v2 =	vld [tilespmem:s1+$0x1D0];
	[tilespmem:s23+$0x10F00] =	vst v4  }
0x2b9: {  	v3 =	vld [tilespmem:s20+$0x1D0];
	s6 =	rddreg [dreg:$0x17]  }
0x2ba: {  	s25 =	sor.u32 $0x450, s5;
	[tilespmem:s6+$0x10F00] =	vst v0;
	v0 =	vld [tilespmem:s2+$0x1D0]  }
0x2bb: {  	v4 =	vld [tilespmem:s30+$0x1E0];
	s6 =	rddreg [dreg:$0xd];
	[tilespmem:s25+$0x10F00] =	vst v1  }
0x2bc: {  	s26 =	sor.u32 $0x450, s4;
	[tilespmem:s6+$0x10F00] =	vst v5;
	v5 =	vld [tilespmem:s31+$0x1F0]  }
0x2bd: {  	s28 =	sor.u32 $0x450, s3;
	v1 =	vld [tilespmem:s0+$0x1E0];
	[tilespmem:s26+$0x10F00] =	vst v2  }
0x2be: {  	s8 =	sor.u32 $0x450, s13;
	[tilespmem:s28+$0x10F00] =	vst v3;
	v2 =	vld [tilespmem:s1+$0x1E0]  }
0x2bf: {  	[tilespmem:s8+$0x10F00] =	vst v0;
	v0 =	vld [tilespmem:s20+$0x1E0]  }
0x2c0: {  	[tilespmem:s19+$0x10F00] =	vst v4;
	v3 =	vld [tilespmem:s2+$0x1E0]  }
0x2c1: {  	s9 =	sor.u32 $0x460, s5;
	v4 =	vld [tilespmem:s24+$0x1F0];
	[tilespmem:s12+$0x10F00] =	vst v5  }
0x2c2: {  	s10 =	sor.u32 $0x460, s4;
	v5 =	vld [tilespmem:s30+$0x1F0];
	[tilespmem:s9+$0x10F00] =	vst v1  }
0x2c3: {  	s11 =	sor.u32 $0x460, s3;
	v1 =	vld [tilespmem:s0+$0x1F0];
	[tilespmem:s10+$0x10F00] =	vst v2  }
0x2c4: {  	s12 =	sor.u32 $0x460, s13;
	[tilespmem:s11+$0x10F00] =	vst v0;
	v0 =	vld [tilespmem:s1+$0x1F0]  }
0x2c5: {  	[tilespmem:s12+$0x10F00] =	vst v3;
	v2 =	vld [tilespmem:s20+$0x1F0]  }
0x2c6: {  	[tilespmem:s29+$0x10F00] =	vst v4;
	v3 =	vld [tilespmem:s2+$0x1F0]  }
0x2c7: {  	s14 =	sor.u32 $0x470, s5;
	[tilespmem:s22+$0x10F00] =	vst v5  }
0x2c8: {  	s15 =	sor.u32 $0x470, s4;
	[tilespmem:s14+$0x10F00] =	vst v1  }
0x2c9: {  	s16 =	sor.u32 $0x470, s3;
	[tilespmem:s15+$0x10F00] =	vst v0  }
0x2ca: {  	s17 =	sor.u32 $0x470, s13;
	[tilespmem:s16+$0x10F00] =	vst v2  }
0x2cb: {  	[tilespmem:s17+$0x10F00] =	vst v3  }
0x2cc: {  	s1 =	sld [smem:$0x7F5];
	_ =	sdelay $0x1  }
0x2cd: {  	s18 =	simm.s32 $0x0;
	s19 =	simm.s32 $0x10F00;
	s20 =	simm.s32 $0x2  }
0x2ce: {  	[hbm4b:s1+s18] =	stream.linear.scatter [tilespmem:s19], [sflag:$0x2], $0x8000, $0x38;
	[tilespmem:$0x18F00] =	vst v63  }
0x2cf: {  	_ =	swait.ge [sflag:s20], $0x8000  }
0x2d0: {  	[sflag:s20] =	ssyncset.done $0x0  }
0x2d1: {  	s21 =	simm.s32 $0xB03;
	[sflag:s20] =	ssyncadd.s32 $0xFFFF8000  }
0x2d2: {  	v0 =	vld [tilespmem:s21+$0x0];
	_ =	sdelay $0x1  }
0x2d3: {  	v1 =	vld [tilespmem:s21+$0xFFFFFFFD];
	_ =	sdelay $0x2  }
0x2d4: {  	v2 =	vld [tilespmem:s21+$0xFFFFFFFE];
	(v2sf) =	vpush v0, $0x0;
	_ =	sdelay $0x1  }
0x2d5: {  	v3 =	vld [tilespmem:s21+$0xFFFFFFFF];
	(v2sf) =	vpush v1, $0x0;
	_ =	sdelay $0x2  }
0x2d6: {  	(v2sf) =	vpush v2, $0x0;
	_ =	sdelay $0x1  }
0x2d7: {  	(v2sf) =	vpush v3, $0x0;
	_ =	sdelay $0x7  }
0x2d8: {  	s22 =	spop (v2sf)  }
0x2d9: {  	s1 =	sshll.u32 s22, $0xA  }
0x2da: {  	s23 =	spop (v2sf);
	s5 =	sshra.s32 s1, $0x2  }
0x2db: {  	s2 =	sshll.u32 s23, $0xA;
	v0 =	vld [tilespmem:s5+$0x100]  }
0x2dc: {  	s30 =	sshra.s32 s2, $0x2  }
0x2dd: {  	s24 =	spop (v2sf);
	v1 =	vld [tilespmem:s30+$0x100]  }
0x2de: {  	s26 =	sand.u32 $0x7800, s18;
	s0 =	sand.u32 $0x200, s18;
	s1 =	sshll.u32 s24, $0xA  }
0x2df: {  	s0 =	sor.u32 s0, s26;
	s25 =	spop (v2sf);
	s23 =	sshra.s32 s1, $0x2  }
0x2e0: {  	s1 =	sshll.u32 s25, $0xA;
	v2 =	vld [tilespmem:s23+$0x100];
	[tilespmem:s0+$0x9080] =	vst v0  }
0x2e1: {  	s31 =	sshra.s32 s1, $0x2;
	v0 =	vld [tilespmem:s5+$0x110]  }
0x2e2: {  	v3 =	vld [tilespmem:s31+$0x100];
	[tilespmem:s0+$0x8F00] =	vst v1  }
0x2e3: {  	v1 =	vld [tilespmem:s30+$0x110];
	_ =	sdelay $0x1  }
0x2e4: {  	[tilespmem:s0+$0x8F80] =	vst v2  }
0x2e5: {  	v2 =	vld [tilespmem:s23+$0x110];
	[tilespmem:s0+$0x9090] =	vst v0  }
0x2e6: {  	[tilespmem:s0+$0x9000] =	vst v3;
	v0 =	vld [tilespmem:s5+$0x120]  }
0x2e7: {  	v3 =	vld [tilespmem:s31+$0x110];
	[tilespmem:s0+$0x8F10] =	vst v1  }
0x2e8: {  	v1 =	vld [tilespmem:s30+$0x120];
	_ =	sdelay $0x1  }
0x2e9: {  	[tilespmem:s0+$0x8F90] =	vst v2  }
0x2ea: {  	v2 =	vld [tilespmem:s23+$0x120];
	[tilespmem:s0+$0x90A0] =	vst v0  }
0x2eb: {  	[tilespmem:s0+$0x9010] =	vst v3;
	v0 =	vld [tilespmem:s5+$0x130]  }
0x2ec: {  	v3 =	vld [tilespmem:s31+$0x120];
	[tilespmem:s0+$0x8F20] =	vst v1  }
0x2ed: {  	v1 =	vld [tilespmem:s30+$0x130];
	_ =	sdelay $0x1  }
0x2ee: {  	[tilespmem:s0+$0x8FA0] =	vst v2  }
0x2ef: {  	v2 =	vld [tilespmem:s23+$0x130];
	[tilespmem:s0+$0x90B0] =	vst v0  }
0x2f0: {  	[tilespmem:s0+$0x9020] =	vst v3;
	v0 =	vld [tilespmem:s5+$0x140]  }
0x2f1: {  	v3 =	vld [tilespmem:s31+$0x130];
	[tilespmem:s0+$0x8F30] =	vst v1  }
0x2f2: {  	v1 =	vld [tilespmem:s30+$0x140];
	_ =	sdelay $0x1  }
0x2f3: {  	[tilespmem:s0+$0x8FB0] =	vst v2  }
0x2f4: {  	v2 =	vld [tilespmem:s23+$0x140];
	[tilespmem:s0+$0x90C0] =	vst v0  }
0x2f5: {  	[tilespmem:s0+$0x9030] =	vst v3;
	v0 =	vld [tilespmem:s5+$0x150]  }
0x2f6: {  	v3 =	vld [tilespmem:s31+$0x140];
	[tilespmem:s0+$0x8F40] =	vst v1  }
0x2f7: {  	v1 =	vld [tilespmem:s30+$0x150]  }
0x2f8: {  	s28 =	simm.s32 $0xB07  }
0x2f9: {  	v4 =	vld [tilespmem:s28+$0x0];
	[tilespmem:s0+$0x8FC0] =	vst v2  }
0x2fa: {  	v2 =	vld [tilespmem:s23+$0x150];
	[tilespmem:s0+$0x90D0] =	vst v0  }
0x2fb: {  	[tilespmem:s0+$0x9040] =	vst v3;
	v0 =	vld [tilespmem:s5+$0x160]  }
0x2fc: {  	v3 =	vld [tilespmem:s31+$0x150];
	[tilespmem:s0+$0x8F50] =	vst v1  }
0x2fd: {  	v1 =	vld [tilespmem:s30+$0x160]  }
0x2fe: {  	v5 =	vld [tilespmem:s28+$0xFFFFFFFD]  }
0x2ff: {  	v6 =	vld [tilespmem:s28+$0xFFFFFFFE];
	[tilespmem:s0+$0x8FD0] =	vst v2  }
0x300: {  	v2 =	vld [tilespmem:s23+$0x160];
	[tilespmem:s0+$0x90E0] =	vst v0  }
0x301: {  	[tilespmem:s0+$0x9050] =	vst v3;
	v0 =	vld [tilespmem:s5+$0x170]  }
0x302: {  	v3 =	vld [tilespmem:s31+$0x160];
	[tilespmem:s0+$0x8F60] =	vst v1  }
0x303: {  	v1 =	vld [tilespmem:s30+$0x170];
	_ =	sdelay $0x1  }
0x304: {  	v7 =	vld [tilespmem:s28+$0xFFFFFFFF];
	(v2sf) =	vpush v4, $0x0;
	[tilespmem:s0+$0x8FE0] =	vst v2  }
0x305: {  	p0 =	por $0x0, $0x0;
	s2 =	simm.s32 $0x1;
	v2 =	vld [tilespmem:s23+$0x170];
	[tilespmem:s0+$0x90F0] =	vst v0  }
0x306: {  	(v2sf) =	vpush v5, $0x0;
	s2 =	simm.s32 @!p0 $0x0;
	[tilespmem:s0+$0x9060] =	vst v3;
	v0 =	vld [tilespmem:s5+$0x180]  }
0x307: {  	(v2sf) =	vpush v6, $0x0;
	s2 =	sshll.u32 s2, $0x9;
	[tilespmem:s0+$0x8F70] =	vst v1;
	v1 =	vld [tilespmem:s31+$0x170]  }
0x308: {  	s10 =	sadd.s32 $0x0, s2  }
0x309: {  	(v2sf) =	vpush v7, $0x0;
	s6 =	sadd.s32 $0x180, s10;
	v3 =	vld [tilespmem:s30+$0x180]  }
0x30a: {  	s3 =	sor.u32 $0x400, s6;
	[tilespmem:s0+$0x8FF0] =	vst v2  }
0x30b: {  	v2 =	vld [tilespmem:s23+$0x180];
	[tilespmem:s3+$0x8F00] =	vst v0  }
0x30c: {  	[tilespmem:s0+$0x9070] =	vst v1;
	v0 =	vld [tilespmem:s5+$0x190]  }
0x30d: {  	s4 =	sor.u32 $0x400, s10;
	v1 =	vld [tilespmem:s31+$0x180]  }
0x30e: {  	s8 =	sadd.s32 $0x80, s10;
	[tilespmem:s4+$0x8F00] =	vst v3  }
0x30f: {  	s9 =	sor.u32 $0x400, s8;
	v3 =	vld [tilespmem:s30+$0x190]  }
0x310: {  	s14 =	sadd.s32 $0x100, s10;
	s7 =	sor.u32 $0x410, s6;
	[tilespmem:s9+$0x8F00] =	vst v2  }
0x311: {  	s11 =	sor.u32 $0x400, s14;
	v2 =	vld [tilespmem:s23+$0x190];
	[tilespmem:s7+$0x8F00] =	vst v0  }
0x312: {  	[tilespmem:s11+$0x8F00] =	vst v1;
	v0 =	vld [tilespmem:s5+$0x1A0]  }
0x313: {  	s12 =	sor.u32 $0x410, s10;
	s16 =	spop (v2sf);
	v1 =	vld [tilespmem:s31+$0x190]  }
0x314: {  	s22 =	sor.u32 $0x420, s10;
	s18 =	sshll.u32 s16, $0xA;
	[tilespmem:s12+$0x8F00] =	vst v3  }
0x315: {  	s15 =	sor.u32 $0x410, s8;
	s19 =	spop (v2sf);
	s0 =	sshra.s32 s18, $0x2;
	v3 =	vld [tilespmem:s30+$0x1A0]  }
0x316: {  	s13 =	sor.u32 $0x420, s6;
	s1 =	sshll.u32 s19, $0xA;
	s20 =	spop (v2sf);
	v4 =	vld [tilespmem:s0+$0x100];
	[tilespmem:s15+$0x8F00] =	vst v2  }
0x317: {  	s17 =	sor.u32 $0x410, s14;
	s2 =	sshra.s32 s1, $0x2;
	s21 =	sshll.u32 s20, $0xA;
	v2 =	vld [tilespmem:s23+$0x1A0];
	[tilespmem:s13+$0x8F00] =	vst v0  }
0x318: {  	s24 =	spop (v2sf);
	s4 =	simm.s32 $0x400;
	s7 =	simm.s32 $0x200;
	[tilespmem:s17+$0x8F00] =	vst v1;
	v1 =	vld [tilespmem:s2+$0x100]  }
0x319: {  	s1 =	sshra.s32 s21, $0x2;
	s25 =	sand.u32 $0x7800, s4;
	s26 =	sand.u32 $0x200, s7;
	v0 =	vld [tilespmem:s5+$0x1B0]  }
0x31a: {  	s15 =	sshll.u32 s24, $0xA;
	s3 =	sor.u32 s26, s25;
	[tilespmem:s22+$0x8F00] =	vst v3;
	v3 =	vld [tilespmem:s1+$0x100]  }
0x31b: {  	s9 =	sor.u32 $0x420, s8;
	s20 =	sshra.s32 s15, $0x2;
	[tilespmem:s3+$0x9080] =	vst v4;
	v5 =	vld [tilespmem:s31+$0x1A0]  }
0x31c: {  	[tilespmem:s9+$0x8F00] =	vst v2;
	v2 =	vld [tilespmem:s20+$0x100]  }
0x31d: {  	s11 =	sor.u32 $0x430, s6;
	[tilespmem:s3+$0x8F00] =	vst v1;
	v1 =	vld [tilespmem:s0+$0x110]  }
0x31e: {  	[tilespmem:s11+$0x8F00] =	vst v0;
	v4 =	vld [tilespmem:s2+$0x110]  }
0x31f: {  	s28 =	sor.u32 $0x420, s14;
	[tilespmem:s3+$0x8F80] =	vst v3;
	v0 =	vld [tilespmem:s5+$0x1C0]  }
0x320: {  	[tilespmem:s28+$0x8F00] =	vst v5;
	v3 =	vld [tilespmem:s1+$0x110]  }
0x321: {  	v5 =	vld [tilespmem:s30+$0x1B0];
	[tilespmem:s3+$0x9000] =	vst v2  }
0x322: {  	v2 =	vld [tilespmem:s20+$0x110];
	[tilespmem:s3+$0x9090] =	vst v1  }
0x323: {  	s11 =	sor.u32 $0x440, s6;
	[tilespmem:s3+$0x8F10] =	vst v4;
	v1 =	vld [tilespmem:s0+$0x120]  }
0x324: {  	[tilespmem:s11+$0x8F00] =	vst v0;
	v4 =	vld [tilespmem:s2+$0x120]  }
0x325: {  	s12 =	sor.u32 $0x430, s10;
	[tilespmem:s3+$0x8F90] =	vst v3;
	v0 =	vld [tilespmem:s5+$0x1D0]  }
0x326: {  	[tilespmem:s12+$0x8F00] =	vst v5;
	v3 =	vld [tilespmem:s1+$0x120]  }
0x327: {  	v5 =	vld [tilespmem:s23+$0x1B0];
	[tilespmem:s3+$0x9010] =	vst v2  }
0x328: {  	v2 =	vld [tilespmem:s20+$0x120];
	[tilespmem:s3+$0x90A0] =	vst v1  }
0x329: {  	s13 =	sor.u32 $0x450, s6;
	[tilespmem:s3+$0x8F20] =	vst v4;
	v1 =	vld [tilespmem:s0+$0x130]  }
0x32a: {  	[tilespmem:s13+$0x8F00] =	vst v0;
	v4 =	vld [tilespmem:s2+$0x130]  }
0x32b: {  	s15 =	sor.u32 $0x430, s8;
	[tilespmem:s3+$0x8FA0] =	vst v3;
	v0 =	vld [tilespmem:s5+$0x1E0]  }
0x32c: {  	[tilespmem:s15+$0x8F00] =	vst v5;
	v3 =	vld [tilespmem:s1+$0x130]  }
0x32d: {  	v5 =	vld [tilespmem:s31+$0x1B0];
	[tilespmem:s3+$0x9020] =	vst v2  }
0x32e: {  	v2 =	vld [tilespmem:s20+$0x130];
	[tilespmem:s3+$0x90B0] =	vst v1  }
0x32f: {  	s16 =	sor.u32 $0x460, s6;
	[tilespmem:s3+$0x8F30] =	vst v4;
	v1 =	vld [tilespmem:s0+$0x140]  }
0x330: {  	[tilespmem:s16+$0x8F00] =	vst v0;
	v4 =	vld [tilespmem:s2+$0x140]  }
0x331: {  	s17 =	sor.u32 $0x430, s14;
	[tilespmem:s3+$0x8FB0] =	vst v3;
	v0 =	vld [tilespmem:s5+$0x1F0]  }
0x332: {  	[tilespmem:s17+$0x8F00] =	vst v5;
	v3 =	vld [tilespmem:s1+$0x140]  }
0x333: {  	v5 =	vld [tilespmem:s30+$0x1C0];
	[tilespmem:s3+$0x9030] =	vst v2  }
0x334: {  	v2 =	vld [tilespmem:s20+$0x140];
	[tilespmem:s3+$0x90C0] =	vst v1  }
0x335: {  	s18 =	sor.u32 $0x470, s6;
	[tilespmem:s3+$0x8F40] =	vst v4;
	v1 =	vld [tilespmem:s0+$0x150]  }
0x336: {  	[tilespmem:s18+$0x8F00] =	vst v0;
	v0 =	vld [tilespmem:s23+$0x1C0]  }
0x337: {  	s19 =	sor.u32 $0x440, s10;
	v4 =	vld [tilespmem:s2+$0x150];
	[tilespmem:s3+$0x8FC0] =	vst v3  }
0x338: {  	[tilespmem:s19+$0x8F00] =	vst v5;
	v3 =	vld [tilespmem:s1+$0x150]  }
0x339: {  	[tilespmem:s3+$0x9040] =	vst v2;
	v2 =	vld [tilespmem:s30+$0x1D0]  }
0x33a: {  	s21 =	sor.u32 $0x440, s8;
	v5 =	vld [tilespmem:s20+$0x150];
	[tilespmem:s3+$0x90D0] =	vst v1  }
0x33b: {  	[tilespmem:s21+$0x8F00] =	vst v0;
	v0 =	vld [tilespmem:s31+$0x1C0]  }
0x33c: {  	[tilespmem:s3+$0x8F50] =	vst v4;
	v4 =	vld [tilespmem:s0+$0x160]  }
0x33d: {  	s24 =	sor.u32 $0x450, s10;
	[tilespmem:s3+$0x8FD0] =	vst v3  }
0x33e: {  	v6 =	vld [tilespmem:s2+$0x160];
	[tilespmem:s24+$0x8F00] =	vst v2  }
0x33f: {  	s22 =	sor.u32 $0x440, s14;
	v8 =	vld [tilespmem:s23+$0x1D0];
	[tilespmem:s3+$0x9050] =	vst v5  }
0x340: {  	v7 =	vld [tilespmem:s1+$0x160];
	[tilespmem:s22+$0x8F00] =	vst v0  }
0x341: {  	s26 =	sor.u32 $0x460, s8;
	v1 =	vld [tilespmem:s20+$0x160];
	[tilespmem:s3+$0x90E0] =	vst v4  }
0x342: {  	v0 =	vld [tilespmem:s31+$0x1D0];
	[dreg:$0x13] =	wrdreg s26  }
0x343: {  	s28 =	sor.u32 $0x460, s14;
	[tilespmem:s3+$0x8F60] =	vst v6  }
0x344: {  	s29 =	sor.u32 $0x470, s8;
	s25 =	sor.u32 $0x450, s8;
	v4 =	vld [tilespmem:s0+$0x170];
	[dreg:$0x7] =	wrdreg s28  }
0x345: {  	s12 =	sor.u32 $0x470, s10;
	s13 =	simm.s32 $0x4;
	s19 =	sor.u32 $0x450, s14;
	v3 =	vld [tilespmem:s2+$0x170];
	[tilespmem:s3+$0x8FE0] =	vst v7  }
0x346: {  	s21 =	sor.u32 $0x470, s14;
	s14 =	simm.s32 $0xB0B;
	s22 =	sor.u32 $0x460, s10;
	[tilespmem:s25+$0x8F00] =	vst v8;
	v2 =	vld [tilespmem:s1+$0x170]  }
.LBB2_8:
0x347: {  	_ = 	snop  }
0x348: {  	v5 =	vld [tilespmem:s14+$0x0];
	[tilespmem:s19+$0x8F00] =	vst v0  }
0x349: {  	p0 =	por !p0, !p0;
	s5 =	simm.s32 $0x1;
	v0 =	vld [tilespmem:s14+$0xFFFFFFFD];
	[tilespmem:s3+$0x90F0] =	vst v4  }
0x34a: {  	s5 =	simm.s32 @!p0 $0x0;
	[tilespmem:s3+$0x9060] =	vst v1;
	v1 =	vld [tilespmem:s14+$0xFFFFFFFE]  }
0x34b: {  	s5 =	sshll.u32 s5, $0x9;
	[tilespmem:s3+$0x8F70] =	vst v3;
	v3 =	vld [tilespmem:s0+$0x180]  }
0x34c: {  	s17 =	sadd.s32 s5, s4;
	v4 =	vld [tilespmem:s14+$0xFFFFFFFF]  }
0x34d: {  	s16 =	sadd.s32 $0x80, s17;
	[tilespmem:s3+$0x8FF0] =	vst v2;
	(v2sf) =	vpush v5, $0x0;
	v2 =	vld [tilespmem:s20+$0x170]  }
0x34e: {  	s26 =	sadd.s32 $0x100, s17;
	s18 =	sadd.s32 $0x180, s17;
	s11 =	sor.u32 $0x400, s17;
	(v2sf) =	vpush v0, $0x0;
	v0 =	vld [tilespmem:s2+$0x180]  }
0x34f: {  	s10 =	sor.u32 $0x410, s17;
	s6 =	sor.u32 $0x400, s16;
	s24 =	sor.u32 $0x430, s16  }
0x350: {  	s15 =	sor.u32 $0x400, s18;
	s19 =	sor.u32 $0x440, s26;
	[smem:$0x7D1] =	sst s24;
	(v2sf) =	vpush v1, $0x0;
	v1 =	vld [tilespmem:s1+$0x180]  }
0x351: {  	s8 =	sor.u32 $0x400, s26;
	s24 =	sor.u32 $0x430, s26;
	[smem:$0x7D5] =	sst s19;
	[tilespmem:s15+$0x8F00] =	vst v3;
	v3 =	vld [tilespmem:s30+$0x1E0]  }
0x352: {  	s5 =	sor.u32 $0x410, s26;
	s19 =	sor.u32 $0x450, s16;
	[smem:$0x7D2] =	sst s24;
	(v2sf) =	vpush v4, $0x0;
	v4 =	vld [tilespmem:s0+$0x190];
	[tilespmem:s3+$0x9070] =	vst v2  }
0x353: {  	s25 =	sor.u32 $0x420, s26;
	s24 =	sor.u32 $0x430, s17;
	[smem:$0x7D7] =	sst s19;
	[tilespmem:s11+$0x8F00] =	vst v0;
	v0 =	vld [tilespmem:s20+$0x180]  }
0x354: {  	s19 =	sor.u32 $0x450, s26;
	s15 =	sor.u32 $0x420, s17;
	v2 =	vld [tilespmem:s23+$0x1E0];
	s11 =	sor.u32 $0x440, s16  }
0x355: {  	[smem:$0x7D4] =	sst s11;
	v5 =	vld [tilespmem:s2+$0x190];
	s11 =	sor.u32 $0x440, s17;
	[tilespmem:s6+$0x8F00] =	vst v1;
	s6 =	sor.u32 $0x450, s17  }
0x356: {  	[tilespmem:s22+$0x8F00] =	vst v3;
	s22 =	smov.u32 s12;
	[smem:$0x7D3] =	sst s11;
	v1 =	vld [tilespmem:s1+$0x190];
	s11 =	sor.u32 $0x410, s18  }
0x357: {  	s12 =	sor.u32 $0x460, s26;
	v3 =	vld [tilespmem:s31+$0x1E0];
	[smem:$0x7D6] =	sst s6;
	s6 =	sor.u32 $0x460, s17;
	[tilespmem:s11+$0x8F00] =	vst v4  }
0x358: {  	s11 =	sor.u32 $0x470, s17;
	s17 =	sor.u32 $0x470, s26;
	s26 =	rddreg [dreg:$0x13];
	v4 =	vld [tilespmem:s0+$0x1A0];
	[tilespmem:s8+$0x8F00] =	vst v0  }
0x359: {  	[tilespmem:s26+$0x8F00] =	vst v2;
	v2 =	vld [tilespmem:s20+$0x190]  }
0x35a: {  	s7 =	sadd.s32 $0x200, s7;
	s9 =	sor.u32 $0x410, s16;
	v0 =	vld [tilespmem:s30+$0x1F0];
	s30 =	smov.u32 s2;
	[tilespmem:s10+$0x8F00] =	vst v5  }
0x35b: {  	s4 =	sadd.s32 $0x400, s4;
	s3 =	sor.u32 $0x460, s16;
	v5 =	vld [tilespmem:s30+$0x1A0];
	[tilespmem:s9+$0x8F00] =	vst v1;
	s9 =	rddreg [dreg:$0x7]  }
0x35c: {  	s28 =	sor.u32 $0x420, s16;
	s26 =	smov.u32 s3;
	s8 =	sor.u32 $0x420, s18;
	v1 =	vld [tilespmem:s1+$0x1A0];
	[tilespmem:s9+$0x8F00] =	vst v3  }
0x35d: {  	[dreg:$0x13] =	wrdreg s26;
	s10 =	smov.u32 s12;
	s26 =	spop (v2sf);
	v3 =	vld [tilespmem:s23+$0x1F0];
	[tilespmem:s8+$0x8F00] =	vst v4  }
0x35e: {  	[dreg:$0x7] =	wrdreg s10;
	s8 =	sshll.u32 s26, $0xA;
	s9 =	spop (v2sf);
	v4 =	vld [tilespmem:s0+$0x1B0];
	[tilespmem:s5+$0x8F00] =	vst v2  }
0x35f: {  	[tilespmem:s22+$0x8F00] =	vst v0;
	s26 =	sshra.s32 s8, $0x2;
	s2 =	sshll.u32 s9, $0xA;
	s10 =	spop (v2sf);
	v0 =	vld [tilespmem:s31+$0x1F0]  }
0x360: {  	s23 =	smov.u32 s1;
	v2 =	vld [tilespmem:s26+$0x100];
	s2 =	sshra.s32 s2, $0x2;
	s1 =	sshll.u32 s10, $0xA;
	[tilespmem:s15+$0x8F00] =	vst v5  }
0x361: {  	s12 =	smov.u32 s11;
	s22 =	smov.u32 s6;
	v5 =	vld [tilespmem:s2+$0x100];
	s1 =	sshra.s32 s1, $0x2;
	[tilespmem:s28+$0x8F00] =	vst v1  }
0x362: {  	s31 =	smov.u32 s20;
	s11 =	spop (v2sf);
	s15 =	sor.u32 $0x430, s18;
	v1 =	vld [tilespmem:s1+$0x100];
	[tilespmem:s29+$0x8F00] =	vst v3  }
0x363: {  	s20 =	sand.u32 $0x7800, s4;
	s28 =	sand.u32 $0x200, s7;
	s6 =	sshll.u32 s11, $0xA;
	v3 =	vld [tilespmem:s31+$0x1A0];
	[tilespmem:s15+$0x8F00] =	vst v4  }
0x364: {  	s3 =	sor.u32 s28, s20;
	s20 =	sshra.s32 s6, $0x2;
	v4 =	vld [tilespmem:s0+$0x1C0];
	[tilespmem:s21+$0x8F00] =	vst v0  }
0x365: {  	[tilespmem:s3+$0x9080] =	vst v2;
	v0 =	vld [tilespmem:s20+$0x100]  }
0x366: {  	v2 =	vld [tilespmem:s26+$0x110];
	[tilespmem:s3+$0x8F00] =	vst v5  }
0x367: {  	v5 =	vld [tilespmem:s2+$0x110];
	[tilespmem:s3+$0x8F80] =	vst v1  }
0x368: {  	s9 =	sor.u32 $0x440, s18;
	[tilespmem:s25+$0x8F00] =	vst v3;
	v1 =	vld [tilespmem:s1+$0x110]  }
0x369: {  	v3 =	vld [tilespmem:s30+$0x1B0];
	[tilespmem:s9+$0x8F00] =	vst v4  }
0x36a: {  	[tilespmem:s3+$0x9000] =	vst v0;
	v0 =	vld [tilespmem:s0+$0x1D0]  }
0x36b: {  	[tilespmem:s3+$0x9090] =	vst v2;
	v4 =	vld [tilespmem:s20+$0x110]  }
0x36c: {  	[tilespmem:s3+$0x8F10] =	vst v5;
	v2 =	vld [tilespmem:s26+$0x120]  }
0x36d: {  	v5 =	vld [tilespmem:s2+$0x120];
	[tilespmem:s3+$0x8F90] =	vst v1  }
0x36e: {  	s10 =	sor.u32 $0x450, s18;
	[tilespmem:s24+$0x8F00] =	vst v3;
	v1 =	vld [tilespmem:s1+$0x120]  }
0x36f: {  	v3 =	vld [tilespmem:s23+$0x1B0];
	[tilespmem:s10+$0x8F00] =	vst v0  }
0x370: {  	[tilespmem:s3+$0x9010] =	vst v4;
	v0 =	vld [tilespmem:s0+$0x1E0]  }
0x371: {  	s11 =	sld [smem:$0x7D1];
	[tilespmem:s3+$0x90A0] =	vst v2;
	v4 =	vld [tilespmem:s20+$0x120]  }
0x372: {  	[tilespmem:s3+$0x8F20] =	vst v5;
	v2 =	vld [tilespmem:s26+$0x130]  }
0x373: {  	v5 =	vld [tilespmem:s2+$0x130];
	[tilespmem:s3+$0x8FA0] =	vst v1  }
0x374: {  	s15 =	sor.u32 $0x460, s18;
	v1 =	vld [tilespmem:s1+$0x130];
	[tilespmem:s11+$0x8F00] =	vst v3  }
0x375: {  	v3 =	vld [tilespmem:s31+$0x1B0];
	[tilespmem:s15+$0x8F00] =	vst v0  }
0x376: {  	s16 =	sor.u32 $0x470, s16;
	[tilespmem:s3+$0x9020] =	vst v4;
	v0 =	vld [tilespmem:s0+$0x1F0]  }
0x377: {  	s29 =	smov.u32 s16;
	s16 =	sld [smem:$0x7D2];
	[tilespmem:s3+$0x90B0] =	vst v2;
	v4 =	vld [tilespmem:s20+$0x130]  }
0x378: {  	s0 =	smov.u32 s26;
	[tilespmem:s3+$0x8F30] =	vst v5  }
0x379: {  	v2 =	vld [tilespmem:s0+$0x140];
	[tilespmem:s3+$0x8FB0] =	vst v1  }
0x37a: {  	s21 =	smov.u32 s17;
	s17 =	sor.u32 $0x470, s18;
	v5 =	vld [tilespmem:s2+$0x140];
	[tilespmem:s16+$0x8F00] =	vst v3  }
0x37b: {  	v1 =	vld [tilespmem:s1+$0x140];
	[tilespmem:s17+$0x8F00] =	vst v0  }
0x37c: {  	v0 =	vld [tilespmem:s23+$0x1C0];
	[tilespmem:s3+$0x9030] =	vst v4  }
0x37d: {  	v4 =	vld [tilespmem:s20+$0x140]  }
0x37e: {  	s24 =	sld [smem:$0x7D4];
	v3 =	vld [tilespmem:s30+$0x1C0];
	[tilespmem:s3+$0x90C0] =	vst v2  }
0x37f: {  	[tilespmem:s3+$0x8F40] =	vst v5;
	v2 =	vld [tilespmem:s0+$0x150]  }
0x380: {  	s18 =	sld [smem:$0x7D3];
	v5 =	vld [tilespmem:s2+$0x150];
	[tilespmem:s3+$0x8FC0] =	vst v1  }
0x381: {  	v1 =	vld [tilespmem:s1+$0x150];
	[tilespmem:s24+$0x8F00] =	vst v0  }
0x382: {  	v0 =	vld [tilespmem:s31+$0x1C0];
	[tilespmem:s3+$0x9040] =	vst v4  }
0x383: {  	[tilespmem:s18+$0x8F00] =	vst v3;
	v4 =	vld [tilespmem:s20+$0x150]  }
0x384: {  	s25 =	sld [smem:$0x7D5];
	v3 =	vld [tilespmem:s30+$0x1D0];
	[tilespmem:s3+$0x90D0] =	vst v2  }
0x385: {  	[tilespmem:s3+$0x8F50] =	vst v5;
	v2 =	vld [tilespmem:s0+$0x160]  }
0x386: {  	s26 =	sld [smem:$0x7D6];
	v5 =	vld [tilespmem:s2+$0x160];
	[tilespmem:s3+$0x8FD0] =	vst v1  }
0x387: {  	s13 =	sadd.s32 $0x4, s13;
	v6 =	vld [tilespmem:s1+$0x160];
	[tilespmem:s25+$0x8F00] =	vst v0  }
0x388: {  	p1 =	slt.u32 s13, $0x7C;
	v7 =	vld [tilespmem:s23+$0x1D0];
	[tilespmem:s3+$0x9050] =	vst v4  }
.Ltmp3:
0x389: {  	[tilespmem:s26+$0x8F00] =	vst v3;
	v0 =	vld [tilespmem:s31+$0x1D0];
	(pc) =	sbr.rel @p1 .LBB2_8-.Ltmp3, $4  }
0x38a: {  	s28 =	sld [smem:$0x7D7];
	[tilespmem:s3+$0x90E0] =	vst v2;
	v1 =	vld [tilespmem:s20+$0x160]  }
0x38b: {  	[tilespmem:s3+$0x8F60] =	vst v5;
	v4 =	vld [tilespmem:s0+$0x170]  }
0x38c: {  	v3 =	vld [tilespmem:s2+$0x170];
	[tilespmem:s3+$0x8FE0] =	vst v6  }
0x38d: {  	s14 =	sadd.s32 $0x4, s14;
	v2 =	vld [tilespmem:s1+$0x170];
	[tilespmem:s28+$0x8F00] =	vst v7  }
0x38e: {  	_ = 	snop  }
0x38f: {  	[tilespmem:s3+$0x9060] =	vst v1  }
0x390: {  	p0 =	por !p0, !p0;
	s5 =	simm.s32 $0x1;
	v1 =	vld [tilespmem:s20+$0x170];
	[tilespmem:s3+$0x90F0] =	vst v4  }
0x391: {  	s5 =	simm.s32 @!p0 $0x0;
	[tilespmem:s3+$0x8F70] =	vst v3;
	v3 =	vld [tilespmem:s0+$0x180]  }
0x392: {  	s5 =	sshll.u32 s5, $0x9;
	[tilespmem:s3+$0x8FF0] =	vst v2;
	v2 =	vld [tilespmem:s2+$0x180]  }
0x393: {  	s4 =	sadd.s32 s5, s4  }
0x394: {  	s7 =	sadd.s32 $0x180, s4  }
0x395: {  	v4 =	vld [tilespmem:s1+$0x180];
	s16 =	sor.u32 $0x400, s7;
	[tilespmem:s3+$0x9070] =	vst v1  }
0x396: {  	s8 =	sor.u32 $0x400, s4;
	v1 =	vld [tilespmem:s20+$0x180];
	[tilespmem:s16+$0x8F00] =	vst v3  }
0x397: {  	[tilespmem:s8+$0x8F00] =	vst v2;
	v2 =	vld [tilespmem:s0+$0x190]  }
0x398: {  	s3 =	sadd.s32 $0x80, s4  }
0x399: {  	s13 =	sadd.s32 $0x100, s4;
	s17 =	sor.u32 $0x400, s3  }
0x39a: {  	s18 =	sor.u32 $0x400, s13;
	[tilespmem:s17+$0x8F00] =	vst v4;
	v3 =	vld [tilespmem:s2+$0x190]  }
0x39b: {  	s24 =	sor.u32 $0x410, s7;
	v4 =	vld [tilespmem:s1+$0x190];
	[tilespmem:s18+$0x8F00] =	vst v1  }
0x39c: {  	v1 =	vld [tilespmem:s20+$0x190];
	[tilespmem:s24+$0x8F00] =	vst v2  }
0x39d: {  	v2 =	vld [tilespmem:s0+$0x1A0]  }
0x39e: {  	s25 =	sor.u32 $0x410, s4  }
0x39f: {  	s26 =	sor.u32 $0x410, s3;
	[tilespmem:s25+$0x8F00] =	vst v3  }
0x3a0: {  	s28 =	sor.u32 $0x410, s13;
	[tilespmem:s26+$0x8F00] =	vst v4;
	v3 =	vld [tilespmem:s2+$0x1A0]  }
0x3a1: {  	s6 =	sor.u32 $0x420, s7;
	v4 =	vld [tilespmem:s1+$0x1A0];
	[tilespmem:s28+$0x8F00] =	vst v1  }
0x3a2: {  	v1 =	vld [tilespmem:s20+$0x1A0];
	[tilespmem:s6+$0x8F00] =	vst v2  }
0x3a3: {  	v2 =	vld [tilespmem:s0+$0x1B0]  }
0x3a4: {  	s8 =	sor.u32 $0x420, s4  }
0x3a5: {  	s9 =	sor.u32 $0x420, s3;
	[tilespmem:s8+$0x8F00] =	vst v3  }
0x3a6: {  	s10 =	sor.u32 $0x420, s13;
	[tilespmem:s9+$0x8F00] =	vst v4;
	v3 =	vld [tilespmem:s2+$0x1B0]  }
0x3a7: {  	s11 =	sor.u32 $0x430, s7;
	[tilespmem:s10+$0x8F00] =	vst v1;
	v1 =	vld [tilespmem:s1+$0x1B0]  }
0x3a8: {  	v4 =	vld [tilespmem:s20+$0x1B0];
	[tilespmem:s11+$0x8F00] =	vst v2  }
0x3a9: {  	v2 =	vld [tilespmem:s0+$0x1C0]  }
0x3aa: {  	[tilespmem:s19+$0x8F00] =	vst v0;
	s14 =	sor.u32 $0x430, s4  }
0x3ab: {  	v0 =	vld [tilespmem:s30+$0x1E0];
	s15 =	sor.u32 $0x430, s3;
	[tilespmem:s14+$0x8F00] =	vst v3  }
0x3ac: {  	s16 =	sor.u32 $0x430, s13;
	[tilespmem:s15+$0x8F00] =	vst v1;
	v1 =	vld [tilespmem:s2+$0x1C0]  }
0x3ad: {  	s17 =	sor.u32 $0x440, s7;
	[tilespmem:s16+$0x8F00] =	vst v4;
	v3 =	vld [tilespmem:s1+$0x1C0]  }
0x3ae: {  	v4 =	vld [tilespmem:s20+$0x1C0];
	[tilespmem:s17+$0x8F00] =	vst v2  }
0x3af: {  	v2 =	vld [tilespmem:s0+$0x1D0]  }
0x3b0: {  	[tilespmem:s22+$0x8F00] =	vst v0;
	s6 =	sor.u32 $0x440, s4  }
0x3b1: {  	v5 =	vld [tilespmem:s23+$0x1E0];
	s18 =	sor.u32 $0x440, s3;
	[tilespmem:s6+$0x8F00] =	vst v1  }
0x3b2: {  	s19 =	sor.u32 $0x440, s13;
	[tilespmem:s18+$0x8F00] =	vst v3;
	v1 =	vld [tilespmem:s2+$0x1D0]  }
0x3b3: {  	s24 =	sor.u32 $0x450, s7;
	[tilespmem:s19+$0x8F00] =	vst v4;
	v3 =	vld [tilespmem:s1+$0x1D0]  }
0x3b4: {  	v0 =	vld [tilespmem:s20+$0x1D0];
	s5 =	rddreg [dreg:$0x13];
	[tilespmem:s24+$0x8F00] =	vst v2  }
0x3b5: {  	v2 =	vld [tilespmem:s0+$0x1E0]  }
0x3b6: {  	s25 =	sor.u32 $0x450, s4;
	v4 =	vld [tilespmem:s31+$0x1E0];
	[tilespmem:s5+$0x8F00] =	vst v5  }
0x3b7: {  	s26 =	sor.u32 $0x450, s3;
	v5 =	vld [tilespmem:s30+$0x1F0];
	[tilespmem:s25+$0x8F00] =	vst v1  }
0x3b8: {  	s28 =	sor.u32 $0x450, s13;
	[tilespmem:s26+$0x8F00] =	vst v3;
	v1 =	vld [tilespmem:s2+$0x1E0]  }
0x3b9: {  	s8 =	sor.u32 $0x460, s7;
	[tilespmem:s28+$0x8F00] =	vst v0;
	v0 =	vld [tilespmem:s1+$0x1E0]  }
0x3ba: {  	s5 =	rddreg [dreg:$0x7];
	v3 =	vld [tilespmem:s20+$0x1E0];
	[tilespmem:s8+$0x8F00] =	vst v2  }
0x3bb: {  	[tilespmem:s5+$0x8F00] =	vst v4;
	v4 =	vld [tilespmem:s23+$0x1F0]  }
0x3bc: {  	s9 =	sor.u32 $0x460, s4;
	[tilespmem:s12+$0x8F00] =	vst v5;
	v2 =	vld [tilespmem:s0+$0x1F0]  }
0x3bd: {  	s10 =	sor.u32 $0x460, s3;
	v5 =	vld [tilespmem:s31+$0x1F0];
	[tilespmem:s9+$0x8F00] =	vst v1  }
0x3be: {  	s11 =	sor.u32 $0x460, s13;
	[tilespmem:s10+$0x8F00] =	vst v0;
	v0 =	vld [tilespmem:s2+$0x1F0]  }
0x3bf: {  	[tilespmem:s11+$0x8F00] =	vst v3;
	v1 =	vld [tilespmem:s1+$0x1F0]  }
0x3c0: {  	s12 =	sor.u32 $0x470, s7;
	[tilespmem:s29+$0x8F00] =	vst v4;
	v3 =	vld [tilespmem:s20+$0x1F0]  }
0x3c1: {  	[tilespmem:s12+$0x8F00] =	vst v2  }
0x3c2: {  	s14 =	sor.u32 $0x470, s4;
	[tilespmem:s21+$0x8F00] =	vst v5  }
0x3c3: {  	s15 =	sor.u32 $0x470, s3;
	[tilespmem:s14+$0x8F00] =	vst v0  }
0x3c4: {  	s16 =	sor.u32 $0x470, s13;
	[tilespmem:s15+$0x8F00] =	vst v1  }
0x3c5: {  	[tilespmem:s16+$0x8F00] =	vst v3  }
0x3c6: {  	s1 =	sld [smem:$0x7F6];
	_ =	sdelay $0x1  }
0x3c7: {  	s17 =	simm.s32 $0x0;
	s18 =	simm.s32 $0x8F00;
	s19 =	simm.s32 $0x2  }
0x3c8: {  	[hbm4b:s1+s17] =	stream.linear.scatter [tilespmem:s18], [sflag:$0x2], $0x8000, $0x38;
	[tilespmem:$0x18F00] =	vst v63  }
0x3c9: {  	_ =	swait.ge [sflag:s19], $0x8000  }
0x3ca: {  	[sflag:s19] =	ssyncset.done $0x0  }
0x3cb: {  	s20 =	simm.s32 $0xB83;
	[sflag:s19] =	ssyncadd.s32 $0xFFFF8000  }
0x3cc: {  	v0 =	vld [tilespmem:s20+$0x0];
	_ =	sdelay $0x1  }
0x3cd: {  	v1 =	vld [tilespmem:s20+$0xFFFFFFFD];
	_ =	sdelay $0x2  }
0x3ce: {  	(v2sf) =	vpush v0, $0x0;
	v0 =	vld [tilespmem:s20+$0xFFFFFFFE];
	_ =	sdelay $0x1  }
0x3cf: {  	v2 =	vld [tilespmem:s20+$0xFFFFFFFF];
	(v2sf) =	vpush v1, $0x0;
	_ =	sdelay $0x2  }
0x3d0: {  	(v2sf) =	vpush v0, $0x0;
	_ =	sdelay $0x1  }
0x3d1: {  	(v2sf) =	vpush v2, $0x0;
	_ =	sdelay $0x7  }
0x3d2: {  	s21 =	spop (v2sf)  }
0x3d3: {  	s1 =	sshll.u32 s21, $0xA  }
0x3d4: {  	s22 =	spop (v2sf);
	s6 =	sshra.s32 s1, $0x2  }
0x3d5: {  	s1 =	sshll.u32 s22, $0xA;
	v0 =	vld [tilespmem:s6+$0x100]  }
0x3d6: {  	s31 =	sshra.s32 s1, $0x2  }
0x3d7: {  	s23 =	sand.u32 $0x7800, s17;
	s0 =	sand.u32 $0x200, s17;
	v1 =	vld [tilespmem:s31+$0x100];
	s24 =	spop (v2sf)  }
0x3d8: {  	s2 =	sor.u32 s0, s23;
	s25 =	sshll.u32 s24, $0xA  }
0x3d9: {  	s0 =	sadd.s32 $0x10F00, s2;
	s26 =	spop (v2sf);
	s24 =	sshra.s32 s25, $0x2  }
0x3da: {  	s28 =	sshll.u32 s26, $0xA;
	[tilespmem:s0+$0x180] =	vst v0;
	v2 =	vld [tilespmem:s24+$0x100]  }
0x3db: {  	s30 =	sshra.s32 s28, $0x2;
	v0 =	vld [tilespmem:s6+$0x110]  }
0x3dc: {  	v3 =	vld [tilespmem:s30+$0x100];
	[tilespmem:s2+$0x10F00] =	vst v1  }
0x3dd: {  	v1 =	vld [tilespmem:s31+$0x110];
	_ =	sdelay $0x1  }
0x3de: {  	[tilespmem:s0+$0x80] =	vst v2  }
0x3df: {  	[tilespmem:s0+$0x190] =	vst v0;
	v2 =	vld [tilespmem:s24+$0x110]  }
0x3e0: {  	[tilespmem:s0+$0x100] =	vst v3;
	v0 =	vld [tilespmem:s6+$0x120]  }
0x3e1: {  	v3 =	vld [tilespmem:s30+$0x110];
	[tilespmem:s0+$0x10] =	vst v1  }
0x3e2: {  	v1 =	vld [tilespmem:s31+$0x120];
	_ =	sdelay $0x1  }
0x3e3: {  	[tilespmem:s0+$0x90] =	vst v2  }
0x3e4: {  	[tilespmem:s0+$0x1A0] =	vst v0;
	v2 =	vld [tilespmem:s24+$0x120]  }
0x3e5: {  	[tilespmem:s0+$0x110] =	vst v3;
	v0 =	vld [tilespmem:s6+$0x130]  }
0x3e6: {  	v3 =	vld [tilespmem:s30+$0x120];
	[tilespmem:s0+$0x20] =	vst v1  }
0x3e7: {  	v1 =	vld [tilespmem:s31+$0x130];
	_ =	sdelay $0x1  }
0x3e8: {  	[tilespmem:s0+$0xA0] =	vst v2  }
0x3e9: {  	[tilespmem:s0+$0x1B0] =	vst v0;
	v2 =	vld [tilespmem:s24+$0x130]  }
0x3ea: {  	[tilespmem:s0+$0x120] =	vst v3;
	v0 =	vld [tilespmem:s6+$0x140]  }
0x3eb: {  	v3 =	vld [tilespmem:s30+$0x130];
	[tilespmem:s0+$0x30] =	vst v1  }
0x3ec: {  	v1 =	vld [tilespmem:s31+$0x140];
	_ =	sdelay $0x1  }
0x3ed: {  	[tilespmem:s0+$0xB0] =	vst v2  }
0x3ee: {  	[tilespmem:s0+$0x1C0] =	vst v0;
	v2 =	vld [tilespmem:s24+$0x140]  }
0x3ef: {  	[tilespmem:s0+$0x130] =	vst v3;
	v0 =	vld [tilespmem:s6+$0x150]  }
0x3f0: {  	v3 =	vld [tilespmem:s30+$0x140];
	[tilespmem:s0+$0x40] =	vst v1  }
0x3f1: {  	v1 =	vld [tilespmem:s31+$0x150];
	_ =	sdelay $0x1  }
0x3f2: {  	[tilespmem:s0+$0xC0] =	vst v2  }
0x3f3: {  	[tilespmem:s0+$0x1D0] =	vst v0;
	v2 =	vld [tilespmem:s24+$0x150]  }
0x3f4: {  	[tilespmem:s0+$0x140] =	vst v3;
	v0 =	vld [tilespmem:s6+$0x160]  }
0x3f5: {  	v3 =	vld [tilespmem:s30+$0x150];
	[tilespmem:s0+$0x50] =	vst v1  }
0x3f6: {  	v1 =	vld [tilespmem:s31+$0x160]  }
0x3f7: {  	s3 =	simm.s32 $0xB87  }
0x3f8: {  	v4 =	vld [tilespmem:s3+$0x0];
	[tilespmem:s0+$0xD0] =	vst v2  }
0x3f9: {  	[tilespmem:s0+$0x1E0] =	vst v0;
	v2 =	vld [tilespmem:s24+$0x160]  }
0x3fa: {  	[tilespmem:s0+$0x150] =	vst v3;
	v0 =	vld [tilespmem:s6+$0x170]  }
0x3fb: {  	[tilespmem:s0+$0x60] =	vst v1;
	v1 =	vld [tilespmem:s3+$0xFFFFFFFD]  }
0x3fc: {  	v3 =	vld [tilespmem:s30+$0x160]  }
0x3fd: {  	v6 =	vld [tilespmem:s3+$0xFFFFFFFE]  }
0x3fe: {  	(v2sf) =	vpush v4, $0x0;
	v5 =	vld [tilespmem:s31+$0x170]  }
0x3ff: {  	[tilespmem:s0+$0xE0] =	vst v2;
	v2 =	vld [tilespmem:s3+$0xFFFFFFFF]  }
0x400: {  	p0 =	por $0x0, $0x0;
	s2 =	simm.s32 $0x1;
	[tilespmem:s0+$0x1F0] =	vst v0;
	(v2sf) =	vpush v1, $0x0;
	v1 =	vld [tilespmem:s24+$0x170]  }
0x401: {  	s2 =	simm.s32 @!p0 $0x0;
	[tilespmem:s0+$0x160] =	vst v3;
	v0 =	vld [tilespmem:s6+$0x180]  }
0x402: {  	s2 =	sshll.u32 s2, $0x9;
	v3 =	vld [tilespmem:s30+$0x170]  }
0x403: {  	s7 =	sadd.s32 $0x0, s2;
	[tilespmem:s0+$0x70] =	vst v5  }
0x404: {  	s9 =	sadd.s32 $0x180, s7;
	(v2sf) =	vpush v6, $0x0;
	v4 =	vld [tilespmem:s31+$0x180]  }
0x405: {  	s4 =	sor.u32 $0x400, s9;
	(v2sf) =	vpush v2, $0x0;
	[tilespmem:s0+$0xF0] =	vst v1  }
0x406: {  	[tilespmem:s4+$0x10F00] =	vst v0;
	v1 =	vld [tilespmem:s24+$0x180]  }
0x407: {  	[tilespmem:s0+$0x170] =	vst v3;
	v0 =	vld [tilespmem:s6+$0x190]  }
0x408: {  	s8 =	sor.u32 $0x400, s7;
	v2 =	vld [tilespmem:s30+$0x180]  }
0x409: {  	[tilespmem:s8+$0x10F00] =	vst v4;
	s8 =	sadd.s32 $0x80, s7  }
0x40a: {  	s10 =	sor.u32 $0x400, s8  }
0x40b: {  	s14 =	sadd.s32 $0x100, s7;
	s5 =	sor.u32 $0x410, s9;
	v3 =	vld [tilespmem:s31+$0x190];
	[tilespmem:s10+$0x10F00] =	vst v1  }
0x40c: {  	s11 =	sor.u32 $0x400, s14;
	[tilespmem:s5+$0x10F00] =	vst v0;
	v1 =	vld [tilespmem:s24+$0x190]  }
0x40d: {  	s15 =	spop (v2sf);
	[tilespmem:s11+$0x10F00] =	vst v2;
	v0 =	vld [tilespmem:s6+$0x1A0]  }
0x40e: {  	s16 =	sshll.u32 s15, $0xA;
	v2 =	vld [tilespmem:s30+$0x190]  }
0x40f: {  	s13 =	sor.u32 $0x410, s7;
	s0 =	sshra.s32 s16, $0x2;
	s17 =	spop (v2sf)  }
0x410: {  	s12 =	sor.u32 $0x420, s9;
	v4 =	vld [tilespmem:s0+$0x100];
	s18 =	sor.u32 $0x410, s8;
	[tilespmem:s13+$0x10F00] =	vst v3;
	s1 =	sshll.u32 s17, $0xA  }
0x411: {  	s4 =	simm.s32 $0x400;
	s5 =	simm.s32 $0x200;
	v3 =	vld [tilespmem:s31+$0x1A0];
	s1 =	sshra.s32 s1, $0x2;
	[tilespmem:s18+$0x10F00] =	vst v1  }
0x412: {  	s19 =	sor.u32 $0x410, s14;
	s20 =	sand.u32 $0x7800, s4;
	s21 =	sand.u32 $0x200, s5;
	[tilespmem:s12+$0x10F00] =	vst v0;
	v1 =	vld [tilespmem:s1+$0x100]  }
0x413: {  	s23 =	sor.u32 s21, s20;
	s10 =	spop (v2sf);
	[tilespmem:s19+$0x10F00] =	vst v2;
	v2 =	vld [tilespmem:s24+$0x1A0]  }
0x414: {  	s3 =	sadd.s32 $0x10F00, s23;
	s10 =	sshll.u32 s10, $0xA;
	v0 =	vld [tilespmem:s6+$0x1B0];
	s25 =	spop (v2sf)  }
0x415: {  	s22 =	sor.u32 $0x420, s7;
	[tilespmem:s3+$0x180] =	vst v4;
	s20 =	sshra.s32 s10, $0x2;
	v5 =	vld [tilespmem:s30+$0x1A0];
	s2 =	sshll.u32 s25, $0xA  }
0x416: {  	[tilespmem:s22+$0x10F00] =	vst v3;
	v3 =	vld [tilespmem:s20+$0x100];
	s2 =	sshra.s32 s2, $0x2  }
0x417: {  	s26 =	sor.u32 $0x420, s8;
	v4 =	vld [tilespmem:s2+$0x100];
	[tilespmem:s23+$0x10F00] =	vst v1  }
0x418: {  	s11 =	sor.u32 $0x430, s9;
	v1 =	vld [tilespmem:s0+$0x110];
	[tilespmem:s26+$0x10F00] =	vst v2  }
0x419: {  	s28 =	sor.u32 $0x420, s14;
	[tilespmem:s11+$0x10F00] =	vst v0;
	v2 =	vld [tilespmem:s1+$0x110]  }
0x41a: {  	[tilespmem:s28+$0x10F00] =	vst v5;
	v0 =	vld [tilespmem:s6+$0x1C0]  }
0x41b: {  	[tilespmem:s3+$0x80] =	vst v3  }
0x41c: {  	v5 =	vld [tilespmem:s31+$0x1B0];
	[tilespmem:s3+$0x100] =	vst v4  }
0x41d: {  	v3 =	vld [tilespmem:s20+$0x110];
	[tilespmem:s3+$0x190] =	vst v1  }
0x41e: {  	s12 =	sor.u32 $0x440, s9;
	v1 =	vld [tilespmem:s0+$0x120];
	[tilespmem:s3+$0x10] =	vst v2  }
0x41f: {  	v2 =	vld [tilespmem:s2+$0x110];
	[tilespmem:s12+$0x10F00] =	vst v0  }
0x420: {  	s13 =	sor.u32 $0x430, s7;
	v0 =	vld [tilespmem:s6+$0x1D0]  }
0x421: {  	[tilespmem:s13+$0x10F00] =	vst v5;
	v4 =	vld [tilespmem:s1+$0x120]  }
0x422: {  	v5 =	vld [tilespmem:s24+$0x1B0];
	[tilespmem:s3+$0x90] =	vst v3  }
0x423: {  	v3 =	vld [tilespmem:s20+$0x120];
	[tilespmem:s3+$0x1A0] =	vst v1  }
0x424: {  	s15 =	sor.u32 $0x450, s9;
	[tilespmem:s3+$0x110] =	vst v2;
	v1 =	vld [tilespmem:s0+$0x130]  }
0x425: {  	v2 =	vld [tilespmem:s2+$0x120];
	[tilespmem:s15+$0x10F00] =	vst v0  }
0x426: {  	s16 =	sor.u32 $0x430, s8;
	[tilespmem:s3+$0x20] =	vst v4;
	v0 =	vld [tilespmem:s6+$0x1E0]  }
0x427: {  	[tilespmem:s16+$0x10F00] =	vst v5;
	v4 =	vld [tilespmem:s1+$0x130]  }
0x428: {  	v5 =	vld [tilespmem:s30+$0x1B0];
	[tilespmem:s3+$0xA0] =	vst v3  }
0x429: {  	v3 =	vld [tilespmem:s20+$0x130];
	[tilespmem:s3+$0x1B0] =	vst v1  }
0x42a: {  	s17 =	sor.u32 $0x460, s9;
	[tilespmem:s3+$0x120] =	vst v2;
	v1 =	vld [tilespmem:s0+$0x140]  }
0x42b: {  	v2 =	vld [tilespmem:s2+$0x130];
	[tilespmem:s17+$0x10F00] =	vst v0  }
0x42c: {  	s18 =	sor.u32 $0x430, s14;
	[tilespmem:s3+$0x30] =	vst v4;
	v0 =	vld [tilespmem:s6+$0x1F0]  }
0x42d: {  	[tilespmem:s18+$0x10F00] =	vst v5;
	v4 =	vld [tilespmem:s1+$0x140]  }
0x42e: {  	v5 =	vld [tilespmem:s31+$0x1C0];
	[tilespmem:s3+$0xB0] =	vst v3  }
0x42f: {  	v3 =	vld [tilespmem:s20+$0x140];
	[tilespmem:s3+$0x1C0] =	vst v1  }
0x430: {  	s19 =	sor.u32 $0x470, s9;
	[tilespmem:s3+$0x130] =	vst v2;
	v1 =	vld [tilespmem:s0+$0x150]  }
0x431: {  	[tilespmem:s19+$0x10F00] =	vst v0;
	v0 =	vld [tilespmem:s24+$0x1C0]  }
0x432: {  	s21 =	sor.u32 $0x440, s7;
	[tilespmem:s3+$0x40] =	vst v4;
	v2 =	vld [tilespmem:s2+$0x140]  }
0x433: {  	[tilespmem:s21+$0x10F00] =	vst v5;
	v4 =	vld [tilespmem:s1+$0x150]  }
0x434: {  	[tilespmem:s3+$0xC0] =	vst v3;
	v3 =	vld [tilespmem:s31+$0x1D0]  }
0x435: {  	s22 =	sor.u32 $0x440, s8;
	v5 =	vld [tilespmem:s20+$0x150];
	[tilespmem:s3+$0x1D0] =	vst v1  }
0x436: {  	[tilespmem:s22+$0x10F00] =	vst v0;
	v0 =	vld [tilespmem:s30+$0x1C0]  }
0x437: {  	[tilespmem:s3+$0x140] =	vst v2;
	v2 =	vld [tilespmem:s0+$0x160]  }
0x438: {  	s25 =	sor.u32 $0x450, s7;
	[tilespmem:s3+$0x50] =	vst v4  }
0x439: {  	v4 =	vld [tilespmem:s2+$0x150];
	[tilespmem:s25+$0x10F00] =	vst v3  }
0x43a: {  	s23 =	sor.u32 $0x440, s14;
	v6 =	vld [tilespmem:s1+$0x160];
	[tilespmem:s3+$0xD0] =	vst v5  }
0x43b: {  	v7 =	vld [tilespmem:s24+$0x1D0];
	[tilespmem:s23+$0x10F00] =	vst v0  }
0x43c: {  	s26 =	sor.u32 $0x460, s8;
	v1 =	vld [tilespmem:s20+$0x160];
	[tilespmem:s3+$0x1E0] =	vst v2  }
0x43d: {  	v0 =	vld [tilespmem:s30+$0x1D0];
	[dreg:$0xe] =	wrdreg s26  }
0x43e: {  	s28 =	sor.u32 $0x460, s7;
	[tilespmem:s3+$0x150] =	vst v4  }
0x43f: {  	s29 =	sor.u32 $0x470, s8;
	s13 =	simm.s32 $0x4;
	v3 =	vld [tilespmem:s0+$0x170];
	[dreg:$0x18] =	wrdreg s28  }
0x440: {  	s12 =	sor.u32 $0x470, s7;
	s15 =	sor.u32 $0x450, s8;
	s19 =	sor.u32 $0x460, s14;
	[tilespmem:s3+$0x60] =	vst v6;
	v4 =	vld [tilespmem:s2+$0x160]  }
0x441: {  	s22 =	sor.u32 $0x470, s14;
	s23 =	sor.u32 $0x450, s14;
	s14 =	simm.s32 $0xB8B;
	[tilespmem:s15+$0x10F00] =	vst v7;
	v2 =	vld [tilespmem:s1+$0x170]  }
.LBB2_10:
0x442: {  	v5 =	vld [tilespmem:s14+$0x0];
	p0 =	por !p0, !p0;
	s6 =	simm.s32 $0x1;
	[tilespmem:s23+$0x10F00] =	vst v0  }
0x443: {  	s6 =	simm.s32 @!p0 $0x0;
	v0 =	vld [tilespmem:s14+$0xFFFFFFFD];
	[tilespmem:s3+$0xE0] =	vst v1  }
0x444: {  	s6 =	sshll.u32 s6, $0x9;
	v1 =	vld [tilespmem:s14+$0xFFFFFFFE]  }
0x445: {  	s8 =	sadd.s32 s6, s4;
	[tilespmem:s3+$0x1F0] =	vst v3  }
0x446: {  	[tilespmem:s3+$0x160] =	vst v4;
	s18 =	sadd.s32 $0x80, s8;
	v3 =	vld [tilespmem:s0+$0x180]  }
0x447: {  	s28 =	sadd.s32 $0x100, s8;
	v4 =	vld [tilespmem:s14+$0xFFFFFFFF];
	(v2sf) =	vpush v5, $0x0;
	s11 =	sor.u32 $0x430, s18  }
0x448: {  	[tilespmem:s3+$0x70] =	vst v2;
	v2 =	vld [tilespmem:s20+$0x170];
	s23 =	sor.u32 $0x430, s28;
	[smem:$0x7CA] =	sst s11;
	(v2sf) =	vpush v0, $0x0  }
0x449: {  	[smem:$0x7CB] =	sst s23;
	s23 =	sor.u32 $0x430, s8;
	(v2sf) =	vpush v1, $0x0;
	v1 =	vld [tilespmem:s1+$0x180]  }
0x44a: {  	s17 =	sadd.s32 $0x180, s8;
	s11 =	sor.u32 $0x440, s28;
	[smem:$0x7C9] =	sst s23;
	v0 =	vld [tilespmem:s2+$0x170]  }
0x44b: {  	s15 =	sor.u32 $0x400, s17;
	s23 =	sor.u32 $0x440, s18;
	[smem:$0x7CE] =	sst s11  }
0x44c: {  	s6 =	smov.u32 s19;
	s11 =	sor.u32 $0x450, s18;
	[smem:$0x7CD] =	sst s23;
	[tilespmem:s15+$0x10F00] =	vst v3;
	v3 =	vld [tilespmem:s31+$0x1E0]  }
0x44d: {  	s21 =	sor.u32 $0x400, s8;
	s23 =	sor.u32 $0x440, s8;
	[smem:$0x7D0] =	sst s11;
	[tilespmem:s3+$0xF0] =	vst v2;
	(v2sf) =	vpush v4, $0x0;
	v4 =	vld [tilespmem:s0+$0x190]  }
0x44e: {  	s19 =	sor.u32 $0x410, s8;
	[smem:$0x7CC] =	sst s23;
	v2 =	vld [tilespmem:s24+$0x1E0];
	[tilespmem:s21+$0x10F00] =	vst v1;
	s21 =	sor.u32 $0x450, s8  }
0x44f: {  	s10 =	sor.u32 $0x400, s28;
	s7 =	sor.u32 $0x410, s28;
	v5 =	vld [tilespmem:s20+$0x180];
	[tilespmem:s3+$0x170] =	vst v0;
	[smem:$0x7CF] =	sst s21  }
0x450: {  	s25 =	sor.u32 $0x420, s28;
	s11 =	sor.u32 $0x410, s17;
	v0 =	vld [tilespmem:s2+$0x180];
	s21 =	rddreg [dreg:$0x18]  }
0x451: {  	s23 =	sor.u32 $0x450, s28;
	s15 =	sor.u32 $0x420, s8;
	v1 =	vld [tilespmem:s1+$0x190];
	[tilespmem:s21+$0x10F00] =	vst v3;
	s21 =	sor.u32 $0x460, s8  }
0x452: {  	[tilespmem:s11+$0x10F00] =	vst v4;
	s11 =	sor.u32 $0x470, s8;
	s8 =	sor.u32 $0x470, s28;
	[dreg:$0x18] =	wrdreg s21  }
0x453: {  	v3 =	vld [tilespmem:s30+$0x1E0];
	s21 =	smov.u32 s12;
	s12 =	sor.u32 $0x460, s28;
	s28 =	rddreg [dreg:$0xe]  }
0x454: {  	v4 =	vld [tilespmem:s0+$0x1A0];
	[tilespmem:s28+$0x10F00] =	vst v2  }
0x455: {  	s9 =	sor.u32 $0x400, s18;
	v2 =	vld [tilespmem:s31+$0x1F0];
	[tilespmem:s10+$0x10F00] =	vst v0  }
0x456: {  	[tilespmem:s9+$0x10F00] =	vst v5;
	v0 =	vld [tilespmem:s2+$0x190]  }
0x457: {  	s3 =	sor.u32 $0x460, s18;
	s31 =	smov.u32 s1;
	v5 =	vld [tilespmem:s20+$0x190];
	[tilespmem:s19+$0x10F00] =	vst v1  }
0x458: {  	s28 =	smov.u32 s3;
	s10 =	sor.u32 $0x420, s17;
	v1 =	vld [tilespmem:s31+$0x1A0];
	[tilespmem:s6+$0x10F00] =	vst v3  }
0x459: {  	s5 =	sadd.s32 $0x200, s5;
	[dreg:$0xe] =	wrdreg s28;
	s28 =	spop (v2sf);
	[tilespmem:s10+$0x10F00] =	vst v4;
	v3 =	vld [tilespmem:s24+$0x1F0]  }
0x45a: {  	s4 =	sadd.s32 $0x400, s4;
	s6 =	sshll.u32 s28, $0xA;
	s9 =	spop (v2sf);
	v4 =	vld [tilespmem:s0+$0x1B0];
	[tilespmem:s21+$0x10F00] =	vst v2  }
0x45b: {  	s16 =	sor.u32 $0x410, s18;
	s28 =	sshra.s32 s6, $0x2;
	s3 =	sshll.u32 s9, $0xA;
	v2 =	vld [tilespmem:s30+$0x1F0];
	[tilespmem:s7+$0x10F00] =	vst v0  }
0x45c: {  	s19 =	smov.u32 s12;
	s12 =	smov.u32 s11;
	s1 =	sshra.s32 s3, $0x2;
	[tilespmem:s16+$0x10F00] =	vst v5;
	v5 =	vld [tilespmem:s28+$0x100]  }
0x45d: {  	s24 =	smov.u32 s20;
	s20 =	sand.u32 $0x7800, s4;
	s6 =	sor.u32 $0x430, s17;
	v0 =	vld [tilespmem:s1+$0x100];
	[tilespmem:s15+$0x10F00] =	vst v1  }
0x45e: {  	s30 =	smov.u32 s2;
	s21 =	sand.u32 $0x200, s5;
	s10 =	spop (v2sf);
	v1 =	vld [tilespmem:s24+$0x1A0];
	[tilespmem:s29+$0x10F00] =	vst v3  }
0x45f: {  	s7 =	sor.u32 s21, s20;
	s11 =	sshll.u32 s10, $0xA;
	s16 =	spop (v2sf);
	v3 =	vld [tilespmem:s30+$0x1A0];
	[tilespmem:s6+$0x10F00] =	vst v4  }
0x460: {  	s3 =	sadd.s32 $0x10F00, s7;
	s20 =	sshra.s32 s11, $0x2;
	s2 =	sshll.u32 s16, $0xA;
	v4 =	vld [tilespmem:s0+$0x1C0];
	[tilespmem:s22+$0x10F00] =	vst v2  }
0x461: {  	s2 =	sshra.s32 s2, $0x2;
	v2 =	vld [tilespmem:s20+$0x100];
	[tilespmem:s3+$0x180] =	vst v5  }
0x462: {  	s26 =	sor.u32 $0x420, s18;
	[tilespmem:s7+$0x10F00] =	vst v0;
	v5 =	vld [tilespmem:s2+$0x100]  }
0x463: {  	v0 =	vld [tilespmem:s28+$0x110];
	[tilespmem:s26+$0x10F00] =	vst v1  }
0x464: {  	s22 =	smov.u32 s8;
	s8 =	sor.u32 $0x440, s17;
	v1 =	vld [tilespmem:s1+$0x110];
	[tilespmem:s25+$0x10F00] =	vst v3  }
0x465: {  	[tilespmem:s8+$0x10F00] =	vst v4  }
0x466: {  	v3 =	vld [tilespmem:s31+$0x1B0];
	[tilespmem:s3+$0x80] =	vst v2  }
0x467: {  	v4 =	vld [tilespmem:s20+$0x110];
	[tilespmem:s3+$0x100] =	vst v5  }
0x468: {  	s9 =	sld [smem:$0x7C9];
	v2 =	vld [tilespmem:s0+$0x1D0];
	[tilespmem:s3+$0x190] =	vst v0  }
0x469: {  	[tilespmem:s3+$0x10] =	vst v1;
	v1 =	vld [tilespmem:s2+$0x110]  }
0x46a: {  	v0 =	vld [tilespmem:s28+$0x120]  }
0x46b: {  	v5 =	vld [tilespmem:s1+$0x120];
	[tilespmem:s9+$0x10F00] =	vst v3  }
0x46c: {  	s10 =	sor.u32 $0x450, s17;
	v3 =	vld [tilespmem:s24+$0x1B0];
	[tilespmem:s3+$0x90] =	vst v4  }
0x46d: {  	[tilespmem:s10+$0x10F00] =	vst v2;
	v4 =	vld [tilespmem:s20+$0x120]  }
0x46e: {  	s11 =	sld [smem:$0x7CA];
	v2 =	vld [tilespmem:s0+$0x1E0];
	[tilespmem:s3+$0x110] =	vst v1  }
0x46f: {  	[tilespmem:s3+$0x1A0] =	vst v0;
	v1 =	vld [tilespmem:s2+$0x120]  }
0x470: {  	[tilespmem:s3+$0x20] =	vst v5;
	v0 =	vld [tilespmem:s28+$0x130]  }
0x471: {  	[tilespmem:s11+$0x10F00] =	vst v3;
	v5 =	vld [tilespmem:s1+$0x130]  }
0x472: {  	s15 =	sor.u32 $0x460, s17;
	v3 =	vld [tilespmem:s30+$0x1B0];
	[tilespmem:s3+$0xA0] =	vst v4  }
0x473: {  	[tilespmem:s15+$0x10F00] =	vst v2;
	v4 =	vld [tilespmem:s20+$0x130]  }
0x474: {  	s16 =	sld [smem:$0x7CB];
	v2 =	vld [tilespmem:s0+$0x1F0];
	[tilespmem:s3+$0x120] =	vst v1  }
0x475: {  	s0 =	smov.u32 s28;
	[tilespmem:s3+$0x1B0] =	vst v0;
	v1 =	vld [tilespmem:s2+$0x130]  }
0x476: {  	[tilespmem:s3+$0x30] =	vst v5;
	v0 =	vld [tilespmem:s0+$0x140]  }
0x477: {  	[tilespmem:s16+$0x10F00] =	vst v3;
	v5 =	vld [tilespmem:s1+$0x140]  }
0x478: {  	s17 =	sor.u32 $0x470, s17;
	v3 =	vld [tilespmem:s31+$0x1C0];
	[tilespmem:s3+$0xB0] =	vst v4  }
0x479: {  	s18 =	sor.u32 $0x470, s18;
	[tilespmem:s17+$0x10F00] =	vst v2;
	v2 =	vld [tilespmem:s24+$0x1C0]  }
0x47a: {  	s29 =	smov.u32 s18;
	s18 =	sld [smem:$0x7CC];
	v4 =	vld [tilespmem:s20+$0x140];
	[tilespmem:s3+$0x130] =	vst v1  }
0x47b: {  	s21 =	sld [smem:$0x7CD];
	[tilespmem:s3+$0x1C0] =	vst v0;
	v1 =	vld [tilespmem:s2+$0x140]  }
0x47c: {  	[tilespmem:s3+$0x40] =	vst v5;
	v0 =	vld [tilespmem:s0+$0x150]  }
0x47d: {  	v5 =	vld [tilespmem:s1+$0x150];
	[tilespmem:s18+$0x10F00] =	vst v3  }
0x47e: {  	[tilespmem:s21+$0x10F00] =	vst v2  }
0x47f: {  	v3 =	vld [tilespmem:s31+$0x1D0];
	[tilespmem:s3+$0xC0] =	vst v4  }
0x480: {  	v2 =	vld [tilespmem:s30+$0x1C0];
	[tilespmem:s3+$0x140] =	vst v1  }
0x481: {  	s26 =	sld [smem:$0x7CF];
	v4 =	vld [tilespmem:s20+$0x150];
	[tilespmem:s3+$0x1D0] =	vst v0  }
0x482: {  	s25 =	sld [smem:$0x7CE];
	[tilespmem:s3+$0x50] =	vst v5;
	v5 =	vld [tilespmem:s2+$0x150]  }
0x483: {  	v6 =	vld [tilespmem:s0+$0x160]  }
0x484: {  	s13 =	sadd.s32 $0x4, s13;
	v7 =	vld [tilespmem:s1+$0x160];
	[tilespmem:s26+$0x10F00] =	vst v3  }
0x485: {  	p1 =	slt.u32 s13, $0x7C;
	v8 =	vld [tilespmem:s24+$0x1D0];
	[tilespmem:s25+$0x10F00] =	vst v2  }
.Ltmp4:
0x486: {  	v0 =	vld [tilespmem:s30+$0x1D0];
	[tilespmem:s3+$0xD0] =	vst v4;
	(pc) =	sbr.rel @p1 .LBB2_10-.Ltmp4, $4  }
0x487: {  	s28 =	sld [smem:$0x7D0];
	v1 =	vld [tilespmem:s20+$0x160];
	[tilespmem:s3+$0x150] =	vst v5  }
0x488: {  	[tilespmem:s3+$0x1E0] =	vst v6;
	v4 =	vld [tilespmem:s2+$0x160]  }
0x489: {  	[tilespmem:s3+$0x60] =	vst v7;
	v3 =	vld [tilespmem:s0+$0x170]  }
0x48a: {  	s14 =	sadd.s32 $0x4, s14;
	[tilespmem:s28+$0x10F00] =	vst v8;
	v2 =	vld [tilespmem:s1+$0x170]  }
0x48b: {  	_ = 	snop  }
0x48c: {  	[tilespmem:s3+$0xE0] =	vst v1  }
0x48d: {  	[tilespmem:s3+$0x160] =	vst v4;
	v1 =	vld [tilespmem:s20+$0x170]  }
0x48e: {  	v4 =	vld [tilespmem:s2+$0x170];
	_ =	sdelay $0x1  }
0x48f: {  	p0 =	por !p0, !p0;
	s5 =	simm.s32 $0x1;
	[tilespmem:s3+$0x1F0] =	vst v3  }
0x490: {  	s5 =	simm.s32 @!p0 $0x0;
	v3 =	vld [tilespmem:s0+$0x180];
	[tilespmem:s3+$0x70] =	vst v2  }
0x491: {  	s5 =	sshll.u32 s5, $0x9;
	v2 =	vld [tilespmem:s1+$0x180];
	[tilespmem:s3+$0xF0] =	vst v1  }
0x492: {  	s4 =	sadd.s32 s5, s4;
	v1 =	vld [tilespmem:s20+$0x180];
	[tilespmem:s3+$0x170] =	vst v4  }
0x493: {  	s5 =	sadd.s32 $0x180, s4;
	v4 =	vld [tilespmem:s2+$0x180]  }
0x494: {  	s7 =	sor.u32 $0x400, s5  }
0x495: {  	s8 =	sor.u32 $0x400, s4;
	s3 =	sadd.s32 $0x80, s4;
	[tilespmem:s7+$0x10F00] =	vst v3  }
0x496: {  	s13 =	sadd.s32 $0x100, s4;
	s9 =	sor.u32 $0x400, s3;
	v3 =	vld [tilespmem:s0+$0x190];
	[tilespmem:s8+$0x10F00] =	vst v2  }
0x497: {  	s10 =	sor.u32 $0x400, s13;
	v2 =	vld [tilespmem:s1+$0x190];
	[tilespmem:s9+$0x10F00] =	vst v1  }
0x498: {  	v1 =	vld [tilespmem:s20+$0x190];
	[tilespmem:s10+$0x10F00] =	vst v4  }
0x499: {  	v4 =	vld [tilespmem:s2+$0x190]  }
0x49a: {  	s11 =	sor.u32 $0x410, s5  }
0x49b: {  	s14 =	sor.u32 $0x410, s4;
	[tilespmem:s11+$0x10F00] =	vst v3  }
0x49c: {  	s15 =	sor.u32 $0x410, s3;
	v3 =	vld [tilespmem:s0+$0x1A0];
	[tilespmem:s14+$0x10F00] =	vst v2  }
0x49d: {  	s16 =	sor.u32 $0x410, s13;
	v2 =	vld [tilespmem:s1+$0x1A0];
	[tilespmem:s15+$0x10F00] =	vst v1  }
0x49e: {  	[tilespmem:s16+$0x10F00] =	vst v4;
	v1 =	vld [tilespmem:s20+$0x1A0]  }
0x49f: {  	v4 =	vld [tilespmem:s2+$0x1A0]  }
0x4a0: {  	s17 =	sor.u32 $0x420, s5  }
0x4a1: {  	s18 =	sor.u32 $0x420, s4;
	[tilespmem:s17+$0x10F00] =	vst v3  }
0x4a2: {  	s21 =	sor.u32 $0x420, s3;
	v3 =	vld [tilespmem:s0+$0x1B0];
	[tilespmem:s18+$0x10F00] =	vst v2  }
0x4a3: {  	s25 =	sor.u32 $0x420, s13;
	[tilespmem:s21+$0x10F00] =	vst v1;
	v1 =	vld [tilespmem:s1+$0x1B0]  }
0x4a4: {  	[tilespmem:s25+$0x10F00] =	vst v4;
	v2 =	vld [tilespmem:s20+$0x1B0]  }
0x4a5: {  	v4 =	vld [tilespmem:s2+$0x1B0]  }
0x4a6: {  	s26 =	sor.u32 $0x430, s5  }
0x4a7: {  	s6 =	sor.u32 $0x430, s4;
	[tilespmem:s26+$0x10F00] =	vst v3  }
0x4a8: {  	s9 =	sor.u32 $0x430, s3;
	v3 =	vld [tilespmem:s0+$0x1C0];
	[tilespmem:s6+$0x10F00] =	vst v1  }
0x4a9: {  	s10 =	sor.u32 $0x430, s13;
	[tilespmem:s9+$0x10F00] =	vst v2;
	v1 =	vld [tilespmem:s1+$0x1C0]  }
0x4aa: {  	[tilespmem:s10+$0x10F00] =	vst v4;
	v2 =	vld [tilespmem:s20+$0x1C0]  }
0x4ab: {  	v4 =	vld [tilespmem:s2+$0x1C0]  }
0x4ac: {  	[tilespmem:s23+$0x10F00] =	vst v0;
	s6 =	sor.u32 $0x440, s5  }
0x4ad: {  	v0 =	vld [tilespmem:s31+$0x1E0];
	s11 =	sor.u32 $0x440, s4;
	[tilespmem:s6+$0x10F00] =	vst v3  }
0x4ae: {  	s14 =	sor.u32 $0x440, s3;
	v3 =	vld [tilespmem:s0+$0x1D0];
	[tilespmem:s11+$0x10F00] =	vst v1  }
0x4af: {  	v5 =	vld [tilespmem:s24+$0x1E0];
	s15 =	sor.u32 $0x440, s13;
	[tilespmem:s14+$0x10F00] =	vst v2  }
0x4b0: {  	v1 =	vld [tilespmem:s1+$0x1D0];
	[tilespmem:s15+$0x10F00] =	vst v4  }
0x4b1: {  	v2 =	vld [tilespmem:s20+$0x1D0];
	s6 =	rddreg [dreg:$0x18]  }
0x4b2: {  	s16 =	sor.u32 $0x450, s5;
	[tilespmem:s6+$0x10F00] =	vst v0;
	v0 =	vld [tilespmem:s2+$0x1D0]  }
0x4b3: {  	v4 =	vld [tilespmem:s30+$0x1E0];
	s6 =	rddreg [dreg:$0xe];
	[tilespmem:s16+$0x10F00] =	vst v3  }
0x4b4: {  	s17 =	sor.u32 $0x450, s4;
	[tilespmem:s6+$0x10F00] =	vst v5;
	v5 =	vld [tilespmem:s31+$0x1F0]  }
0x4b5: {  	s18 =	sor.u32 $0x450, s3;
	v3 =	vld [tilespmem:s0+$0x1E0];
	[tilespmem:s17+$0x10F00] =	vst v1  }
0x4b6: {  	s21 =	sor.u32 $0x450, s13;
	[tilespmem:s18+$0x10F00] =	vst v2;
	v1 =	vld [tilespmem:s1+$0x1E0]  }
0x4b7: {  	[tilespmem:s21+$0x10F00] =	vst v0;
	v0 =	vld [tilespmem:s20+$0x1E0]  }
0x4b8: {  	[tilespmem:s19+$0x10F00] =	vst v4;
	v2 =	vld [tilespmem:s2+$0x1E0]  }
0x4b9: {  	s23 =	sor.u32 $0x460, s5;
	v4 =	vld [tilespmem:s24+$0x1F0];
	[tilespmem:s12+$0x10F00] =	vst v5  }
0x4ba: {  	s24 =	sor.u32 $0x460, s4;
	v5 =	vld [tilespmem:s30+$0x1F0];
	[tilespmem:s23+$0x10F00] =	vst v3  }
0x4bb: {  	s25 =	sor.u32 $0x460, s3;
	v3 =	vld [tilespmem:s0+$0x1F0];
	[tilespmem:s24+$0x10F00] =	vst v1  }
0x4bc: {  	s26 =	sor.u32 $0x460, s13;
	[tilespmem:s25+$0x10F00] =	vst v0;
	v0 =	vld [tilespmem:s1+$0x1F0]  }
0x4bd: {  	[tilespmem:s26+$0x10F00] =	vst v2;
	v1 =	vld [tilespmem:s20+$0x1F0]  }
0x4be: {  	[tilespmem:s29+$0x10F00] =	vst v4;
	v2 =	vld [tilespmem:s2+$0x1F0]  }
0x4bf: {  	[tilespmem:s22+$0x10F00] =	vst v5;
	s2 =	sor.u32 $0x470, s5  }
0x4c0: {  	s5 =	sor.u32 $0x470, s4;
	[tilespmem:s2+$0x10F00] =	vst v3  }
0x4c1: {  	s6 =	sor.u32 $0x470, s3;
	[tilespmem:s5+$0x10F00] =	vst v0  }
0x4c2: {  	s7 =	sor.u32 $0x470, s13;
	[tilespmem:s6+$0x10F00] =	vst v1  }
0x4c3: {  	[tilespmem:s7+$0x10F00] =	vst v2  }
0x4c4: {  	s1 =	sld [smem:$0x7F7];
	_ =	sdelay $0x1  }
0x4c5: {  	s8 =	simm.s32 $0x0;
	s9 =	simm.s32 $0x10F00;
	s10 =	simm.s32 $0x2  }
0x4c6: {  	[hbm4b:s1+s8] =	stream.linear.scatter [tilespmem:s9], [sflag:$0x2], $0x8000, $0x38;
	[tilespmem:$0x18F00] =	vst v63  }
0x4c7: {  	_ =	swait.ge [sflag:s10], $0x8000  }
0x4c8: {  	[sflag:s10] =	ssyncset.done $0x0  }
0x4c9: {  	s11 =	simm.s32 $0xC82;
	[sflag:s10] =	ssyncadd.s32 $0xFFFF8000  }
0x4ca: {  	v0 =	vld [tilespmem:s11+$0x1];
	_ =	sdelay $0x3  }
0x4cb: {  	v1 =	vld [tilespmem:s11+$0xFFFFFFFE]  }
0x4cc: {  	(v2sf) =	vpush v0, $0x0;
	_ =	sdelay $0x2  }
0x4cd: {  	v0 =	vld [tilespmem:s11+$0xFFFFFFFF]  }
0x4ce: {  	v2 =	vld [tilespmem:s11+$0x0];
	(v2sf) =	vpush v1, $0x0;
	_ =	sdelay $0x3  }
0x4cf: {  	(v2sf) =	vpush v0, $0x0  }
0x4d0: {  	(v2sf) =	vpush v2, $0x0;
	_ =	sdelay $0x5  }
0x4d1: {  	s12 =	spop (v2sf)  }
0x4d2: {  	s1 =	sshll.u32 s12, $0xA  }
0x4d3: {  	s4 =	sshra.s32 s1, $0x2  }
0x4d4: {  	v0 =	vld [tilespmem:s4+$0x300]  }
0x4d5: {  	s13 =	spop (v2sf)  }
0x4d6: {  	s14 =	sand.u32 $0x7800, s8;
	s15 =	simm.s32 $0x0;
	s1 =	sshll.u32 s13, $0xA  }
0x4d7: {  	s3 =	sand.u32 $0x200, s15;
	s2 =	sadd.s32 $0x8F00, s14;
	s28 =	sshra.s32 s1, $0x2  }
0x4d8: {  	s17 =	sadd.s32 s3, s2;
	v1 =	vld [tilespmem:s28+$0x300]  }
0x4d9: {  	s16 =	spop (v2sf);
	[tilespmem:s17+$0x180] =	vst v0  }
0x4da: {  	s18 =	sshll.u32 s16, $0xA;
	s19 =	spop (v2sf);
	v0 =	vld [tilespmem:s4+$0x310]  }
0x4db: {  	s5 =	sshll.u32 s19, $0xA;
	s31 =	sshra.s32 s18, $0x2  }
0x4dc: {  	s30 =	sshra.s32 s5, $0x2;
	v2 =	vld [tilespmem:s31+$0x300]  }
0x4dd: {  	v3 =	vld [tilespmem:s30+$0x300];
	[tilespmem:s17+$0x0] =	vst v1  }
0x4de: {  	s20 =	simm.s32 $0x80;
	v1 =	vld [tilespmem:s28+$0x310]  }
0x4df: {  	s21 =	simm.s32 $0x100;
	s3 =	sand.u32 $0x280, s20;
	[tilespmem:s17+$0x190] =	vst v0  }
0x4e0: {  	s3 =	sadd.s32 s3, s2;
	s5 =	sand.u32 $0x300, s21;
	v0 =	vld [tilespmem:s4+$0x320]  }
0x4e1: {  	s2 =	sadd.s32 s5, s2;
	[tilespmem:s3+$0x0] =	vst v2  }
0x4e2: {  	v2 =	vld [tilespmem:s31+$0x310];
	[tilespmem:s2+$0x0] =	vst v3  }
0x4e3: {  	v3 =	vld [tilespmem:s30+$0x310];
	[tilespmem:s17+$0x10] =	vst v1  }
0x4e4: {  	v1 =	vld [tilespmem:s28+$0x320]  }
0x4e5: {  	[tilespmem:s17+$0x1A0] =	vst v0  }
0x4e6: {  	v0 =	vld [tilespmem:s4+$0x330]  }
0x4e7: {  	[tilespmem:s3+$0x10] =	vst v2  }
0x4e8: {  	v2 =	vld [tilespmem:s31+$0x320];
	[tilespmem:s2+$0x10] =	vst v3  }
0x4e9: {  	v3 =	vld [tilespmem:s30+$0x320];
	[tilespmem:s17+$0x20] =	vst v1  }
0x4ea: {  	v1 =	vld [tilespmem:s28+$0x330]  }
0x4eb: {  	[tilespmem:s17+$0x1B0] =	vst v0  }
0x4ec: {  	v0 =	vld [tilespmem:s4+$0x340]  }
0x4ed: {  	[tilespmem:s3+$0x20] =	vst v2  }
0x4ee: {  	v2 =	vld [tilespmem:s31+$0x330];
	[tilespmem:s2+$0x20] =	vst v3  }
0x4ef: {  	v3 =	vld [tilespmem:s30+$0x330];
	[tilespmem:s17+$0x30] =	vst v1  }
0x4f0: {  	v1 =	vld [tilespmem:s28+$0x340]  }
0x4f1: {  	[tilespmem:s17+$0x1C0] =	vst v0  }
0x4f2: {  	v0 =	vld [tilespmem:s4+$0x350]  }
0x4f3: {  	[tilespmem:s3+$0x30] =	vst v2  }
0x4f4: {  	v2 =	vld [tilespmem:s31+$0x340];
	[tilespmem:s2+$0x30] =	vst v3  }
0x4f5: {  	v3 =	vld [tilespmem:s30+$0x340];
	[tilespmem:s17+$0x40] =	vst v1  }
0x4f6: {  	v1 =	vld [tilespmem:s28+$0x350]  }
0x4f7: {  	[tilespmem:s17+$0x1D0] =	vst v0  }
0x4f8: {  	v0 =	vld [tilespmem:s4+$0x360]  }
0x4f9: {  	[tilespmem:s3+$0x40] =	vst v2  }
0x4fa: {  	v2 =	vld [tilespmem:s31+$0x350];
	[tilespmem:s2+$0x40] =	vst v3  }
0x4fb: {  	v3 =	vld [tilespmem:s30+$0x350];
	[tilespmem:s17+$0x50] =	vst v1  }
0x4fc: {  	s22 =	simm.s32 $0xC86;
	v1 =	vld [tilespmem:s28+$0x360]  }
0x4fd: {  	v4 =	vld [tilespmem:s22+$0x1];
	[tilespmem:s17+$0x1E0] =	vst v0  }
0x4fe: {  	v0 =	vld [tilespmem:s4+$0x370]  }
0x4ff: {  	v6 =	vld [tilespmem:s22+$0xFFFFFFFF];
	[tilespmem:s3+$0x50] =	vst v2  }
0x500: {  	v2 =	vld [tilespmem:s31+$0x360];
	[tilespmem:s2+$0x50] =	vst v3  }
0x501: {  	[tilespmem:s17+$0x60] =	vst v1;
	v1 =	vld [tilespmem:s22+$0xFFFFFFFE]  }
0x502: {  	v3 =	vld [tilespmem:s30+$0x360]  }
0x503: {  	p0 =	por $0x0, $0x0;
	s5 =	simm.s32 $0x1;
	v5 =	vld [tilespmem:s28+$0x370];
	[tilespmem:s17+$0x1F0] =	vst v0  }
0x504: {  	s5 =	simm.s32 @!p0 $0x0;
	v0 =	vld [tilespmem:s4+$0x380]  }
0x505: {  	(v2sf) =	vpush v4, $0x0;
	s5 =	sshll.u32 s5, $0x9  }
0x506: {  	s5 =	sadd.s32 $0x0, s5;
	[tilespmem:s3+$0x60] =	vst v2;
	v2 =	vld [tilespmem:s22+$0x0];
	(v2sf) =	vpush v1, $0x0  }
0x507: {  	s6 =	sadd.s32 $0x180, s5;
	[tilespmem:s2+$0x60] =	vst v3;
	v1 =	vld [tilespmem:s31+$0x370]  }
0x508: {  	s23 =	sor.u32 $0x400, s6;
	v3 =	vld [tilespmem:s30+$0x370];
	[tilespmem:s17+$0x70] =	vst v5  }
0x509: {  	(v2sf) =	vpush v6, $0x0;
	v4 =	vld [tilespmem:s28+$0x380];
	[tilespmem:s23+$0x8F00] =	vst v0  }
0x50a: {  	v0 =	vld [tilespmem:s4+$0x390];
	_ =	sdelay $0x1  }
0x50b: {  	(v2sf) =	vpush v2, $0x0;
	[tilespmem:s3+$0x70] =	vst v1  }
0x50c: {  	s24 =	sand.u32 $0x7, s8;
	s26 =	sor.u32 $0x400, s5;
	v1 =	vld [tilespmem:s31+$0x380];
	[tilespmem:s2+$0x70] =	vst v3  }
0x50d: {  	s0 =	sand.u32 $0x3, s8;
	s1 =	sshll.u32 s24, $0x7;
	s25 =	sor.u32 $0x410, s6;
	v2 =	vld [tilespmem:s30+$0x380];
	[tilespmem:s26+$0x8F00] =	vst v4  }
0x50e: {  	s0 =	sshll.u32 s0, $0x8;
	s1 =	sadd.s32 $0x0, s1;
	v3 =	vld [tilespmem:s28+$0x390];
	[tilespmem:s25+$0x8F00] =	vst v0  }
0x50f: {  	s0 =	sadd.s32 $0x0, s0;
	s9 =	sadd.s32 $0x80, s1;
	v0 =	vld [tilespmem:s4+$0x3A0]  }
0x510: {  	s8 =	sadd.s32 $0x100, s0;
	s1 =	sor.u32 $0x400, s9  }
0x511: {  	s2 =	sor.u32 $0x400, s8;
	[tilespmem:s1+$0x8F00] =	vst v1  }
0x512: {  	s7 =	sor.u32 $0x410, s5;
	v1 =	vld [tilespmem:s31+$0x390];
	[tilespmem:s2+$0x8F00] =	vst v2  }
0x513: {  	s10 =	spop (v2sf);
	s3 =	sor.u32 $0x420, s6;
	v2 =	vld [tilespmem:s30+$0x390];
	[tilespmem:s7+$0x8F00] =	vst v3  }
0x514: {  	s11 =	sshll.u32 s10, $0xA;
	v3 =	vld [tilespmem:s28+$0x3A0];
	s12 =	spop (v2sf);
	[tilespmem:s3+$0x8F00] =	vst v0  }
0x515: {  	s14 =	sor.u32 $0x410, s8;
	s0 =	sshra.s32 s11, $0x2;
	s1 =	sshll.u32 s12, $0xA;
	v0 =	vld [tilespmem:s4+$0x3B0]  }
0x516: {  	s13 =	sor.u32 $0x410, s9;
	s18 =	simm.s32 $0x200;
	v4 =	vld [tilespmem:s0+$0x300];
	s20 =	sshra.s32 s1, $0x2  }
0x517: {  	s21 =	simm.s32 $0x400;
	s15 =	sor.u32 $0x420, s5;
	s16 =	spop (v2sf);
	[tilespmem:s13+$0x8F00] =	vst v1;
	v1 =	vld [tilespmem:s20+$0x300]  }
0x518: {  	s10 =	sor.u32 $0x430, s6;
	s17 =	sand.u32 $0x7800, s21;
	s7 =	sshll.u32 s16, $0xA;
	[tilespmem:s14+$0x8F00] =	vst v2;
	v2 =	vld [tilespmem:s31+$0x3A0]  }
0x519: {  	s11 =	sadd.s32 $0x8F00, s17;
	s3 =	sand.u32 $0x200, s18;
	s2 =	sshra.s32 s7, $0x2;
	v5 =	vld [tilespmem:s30+$0x3A0];
	[tilespmem:s15+$0x8F00] =	vst v3  }
0x51a: {  	s19 =	spop (v2sf);
	s3 =	sadd.s32 s3, s11;
	v3 =	vld [tilespmem:s2+$0x300];
	[tilespmem:s10+$0x8F00] =	vst v0  }
0x51b: {  	s22 =	sshll.u32 s19, $0xA;
	[tilespmem:s3+$0x180] =	vst v4;
	v0 =	vld [tilespmem:s4+$0x3C0]  }
0x51c: {  	s23 =	sor.u32 $0x420, s9;
	s25 =	simm.s32 $0x280;
	s1 =	sshra.s32 s22, $0x2;
	[tilespmem:s3+$0x0] =	vst v1;
	v1 =	vld [tilespmem:s0+$0x310]  }
0x51d: {  	s24 =	sor.u32 $0x420, s8;
	s12 =	sand.u32 $0x280, s25;
	v4 =	vld [tilespmem:s1+$0x300];
	[tilespmem:s23+$0x8F00] =	vst v2  }
0x51e: {  	s22 =	sadd.s32 s12, s11;
	[tilespmem:s24+$0x8F00] =	vst v5;
	v5 =	vld [tilespmem:s28+$0x3B0]  }
0x51f: {  	s26 =	sor.u32 $0x440, s6;
	s7 =	simm.s32 $0x300;
	v2 =	vld [tilespmem:s20+$0x310];
	[tilespmem:s22+$0x0] =	vst v3  }
0x520: {  	s13 =	sand.u32 $0x300, s7;
	v3 =	vld [tilespmem:s2+$0x310];
	[tilespmem:s26+$0x8F00] =	vst v0  }
0x521: {  	s19 =	sadd.s32 s13, s11;
	[tilespmem:s3+$0x190] =	vst v1;
	v0 =	vld [tilespmem:s4+$0x3D0]  }
0x522: {  	s14 =	sor.u32 $0x430, s5;
	[tilespmem:s19+$0x0] =	vst v4;
	v1 =	vld [tilespmem:s0+$0x320]  }
0x523: {  	[tilespmem:s14+$0x8F00] =	vst v5;
	v5 =	vld [tilespmem:s31+$0x3B0]  }
0x524: {  	[tilespmem:s3+$0x10] =	vst v2;
	v2 =	vld [tilespmem:s1+$0x310]  }
0x525: {  	s15 =	sor.u32 $0x450, s6;
	v4 =	vld [tilespmem:s20+$0x320];
	[tilespmem:s22+$0x10] =	vst v3  }
0x526: {  	v3 =	vld [tilespmem:s2+$0x320];
	[tilespmem:s15+$0x8F00] =	vst v0  }
0x527: {  	s16 =	sor.u32 $0x430, s9;
	[tilespmem:s3+$0x1A0] =	vst v1;
	v0 =	vld [tilespmem:s4+$0x3E0]  }
0x528: {  	[tilespmem:s16+$0x8F00] =	vst v5;
	v5 =	vld [tilespmem:s30+$0x3B0]  }
0x529: {  	[tilespmem:s19+$0x10] =	vst v2;
	v1 =	vld [tilespmem:s0+$0x330]  }
0x52a: {  	[tilespmem:s3+$0x20] =	vst v4;
	v2 =	vld [tilespmem:s1+$0x320]  }
0x52b: {  	s17 =	sor.u32 $0x460, s6;
	v4 =	vld [tilespmem:s20+$0x330];
	[tilespmem:s22+$0x20] =	vst v3  }
0x52c: {  	s18 =	sor.u32 $0x430, s8;
	v3 =	vld [tilespmem:s2+$0x330];
	[tilespmem:s17+$0x8F00] =	vst v0  }
0x52d: {  	[tilespmem:s18+$0x8F00] =	vst v5;
	v0 =	vld [tilespmem:s4+$0x3F0]  }
0x52e: {  	v5 =	vld [tilespmem:s28+$0x3C0];
	[tilespmem:s3+$0x1B0] =	vst v1  }
0x52f: {  	[tilespmem:s19+$0x20] =	vst v2;
	v1 =	vld [tilespmem:s0+$0x340]  }
0x530: {  	[tilespmem:s3+$0x30] =	vst v4;
	v2 =	vld [tilespmem:s1+$0x330]  }
0x531: {  	s23 =	sor.u32 $0x470, s6;
	v4 =	vld [tilespmem:s20+$0x340];
	[tilespmem:s22+$0x30] =	vst v3  }
0x532: {  	s24 =	sor.u32 $0x440, s5;
	[tilespmem:s23+$0x8F00] =	vst v0;
	v0 =	vld [tilespmem:s31+$0x3C0]  }
0x533: {  	[tilespmem:s24+$0x8F00] =	vst v5  }
0x534: {  	v3 =	vld [tilespmem:s2+$0x340];
	[tilespmem:s3+$0x1C0] =	vst v1  }
0x535: {  	[tilespmem:s19+$0x30] =	vst v2;
	v1 =	vld [tilespmem:s0+$0x350]  }
0x536: {  	s25 =	sor.u32 $0x440, s9;
	[tilespmem:s3+$0x40] =	vst v4;
	v2 =	vld [tilespmem:s1+$0x340]  }
0x537: {  	s11 =	sor.u32 $0x470, s9;
	v4 =	vld [tilespmem:s20+$0x350];
	[tilespmem:s25+$0x8F00] =	vst v0  }
0x538: {  	v0 =	vld [tilespmem:s30+$0x3C0];
	[dreg:$0x12] =	wrdreg s11  }
0x539: {  	s12 =	sor.u32 $0x470, s8;
	[tilespmem:s22+$0x40] =	vst v3  }
0x53a: {  	s24 =	simm.s32 $0x4;
	v3 =	vld [tilespmem:s28+$0x3D0];
	[dreg:$0xb] =	wrdreg s12  }
0x53b: {  	s16 =	sand.u32 $0x7, s24;
	[tilespmem:s3+$0x1D0] =	vst v1  }
0x53c: {  	s18 =	sor.u32 $0x450, s5;
	s6 =	sshll.u32 s16, $0x7;
	v5 =	vld [tilespmem:s2+$0x350];
	[tilespmem:s19+$0x40] =	vst v2  }
0x53d: {  	s6 =	sadd.s32 $0x400, s6;
	s25 =	sor.u32 $0x460, s5;
	s5 =	sor.u32 $0x470, s5;
	[tilespmem:s3+$0x50] =	vst v4;
	v2 =	vld [tilespmem:s0+$0x360]  }
0x53e: {  	s10 =	sor.u32 $0x440, s8;
	s6 =	sadd.s32 $0x80, s6;
	v4 =	vld [tilespmem:s1+$0x350];
	[smem:$0x7C4] =	sst s5  }
0x53f: {  	s11 =	sor.u32 $0x400, s6;
	[tilespmem:s10+$0x8F00] =	vst v0  }
0x540: {  	s23 =	simm.s32 $0x2;
	v6 =	vld [tilespmem:s20+$0x360];
	[smem:$0x7C5] =	sst s11  }
0x541: {  	s13 =	sand.u32 $0x3, s23;
	s12 =	sor.u32 $0x410, s6;
	[tilespmem:s18+$0x8F00] =	vst v3  }
0x542: {  	s4 =	sshll.u32 s13, $0x8;
	s13 =	sor.u32 $0x420, s6;
	[smem:$0x7C6] =	sst s12  }
0x543: {  	v3 =	vld [tilespmem:s31+$0x3D0];
	[dreg:$0x1c] =	wrdreg s13  }
0x544: {  	s16 =	sor.u32 $0x430, s6;
	[tilespmem:s22+$0x50] =	vst v5  }
0x545: {  	s18 =	sor.u32 $0x460, s6;
	v0 =	vld [tilespmem:s30+$0x3D0];
	[dreg:$0xc] =	wrdreg s16  }
0x546: {  	s4 =	sadd.s32 $0x400, s4;
	[smem:$0x7C7] =	sst s18  }
0x547: {  	s14 =	sor.u32 $0x450, s9;
	s15 =	sor.u32 $0x460, s9;
	s9 =	sadd.s32 $0x100, s4;
	[tilespmem:s3+$0x1E0] =	vst v2  }
0x548: {  	s26 =	sor.u32 $0x460, s8;
	s17 =	sor.u32 $0x450, s8;
	s8 =	sor.u32 $0x410, s9;
	v1 =	vld [tilespmem:s2+$0x360];
	[tilespmem:s19+$0x50] =	vst v4  }
0x549: {  	s10 =	sor.u32 $0x420, s9;
	v2 =	vld [tilespmem:s0+$0x370];
	[smem:$0x7C8] =	sst s8  }
0x54a: {  	s13 =	sor.u32 $0x430, s9;
	[dreg:$0x1e] =	wrdreg s10  }
0x54b: {  	s29 =	sor.u32 $0x440, s9;
	s5 =	sor.u32 $0x450, s6;
	[dreg:$0x16] =	wrdreg s13  }
0x54c: {  	s11 =	sor.u32 $0x440, s6;
	s12 =	sor.u32 $0x400, s9;
	s18 =	sor.u32 $0x460, s9;
	[tilespmem:s3+$0x60] =	vst v6  }
0x54d: {  	s16 =	sor.u32 $0x470, s6;
	s13 =	sor.u32 $0x450, s9;
	v4 =	vld [tilespmem:s1+$0x360];
	[dreg:$0x6] =	wrdreg s18  }
0x54e: {  	s10 =	sor.u32 $0x470, s9;
	s8 =	simm.s32 $0x4;
	s9 =	simm.s32 $0xC8A;
	[tilespmem:s14+$0x8F00] =	vst v3;
	v3 =	vld [tilespmem:s20+$0x370]  }
.LBB2_12:
0x54f: {  	_ =	sdelay $0x1  }
0x550: {  	v5 =	vld [tilespmem:s9+$0x1];
	[tilespmem:s17+$0x8F00] =	vst v0  }
0x551: {  	v0 =	vld [tilespmem:s9+$0xFFFFFFFE];
	[tilespmem:s22+$0x60] =	vst v1  }
0x552: {  	p0 =	por !p0, !p0;
	s6 =	simm.s32 $0x1;
	[tilespmem:s3+$0x1F0] =	vst v2;
	v1 =	vld [tilespmem:s9+$0xFFFFFFFF]  }
0x553: {  	s6 =	simm.s32 @!p0 $0x0;
	[tilespmem:s19+$0x60] =	vst v4;
	v2 =	vld [tilespmem:s0+$0x380]  }
0x554: {  	[smem:$0x7BB] =	sst s16;
	s6 =	sshll.u32 s6, $0x9;
	v4 =	vld [tilespmem:s9+$0x0]  }
0x555: {  	[smem:$0x7C1] =	sst s29;
	s6 =	sadd.s32 s6, s21;
	[tilespmem:s3+$0x70] =	vst v3;
	(v2sf) =	vpush v5, $0x0;
	v3 =	vld [tilespmem:s2+$0x370]  }
0x556: {  	[smem:$0x7BF] =	sst s11;
	s14 =	sadd.s32 $0x180, s6  }
0x557: {  	[smem:$0x7C3] =	sst s5;
	s5 =	sor.u32 $0x400, s14;
	(v2sf) =	vpush v0, $0x0;
	v0 =	vld [tilespmem:s1+$0x370]  }
0x558: {  	s4 =	smov.u32 s13;
	s13 =	sor.u32 $0x400, s6;
	s18 =	sor.u32 $0x430, s6;
	(v2sf) =	vpush v1, $0x0;
	v1 =	vld [tilespmem:s20+$0x380];
	[tilespmem:s5+$0x8F00] =	vst v2  }
0x559: {  	s17 =	sor.u32 $0x410, s6;
	[smem:$0x7BA] =	sst s18;
	s18 =	sor.u32 $0x450, s6;
	(v2sf) =	vpush v4, $0x0;
	v4 =	vld [tilespmem:s0+$0x390]  }
0x55a: {  	s3 =	sor.u32 $0x420, s6;
	s11 =	sor.u32 $0x440, s6;
	[smem:$0x7C2] =	sst s18;
	v2 =	vld [tilespmem:s28+$0x3E0];
	[tilespmem:s22+$0x70] =	vst v3  }
0x55b: {  	s16 =	sor.u32 $0x470, s6;
	s18 =	sor.u32 $0x460, s6;
	s6 =	sld [smem:$0x7C7];
	v3 =	vld [tilespmem:s31+$0x3E0]  }
0x55c: {  	[smem:$0x7BD] =	sst s4;
	v5 =	vld [tilespmem:s2+$0x380];
	[tilespmem:s19+$0x70] =	vst v0  }
0x55d: {  	[smem:$0x7BE] =	sst s11;
	s22 =	sor.u32 $0x410, s14;
	v0 =	vld [tilespmem:s1+$0x380];
	[tilespmem:s13+$0x8F00] =	vst v1  }
0x55e: {  	s11 =	smov.u32 s6;
	s13 =	sld [smem:$0x7C5];
	v1 =	vld [tilespmem:s20+$0x390];
	[tilespmem:s22+$0x8F00] =	vst v4  }
0x55f: {  	s24 =	sadd.s32 $0x4, s24;
	s5 =	smov.u32 s18;
	[smem:$0x7BC] =	sst s11;
	[tilespmem:s25+$0x8F00] =	vst v2;
	v4 =	vld [tilespmem:s0+$0x3A0]  }
0x560: {  	s23 =	sadd.s32 $0x2, s23;
	s18 =	sand.u32 $0x7, s24;
	[smem:$0x7C0] =	sst s5;
	v2 =	vld [tilespmem:s30+$0x3E0];
	[tilespmem:s15+$0x8F00] =	vst v3  }
0x561: {  	s29 =	smov.u32 s10;
	s5 =	sshll.u32 s18, $0x7;
	s18 =	sld [smem:$0x7C8];
	v3 =	vld [tilespmem:s28+$0x3F0];
	[tilespmem:s13+$0x8F00] =	vst v5  }
0x562: {  	s7 =	sadd.s32 $0x200, s7;
	s21 =	sadd.s32 $0x400, s21;
	s25 =	sld [smem:$0x7C4];
	v5 =	vld [tilespmem:s2+$0x390];
	[tilespmem:s12+$0x8F00] =	vst v0  }
0x563: {  	s15 =	sor.u32 $0x420, s14;
	s28 =	smov.u32 s20;
	s13 =	rddreg [dreg:$0x1e];
	v0 =	vld [tilespmem:s1+$0x390];
	[tilespmem:s17+$0x8F00] =	vst v1  }
0x564: {  	s5 =	sadd.s32 s21, s5;
	s19 =	spop (v2sf);
	v1 =	vld [tilespmem:s28+$0x3A0];
	[tilespmem:s15+$0x8F00] =	vst v4;
	s15 =	sld [smem:$0x7C6]  }
0x565: {  	[tilespmem:s26+$0x8F00] =	vst v2;
	s17 =	sand.u32 $0x3, s23;
	v2 =	vld [tilespmem:s31+$0x3F0];
	s20 =	sshll.u32 s19, $0xA;
	s31 =	sadd.s32 $0x80, s5  }
0x566: {  	s4 =	sshll.u32 s17, $0x8;
	[tilespmem:s25+$0x8F00] =	vst v3;
	s25 =	sadd.s32 $0xFFFFFF00, s7;
	s22 =	spop (v2sf);
	v4 =	vld [tilespmem:s0+$0x3B0]  }
0x567: {  	s17 =	sshra.s32 s20, $0x2;
	v3 =	vld [tilespmem:s30+$0x3F0];
	s11 =	sand.u32 $0x200, s25;
	s12 =	sshll.u32 s22, $0xA;
	[tilespmem:s15+$0x8F00] =	vst v5  }
0x568: {  	s4 =	sadd.s32 s21, s4;
	s25 =	sand.u32 $0x300, s7;
	s20 =	sshra.s32 s12, $0x2;
	v5 =	vld [tilespmem:s17+$0x300];
	[tilespmem:s18+$0x8F00] =	vst v0  }
0x569: {  	s22 =	sand.u32 $0x7800, s21;
	s26 =	spop (v2sf);
	s15 =	rddreg [dreg:$0x12];
	v0 =	vld [tilespmem:s20+$0x300];
	[tilespmem:s3+$0x8F00] =	vst v1  }
0x56a: {  	s6 =	sshll.u32 s26, $0xA;
	s19 =	spop (v2sf);
	s26 =	sor.u32 $0x430, s14;
	v1 =	vld [tilespmem:s2+$0x3A0];
	[tilespmem:s15+$0x8F00] =	vst v2  }
0x56b: {  	s18 =	sadd.s32 $0x8F00, s22;
	s10 =	sshll.u32 s19, $0xA;
	v2 =	vld [tilespmem:s1+$0x3A0];
	s19 =	rddreg [dreg:$0xb];
	[tilespmem:s26+$0x8F00] =	vst v4  }
0x56c: {  	s22 =	sadd.s32 $0xFFFFFF80, s7;
	s3 =	sadd.s32 s11, s18;
	s30 =	sshra.s32 s6, $0x2;
	[tilespmem:s19+$0x8F00] =	vst v3;
	v4 =	vld [tilespmem:s0+$0x3C0]  }
0x56d: {  	s6 =	sand.u32 $0x280, s22;
	s11 =	rddreg [dreg:$0x1c];
	s26 =	sshra.s32 s10, $0x2;
	v3 =	vld [tilespmem:s30+$0x300];
	[tilespmem:s3+$0x180] =	vst v5  }
0x56e: {  	s19 =	sadd.s32 s25, s18;
	s22 =	sadd.s32 s6, s18;
	s18 =	sor.u32 $0x410, s31;
	v5 =	vld [tilespmem:s26+$0x300];
	[tilespmem:s3+$0x0] =	vst v0  }
0x56f: {  	s4 =	sadd.s32 $0x100, s4;
	s25 =	sor.u32 $0x420, s31;
	[smem:$0x7C6] =	sst s18;
	v0 =	vld [tilespmem:s17+$0x310];
	[tilespmem:s11+$0x8F00] =	vst v1  }
0x570: {  	s15 =	sor.u32 $0x440, s14;
	s10 =	sor.u32 $0x410, s4;
	[dreg:$0x1c] =	wrdreg s25;
	v1 =	vld [tilespmem:s20+$0x310];
	[tilespmem:s13+$0x8F00] =	vst v2  }
0x571: {  	s12 =	sor.u32 $0x400, s31;
	[smem:$0x7C8] =	sst s10;
	s25 =	sor.u32 $0x440, s31;
	v2 =	vld [tilespmem:s28+$0x3B0];
	[tilespmem:s15+$0x8F00] =	vst v4  }
0x572: {  	s18 =	sor.u32 $0x450, s31;
	s10 =	sor.u32 $0x470, s31;
	s13 =	sor.u32 $0x460, s31;
	[tilespmem:s22+$0x0] =	vst v3;
	v3 =	vld [tilespmem:s0+$0x3D0]  }
0x573: {  	s15 =	sor.u32 $0x430, s31;
	s31 =	smov.u32 s16;
	s16 =	sld [smem:$0x7BA];
	[tilespmem:s19+$0x0] =	vst v5  }
0x574: {  	[tilespmem:s3+$0x190] =	vst v0  }
0x575: {  	s5 =	sor.u32 $0x460, s4;
	v4 =	vld [tilespmem:s30+$0x310];
	[tilespmem:s3+$0x10] =	vst v1  }
0x576: {  	[smem:$0x7C4] =	sst s31;
	s31 =	smov.u32 s2;
	v5 =	vld [tilespmem:s20+$0x320];
	[tilespmem:s16+$0x8F00] =	vst v2;
	s16 =	sor.u32 $0x450, s14  }
0x577: {  	s2 =	smov.u32 s30;
	s30 =	smov.u32 s1;
	v0 =	vld [tilespmem:s17+$0x320];
	[tilespmem:s16+$0x8F00] =	vst v3;
	s16 =	rddreg [dreg:$0x6]  }
0x578: {  	s1 =	smov.u32 s26;
	v1 =	vld [tilespmem:s26+$0x310];
	s26 =	smov.u32 s16;
	s16 =	smov.u32 s5  }
0x579: {  	[dreg:$0x6] =	wrdreg s16  }
0x57a: {  	s16 =	sld [smem:$0x7BB]  }
0x57b: {  	[smem:$0x7C5] =	sst s12;
	s11 =	sor.u32 $0x420, s4;
	v2 =	vld [tilespmem:s31+$0x3B0]  }
0x57c: {  	s12 =	sor.u32 $0x400, s4;
	s6 =	sor.u32 $0x440, s4;
	[dreg:$0x1e] =	wrdreg s11;
	[tilespmem:s22+$0x10] =	vst v4;
	v3 =	vld [tilespmem:s0+$0x3E0]  }
0x57d: {  	s11 =	sor.u32 $0x430, s4;
	[smem:$0x7C7] =	sst s13;
	v4 =	vld [tilespmem:s2+$0x320];
	[tilespmem:s3+$0x1A0] =	vst v0;
	s5 =	smov.u32 s16  }
0x57e: {  	s13 =	sor.u32 $0x450, s4;
	s4 =	sor.u32 $0x470, s4;
	[tilespmem:s19+$0x10] =	vst v1;
	v0 =	vld [tilespmem:s17+$0x330];
	[dreg:$0x12] =	wrdreg s5  }
0x57f: {  	[tilespmem:s3+$0x20] =	vst v5;
	v1 =	vld [tilespmem:s1+$0x320];
	s16 =	smov.u32 s10;
	s10 =	smov.u32 s29;
	s5 =	rddreg [dreg:$0xc]  }
0x580: {  	v5 =	vld [tilespmem:s20+$0x330];
	[dreg:$0xb] =	wrdreg s10;
	s10 =	smov.u32 s4;
	s4 =	sor.u32 $0x460, s14;
	[tilespmem:s5+$0x8F00] =	vst v2  }
0x581: {  	v2 =	vld [tilespmem:s30+$0x3B0];
	[tilespmem:s4+$0x8F00] =	vst v3  }
0x582: {  	[tilespmem:s22+$0x20] =	vst v4;
	v3 =	vld [tilespmem:s0+$0x3F0]  }
0x583: {  	s5 =	smov.u32 s15;
	s0 =	smov.u32 s17;
	[tilespmem:s3+$0x1B0] =	vst v0;
	v4 =	vld [tilespmem:s2+$0x330]  }
0x584: {  	[dreg:$0xc] =	wrdreg s5;
	[tilespmem:s19+$0x20] =	vst v1;
	v0 =	vld [tilespmem:s0+$0x340]  }
0x585: {  	s5 =	rddreg [dreg:$0x16];
	[tilespmem:s3+$0x30] =	vst v5;
	v1 =	vld [tilespmem:s1+$0x330]  }
0x586: {  	s4 =	sor.u32 $0x470, s14;
	[tilespmem:s5+$0x8F00] =	vst v2  }
0x587: {  	v5 =	vld [tilespmem:s20+$0x340];
	[tilespmem:s4+$0x8F00] =	vst v3  }
0x588: {  	v2 =	vld [tilespmem:s28+$0x3C0];
	[tilespmem:s22+$0x30] =	vst v4  }
0x589: {  	s14 =	smov.u32 s11;
	s11 =	sld [smem:$0x7BE];
	[tilespmem:s3+$0x1C0] =	vst v0;
	v3 =	vld [tilespmem:s31+$0x3C0]  }
0x58a: {  	[dreg:$0x16] =	wrdreg s14;
	[tilespmem:s19+$0x30] =	vst v1;
	v0 =	vld [tilespmem:s0+$0x350]  }
0x58b: {  	s14 =	sld [smem:$0x7BF];
	v1 =	vld [tilespmem:s1+$0x340]  }
0x58c: {  	v4 =	vld [tilespmem:s2+$0x340];
	[tilespmem:s3+$0x40] =	vst v5  }
0x58d: {  	v5 =	vld [tilespmem:s20+$0x350];
	[tilespmem:s11+$0x8F00] =	vst v2  }
0x58e: {  	[tilespmem:s14+$0x8F00] =	vst v3  }
0x58f: {  	v2 =	vld [tilespmem:s30+$0x3C0];
	[tilespmem:s3+$0x1D0] =	vst v0  }
0x590: {  	v3 =	vld [tilespmem:s28+$0x3D0];
	[tilespmem:s19+$0x40] =	vst v1  }
0x591: {  	s5 =	sld [smem:$0x7C1];
	[tilespmem:s22+$0x40] =	vst v4;
	v6 =	vld [tilespmem:s0+$0x360]  }
0x592: {  	s29 =	smov.u32 s6;
	s6 =	sld [smem:$0x7C2];
	[tilespmem:s3+$0x50] =	vst v5;
	v5 =	vld [tilespmem:s1+$0x350]  }
0x593: {  	v4 =	vld [tilespmem:s2+$0x350]  }
0x594: {  	s8 =	sadd.s32 $0x4, s8;
	v7 =	vld [tilespmem:s20+$0x360];
	[tilespmem:s5+$0x8F00] =	vst v2  }
0x595: {  	p1 =	slt.u32 s8, $0x7C;
	v8 =	vld [tilespmem:s31+$0x3D0];
	[tilespmem:s6+$0x8F00] =	vst v3  }
.Ltmp5:
0x596: {  	v0 =	vld [tilespmem:s30+$0x3D0];
	[tilespmem:s3+$0x1E0] =	vst v6;
	(pc) =	sbr.rel @p1 .LBB2_12-.Ltmp5, $4  }
0x597: {  	s14 =	sld [smem:$0x7C3];
	[tilespmem:s19+$0x50] =	vst v5;
	v2 =	vld [tilespmem:s0+$0x370]  }
0x598: {  	s15 =	sld [smem:$0x7BC];
	[tilespmem:s22+$0x50] =	vst v4;
	v4 =	vld [tilespmem:s1+$0x360]  }
0x599: {  	s9 =	sadd.s32 $0x4, s9;
	s17 =	sld [smem:$0x7BD];
	[tilespmem:s3+$0x60] =	vst v7;
	v1 =	vld [tilespmem:s2+$0x360]  }
0x59a: {  	s11 =	smov.u32 s25;
	s25 =	sld [smem:$0x7C0];
	s5 =	smov.u32 s18;
	v3 =	vld [tilespmem:s20+$0x370];
	[tilespmem:s14+$0x8F00] =	vst v8  }
0x59b: {  	_ =	sdelay $0x2  }
0x59c: {  	[tilespmem:s22+$0x60] =	vst v1  }
0x59d: {  	v1 =	vld [tilespmem:s2+$0x370]  }
0x59e: {  	[tilespmem:s19+$0x60] =	vst v4  }
0x59f: {  	v4 =	vld [tilespmem:s1+$0x370]  }
0x5a0: {  	p0 =	por !p0, !p0;
	s4 =	simm.s32 $0x1;
	[tilespmem:s3+$0x1F0] =	vst v2  }
0x5a1: {  	s4 =	simm.s32 @!p0 $0x0;
	v2 =	vld [tilespmem:s0+$0x380];
	[tilespmem:s3+$0x70] =	vst v3  }
0x5a2: {  	s7 =	sshll.u32 s4, $0x9;
	[tilespmem:s22+$0x70] =	vst v1;
	v1 =	vld [tilespmem:s20+$0x380]  }
0x5a3: {  	s3 =	sadd.s32 s7, s21  }
0x5a4: {  	s6 =	sadd.s32 $0x180, s3;
	[tilespmem:s19+$0x70] =	vst v4  }
0x5a5: {  	s8 =	sor.u32 $0x400, s6;
	v4 =	vld [tilespmem:s1+$0x380]  }
0x5a6: {  	s9 =	sor.u32 $0x400, s3;
	[tilespmem:s8+$0x8F00] =	vst v2;
	v3 =	vld [tilespmem:s2+$0x380]  }
0x5a7: {  	[tilespmem:s9+$0x8F00] =	vst v1;
	v1 =	vld [tilespmem:s0+$0x390]  }
0x5a8: {  	s4 =	sld [smem:$0x7C5];
	v2 =	vld [tilespmem:s20+$0x390];
	_ =	sdelay $0x1  }
0x5a9: {  	[tilespmem:s12+$0x8F00] =	vst v4  }
0x5aa: {  	s12 =	sor.u32 $0x410, s6;
	[tilespmem:s4+$0x8F00] =	vst v3  }
0x5ab: {  	s14 =	sor.u32 $0x410, s3;
	v3 =	vld [tilespmem:s2+$0x390];
	[tilespmem:s12+$0x8F00] =	vst v1  }
0x5ac: {  	[tilespmem:s14+$0x8F00] =	vst v2  }
0x5ad: {  	s4 =	sld [smem:$0x7C6];
	_ =	sdelay $0x1  }
0x5ae: {  	v4 =	vld [tilespmem:s1+$0x390]  }
0x5af: {  	v1 =	vld [tilespmem:s0+$0x3A0];
	[tilespmem:s4+$0x8F00] =	vst v3  }
0x5b0: {  	v2 =	vld [tilespmem:s20+$0x3A0];
	s4 =	sld [smem:$0x7C8];
	_ =	sdelay $0x1  }
0x5b1: {  	v3 =	vld [tilespmem:s2+$0x3A0]  }
0x5b2: {  	s18 =	sor.u32 $0x420, s6;
	[tilespmem:s4+$0x8F00] =	vst v4  }
0x5b3: {  	s19 =	sor.u32 $0x420, s3;
	[tilespmem:s18+$0x8F00] =	vst v1;
	v4 =	vld [tilespmem:s1+$0x3A0]  }
0x5b4: {  	[tilespmem:s19+$0x8F00] =	vst v2;
	v1 =	vld [tilespmem:s0+$0x3B0]  }
0x5b5: {  	v2 =	vld [tilespmem:s20+$0x3B0];
	s4 =	rddreg [dreg:$0x1c]  }
0x5b6: {  	[tilespmem:s4+$0x8F00] =	vst v3  }
0x5b7: {  	s4 =	rddreg [dreg:$0x1e];
	v3 =	vld [tilespmem:s2+$0x3B0]  }
0x5b8: {  	s21 =	sor.u32 $0x430, s6;
	[tilespmem:s4+$0x8F00] =	vst v4  }
0x5b9: {  	s22 =	sor.u32 $0x430, s3;
	[tilespmem:s21+$0x8F00] =	vst v1;
	v4 =	vld [tilespmem:s1+$0x3B0]  }
0x5ba: {  	[tilespmem:s22+$0x8F00] =	vst v2  }
0x5bb: {  	v1 =	vld [tilespmem:s0+$0x3C0];
	s4 =	rddreg [dreg:$0xc]  }
0x5bc: {  	v2 =	vld [tilespmem:s20+$0x3C0];
	[tilespmem:s4+$0x8F00] =	vst v3  }
0x5bd: {  	s4 =	rddreg [dreg:$0x16];
	v3 =	vld [tilespmem:s2+$0x3C0];
	[tilespmem:s17+$0x8F00] =	vst v0  }
0x5be: {  	v0 =	vld [tilespmem:s28+$0x3E0];
	[tilespmem:s4+$0x8F00] =	vst v4  }
0x5bf: {  	s23 =	sor.u32 $0x440, s6;
	v4 =	vld [tilespmem:s1+$0x3C0]  }
0x5c0: {  	s24 =	sor.u32 $0x440, s3;
	[tilespmem:s23+$0x8F00] =	vst v1;
	v1 =	vld [tilespmem:s31+$0x3E0]  }
0x5c1: {  	[tilespmem:s24+$0x8F00] =	vst v2;
	v2 =	vld [tilespmem:s0+$0x3D0]  }
0x5c2: {  	[tilespmem:s11+$0x8F00] =	vst v3;
	v3 =	vld [tilespmem:s20+$0x3D0]  }
0x5c3: {  	v5 =	vld [tilespmem:s30+$0x3E0];
	[tilespmem:s25+$0x8F00] =	vst v0  }
0x5c4: {  	[tilespmem:s29+$0x8F00] =	vst v4;
	v4 =	vld [tilespmem:s2+$0x3D0]  }
0x5c5: {  	[tilespmem:s15+$0x8F00] =	vst v1;
	s25 =	sor.u32 $0x450, s6;
	v0 =	vld [tilespmem:s1+$0x3D0]  }
0x5c6: {  	s7 =	sor.u32 $0x450, s3;
	[tilespmem:s25+$0x8F00] =	vst v2  }
0x5c7: {  	v2 =	vld [tilespmem:s0+$0x3E0];
	[tilespmem:s7+$0x8F00] =	vst v3  }
0x5c8: {  	[tilespmem:s26+$0x8F00] =	vst v5;
	v3 =	vld [tilespmem:s20+$0x3E0]  }
0x5c9: {  	v1 =	vld [tilespmem:s28+$0x3F0];
	[tilespmem:s5+$0x8F00] =	vst v4  }
0x5ca: {  	[tilespmem:s13+$0x8F00] =	vst v0  }
0x5cb: {  	s8 =	sor.u32 $0x460, s6;
	s4 =	sld [smem:$0x7C4]  }
0x5cc: {  	s9 =	sor.u32 $0x460, s3;
	[tilespmem:s8+$0x8F00] =	vst v2  }
0x5cd: {  	v0 =	vld [tilespmem:s2+$0x3E0];
	[tilespmem:s9+$0x8F00] =	vst v3  }
0x5ce: {  	[tilespmem:s4+$0x8F00] =	vst v1  }
0x5cf: {  	v4 =	vld [tilespmem:s1+$0x3E0];
	s11 =	sld [smem:$0x7C7];
	_ =	sdelay $0x1  }
0x5d0: {  	v5 =	vld [tilespmem:s31+$0x3F0]  }
0x5d1: {  	v2 =	vld [tilespmem:s0+$0x3F0];
	[tilespmem:s11+$0x8F00] =	vst v0  }
0x5d2: {  	v0 =	vld [tilespmem:s20+$0x3F0];
	s0 =	rddreg [dreg:$0x6]  }
0x5d3: {  	v1 =	vld [tilespmem:s30+$0x3F0];
	[tilespmem:s0+$0x8F00] =	vst v4  }
0x5d4: {  	v3 =	vld [tilespmem:s2+$0x3F0];
	s0 =	rddreg [dreg:$0x12]  }
0x5d5: {  	s12 =	sor.u32 $0x470, s6;
	v4 =	vld [tilespmem:s1+$0x3F0];
	[tilespmem:s0+$0x8F00] =	vst v5  }
0x5d6: {  	s13 =	sor.u32 $0x470, s3;
	s0 =	rddreg [dreg:$0xb];
	[tilespmem:s12+$0x8F00] =	vst v2  }
0x5d7: {  	[tilespmem:s13+$0x8F00] =	vst v0  }
0x5d8: {  	[tilespmem:s0+$0x8F00] =	vst v1  }
0x5d9: {  	[tilespmem:s16+$0x8F00] =	vst v3  }
0x5da: {  	[tilespmem:s10+$0x8F00] =	vst v4  }
0x5db: {  	s1 =	sld [smem:$0x7F8];
	_ =	sdelay $0x1  }
0x5dc: {  	s14 =	simm.s32 $0x0;
	s15 =	simm.s32 $0x8F00;
	s16 =	simm.s32 $0x2  }
0x5dd: {  	[hbm4b:s1+s14] =	stream.linear.scatter [tilespmem:s15], [sflag:$0x2], $0x8000, $0x38;
	[tilespmem:$0x18F00] =	vst v63  }
0x5de: {  	_ =	swait.ge [sflag:s16], $0x8000  }
0x5df: {  	[sflag:s16] =	ssyncset.done $0x0  }
0x5e0: {  	s17 =	simm.s32 $0xD03;
	[sflag:s16] =	ssyncadd.s32 $0xFFFF8000  }
0x5e1: {  	v0 =	vld [tilespmem:s17+$0x0];
	_ =	sdelay $0x1  }
0x5e2: {  	v1 =	vld [tilespmem:s17+$0xFFFFFFFD];
	_ =	sdelay $0x2  }
0x5e3: {  	(v2sf) =	vpush v0, $0x0;
	v0 =	vld [tilespmem:s17+$0xFFFFFFFE];
	_ =	sdelay $0x1  }
0x5e4: {  	v2 =	vld [tilespmem:s17+$0xFFFFFFFF];
	(v2sf) =	vpush v1, $0x0;
	_ =	sdelay $0x2  }
0x5e5: {  	(v2sf) =	vpush v0, $0x0;
	_ =	sdelay $0x1  }
0x5e6: {  	(v2sf) =	vpush v2, $0x0;
	_ =	sdelay $0x7  }
0x5e7: {  	s18 =	spop (v2sf)  }
0x5e8: {  	s1 =	sshll.u32 s18, $0xA  }
0x5e9: {  	s19 =	spop (v2sf);
	s6 =	sshra.s32 s1, $0x2  }
0x5ea: {  	s1 =	sshll.u32 s19, $0xA;
	v0 =	vld [tilespmem:s6+$0x300]  }
0x5eb: {  	s31 =	sshra.s32 s1, $0x2  }
0x5ec: {  	s20 =	sand.u32 $0x7800, s14;
	s0 =	sand.u32 $0x200, s14;
	v1 =	vld [tilespmem:s31+$0x300];
	s21 =	spop (v2sf)  }
0x5ed: {  	s2 =	sor.u32 s0, s20;
	s22 =	sshll.u32 s21, $0xA  }
0x5ee: {  	s0 =	sadd.s32 $0x10F00, s2;
	s23 =	spop (v2sf);
	s24 =	sshra.s32 s22, $0x2  }
0x5ef: {  	s25 =	sshll.u32 s23, $0xA;
	[tilespmem:s0+$0x180] =	vst v0;
	v2 =	vld [tilespmem:s24+$0x300]  }
0x5f0: {  	s30 =	sshra.s32 s25, $0x2;
	v0 =	vld [tilespmem:s6+$0x310]  }
0x5f1: {  	v3 =	vld [tilespmem:s30+$0x300];
	[tilespmem:s2+$0x10F00] =	vst v1  }
0x5f2: {  	v1 =	vld [tilespmem:s31+$0x310];
	_ =	sdelay $0x1  }
0x5f3: {  	[tilespmem:s0+$0x80] =	vst v2  }
0x5f4: {  	[tilespmem:s0+$0x190] =	vst v0;
	v2 =	vld [tilespmem:s24+$0x310]  }
0x5f5: {  	[tilespmem:s0+$0x100] =	vst v3;
	v0 =	vld [tilespmem:s6+$0x320]  }
0x5f6: {  	v3 =	vld [tilespmem:s30+$0x310];
	[tilespmem:s0+$0x10] =	vst v1  }
0x5f7: {  	v1 =	vld [tilespmem:s31+$0x320];
	_ =	sdelay $0x1  }
0x5f8: {  	[tilespmem:s0+$0x90] =	vst v2  }
0x5f9: {  	[tilespmem:s0+$0x1A0] =	vst v0;
	v2 =	vld [tilespmem:s24+$0x320]  }
0x5fa: {  	[tilespmem:s0+$0x110] =	vst v3;
	v0 =	vld [tilespmem:s6+$0x330]  }
0x5fb: {  	v3 =	vld [tilespmem:s30+$0x320];
	[tilespmem:s0+$0x20] =	vst v1  }
0x5fc: {  	v1 =	vld [tilespmem:s31+$0x330];
	_ =	sdelay $0x1  }
0x5fd: {  	[tilespmem:s0+$0xA0] =	vst v2  }
0x5fe: {  	[tilespmem:s0+$0x1B0] =	vst v0;
	v2 =	vld [tilespmem:s24+$0x330]  }
0x5ff: {  	[tilespmem:s0+$0x120] =	vst v3;
	v0 =	vld [tilespmem:s6+$0x340]  }
0x600: {  	v3 =	vld [tilespmem:s30+$0x330];
	[tilespmem:s0+$0x30] =	vst v1  }
0x601: {  	v1 =	vld [tilespmem:s31+$0x340];
	_ =	sdelay $0x1  }
0x602: {  	[tilespmem:s0+$0xB0] =	vst v2  }
0x603: {  	[tilespmem:s0+$0x1C0] =	vst v0;
	v2 =	vld [tilespmem:s24+$0x340]  }
0x604: {  	[tilespmem:s0+$0x130] =	vst v3;
	v0 =	vld [tilespmem:s6+$0x350]  }
0x605: {  	v3 =	vld [tilespmem:s30+$0x340];
	[tilespmem:s0+$0x40] =	vst v1  }
0x606: {  	v1 =	vld [tilespmem:s31+$0x350];
	_ =	sdelay $0x1  }
0x607: {  	[tilespmem:s0+$0xC0] =	vst v2  }
0x608: {  	[tilespmem:s0+$0x1D0] =	vst v0;
	v2 =	vld [tilespmem:s24+$0x350]  }
0x609: {  	[tilespmem:s0+$0x140] =	vst v3;
	v0 =	vld [tilespmem:s6+$0x360]  }
0x60a: {  	v3 =	vld [tilespmem:s30+$0x350];
	[tilespmem:s0+$0x50] =	vst v1  }
0x60b: {  	v1 =	vld [tilespmem:s31+$0x360]  }
0x60c: {  	s26 =	simm.s32 $0xD07  }
0x60d: {  	v4 =	vld [tilespmem:s26+$0x0];
	[tilespmem:s0+$0xD0] =	vst v2  }
0x60e: {  	[tilespmem:s0+$0x1E0] =	vst v0;
	v2 =	vld [tilespmem:s24+$0x360]  }
0x60f: {  	[tilespmem:s0+$0x150] =	vst v3;
	v0 =	vld [tilespmem:s6+$0x370]  }
0x610: {  	[tilespmem:s0+$0x60] =	vst v1;
	v1 =	vld [tilespmem:s26+$0xFFFFFFFD]  }
0x611: {  	v3 =	vld [tilespmem:s30+$0x360]  }
0x612: {  	v6 =	vld [tilespmem:s26+$0xFFFFFFFE]  }
0x613: {  	(v2sf) =	vpush v4, $0x0;
	v5 =	vld [tilespmem:s31+$0x370]  }
0x614: {  	[tilespmem:s0+$0xE0] =	vst v2;
	v2 =	vld [tilespmem:s26+$0xFFFFFFFF]  }
0x615: {  	p0 =	por $0x0, $0x0;
	s2 =	simm.s32 $0x1;
	[tilespmem:s0+$0x1F0] =	vst v0;
	(v2sf) =	vpush v1, $0x0;
	v1 =	vld [tilespmem:s24+$0x370]  }
0x616: {  	s2 =	simm.s32 @!p0 $0x0;
	[tilespmem:s0+$0x160] =	vst v3;
	v0 =	vld [tilespmem:s6+$0x380]  }
0x617: {  	s2 =	sshll.u32 s2, $0x9;
	v3 =	vld [tilespmem:s30+$0x370]  }
0x618: {  	s7 =	sadd.s32 $0x0, s2  }
0x619: {  	s9 =	sadd.s32 $0x180, s7;
	[tilespmem:s0+$0x70] =	vst v5;
	(v2sf) =	vpush v6, $0x0  }
0x61a: {  	s28 =	sor.u32 $0x400, s9;
	v4 =	vld [tilespmem:s31+$0x380];
	(v2sf) =	vpush v2, $0x0;
	[tilespmem:s0+$0xF0] =	vst v1  }
0x61b: {  	[tilespmem:s28+$0x10F00] =	vst v0;
	v1 =	vld [tilespmem:s24+$0x380]  }
0x61c: {  	[tilespmem:s0+$0x170] =	vst v3;
	v0 =	vld [tilespmem:s6+$0x390]  }
0x61d: {  	v2 =	vld [tilespmem:s30+$0x380]  }
0x61e: {  	s3 =	sor.u32 $0x400, s7;
	s8 =	sadd.s32 $0x80, s7  }
0x61f: {  	s4 =	sor.u32 $0x400, s8;
	[tilespmem:s3+$0x10F00] =	vst v4  }
0x620: {  	s14 =	sadd.s32 $0x100, s7;
	s2 =	sor.u32 $0x410, s9;
	v3 =	vld [tilespmem:s31+$0x390];
	[tilespmem:s4+$0x10F00] =	vst v1  }
0x621: {  	s5 =	sor.u32 $0x400, s14;
	[tilespmem:s2+$0x10F00] =	vst v0;
	v1 =	vld [tilespmem:s24+$0x390]  }
0x622: {  	s12 =	spop (v2sf);
	[tilespmem:s5+$0x10F00] =	vst v2;
	v0 =	vld [tilespmem:s6+$0x3A0]  }
0x623: {  	s13 =	sshll.u32 s12, $0xA;
	v2 =	vld [tilespmem:s30+$0x390]  }
0x624: {  	s11 =	sor.u32 $0x410, s7;
	s0 =	sshra.s32 s13, $0x2;
	s15 =	spop (v2sf)  }
0x625: {  	s10 =	sor.u32 $0x420, s9;
	s16 =	sor.u32 $0x410, s8;
	v4 =	vld [tilespmem:s0+$0x300];
	[tilespmem:s11+$0x10F00] =	vst v3;
	s1 =	sshll.u32 s15, $0xA  }
0x626: {  	s4 =	simm.s32 $0x400;
	s5 =	simm.s32 $0x200;
	v3 =	vld [tilespmem:s31+$0x3A0];
	s1 =	sshra.s32 s1, $0x2;
	[tilespmem:s16+$0x10F00] =	vst v1  }
0x627: {  	s17 =	sor.u32 $0x410, s14;
	s19 =	sand.u32 $0x7800, s4;
	s20 =	sand.u32 $0x200, s5;
	[tilespmem:s10+$0x10F00] =	vst v0;
	v1 =	vld [tilespmem:s1+$0x300]  }
0x628: {  	s23 =	sor.u32 s20, s19;
	s18 =	spop (v2sf);
	[tilespmem:s17+$0x10F00] =	vst v2;
	v2 =	vld [tilespmem:s24+$0x3A0]  }
0x629: {  	s3 =	sadd.s32 $0x10F00, s23;
	s10 =	sshll.u32 s18, $0xA;
	v0 =	vld [tilespmem:s6+$0x3B0];
	s25 =	spop (v2sf)  }
0x62a: {  	s22 =	sor.u32 $0x420, s7;
	[tilespmem:s3+$0x180] =	vst v4;
	v5 =	vld [tilespmem:s30+$0x3A0];
	s20 =	sshra.s32 s10, $0x2;
	s2 =	sshll.u32 s25, $0xA  }
0x62b: {  	[tilespmem:s22+$0x10F00] =	vst v3;
	v3 =	vld [tilespmem:s20+$0x300];
	s2 =	sshra.s32 s2, $0x2  }
0x62c: {  	s26 =	sor.u32 $0x420, s8;
	v4 =	vld [tilespmem:s2+$0x300];
	[tilespmem:s23+$0x10F00] =	vst v1  }
0x62d: {  	s21 =	sor.u32 $0x430, s9;
	v1 =	vld [tilespmem:s0+$0x310];
	[tilespmem:s26+$0x10F00] =	vst v2  }
0x62e: {  	s28 =	sor.u32 $0x420, s14;
	[tilespmem:s21+$0x10F00] =	vst v0;
	v2 =	vld [tilespmem:s1+$0x310]  }
0x62f: {  	[tilespmem:s28+$0x10F00] =	vst v5;
	v0 =	vld [tilespmem:s6+$0x3C0]  }
0x630: {  	[tilespmem:s3+$0x80] =	vst v3  }
0x631: {  	v5 =	vld [tilespmem:s31+$0x3B0];
	[tilespmem:s3+$0x100] =	vst v4  }
0x632: {  	v3 =	vld [tilespmem:s20+$0x310];
	[tilespmem:s3+$0x190] =	vst v1  }
0x633: {  	s11 =	sor.u32 $0x440, s9;
	v1 =	vld [tilespmem:s0+$0x320];
	[tilespmem:s3+$0x10] =	vst v2  }
0x634: {  	v2 =	vld [tilespmem:s2+$0x310];
	[tilespmem:s11+$0x10F00] =	vst v0  }
0x635: {  	s12 =	sor.u32 $0x430, s7;
	v0 =	vld [tilespmem:s6+$0x3D0]  }
0x636: {  	[tilespmem:s12+$0x10F00] =	vst v5;
	v4 =	vld [tilespmem:s1+$0x320]  }
0x637: {  	v5 =	vld [tilespmem:s24+$0x3B0];
	[tilespmem:s3+$0x90] =	vst v3  }
0x638: {  	v3 =	vld [tilespmem:s20+$0x320];
	[tilespmem:s3+$0x1A0] =	vst v1  }
0x639: {  	s13 =	sor.u32 $0x450, s9;
	[tilespmem:s3+$0x110] =	vst v2;
	v1 =	vld [tilespmem:s0+$0x330]  }
0x63a: {  	v2 =	vld [tilespmem:s2+$0x320];
	[tilespmem:s13+$0x10F00] =	vst v0  }
0x63b: {  	s15 =	sor.u32 $0x430, s8;
	[tilespmem:s3+$0x20] =	vst v4;
	v0 =	vld [tilespmem:s6+$0x3E0]  }
0x63c: {  	[tilespmem:s15+$0x10F00] =	vst v5;
	v4 =	vld [tilespmem:s1+$0x330]  }
0x63d: {  	v5 =	vld [tilespmem:s30+$0x3B0];
	[tilespmem:s3+$0xA0] =	vst v3  }
0x63e: {  	v3 =	vld [tilespmem:s20+$0x330];
	[tilespmem:s3+$0x1B0] =	vst v1  }
0x63f: {  	s16 =	sor.u32 $0x460, s9;
	[tilespmem:s3+$0x120] =	vst v2;
	v1 =	vld [tilespmem:s0+$0x340]  }
0x640: {  	v2 =	vld [tilespmem:s2+$0x330];
	[tilespmem:s16+$0x10F00] =	vst v0  }
0x641: {  	s17 =	sor.u32 $0x430, s14;
	[tilespmem:s3+$0x30] =	vst v4;
	v0 =	vld [tilespmem:s6+$0x3F0]  }
0x642: {  	[tilespmem:s17+$0x10F00] =	vst v5;
	v4 =	vld [tilespmem:s1+$0x340]  }
0x643: {  	v5 =	vld [tilespmem:s31+$0x3C0];
	[tilespmem:s3+$0xB0] =	vst v3  }
0x644: {  	v3 =	vld [tilespmem:s20+$0x340];
	[tilespmem:s3+$0x1C0] =	vst v1  }
0x645: {  	s18 =	sor.u32 $0x470, s9;
	[tilespmem:s3+$0x130] =	vst v2;
	v1 =	vld [tilespmem:s0+$0x350]  }
0x646: {  	[tilespmem:s18+$0x10F00] =	vst v0;
	v0 =	vld [tilespmem:s24+$0x3C0]  }
0x647: {  	s19 =	sor.u32 $0x440, s7;
	[tilespmem:s3+$0x40] =	vst v4;
	v2 =	vld [tilespmem:s2+$0x340]  }
0x648: {  	[tilespmem:s19+$0x10F00] =	vst v5;
	v4 =	vld [tilespmem:s1+$0x350]  }
0x649: {  	[tilespmem:s3+$0xC0] =	vst v3;
	v3 =	vld [tilespmem:s31+$0x3D0]  }
0x64a: {  	s21 =	sor.u32 $0x440, s8;
	v5 =	vld [tilespmem:s20+$0x350];
	[tilespmem:s3+$0x1D0] =	vst v1  }
0x64b: {  	[tilespmem:s21+$0x10F00] =	vst v0;
	v0 =	vld [tilespmem:s30+$0x3C0]  }
0x64c: {  	[tilespmem:s3+$0x140] =	vst v2;
	v2 =	vld [tilespmem:s0+$0x360]  }
0x64d: {  	s23 =	sor.u32 $0x450, s7;
	[tilespmem:s3+$0x50] =	vst v4  }
0x64e: {  	v4 =	vld [tilespmem:s2+$0x350];
	[tilespmem:s23+$0x10F00] =	vst v3  }
0x64f: {  	s22 =	sor.u32 $0x440, s14;
	v6 =	vld [tilespmem:s1+$0x360];
	[tilespmem:s3+$0xD0] =	vst v5  }
0x650: {  	v7 =	vld [tilespmem:s24+$0x3D0];
	[tilespmem:s22+$0x10F00] =	vst v0  }
0x651: {  	s26 =	sor.u32 $0x460, s8;
	v1 =	vld [tilespmem:s20+$0x360];
	[tilespmem:s3+$0x1E0] =	vst v2  }
0x652: {  	v0 =	vld [tilespmem:s30+$0x3D0];
	[dreg:$0xf] =	wrdreg s26  }
0x653: {  	s28 =	sor.u32 $0x460, s7;
	[tilespmem:s3+$0x150] =	vst v4  }
0x654: {  	s29 =	sor.u32 $0x470, s8;
	s25 =	sor.u32 $0x450, s8;
	v3 =	vld [tilespmem:s0+$0x370];
	[dreg:$0x19] =	wrdreg s28  }
0x655: {  	s12 =	sor.u32 $0x470, s7;
	s13 =	simm.s32 $0x4;
	s19 =	sor.u32 $0x460, s14;
	[tilespmem:s3+$0x60] =	vst v6;
	v4 =	vld [tilespmem:s2+$0x360]  }
0x656: {  	s23 =	sor.u32 $0x450, s14;
	s22 =	sor.u32 $0x470, s14;
	s14 =	simm.s32 $0xD0B;
	[tilespmem:s25+$0x10F00] =	vst v7;
	v2 =	vld [tilespmem:s1+$0x370]  }
.LBB2_14:
0x657: {  	v5 =	vld [tilespmem:s14+$0x0];
	p0 =	por !p0, !p0;
	s6 =	simm.s32 $0x1;
	[tilespmem:s23+$0x10F00] =	vst v0  }
0x658: {  	s6 =	simm.s32 @!p0 $0x0;
	v0 =	vld [tilespmem:s14+$0xFFFFFFFD];
	[tilespmem:s3+$0xE0] =	vst v1  }
0x659: {  	s6 =	sshll.u32 s6, $0x9;
	v1 =	vld [tilespmem:s14+$0xFFFFFFFE]  }
0x65a: {  	s8 =	sadd.s32 s6, s4;
	[tilespmem:s3+$0x1F0] =	vst v3  }
0x65b: {  	[tilespmem:s3+$0x160] =	vst v4;
	s18 =	sadd.s32 $0x80, s8;
	v3 =	vld [tilespmem:s0+$0x380]  }
0x65c: {  	s28 =	sadd.s32 $0x100, s8;
	v4 =	vld [tilespmem:s14+$0xFFFFFFFF];
	(v2sf) =	vpush v5, $0x0;
	s11 =	sor.u32 $0x430, s18  }
0x65d: {  	[tilespmem:s3+$0x70] =	vst v2;
	v2 =	vld [tilespmem:s20+$0x370];
	s23 =	sor.u32 $0x430, s28;
	[smem:$0x7B3] =	sst s11;
	(v2sf) =	vpush v0, $0x0  }
0x65e: {  	[smem:$0x7B4] =	sst s23;
	s23 =	sor.u32 $0x430, s8;
	(v2sf) =	vpush v1, $0x0;
	v1 =	vld [tilespmem:s1+$0x380]  }
0x65f: {  	s17 =	sadd.s32 $0x180, s8;
	s11 =	sor.u32 $0x440, s28;
	[smem:$0x7B2] =	sst s23;
	v0 =	vld [tilespmem:s2+$0x370]  }
0x660: {  	s15 =	sor.u32 $0x400, s17;
	s23 =	sor.u32 $0x440, s18;
	[smem:$0x7B7] =	sst s11  }
0x661: {  	s6 =	smov.u32 s19;
	s11 =	sor.u32 $0x450, s18;
	[smem:$0x7B6] =	sst s23;
	[tilespmem:s15+$0x10F00] =	vst v3;
	v3 =	vld [tilespmem:s31+$0x3E0]  }
0x662: {  	s21 =	sor.u32 $0x400, s8;
	s23 =	sor.u32 $0x440, s8;
	[smem:$0x7B9] =	sst s11;
	[tilespmem:s3+$0xF0] =	vst v2;
	(v2sf) =	vpush v4, $0x0;
	v4 =	vld [tilespmem:s0+$0x390]  }
0x663: {  	s19 =	sor.u32 $0x410, s8;
	[smem:$0x7B5] =	sst s23;
	v2 =	vld [tilespmem:s24+$0x3E0];
	[tilespmem:s21+$0x10F00] =	vst v1;
	s21 =	sor.u32 $0x450, s8  }
0x664: {  	s10 =	sor.u32 $0x400, s28;
	s7 =	sor.u32 $0x410, s28;
	v5 =	vld [tilespmem:s20+$0x380];
	[tilespmem:s3+$0x170] =	vst v0;
	[smem:$0x7B8] =	sst s21  }
0x665: {  	s25 =	sor.u32 $0x420, s28;
	s11 =	sor.u32 $0x410, s17;
	v0 =	vld [tilespmem:s2+$0x380];
	s21 =	rddreg [dreg:$0x19]  }
0x666: {  	s23 =	sor.u32 $0x450, s28;
	s15 =	sor.u32 $0x420, s8;
	v1 =	vld [tilespmem:s1+$0x390];
	[tilespmem:s21+$0x10F00] =	vst v3;
	s21 =	sor.u32 $0x460, s8  }
0x667: {  	[tilespmem:s11+$0x10F00] =	vst v4;
	s11 =	sor.u32 $0x470, s8;
	s8 =	sor.u32 $0x470, s28;
	[dreg:$0x19] =	wrdreg s21  }
0x668: {  	v3 =	vld [tilespmem:s30+$0x3E0];
	s21 =	smov.u32 s12;
	s12 =	sor.u32 $0x460, s28;
	s28 =	rddreg [dreg:$0xf]  }
0x669: {  	v4 =	vld [tilespmem:s0+$0x3A0];
	[tilespmem:s28+$0x10F00] =	vst v2  }
0x66a: {  	s9 =	sor.u32 $0x400, s18;
	v2 =	vld [tilespmem:s31+$0x3F0];
	[tilespmem:s10+$0x10F00] =	vst v0  }
0x66b: {  	[tilespmem:s9+$0x10F00] =	vst v5;
	v0 =	vld [tilespmem:s2+$0x390]  }
0x66c: {  	s3 =	sor.u32 $0x460, s18;
	s31 =	smov.u32 s1;
	v5 =	vld [tilespmem:s20+$0x390];
	[tilespmem:s19+$0x10F00] =	vst v1  }
0x66d: {  	s28 =	smov.u32 s3;
	s10 =	sor.u32 $0x420, s17;
	v1 =	vld [tilespmem:s31+$0x3A0];
	[tilespmem:s6+$0x10F00] =	vst v3  }
0x66e: {  	s5 =	sadd.s32 $0x200, s5;
	[dreg:$0xf] =	wrdreg s28;
	s28 =	spop (v2sf);
	[tilespmem:s10+$0x10F00] =	vst v4;
	v3 =	vld [tilespmem:s24+$0x3F0]  }
0x66f: {  	s4 =	sadd.s32 $0x400, s4;
	s6 =	sshll.u32 s28, $0xA;
	s9 =	spop (v2sf);
	v4 =	vld [tilespmem:s0+$0x3B0];
	[tilespmem:s21+$0x10F00] =	vst v2  }
0x670: {  	s16 =	sor.u32 $0x410, s18;
	s28 =	sshra.s32 s6, $0x2;
	s3 =	sshll.u32 s9, $0xA;
	v2 =	vld [tilespmem:s30+$0x3F0];
	[tilespmem:s7+$0x10F00] =	vst v0  }
0x671: {  	s19 =	smov.u32 s12;
	s12 =	smov.u32 s11;
	s1 =	sshra.s32 s3, $0x2;
	[tilespmem:s16+$0x10F00] =	vst v5;
	v5 =	vld [tilespmem:s28+$0x300]  }
0x672: {  	s24 =	smov.u32 s20;
	s20 =	sand.u32 $0x7800, s4;
	s6 =	sor.u32 $0x430, s17;
	v0 =	vld [tilespmem:s1+$0x300];
	[tilespmem:s15+$0x10F00] =	vst v1  }
0x673: {  	s30 =	smov.u32 s2;
	s21 =	sand.u32 $0x200, s5;
	s10 =	spop (v2sf);
	v1 =	vld [tilespmem:s24+$0x3A0];
	[tilespmem:s29+$0x10F00] =	vst v3  }
0x674: {  	s7 =	sor.u32 s21, s20;
	s11 =	sshll.u32 s10, $0xA;
	s16 =	spop (v2sf);
	v3 =	vld [tilespmem:s30+$0x3A0];
	[tilespmem:s6+$0x10F00] =	vst v4  }
0x675: {  	s3 =	sadd.s32 $0x10F00, s7;
	s20 =	sshra.s32 s11, $0x2;
	s2 =	sshll.u32 s16, $0xA;
	v4 =	vld [tilespmem:s0+$0x3C0];
	[tilespmem:s22+$0x10F00] =	vst v2  }
0x676: {  	s2 =	sshra.s32 s2, $0x2;
	v2 =	vld [tilespmem:s20+$0x300];
	[tilespmem:s3+$0x180] =	vst v5  }
0x677: {  	s26 =	sor.u32 $0x420, s18;
	[tilespmem:s7+$0x10F00] =	vst v0;
	v5 =	vld [tilespmem:s2+$0x300]  }
0x678: {  	v0 =	vld [tilespmem:s28+$0x310];
	[tilespmem:s26+$0x10F00] =	vst v1  }
0x679: {  	s22 =	smov.u32 s8;
	s8 =	sor.u32 $0x440, s17;
	v1 =	vld [tilespmem:s1+$0x310];
	[tilespmem:s25+$0x10F00] =	vst v3  }
0x67a: {  	[tilespmem:s8+$0x10F00] =	vst v4  }
0x67b: {  	v3 =	vld [tilespmem:s31+$0x3B0];
	[tilespmem:s3+$0x80] =	vst v2  }
0x67c: {  	v4 =	vld [tilespmem:s20+$0x310];
	[tilespmem:s3+$0x100] =	vst v5  }
0x67d: {  	s9 =	sld [smem:$0x7B2];
	v2 =	vld [tilespmem:s0+$0x3D0];
	[tilespmem:s3+$0x190] =	vst v0  }
0x67e: {  	[tilespmem:s3+$0x10] =	vst v1;
	v1 =	vld [tilespmem:s2+$0x310]  }
0x67f: {  	v0 =	vld [tilespmem:s28+$0x320]  }
0x680: {  	v5 =	vld [tilespmem:s1+$0x320];
	[tilespmem:s9+$0x10F00] =	vst v3  }
0x681: {  	s10 =	sor.u32 $0x450, s17;
	v3 =	vld [tilespmem:s24+$0x3B0];
	[tilespmem:s3+$0x90] =	vst v4  }
0x682: {  	[tilespmem:s10+$0x10F00] =	vst v2;
	v4 =	vld [tilespmem:s20+$0x320]  }
0x683: {  	s11 =	sld [smem:$0x7B3];
	v2 =	vld [tilespmem:s0+$0x3E0];
	[tilespmem:s3+$0x110] =	vst v1  }
0x684: {  	[tilespmem:s3+$0x1A0] =	vst v0;
	v1 =	vld [tilespmem:s2+$0x320]  }
0x685: {  	[tilespmem:s3+$0x20] =	vst v5;
	v0 =	vld [tilespmem:s28+$0x330]  }
0x686: {  	[tilespmem:s11+$0x10F00] =	vst v3;
	v5 =	vld [tilespmem:s1+$0x330]  }
0x687: {  	s15 =	sor.u32 $0x460, s17;
	v3 =	vld [tilespmem:s30+$0x3B0];
	[tilespmem:s3+$0xA0] =	vst v4  }
0x688: {  	[tilespmem:s15+$0x10F00] =	vst v2;
	v4 =	vld [tilespmem:s20+$0x330]  }
0x689: {  	s16 =	sld [smem:$0x7B4];
	v2 =	vld [tilespmem:s0+$0x3F0];
	[tilespmem:s3+$0x120] =	vst v1  }
0x68a: {  	s0 =	smov.u32 s28;
	[tilespmem:s3+$0x1B0] =	vst v0;
	v1 =	vld [tilespmem:s2+$0x330]  }
0x68b: {  	[tilespmem:s3+$0x30] =	vst v5;
	v0 =	vld [tilespmem:s0+$0x340]  }
0x68c: {  	[tilespmem:s16+$0x10F00] =	vst v3;
	v5 =	vld [tilespmem:s1+$0x340]  }
0x68d: {  	s17 =	sor.u32 $0x470, s17;
	v3 =	vld [tilespmem:s31+$0x3C0];
	[tilespmem:s3+$0xB0] =	vst v4  }
0x68e: {  	s18 =	sor.u32 $0x470, s18;
	[tilespmem:s17+$0x10F00] =	vst v2;
	v2 =	vld [tilespmem:s24+$0x3C0]  }
0x68f: {  	s29 =	smov.u32 s18;
	s18 =	sld [smem:$0x7B5];
	v4 =	vld [tilespmem:s20+$0x340];
	[tilespmem:s3+$0x130] =	vst v1  }
0x690: {  	s21 =	sld [smem:$0x7B6];
	[tilespmem:s3+$0x1C0] =	vst v0;
	v1 =	vld [tilespmem:s2+$0x340]  }
0x691: {  	[tilespmem:s3+$0x40] =	vst v5;
	v0 =	vld [tilespmem:s0+$0x350]  }
0x692: {  	v5 =	vld [tilespmem:s1+$0x350];
	[tilespmem:s18+$0x10F00] =	vst v3  }
0x693: {  	[tilespmem:s21+$0x10F00] =	vst v2  }
0x694: {  	v3 =	vld [tilespmem:s31+$0x3D0];
	[tilespmem:s3+$0xC0] =	vst v4  }
0x695: {  	v2 =	vld [tilespmem:s30+$0x3C0];
	[tilespmem:s3+$0x140] =	vst v1  }
0x696: {  	s26 =	sld [smem:$0x7B8];
	v4 =	vld [tilespmem:s20+$0x350];
	[tilespmem:s3+$0x1D0] =	vst v0  }
0x697: {  	s25 =	sld [smem:$0x7B7];
	[tilespmem:s3+$0x50] =	vst v5;
	v5 =	vld [tilespmem:s2+$0x350]  }
0x698: {  	v6 =	vld [tilespmem:s0+$0x360]  }
0x699: {  	s13 =	sadd.s32 $0x4, s13;
	v7 =	vld [tilespmem:s1+$0x360];
	[tilespmem:s26+$0x10F00] =	vst v3  }
0x69a: {  	p1 =	slt.u32 s13, $0x7C;
	v8 =	vld [tilespmem:s24+$0x3D0];
	[tilespmem:s25+$0x10F00] =	vst v2  }
.Ltmp6:
0x69b: {  	v0 =	vld [tilespmem:s30+$0x3D0];
	[tilespmem:s3+$0xD0] =	vst v4;
	(pc) =	sbr.rel @p1 .LBB2_14-.Ltmp6, $4  }
0x69c: {  	s28 =	sld [smem:$0x7B9];
	v1 =	vld [tilespmem:s20+$0x360];
	[tilespmem:s3+$0x150] =	vst v5  }
0x69d: {  	[tilespmem:s3+$0x1E0] =	vst v6;
	v4 =	vld [tilespmem:s2+$0x360]  }
0x69e: {  	[tilespmem:s3+$0x60] =	vst v7;
	v3 =	vld [tilespmem:s0+$0x370]  }
0x69f: {  	s14 =	sadd.s32 $0x4, s14;
	[tilespmem:s28+$0x10F00] =	vst v8;
	v2 =	vld [tilespmem:s1+$0x370]  }
0x6a0: {  	_ = 	snop  }
0x6a1: {  	[tilespmem:s3+$0xE0] =	vst v1  }
0x6a2: {  	[tilespmem:s3+$0x160] =	vst v4;
	v1 =	vld [tilespmem:s20+$0x370]  }
0x6a3: {  	v4 =	vld [tilespmem:s2+$0x370];
	_ =	sdelay $0x1  }
0x6a4: {  	p0 =	por !p0, !p0;
	s5 =	simm.s32 $0x1;
	[tilespmem:s3+$0x1F0] =	vst v3  }
0x6a5: {  	s5 =	simm.s32 @!p0 $0x0;
	v3 =	vld [tilespmem:s0+$0x380];
	[tilespmem:s3+$0x70] =	vst v2  }
0x6a6: {  	s5 =	sshll.u32 s5, $0x9;
	v2 =	vld [tilespmem:s1+$0x380];
	[tilespmem:s3+$0xF0] =	vst v1  }
0x6a7: {  	s4 =	sadd.s32 s5, s4;
	v1 =	vld [tilespmem:s20+$0x380];
	[tilespmem:s3+$0x170] =	vst v4  }
0x6a8: {  	s5 =	sadd.s32 $0x180, s4;
	v4 =	vld [tilespmem:s2+$0x380]  }
0x6a9: {  	s7 =	sor.u32 $0x400, s5  }
0x6aa: {  	s8 =	sor.u32 $0x400, s4;
	s3 =	sadd.s32 $0x80, s4;
	[tilespmem:s7+$0x10F00] =	vst v3  }
0x6ab: {  	s13 =	sadd.s32 $0x100, s4;
	s18 =	sor.u32 $0x400, s3;
	[tilespmem:s8+$0x10F00] =	vst v2;
	v2 =	vld [tilespmem:s0+$0x390]  }
0x6ac: {  	s21 =	sor.u32 $0x400, s13;
	[tilespmem:s18+$0x10F00] =	vst v1;
	v1 =	vld [tilespmem:s1+$0x390]  }
0x6ad: {  	v3 =	vld [tilespmem:s20+$0x390];
	[tilespmem:s21+$0x10F00] =	vst v4  }
0x6ae: {  	v4 =	vld [tilespmem:s2+$0x390]  }
0x6af: {  	s25 =	sor.u32 $0x410, s5  }
0x6b0: {  	s26 =	sor.u32 $0x410, s4;
	[tilespmem:s25+$0x10F00] =	vst v2  }
0x6b1: {  	s28 =	sor.u32 $0x410, s3;
	[tilespmem:s26+$0x10F00] =	vst v1;
	v1 =	vld [tilespmem:s0+$0x3A0]  }
0x6b2: {  	s6 =	sor.u32 $0x410, s13;
	[tilespmem:s28+$0x10F00] =	vst v3;
	v2 =	vld [tilespmem:s1+$0x3A0]  }
0x6b3: {  	[tilespmem:s6+$0x10F00] =	vst v4;
	v3 =	vld [tilespmem:s20+$0x3A0]  }
0x6b4: {  	v4 =	vld [tilespmem:s2+$0x3A0]  }
0x6b5: {  	s8 =	sor.u32 $0x420, s5  }
0x6b6: {  	s9 =	sor.u32 $0x420, s4;
	[tilespmem:s8+$0x10F00] =	vst v1  }
0x6b7: {  	s10 =	sor.u32 $0x420, s3;
	[tilespmem:s9+$0x10F00] =	vst v2;
	v1 =	vld [tilespmem:s0+$0x3B0]  }
0x6b8: {  	s11 =	sor.u32 $0x420, s13;
	[tilespmem:s10+$0x10F00] =	vst v3;
	v2 =	vld [tilespmem:s1+$0x3B0]  }
0x6b9: {  	[tilespmem:s11+$0x10F00] =	vst v4;
	v3 =	vld [tilespmem:s20+$0x3B0]  }
0x6ba: {  	v4 =	vld [tilespmem:s2+$0x3B0]  }
0x6bb: {  	s14 =	sor.u32 $0x430, s5  }
0x6bc: {  	s15 =	sor.u32 $0x430, s4;
	[tilespmem:s14+$0x10F00] =	vst v1  }
0x6bd: {  	s16 =	sor.u32 $0x430, s3;
	[tilespmem:s15+$0x10F00] =	vst v2;
	v1 =	vld [tilespmem:s0+$0x3C0]  }
0x6be: {  	s17 =	sor.u32 $0x430, s13;
	[tilespmem:s16+$0x10F00] =	vst v3;
	v2 =	vld [tilespmem:s1+$0x3C0]  }
0x6bf: {  	[tilespmem:s17+$0x10F00] =	vst v4;
	v3 =	vld [tilespmem:s20+$0x3C0]  }
0x6c0: {  	v4 =	vld [tilespmem:s2+$0x3C0]  }
0x6c1: {  	[tilespmem:s23+$0x10F00] =	vst v0;
	s6 =	sor.u32 $0x440, s5  }
0x6c2: {  	v0 =	vld [tilespmem:s31+$0x3E0];
	s18 =	sor.u32 $0x440, s4;
	[tilespmem:s6+$0x10F00] =	vst v1  }
0x6c3: {  	s21 =	sor.u32 $0x440, s3;
	v1 =	vld [tilespmem:s0+$0x3D0];
	[tilespmem:s18+$0x10F00] =	vst v2  }
0x6c4: {  	v5 =	vld [tilespmem:s24+$0x3E0];
	s23 =	sor.u32 $0x440, s13;
	[tilespmem:s21+$0x10F00] =	vst v3  }
0x6c5: {  	v2 =	vld [tilespmem:s1+$0x3D0];
	[tilespmem:s23+$0x10F00] =	vst v4  }
0x6c6: {  	v3 =	vld [tilespmem:s20+$0x3D0];
	s6 =	rddreg [dreg:$0x19]  }
0x6c7: {  	s25 =	sor.u32 $0x450, s5;
	[tilespmem:s6+$0x10F00] =	vst v0;
	v0 =	vld [tilespmem:s2+$0x3D0]  }
0x6c8: {  	v4 =	vld [tilespmem:s30+$0x3E0];
	s6 =	rddreg [dreg:$0xf];
	[tilespmem:s25+$0x10F00] =	vst v1  }
0x6c9: {  	s26 =	sor.u32 $0x450, s4;
	[tilespmem:s6+$0x10F00] =	vst v5;
	v5 =	vld [tilespmem:s31+$0x3F0]  }
0x6ca: {  	s28 =	sor.u32 $0x450, s3;
	v1 =	vld [tilespmem:s0+$0x3E0];
	[tilespmem:s26+$0x10F00] =	vst v2  }
0x6cb: {  	s8 =	sor.u32 $0x450, s13;
	[tilespmem:s28+$0x10F00] =	vst v3;
	v2 =	vld [tilespmem:s1+$0x3E0]  }
0x6cc: {  	[tilespmem:s8+$0x10F00] =	vst v0;
	v0 =	vld [tilespmem:s20+$0x3E0]  }
0x6cd: {  	[tilespmem:s19+$0x10F00] =	vst v4;
	v3 =	vld [tilespmem:s2+$0x3E0]  }
0x6ce: {  	s9 =	sor.u32 $0x460, s5;
	v4 =	vld [tilespmem:s24+$0x3F0];
	[tilespmem:s12+$0x10F00] =	vst v5  }
0x6cf: {  	s10 =	sor.u32 $0x460, s4;
	v5 =	vld [tilespmem:s30+$0x3F0];
	[tilespmem:s9+$0x10F00] =	vst v1  }
0x6d0: {  	s11 =	sor.u32 $0x460, s3;
	v1 =	vld [tilespmem:s0+$0x3F0];
	[tilespmem:s10+$0x10F00] =	vst v2  }
0x6d1: {  	s12 =	sor.u32 $0x460, s13;
	[tilespmem:s11+$0x10F00] =	vst v0;
	v0 =	vld [tilespmem:s1+$0x3F0]  }
0x6d2: {  	[tilespmem:s12+$0x10F00] =	vst v3;
	v2 =	vld [tilespmem:s20+$0x3F0]  }
0x6d3: {  	[tilespmem:s29+$0x10F00] =	vst v4;
	v3 =	vld [tilespmem:s2+$0x3F0]  }
0x6d4: {  	s14 =	sor.u32 $0x470, s5;
	[tilespmem:s22+$0x10F00] =	vst v5  }
0x6d5: {  	s15 =	sor.u32 $0x470, s4;
	[tilespmem:s14+$0x10F00] =	vst v1  }
0x6d6: {  	s16 =	sor.u32 $0x470, s3;
	[tilespmem:s15+$0x10F00] =	vst v0  }
0x6d7: {  	s17 =	sor.u32 $0x470, s13;
	[tilespmem:s16+$0x10F00] =	vst v2  }
0x6d8: {  	[tilespmem:s17+$0x10F00] =	vst v3  }
0x6d9: {  	s1 =	sld [smem:$0x7F9];
	_ =	sdelay $0x1  }
0x6da: {  	s18 =	simm.s32 $0x0;
	s19 =	simm.s32 $0x10F00;
	s20 =	simm.s32 $0x2  }
0x6db: {  	[hbm4b:s1+s18] =	stream.linear.scatter [tilespmem:s19], [sflag:$0x2], $0x8000, $0x38;
	[tilespmem:$0x18F00] =	vst v63  }
0x6dc: {  	_ =	swait.ge [sflag:s20], $0x8000  }
0x6dd: {  	[sflag:s20] =	ssyncset.done $0x0  }
0x6de: {  	s21 =	simm.s32 $0xD83;
	[sflag:s20] =	ssyncadd.s32 $0xFFFF8000  }
0x6df: {  	v0 =	vld [tilespmem:s21+$0x0];
	_ =	sdelay $0x1  }
0x6e0: {  	v1 =	vld [tilespmem:s21+$0xFFFFFFFD];
	_ =	sdelay $0x2  }
0x6e1: {  	v2 =	vld [tilespmem:s21+$0xFFFFFFFE];
	(v2sf) =	vpush v0, $0x0;
	_ =	sdelay $0x1  }
0x6e2: {  	v3 =	vld [tilespmem:s21+$0xFFFFFFFF];
	(v2sf) =	vpush v1, $0x0;
	_ =	sdelay $0x2  }
0x6e3: {  	(v2sf) =	vpush v2, $0x0;
	_ =	sdelay $0x1  }
0x6e4: {  	(v2sf) =	vpush v3, $0x0;
	_ =	sdelay $0x7  }
0x6e5: {  	s22 =	spop (v2sf)  }
0x6e6: {  	s1 =	sshll.u32 s22, $0xA  }
0x6e7: {  	s23 =	spop (v2sf);
	s5 =	sshra.s32 s1, $0x2  }
0x6e8: {  	s2 =	sshll.u32 s23, $0xA;
	v0 =	vld [tilespmem:s5+$0x300]  }
0x6e9: {  	s30 =	sshra.s32 s2, $0x2  }
0x6ea: {  	s24 =	spop (v2sf);
	v1 =	vld [tilespmem:s30+$0x300]  }
0x6eb: {  	s26 =	sand.u32 $0x7800, s18;
	s0 =	sand.u32 $0x200, s18;
	s1 =	sshll.u32 s24, $0xA  }
0x6ec: {  	s0 =	sor.u32 s0, s26;
	s25 =	spop (v2sf);
	s23 =	sshra.s32 s1, $0x2  }
0x6ed: {  	s1 =	sshll.u32 s25, $0xA;
	v2 =	vld [tilespmem:s23+$0x300];
	[tilespmem:s0+$0x9080] =	vst v0  }
0x6ee: {  	s31 =	sshra.s32 s1, $0x2;
	v0 =	vld [tilespmem:s5+$0x310]  }
0x6ef: {  	v3 =	vld [tilespmem:s31+$0x300];
	[tilespmem:s0+$0x8F00] =	vst v1  }
0x6f0: {  	v1 =	vld [tilespmem:s30+$0x310];
	_ =	sdelay $0x1  }
0x6f1: {  	[tilespmem:s0+$0x8F80] =	vst v2  }
0x6f2: {  	v2 =	vld [tilespmem:s23+$0x310];
	[tilespmem:s0+$0x9090] =	vst v0  }
0x6f3: {  	[tilespmem:s0+$0x9000] =	vst v3;
	v0 =	vld [tilespmem:s5+$0x320]  }
0x6f4: {  	v3 =	vld [tilespmem:s31+$0x310];
	[tilespmem:s0+$0x8F10] =	vst v1  }
0x6f5: {  	v1 =	vld [tilespmem:s30+$0x320];
	_ =	sdelay $0x1  }
0x6f6: {  	[tilespmem:s0+$0x8F90] =	vst v2  }
0x6f7: {  	v2 =	vld [tilespmem:s23+$0x320];
	[tilespmem:s0+$0x90A0] =	vst v0  }
0x6f8: {  	[tilespmem:s0+$0x9010] =	vst v3;
	v0 =	vld [tilespmem:s5+$0x330]  }
0x6f9: {  	v3 =	vld [tilespmem:s31+$0x320];
	[tilespmem:s0+$0x8F20] =	vst v1  }
0x6fa: {  	v1 =	vld [tilespmem:s30+$0x330];
	_ =	sdelay $0x1  }
0x6fb: {  	[tilespmem:s0+$0x8FA0] =	vst v2  }
0x6fc: {  	v2 =	vld [tilespmem:s23+$0x330];
	[tilespmem:s0+$0x90B0] =	vst v0  }
0x6fd: {  	[tilespmem:s0+$0x9020] =	vst v3;
	v0 =	vld [tilespmem:s5+$0x340]  }
0x6fe: {  	v3 =	vld [tilespmem:s31+$0x330];
	[tilespmem:s0+$0x8F30] =	vst v1  }
0x6ff: {  	v1 =	vld [tilespmem:s30+$0x340];
	_ =	sdelay $0x1  }
0x700: {  	[tilespmem:s0+$0x8FB0] =	vst v2  }
0x701: {  	v2 =	vld [tilespmem:s23+$0x340];
	[tilespmem:s0+$0x90C0] =	vst v0  }
0x702: {  	[tilespmem:s0+$0x9030] =	vst v3;
	v0 =	vld [tilespmem:s5+$0x350]  }
0x703: {  	v3 =	vld [tilespmem:s31+$0x340];
	[tilespmem:s0+$0x8F40] =	vst v1  }
0x704: {  	v1 =	vld [tilespmem:s30+$0x350]  }
0x705: {  	s28 =	simm.s32 $0xD87  }
0x706: {  	v4 =	vld [tilespmem:s28+$0x0];
	[tilespmem:s0+$0x8FC0] =	vst v2  }
0x707: {  	v2 =	vld [tilespmem:s23+$0x350];
	[tilespmem:s0+$0x90D0] =	vst v0  }
0x708: {  	[tilespmem:s0+$0x9040] =	vst v3;
	v0 =	vld [tilespmem:s5+$0x360]  }
0x709: {  	v3 =	vld [tilespmem:s31+$0x350];
	[tilespmem:s0+$0x8F50] =	vst v1  }
0x70a: {  	v1 =	vld [tilespmem:s30+$0x360]  }
0x70b: {  	v5 =	vld [tilespmem:s28+$0xFFFFFFFD]  }
0x70c: {  	v6 =	vld [tilespmem:s28+$0xFFFFFFFE];
	[tilespmem:s0+$0x8FD0] =	vst v2  }
0x70d: {  	v2 =	vld [tilespmem:s23+$0x360];
	[tilespmem:s0+$0x90E0] =	vst v0  }
0x70e: {  	[tilespmem:s0+$0x9050] =	vst v3;
	v0 =	vld [tilespmem:s5+$0x370]  }
0x70f: {  	v3 =	vld [tilespmem:s31+$0x360];
	[tilespmem:s0+$0x8F60] =	vst v1  }
0x710: {  	v1 =	vld [tilespmem:s30+$0x370];
	_ =	sdelay $0x1  }
0x711: {  	v7 =	vld [tilespmem:s28+$0xFFFFFFFF];
	(v2sf) =	vpush v4, $0x0;
	[tilespmem:s0+$0x8FE0] =	vst v2  }
0x712: {  	p0 =	por $0x0, $0x0;
	s2 =	simm.s32 $0x1;
	v2 =	vld [tilespmem:s23+$0x370];
	[tilespmem:s0+$0x90F0] =	vst v0  }
0x713: {  	(v2sf) =	vpush v5, $0x0;
	s2 =	simm.s32 @!p0 $0x0;
	[tilespmem:s0+$0x9060] =	vst v3;
	v0 =	vld [tilespmem:s5+$0x380]  }
0x714: {  	(v2sf) =	vpush v6, $0x0;
	s2 =	sshll.u32 s2, $0x9;
	[tilespmem:s0+$0x8F70] =	vst v1;
	v1 =	vld [tilespmem:s31+$0x370]  }
0x715: {  	s10 =	sadd.s32 $0x0, s2  }
0x716: {  	(v2sf) =	vpush v7, $0x0;
	s6 =	sadd.s32 $0x180, s10;
	v3 =	vld [tilespmem:s30+$0x380]  }
0x717: {  	s3 =	sor.u32 $0x400, s6;
	[tilespmem:s0+$0x8FF0] =	vst v2  }
0x718: {  	v2 =	vld [tilespmem:s23+$0x380];
	[tilespmem:s3+$0x8F00] =	vst v0  }
0x719: {  	[tilespmem:s0+$0x9070] =	vst v1;
	v0 =	vld [tilespmem:s5+$0x390]  }
0x71a: {  	s4 =	sor.u32 $0x400, s10;
	v1 =	vld [tilespmem:s31+$0x380]  }
0x71b: {  	s8 =	sadd.s32 $0x80, s10;
	[tilespmem:s4+$0x8F00] =	vst v3  }
0x71c: {  	s9 =	sor.u32 $0x400, s8;
	v3 =	vld [tilespmem:s30+$0x390]  }
0x71d: {  	s14 =	sadd.s32 $0x100, s10;
	s7 =	sor.u32 $0x410, s6;
	[tilespmem:s9+$0x8F00] =	vst v2  }
0x71e: {  	s11 =	sor.u32 $0x400, s14;
	v2 =	vld [tilespmem:s23+$0x390];
	[tilespmem:s7+$0x8F00] =	vst v0  }
0x71f: {  	[tilespmem:s11+$0x8F00] =	vst v1;
	v0 =	vld [tilespmem:s5+$0x3A0]  }
0x720: {  	s12 =	sor.u32 $0x410, s10;
	s16 =	spop (v2sf);
	v1 =	vld [tilespmem:s31+$0x390]  }
0x721: {  	s22 =	sor.u32 $0x420, s10;
	s18 =	sshll.u32 s16, $0xA;
	[tilespmem:s12+$0x8F00] =	vst v3  }
0x722: {  	s15 =	sor.u32 $0x410, s8;
	s19 =	spop (v2sf);
	s0 =	sshra.s32 s18, $0x2;
	v3 =	vld [tilespmem:s30+$0x3A0]  }
0x723: {  	s13 =	sor.u32 $0x420, s6;
	s1 =	sshll.u32 s19, $0xA;
	s20 =	spop (v2sf);
	v4 =	vld [tilespmem:s0+$0x300];
	[tilespmem:s15+$0x8F00] =	vst v2  }
0x724: {  	s17 =	sor.u32 $0x410, s14;
	s2 =	sshra.s32 s1, $0x2;
	s21 =	sshll.u32 s20, $0xA;
	v2 =	vld [tilespmem:s23+$0x3A0];
	[tilespmem:s13+$0x8F00] =	vst v0  }
0x725: {  	s24 =	spop (v2sf);
	s4 =	simm.s32 $0x400;
	s7 =	simm.s32 $0x200;
	[tilespmem:s17+$0x8F00] =	vst v1;
	v1 =	vld [tilespmem:s2+$0x300]  }
0x726: {  	s1 =	sshra.s32 s21, $0x2;
	s25 =	sand.u32 $0x7800, s4;
	s26 =	sand.u32 $0x200, s7;
	v0 =	vld [tilespmem:s5+$0x3B0]  }
0x727: {  	s15 =	sshll.u32 s24, $0xA;
	s3 =	sor.u32 s26, s25;
	[tilespmem:s22+$0x8F00] =	vst v3;
	v3 =	vld [tilespmem:s1+$0x300]  }
0x728: {  	s9 =	sor.u32 $0x420, s8;
	s20 =	sshra.s32 s15, $0x2;
	[tilespmem:s3+$0x9080] =	vst v4;
	v5 =	vld [tilespmem:s31+$0x3A0]  }
0x729: {  	[tilespmem:s9+$0x8F00] =	vst v2;
	v2 =	vld [tilespmem:s20+$0x300]  }
0x72a: {  	s11 =	sor.u32 $0x430, s6;
	[tilespmem:s3+$0x8F00] =	vst v1;
	v1 =	vld [tilespmem:s0+$0x310]  }
0x72b: {  	[tilespmem:s11+$0x8F00] =	vst v0;
	v4 =	vld [tilespmem:s2+$0x310]  }
0x72c: {  	s28 =	sor.u32 $0x420, s14;
	[tilespmem:s3+$0x8F80] =	vst v3;
	v0 =	vld [tilespmem:s5+$0x3C0]  }
0x72d: {  	[tilespmem:s28+$0x8F00] =	vst v5;
	v3 =	vld [tilespmem:s1+$0x310]  }
0x72e: {  	v5 =	vld [tilespmem:s30+$0x3B0];
	[tilespmem:s3+$0x9000] =	vst v2  }
0x72f: {  	v2 =	vld [tilespmem:s20+$0x310];
	[tilespmem:s3+$0x9090] =	vst v1  }
0x730: {  	s11 =	sor.u32 $0x440, s6;
	[tilespmem:s3+$0x8F10] =	vst v4;
	v1 =	vld [tilespmem:s0+$0x320]  }
0x731: {  	[tilespmem:s11+$0x8F00] =	vst v0;
	v4 =	vld [tilespmem:s2+$0x320]  }
0x732: {  	s12 =	sor.u32 $0x430, s10;
	[tilespmem:s3+$0x8F90] =	vst v3;
	v0 =	vld [tilespmem:s5+$0x3D0]  }
0x733: {  	[tilespmem:s12+$0x8F00] =	vst v5;
	v3 =	vld [tilespmem:s1+$0x320]  }
0x734: {  	v5 =	vld [tilespmem:s23+$0x3B0];
	[tilespmem:s3+$0x9010] =	vst v2  }
0x735: {  	v2 =	vld [tilespmem:s20+$0x320];
	[tilespmem:s3+$0x90A0] =	vst v1  }
0x736: {  	s13 =	sor.u32 $0x450, s6;
	[tilespmem:s3+$0x8F20] =	vst v4;
	v1 =	vld [tilespmem:s0+$0x330]  }
0x737: {  	[tilespmem:s13+$0x8F00] =	vst v0;
	v4 =	vld [tilespmem:s2+$0x330]  }
0x738: {  	s15 =	sor.u32 $0x430, s8;
	[tilespmem:s3+$0x8FA0] =	vst v3;
	v0 =	vld [tilespmem:s5+$0x3E0]  }
0x739: {  	[tilespmem:s15+$0x8F00] =	vst v5;
	v3 =	vld [tilespmem:s1+$0x330]  }
0x73a: {  	v5 =	vld [tilespmem:s31+$0x3B0];
	[tilespmem:s3+$0x9020] =	vst v2  }
0x73b: {  	v2 =	vld [tilespmem:s20+$0x330];
	[tilespmem:s3+$0x90B0] =	vst v1  }
0x73c: {  	s16 =	sor.u32 $0x460, s6;
	[tilespmem:s3+$0x8F30] =	vst v4;
	v1 =	vld [tilespmem:s0+$0x340]  }
0x73d: {  	[tilespmem:s16+$0x8F00] =	vst v0;
	v4 =	vld [tilespmem:s2+$0x340]  }
0x73e: {  	s17 =	sor.u32 $0x430, s14;
	[tilespmem:s3+$0x8FB0] =	vst v3;
	v0 =	vld [tilespmem:s5+$0x3F0]  }
0x73f: {  	[tilespmem:s17+$0x8F00] =	vst v5;
	v3 =	vld [tilespmem:s1+$0x340]  }
0x740: {  	v5 =	vld [tilespmem:s30+$0x3C0];
	[tilespmem:s3+$0x9030] =	vst v2  }
0x741: {  	v2 =	vld [tilespmem:s20+$0x340];
	[tilespmem:s3+$0x90C0] =	vst v1  }
0x742: {  	s18 =	sor.u32 $0x470, s6;
	[tilespmem:s3+$0x8F40] =	vst v4;
	v1 =	vld [tilespmem:s0+$0x350]  }
0x743: {  	[tilespmem:s18+$0x8F00] =	vst v0;
	v0 =	vld [tilespmem:s23+$0x3C0]  }
0x744: {  	s19 =	sor.u32 $0x440, s10;
	v4 =	vld [tilespmem:s2+$0x350];
	[tilespmem:s3+$0x8FC0] =	vst v3  }
0x745: {  	[tilespmem:s19+$0x8F00] =	vst v5;
	v3 =	vld [tilespmem:s1+$0x350]  }
0x746: {  	[tilespmem:s3+$0x9040] =	vst v2;
	v2 =	vld [tilespmem:s30+$0x3D0]  }
0x747: {  	s21 =	sor.u32 $0x440, s8;
	v5 =	vld [tilespmem:s20+$0x350];
	[tilespmem:s3+$0x90D0] =	vst v1  }
0x748: {  	[tilespmem:s21+$0x8F00] =	vst v0;
	v0 =	vld [tilespmem:s31+$0x3C0]  }
0x749: {  	[tilespmem:s3+$0x8F50] =	vst v4;
	v4 =	vld [tilespmem:s0+$0x360]  }
0x74a: {  	s24 =	sor.u32 $0x450, s10;
	[tilespmem:s3+$0x8FD0] =	vst v3  }
0x74b: {  	v6 =	vld [tilespmem:s2+$0x360];
	[tilespmem:s24+$0x8F00] =	vst v2  }
0x74c: {  	s22 =	sor.u32 $0x440, s14;
	v8 =	vld [tilespmem:s23+$0x3D0];
	[tilespmem:s3+$0x9050] =	vst v5  }
0x74d: {  	v7 =	vld [tilespmem:s1+$0x360];
	[tilespmem:s22+$0x8F00] =	vst v0  }
0x74e: {  	s26 =	sor.u32 $0x460, s8;
	v1 =	vld [tilespmem:s20+$0x360];
	[tilespmem:s3+$0x90E0] =	vst v4  }
0x74f: {  	v0 =	vld [tilespmem:s31+$0x3D0];
	[dreg:$0x14] =	wrdreg s26  }
0x750: {  	s28 =	sor.u32 $0x460, s14;
	[tilespmem:s3+$0x8F60] =	vst v6  }
0x751: {  	s29 =	sor.u32 $0x470, s8;
	s25 =	sor.u32 $0x450, s8;
	v4 =	vld [tilespmem:s0+$0x370];
	[dreg:$0x8] =	wrdreg s28  }
0x752: {  	s12 =	sor.u32 $0x470, s10;
	s13 =	simm.s32 $0x4;
	s19 =	sor.u32 $0x450, s14;
	v3 =	vld [tilespmem:s2+$0x370];
	[tilespmem:s3+$0x8FE0] =	vst v7  }
0x753: {  	s21 =	sor.u32 $0x470, s14;
	s14 =	simm.s32 $0xD8B;
	s22 =	sor.u32 $0x460, s10;
	[tilespmem:s25+$0x8F00] =	vst v8;
	v2 =	vld [tilespmem:s1+$0x370]  }
.LBB2_16:
0x754: {  	_ = 	snop  }
0x755: {  	v5 =	vld [tilespmem:s14+$0x0];
	[tilespmem:s19+$0x8F00] =	vst v0  }
0x756: {  	p0 =	por !p0, !p0;
	s5 =	simm.s32 $0x1;
	v0 =	vld [tilespmem:s14+$0xFFFFFFFD];
	[tilespmem:s3+$0x90F0] =	vst v4  }
0x757: {  	s5 =	simm.s32 @!p0 $0x0;
	[tilespmem:s3+$0x9060] =	vst v1;
	v1 =	vld [tilespmem:s14+$0xFFFFFFFE]  }
0x758: {  	s5 =	sshll.u32 s5, $0x9;
	[tilespmem:s3+$0x8F70] =	vst v3;
	v3 =	vld [tilespmem:s0+$0x380]  }
0x759: {  	s17 =	sadd.s32 s5, s4;
	v4 =	vld [tilespmem:s14+$0xFFFFFFFF]  }
0x75a: {  	s16 =	sadd.s32 $0x80, s17;
	[tilespmem:s3+$0x8FF0] =	vst v2;
	(v2sf) =	vpush v5, $0x0;
	v2 =	vld [tilespmem:s20+$0x370]  }
0x75b: {  	s26 =	sadd.s32 $0x100, s17;
	s18 =	sadd.s32 $0x180, s17;
	s11 =	sor.u32 $0x400, s17;
	(v2sf) =	vpush v0, $0x0;
	v0 =	vld [tilespmem:s2+$0x380]  }
0x75c: {  	s10 =	sor.u32 $0x410, s17;
	s6 =	sor.u32 $0x400, s16;
	s24 =	sor.u32 $0x430, s16  }
0x75d: {  	s15 =	sor.u32 $0x400, s18;
	s19 =	sor.u32 $0x440, s26;
	[smem:$0x7AB] =	sst s24;
	(v2sf) =	vpush v1, $0x0;
	v1 =	vld [tilespmem:s1+$0x380]  }
0x75e: {  	s8 =	sor.u32 $0x400, s26;
	s24 =	sor.u32 $0x430, s26;
	[smem:$0x7AF] =	sst s19;
	[tilespmem:s15+$0x8F00] =	vst v3;
	v3 =	vld [tilespmem:s30+$0x3E0]  }
0x75f: {  	s5 =	sor.u32 $0x410, s26;
	s19 =	sor.u32 $0x450, s16;
	[smem:$0x7AC] =	sst s24;
	(v2sf) =	vpush v4, $0x0;
	v4 =	vld [tilespmem:s0+$0x390];
	[tilespmem:s3+$0x9070] =	vst v2  }
0x760: {  	s25 =	sor.u32 $0x420, s26;
	s24 =	sor.u32 $0x430, s17;
	[smem:$0x7B1] =	sst s19;
	[tilespmem:s11+$0x8F00] =	vst v0;
	v0 =	vld [tilespmem:s20+$0x380]  }
0x761: {  	s19 =	sor.u32 $0x450, s26;
	s15 =	sor.u32 $0x420, s17;
	v2 =	vld [tilespmem:s23+$0x3E0];
	s11 =	sor.u32 $0x440, s16  }
0x762: {  	[smem:$0x7AE] =	sst s11;
	v5 =	vld [tilespmem:s2+$0x390];
	s11 =	sor.u32 $0x440, s17;
	[tilespmem:s6+$0x8F00] =	vst v1;
	s6 =	sor.u32 $0x450, s17  }
0x763: {  	[tilespmem:s22+$0x8F00] =	vst v3;
	s22 =	smov.u32 s12;
	[smem:$0x7AD] =	sst s11;
	v1 =	vld [tilespmem:s1+$0x390];
	s11 =	sor.u32 $0x410, s18  }
0x764: {  	s12 =	sor.u32 $0x460, s26;
	v3 =	vld [tilespmem:s31+$0x3E0];
	[smem:$0x7B0] =	sst s6;
	s6 =	sor.u32 $0x460, s17;
	[tilespmem:s11+$0x8F00] =	vst v4  }
0x765: {  	s11 =	sor.u32 $0x470, s17;
	s17 =	sor.u32 $0x470, s26;
	s26 =	rddreg [dreg:$0x14];
	v4 =	vld [tilespmem:s0+$0x3A0];
	[tilespmem:s8+$0x8F00] =	vst v0  }
0x766: {  	[tilespmem:s26+$0x8F00] =	vst v2;
	v2 =	vld [tilespmem:s20+$0x390]  }
0x767: {  	s7 =	sadd.s32 $0x200, s7;
	s9 =	sor.u32 $0x410, s16;
	v0 =	vld [tilespmem:s30+$0x3F0];
	s30 =	smov.u32 s2;
	[tilespmem:s10+$0x8F00] =	vst v5  }
0x768: {  	s4 =	sadd.s32 $0x400, s4;
	s3 =	sor.u32 $0x460, s16;
	v5 =	vld [tilespmem:s30+$0x3A0];
	[tilespmem:s9+$0x8F00] =	vst v1;
	s9 =	rddreg [dreg:$0x8]  }
0x769: {  	s28 =	sor.u32 $0x420, s16;
	s26 =	smov.u32 s3;
	s8 =	sor.u32 $0x420, s18;
	v1 =	vld [tilespmem:s1+$0x3A0];
	[tilespmem:s9+$0x8F00] =	vst v3  }
0x76a: {  	[dreg:$0x14] =	wrdreg s26;
	s10 =	smov.u32 s12;
	s26 =	spop (v2sf);
	v3 =	vld [tilespmem:s23+$0x3F0];
	[tilespmem:s8+$0x8F00] =	vst v4  }
0x76b: {  	[dreg:$0x8] =	wrdreg s10;
	s8 =	sshll.u32 s26, $0xA;
	s9 =	spop (v2sf);
	v4 =	vld [tilespmem:s0+$0x3B0];
	[tilespmem:s5+$0x8F00] =	vst v2  }
0x76c: {  	[tilespmem:s22+$0x8F00] =	vst v0;
	s26 =	sshra.s32 s8, $0x2;
	s2 =	sshll.u32 s9, $0xA;
	s10 =	spop (v2sf);
	v0 =	vld [tilespmem:s31+$0x3F0]  }
0x76d: {  	s23 =	smov.u32 s1;
	v2 =	vld [tilespmem:s26+$0x300];
	s2 =	sshra.s32 s2, $0x2;
	s1 =	sshll.u32 s10, $0xA;
	[tilespmem:s15+$0x8F00] =	vst v5  }
0x76e: {  	s12 =	smov.u32 s11;
	s22 =	smov.u32 s6;
	v5 =	vld [tilespmem:s2+$0x300];
	s1 =	sshra.s32 s1, $0x2;
	[tilespmem:s28+$0x8F00] =	vst v1  }
0x76f: {  	s31 =	smov.u32 s20;
	s11 =	spop (v2sf);
	s15 =	sor.u32 $0x430, s18;
	v1 =	vld [tilespmem:s1+$0x300];
	[tilespmem:s29+$0x8F00] =	vst v3  }
0x770: {  	s20 =	sand.u32 $0x7800, s4;
	s28 =	sand.u32 $0x200, s7;
	s6 =	sshll.u32 s11, $0xA;
	v3 =	vld [tilespmem:s31+$0x3A0];
	[tilespmem:s15+$0x8F00] =	vst v4  }
0x771: {  	s3 =	sor.u32 s28, s20;
	s20 =	sshra.s32 s6, $0x2;
	v4 =	vld [tilespmem:s0+$0x3C0];
	[tilespmem:s21+$0x8F00] =	vst v0  }
0x772: {  	[tilespmem:s3+$0x9080] =	vst v2;
	v0 =	vld [tilespmem:s20+$0x300]  }
0x773: {  	v2 =	vld [tilespmem:s26+$0x310];
	[tilespmem:s3+$0x8F00] =	vst v5  }
0x774: {  	v5 =	vld [tilespmem:s2+$0x310];
	[tilespmem:s3+$0x8F80] =	vst v1  }
0x775: {  	s9 =	sor.u32 $0x440, s18;
	[tilespmem:s25+$0x8F00] =	vst v3;
	v1 =	vld [tilespmem:s1+$0x310]  }
0x776: {  	v3 =	vld [tilespmem:s30+$0x3B0];
	[tilespmem:s9+$0x8F00] =	vst v4  }
0x777: {  	[tilespmem:s3+$0x9000] =	vst v0;
	v0 =	vld [tilespmem:s0+$0x3D0]  }
0x778: {  	[tilespmem:s3+$0x9090] =	vst v2;
	v4 =	vld [tilespmem:s20+$0x310]  }
0x779: {  	[tilespmem:s3+$0x8F10] =	vst v5;
	v2 =	vld [tilespmem:s26+$0x320]  }
0x77a: {  	v5 =	vld [tilespmem:s2+$0x320];
	[tilespmem:s3+$0x8F90] =	vst v1  }
0x77b: {  	s10 =	sor.u32 $0x450, s18;
	[tilespmem:s24+$0x8F00] =	vst v3;
	v1 =	vld [tilespmem:s1+$0x320]  }
0x77c: {  	v3 =	vld [tilespmem:s23+$0x3B0];
	[tilespmem:s10+$0x8F00] =	vst v0  }
0x77d: {  	[tilespmem:s3+$0x9010] =	vst v4;
	v0 =	vld [tilespmem:s0+$0x3E0]  }
0x77e: {  	s11 =	sld [smem:$0x7AB];
	[tilespmem:s3+$0x90A0] =	vst v2;
	v4 =	vld [tilespmem:s20+$0x320]  }
0x77f: {  	[tilespmem:s3+$0x8F20] =	vst v5;
	v2 =	vld [tilespmem:s26+$0x330]  }
0x780: {  	v5 =	vld [tilespmem:s2+$0x330];
	[tilespmem:s3+$0x8FA0] =	vst v1  }
0x781: {  	s15 =	sor.u32 $0x460, s18;
	v1 =	vld [tilespmem:s1+$0x330];
	[tilespmem:s11+$0x8F00] =	vst v3  }
0x782: {  	v3 =	vld [tilespmem:s31+$0x3B0];
	[tilespmem:s15+$0x8F00] =	vst v0  }
0x783: {  	s16 =	sor.u32 $0x470, s16;
	[tilespmem:s3+$0x9020] =	vst v4;
	v0 =	vld [tilespmem:s0+$0x3F0]  }
0x784: {  	s29 =	smov.u32 s16;
	s16 =	sld [smem:$0x7AC];
	[tilespmem:s3+$0x90B0] =	vst v2;
	v4 =	vld [tilespmem:s20+$0x330]  }
0x785: {  	s0 =	smov.u32 s26;
	[tilespmem:s3+$0x8F30] =	vst v5  }
0x786: {  	v2 =	vld [tilespmem:s0+$0x340];
	[tilespmem:s3+$0x8FB0] =	vst v1  }
0x787: {  	s21 =	smov.u32 s17;
	s17 =	sor.u32 $0x470, s18;
	v5 =	vld [tilespmem:s2+$0x340];
	[tilespmem:s16+$0x8F00] =	vst v3  }
0x788: {  	v1 =	vld [tilespmem:s1+$0x340];
	[tilespmem:s17+$0x8F00] =	vst v0  }
0x789: {  	v0 =	vld [tilespmem:s23+$0x3C0];
	[tilespmem:s3+$0x9030] =	vst v4  }
0x78a: {  	v4 =	vld [tilespmem:s20+$0x340]  }
0x78b: {  	s24 =	sld [smem:$0x7AE];
	v3 =	vld [tilespmem:s30+$0x3C0];
	[tilespmem:s3+$0x90C0] =	vst v2  }
0x78c: {  	[tilespmem:s3+$0x8F40] =	vst v5;
	v2 =	vld [tilespmem:s0+$0x350]  }
0x78d: {  	s18 =	sld [smem:$0x7AD];
	v5 =	vld [tilespmem:s2+$0x350];
	[tilespmem:s3+$0x8FC0] =	vst v1  }
0x78e: {  	v1 =	vld [tilespmem:s1+$0x350];
	[tilespmem:s24+$0x8F00] =	vst v0  }
0x78f: {  	v0 =	vld [tilespmem:s31+$0x3C0];
	[tilespmem:s3+$0x9040] =	vst v4  }
0x790: {  	[tilespmem:s18+$0x8F00] =	vst v3;
	v4 =	vld [tilespmem:s20+$0x350]  }
0x791: {  	s25 =	sld [smem:$0x7AF];
	v3 =	vld [tilespmem:s30+$0x3D0];
	[tilespmem:s3+$0x90D0] =	vst v2  }
0x792: {  	[tilespmem:s3+$0x8F50] =	vst v5;
	v2 =	vld [tilespmem:s0+$0x360]  }
0x793: {  	s26 =	sld [smem:$0x7B0];
	v5 =	vld [tilespmem:s2+$0x360];
	[tilespmem:s3+$0x8FD0] =	vst v1  }
0x794: {  	s13 =	sadd.s32 $0x4, s13;
	v6 =	vld [tilespmem:s1+$0x360];
	[tilespmem:s25+$0x8F00] =	vst v0  }
0x795: {  	p1 =	slt.u32 s13, $0x7C;
	v7 =	vld [tilespmem:s23+$0x3D0];
	[tilespmem:s3+$0x9050] =	vst v4  }
.Ltmp7:
0x796: {  	[tilespmem:s26+$0x8F00] =	vst v3;
	v0 =	vld [tilespmem:s31+$0x3D0];
	(pc) =	sbr.rel @p1 .LBB2_16-.Ltmp7, $4  }
0x797: {  	s28 =	sld [smem:$0x7B1];
	[tilespmem:s3+$0x90E0] =	vst v2;
	v1 =	vld [tilespmem:s20+$0x360]  }
0x798: {  	[tilespmem:s3+$0x8F60] =	vst v5;
	v4 =	vld [tilespmem:s0+$0x370]  }
0x799: {  	v3 =	vld [tilespmem:s2+$0x370];
	[tilespmem:s3+$0x8FE0] =	vst v6  }
0x79a: {  	s14 =	sadd.s32 $0x4, s14;
	v2 =	vld [tilespmem:s1+$0x370];
	[tilespmem:s28+$0x8F00] =	vst v7  }
0x79b: {  	_ = 	snop  }
0x79c: {  	[tilespmem:s3+$0x9060] =	vst v1  }
0x79d: {  	p0 =	por !p0, !p0;
	s5 =	simm.s32 $0x1;
	v1 =	vld [tilespmem:s20+$0x370];
	[tilespmem:s3+$0x90F0] =	vst v4  }
0x79e: {  	s5 =	simm.s32 @!p0 $0x0;
	[tilespmem:s3+$0x8F70] =	vst v3;
	v3 =	vld [tilespmem:s0+$0x380]  }
0x79f: {  	s5 =	sshll.u32 s5, $0x9;
	[tilespmem:s3+$0x8FF0] =	vst v2;
	v2 =	vld [tilespmem:s2+$0x380]  }
0x7a0: {  	s4 =	sadd.s32 s5, s4  }
0x7a1: {  	s7 =	sadd.s32 $0x180, s4  }
0x7a2: {  	v4 =	vld [tilespmem:s1+$0x380];
	s16 =	sor.u32 $0x400, s7;
	[tilespmem:s3+$0x9070] =	vst v1  }
0x7a3: {  	s8 =	sor.u32 $0x400, s4;
	v1 =	vld [tilespmem:s20+$0x380];
	[tilespmem:s16+$0x8F00] =	vst v3  }
0x7a4: {  	[tilespmem:s8+$0x8F00] =	vst v2;
	v2 =	vld [tilespmem:s0+$0x390]  }
0x7a5: {  	s3 =	sadd.s32 $0x80, s4  }
0x7a6: {  	s13 =	sadd.s32 $0x100, s4;
	s17 =	sor.u32 $0x400, s3  }
0x7a7: {  	s18 =	sor.u32 $0x400, s13;
	[tilespmem:s17+$0x8F00] =	vst v4;
	v3 =	vld [tilespmem:s2+$0x390]  }
0x7a8: {  	s24 =	sor.u32 $0x410, s7;
	v4 =	vld [tilespmem:s1+$0x390];
	[tilespmem:s18+$0x8F00] =	vst v1  }
0x7a9: {  	v1 =	vld [tilespmem:s20+$0x390];
	[tilespmem:s24+$0x8F00] =	vst v2  }
0x7aa: {  	v2 =	vld [tilespmem:s0+$0x3A0]  }
0x7ab: {  	s25 =	sor.u32 $0x410, s4  }
0x7ac: {  	s26 =	sor.u32 $0x410, s3;
	[tilespmem:s25+$0x8F00] =	vst v3  }
0x7ad: {  	s28 =	sor.u32 $0x410, s13;
	[tilespmem:s26+$0x8F00] =	vst v4;
	v3 =	vld [tilespmem:s2+$0x3A0]  }
0x7ae: {  	s6 =	sor.u32 $0x420, s7;
	v4 =	vld [tilespmem:s1+$0x3A0];
	[tilespmem:s28+$0x8F00] =	vst v1  }
0x7af: {  	v1 =	vld [tilespmem:s20+$0x3A0];
	[tilespmem:s6+$0x8F00] =	vst v2  }
0x7b0: {  	v2 =	vld [tilespmem:s0+$0x3B0]  }
0x7b1: {  	s8 =	sor.u32 $0x420, s4  }
0x7b2: {  	s9 =	sor.u32 $0x420, s3;
	[tilespmem:s8+$0x8F00] =	vst v3  }
0x7b3: {  	s10 =	sor.u32 $0x420, s13;
	[tilespmem:s9+$0x8F00] =	vst v4;
	v3 =	vld [tilespmem:s2+$0x3B0]  }
0x7b4: {  	s11 =	sor.u32 $0x430, s7;
	[tilespmem:s10+$0x8F00] =	vst v1;
	v1 =	vld [tilespmem:s1+$0x3B0]  }
0x7b5: {  	v4 =	vld [tilespmem:s20+$0x3B0];
	[tilespmem:s11+$0x8F00] =	vst v2  }
0x7b6: {  	v2 =	vld [tilespmem:s0+$0x3C0]  }
0x7b7: {  	[tilespmem:s19+$0x8F00] =	vst v0;
	s14 =	sor.u32 $0x430, s4  }
0x7b8: {  	v0 =	vld [tilespmem:s30+$0x3E0];
	s15 =	sor.u32 $0x430, s3;
	[tilespmem:s14+$0x8F00] =	vst v3  }
0x7b9: {  	s16 =	sor.u32 $0x430, s13;
	[tilespmem:s15+$0x8F00] =	vst v1;
	v1 =	vld [tilespmem:s2+$0x3C0]  }
0x7ba: {  	s17 =	sor.u32 $0x440, s7;
	[tilespmem:s16+$0x8F00] =	vst v4;
	v3 =	vld [tilespmem:s1+$0x3C0]  }
0x7bb: {  	v4 =	vld [tilespmem:s20+$0x3C0];
	[tilespmem:s17+$0x8F00] =	vst v2  }
0x7bc: {  	v2 =	vld [tilespmem:s0+$0x3D0]  }
0x7bd: {  	[tilespmem:s22+$0x8F00] =	vst v0;
	s6 =	sor.u32 $0x440, s4  }
0x7be: {  	v5 =	vld [tilespmem:s23+$0x3E0];
	s18 =	sor.u32 $0x440, s3;
	[tilespmem:s6+$0x8F00] =	vst v1  }
0x7bf: {  	s19 =	sor.u32 $0x440, s13;
	[tilespmem:s18+$0x8F00] =	vst v3;
	v1 =	vld [tilespmem:s2+$0x3D0]  }
0x7c0: {  	s24 =	sor.u32 $0x450, s7;
	[tilespmem:s19+$0x8F00] =	vst v4;
	v3 =	vld [tilespmem:s1+$0x3D0]  }
0x7c1: {  	v0 =	vld [tilespmem:s20+$0x3D0];
	s5 =	rddreg [dreg:$0x14];
	[tilespmem:s24+$0x8F00] =	vst v2  }
0x7c2: {  	v2 =	vld [tilespmem:s0+$0x3E0]  }
0x7c3: {  	s25 =	sor.u32 $0x450, s4;
	v4 =	vld [tilespmem:s31+$0x3E0];
	[tilespmem:s5+$0x8F00] =	vst v5  }
0x7c4: {  	s26 =	sor.u32 $0x450, s3;
	v5 =	vld [tilespmem:s30+$0x3F0];
	[tilespmem:s25+$0x8F00] =	vst v1  }
0x7c5: {  	s28 =	sor.u32 $0x450, s13;
	[tilespmem:s26+$0x8F00] =	vst v3;
	v1 =	vld [tilespmem:s2+$0x3E0]  }
0x7c6: {  	s8 =	sor.u32 $0x460, s7;
	[tilespmem:s28+$0x8F00] =	vst v0;
	v0 =	vld [tilespmem:s1+$0x3E0]  }
0x7c7: {  	s5 =	rddreg [dreg:$0x8];
	v3 =	vld [tilespmem:s20+$0x3E0];
	[tilespmem:s8+$0x8F00] =	vst v2  }
0x7c8: {  	[tilespmem:s5+$0x8F00] =	vst v4;
	v4 =	vld [tilespmem:s23+$0x3F0]  }
0x7c9: {  	s9 =	sor.u32 $0x460, s4;
	[tilespmem:s12+$0x8F00] =	vst v5;
	v2 =	vld [tilespmem:s0+$0x3F0]  }
0x7ca: {  	s10 =	sor.u32 $0x460, s3;
	v5 =	vld [tilespmem:s31+$0x3F0];
	[tilespmem:s9+$0x8F00] =	vst v1  }
0x7cb: {  	s11 =	sor.u32 $0x460, s13;
	[tilespmem:s10+$0x8F00] =	vst v0;
	v0 =	vld [tilespmem:s2+$0x3F0]  }
0x7cc: {  	[tilespmem:s11+$0x8F00] =	vst v3;
	v1 =	vld [tilespmem:s1+$0x3F0]  }
0x7cd: {  	s12 =	sor.u32 $0x470, s7;
	[tilespmem:s29+$0x8F00] =	vst v4;
	v3 =	vld [tilespmem:s20+$0x3F0]  }
0x7ce: {  	[tilespmem:s12+$0x8F00] =	vst v2  }
0x7cf: {  	s14 =	sor.u32 $0x470, s4;
	[tilespmem:s21+$0x8F00] =	vst v5  }
0x7d0: {  	s15 =	sor.u32 $0x470, s3;
	[tilespmem:s14+$0x8F00] =	vst v0  }
0x7d1: {  	s16 =	sor.u32 $0x470, s13;
	[tilespmem:s15+$0x8F00] =	vst v1  }
0x7d2: {  	[tilespmem:s16+$0x8F00] =	vst v3  }
0x7d3: {  	s1 =	sld [smem:$0x7FA];
	_ =	sdelay $0x1  }
0x7d4: {  	s17 =	simm.s32 $0x0;
	s18 =	simm.s32 $0x8F00;
	s19 =	simm.s32 $0x2  }
0x7d5: {  	[hbm4b:s1+s17] =	stream.linear.scatter [tilespmem:s18], [sflag:$0x2], $0x8000, $0x38;
	[tilespmem:$0x18F00] =	vst v63  }
0x7d6: {  	_ =	swait.ge [sflag:s19], $0x8000  }
0x7d7: {  	[sflag:s19] =	ssyncset.done $0x0  }
0x7d8: {  	s20 =	simm.s32 $0xE03;
	[sflag:s19] =	ssyncadd.s32 $0xFFFF8000  }
0x7d9: {  	v0 =	vld [tilespmem:s20+$0x0];
	_ =	sdelay $0x1  }
0x7da: {  	v1 =	vld [tilespmem:s20+$0xFFFFFFFD];
	_ =	sdelay $0x2  }
0x7db: {  	(v2sf) =	vpush v0, $0x0;
	v0 =	vld [tilespmem:s20+$0xFFFFFFFE];
	_ =	sdelay $0x1  }
0x7dc: {  	v2 =	vld [tilespmem:s20+$0xFFFFFFFF];
	(v2sf) =	vpush v1, $0x0;
	_ =	sdelay $0x2  }
0x7dd: {  	(v2sf) =	vpush v0, $0x0;
	_ =	sdelay $0x1  }
0x7de: {  	(v2sf) =	vpush v2, $0x0;
	_ =	sdelay $0x7  }
0x7df: {  	s21 =	spop (v2sf)  }
0x7e0: {  	s1 =	sshll.u32 s21, $0xA  }
0x7e1: {  	s22 =	spop (v2sf);
	s6 =	sshra.s32 s1, $0x2  }
0x7e2: {  	s1 =	sshll.u32 s22, $0xA;
	v0 =	vld [tilespmem:s6+$0x300]  }
0x7e3: {  	s31 =	sshra.s32 s1, $0x2  }
0x7e4: {  	s23 =	sand.u32 $0x7800, s17;
	s0 =	sand.u32 $0x200, s17;
	v1 =	vld [tilespmem:s31+$0x300];
	s24 =	spop (v2sf)  }
0x7e5: {  	s2 =	sor.u32 s0, s23;
	s25 =	sshll.u32 s24, $0xA  }
0x7e6: {  	s0 =	sadd.s32 $0x10F00, s2;
	s26 =	spop (v2sf);
	s24 =	sshra.s32 s25, $0x2  }
0x7e7: {  	s28 =	sshll.u32 s26, $0xA;
	[tilespmem:s0+$0x180] =	vst v0;
	v2 =	vld [tilespmem:s24+$0x300]  }
0x7e8: {  	s30 =	sshra.s32 s28, $0x2;
	v0 =	vld [tilespmem:s6+$0x310]  }
0x7e9: {  	v3 =	vld [tilespmem:s30+$0x300];
	[tilespmem:s2+$0x10F00] =	vst v1  }
0x7ea: {  	v1 =	vld [tilespmem:s31+$0x310];
	_ =	sdelay $0x1  }
0x7eb: {  	[tilespmem:s0+$0x80] =	vst v2  }
0x7ec: {  	[tilespmem:s0+$0x190] =	vst v0;
	v2 =	vld [tilespmem:s24+$0x310]  }
0x7ed: {  	[tilespmem:s0+$0x100] =	vst v3;
	v0 =	vld [tilespmem:s6+$0x320]  }
0x7ee: {  	v3 =	vld [tilespmem:s30+$0x310];
	[tilespmem:s0+$0x10] =	vst v1  }
0x7ef: {  	v1 =	vld [tilespmem:s31+$0x320];
	_ =	sdelay $0x1  }
0x7f0: {  	[tilespmem:s0+$0x90] =	vst v2  }
0x7f1: {  	[tilespmem:s0+$0x1A0] =	vst v0;
	v2 =	vld [tilespmem:s24+$0x320]  }
0x7f2: {  	[tilespmem:s0+$0x110] =	vst v3;
	v0 =	vld [tilespmem:s6+$0x330]  }
0x7f3: {  	v3 =	vld [tilespmem:s30+$0x320];
	[tilespmem:s0+$0x20] =	vst v1  }
0x7f4: {  	v1 =	vld [tilespmem:s31+$0x330];
	_ =	sdelay $0x1  }
0x7f5: {  	[tilespmem:s0+$0xA0] =	vst v2  }
0x7f6: {  	[tilespmem:s0+$0x1B0] =	vst v0;
	v2 =	vld [tilespmem:s24+$0x330]  }
0x7f7: {  	[tilespmem:s0+$0x120] =	vst v3;
	v0 =	vld [tilespmem:s6+$0x340]  }
0x7f8: {  	v3 =	vld [tilespmem:s30+$0x330];
	[tilespmem:s0+$0x30] =	vst v1  }
0x7f9: {  	v1 =	vld [tilespmem:s31+$0x340];
	_ =	sdelay $0x1  }
0x7fa: {  	[tilespmem:s0+$0xB0] =	vst v2  }
0x7fb: {  	[tilespmem:s0+$0x1C0] =	vst v0;
	v2 =	vld [tilespmem:s24+$0x340]  }
0x7fc: {  	[tilespmem:s0+$0x130] =	vst v3;
	v0 =	vld [tilespmem:s6+$0x350]  }
0x7fd: {  	v3 =	vld [tilespmem:s30+$0x340];
	[tilespmem:s0+$0x40] =	vst v1  }
0x7fe: {  	v1 =	vld [tilespmem:s31+$0x350];
	_ =	sdelay $0x1  }
0x7ff: {  	[tilespmem:s0+$0xC0] =	vst v2  }
0x800: {  	[tilespmem:s0+$0x1D0] =	vst v0;
	v2 =	vld [tilespmem:s24+$0x350]  }
0x801: {  	[tilespmem:s0+$0x140] =	vst v3;
	v0 =	vld [tilespmem:s6+$0x360]  }
0x802: {  	v3 =	vld [tilespmem:s30+$0x350];
	[tilespmem:s0+$0x50] =	vst v1  }
0x803: {  	v1 =	vld [tilespmem:s31+$0x360]  }
0x804: {  	s3 =	simm.s32 $0xE07  }
0x805: {  	v4 =	vld [tilespmem:s3+$0x0];
	[tilespmem:s0+$0xD0] =	vst v2  }
0x806: {  	[tilespmem:s0+$0x1E0] =	vst v0;
	v2 =	vld [tilespmem:s24+$0x360]  }
0x807: {  	[tilespmem:s0+$0x150] =	vst v3;
	v0 =	vld [tilespmem:s6+$0x370]  }
0x808: {  	[tilespmem:s0+$0x60] =	vst v1;
	v1 =	vld [tilespmem:s3+$0xFFFFFFFD]  }
0x809: {  	v3 =	vld [tilespmem:s30+$0x360]  }
0x80a: {  	v6 =	vld [tilespmem:s3+$0xFFFFFFFE]  }
0x80b: {  	(v2sf) =	vpush v4, $0x0;
	v5 =	vld [tilespmem:s31+$0x370]  }
0x80c: {  	[tilespmem:s0+$0xE0] =	vst v2;
	v2 =	vld [tilespmem:s3+$0xFFFFFFFF]  }
0x80d: {  	p0 =	por $0x0, $0x0;
	s2 =	simm.s32 $0x1;
	[tilespmem:s0+$0x1F0] =	vst v0;
	(v2sf) =	vpush v1, $0x0;
	v1 =	vld [tilespmem:s24+$0x370]  }
0x80e: {  	s2 =	simm.s32 @!p0 $0x0;
	[tilespmem:s0+$0x160] =	vst v3;
	v0 =	vld [tilespmem:s6+$0x380]  }
0x80f: {  	s2 =	sshll.u32 s2, $0x9;
	v3 =	vld [tilespmem:s30+$0x370]  }
0x810: {  	s7 =	sadd.s32 $0x0, s2;
	[tilespmem:s0+$0x70] =	vst v5  }
0x811: {  	s9 =	sadd.s32 $0x180, s7;
	(v2sf) =	vpush v6, $0x0;
	v4 =	vld [tilespmem:s31+$0x380]  }
0x812: {  	s4 =	sor.u32 $0x400, s9;
	(v2sf) =	vpush v2, $0x0;
	[tilespmem:s0+$0xF0] =	vst v1  }
0x813: {  	[tilespmem:s4+$0x10F00] =	vst v0;
	v1 =	vld [tilespmem:s24+$0x380]  }
0x814: {  	[tilespmem:s0+$0x170] =	vst v3;
	v0 =	vld [tilespmem:s6+$0x390]  }
0x815: {  	s8 =	sor.u32 $0x400, s7;
	v2 =	vld [tilespmem:s30+$0x380]  }
0x816: {  	[tilespmem:s8+$0x10F00] =	vst v4;
	s8 =	sadd.s32 $0x80, s7  }
0x817: {  	s10 =	sor.u32 $0x400, s8  }
0x818: {  	s14 =	sadd.s32 $0x100, s7;
	s5 =	sor.u32 $0x410, s9;
	v3 =	vld [tilespmem:s31+$0x390];
	[tilespmem:s10+$0x10F00] =	vst v1  }
0x819: {  	s11 =	sor.u32 $0x400, s14;
	[tilespmem:s5+$0x10F00] =	vst v0;
	v1 =	vld [tilespmem:s24+$0x390]  }
0x81a: {  	s15 =	spop (v2sf);
	[tilespmem:s11+$0x10F00] =	vst v2;
	v0 =	vld [tilespmem:s6+$0x3A0]  }
0x81b: {  	s16 =	sshll.u32 s15, $0xA;
	v2 =	vld [tilespmem:s30+$0x390]  }
0x81c: {  	s13 =	sor.u32 $0x410, s7;
	s0 =	sshra.s32 s16, $0x2;
	s17 =	spop (v2sf)  }
0x81d: {  	s12 =	sor.u32 $0x420, s9;
	v4 =	vld [tilespmem:s0+$0x300];
	s18 =	sor.u32 $0x410, s8;
	[tilespmem:s13+$0x10F00] =	vst v3;
	s1 =	sshll.u32 s17, $0xA  }
0x81e: {  	s4 =	simm.s32 $0x400;
	s5 =	simm.s32 $0x200;
	v3 =	vld [tilespmem:s31+$0x3A0];
	s1 =	sshra.s32 s1, $0x2;
	[tilespmem:s18+$0x10F00] =	vst v1  }
0x81f: {  	s19 =	sor.u32 $0x410, s14;
	s20 =	sand.u32 $0x7800, s4;
	s21 =	sand.u32 $0x200, s5;
	[tilespmem:s12+$0x10F00] =	vst v0;
	v1 =	vld [tilespmem:s1+$0x300]  }
0x820: {  	s23 =	sor.u32 s21, s20;
	s10 =	spop (v2sf);
	[tilespmem:s19+$0x10F00] =	vst v2;
	v2 =	vld [tilespmem:s24+$0x3A0]  }
0x821: {  	s3 =	sadd.s32 $0x10F00, s23;
	s10 =	sshll.u32 s10, $0xA;
	v0 =	vld [tilespmem:s6+$0x3B0];
	s25 =	spop (v2sf)  }
0x822: {  	s22 =	sor.u32 $0x420, s7;
	[tilespmem:s3+$0x180] =	vst v4;
	s20 =	sshra.s32 s10, $0x2;
	v5 =	vld [tilespmem:s30+$0x3A0];
	s2 =	sshll.u32 s25, $0xA  }
0x823: {  	[tilespmem:s22+$0x10F00] =	vst v3;
	v3 =	vld [tilespmem:s20+$0x300];
	s2 =	sshra.s32 s2, $0x2  }
0x824: {  	s26 =	sor.u32 $0x420, s8;
	v4 =	vld [tilespmem:s2+$0x300];
	[tilespmem:s23+$0x10F00] =	vst v1  }
0x825: {  	s11 =	sor.u32 $0x430, s9;
	v1 =	vld [tilespmem:s0+$0x310];
	[tilespmem:s26+$0x10F00] =	vst v2  }
0x826: {  	s28 =	sor.u32 $0x420, s14;
	[tilespmem:s11+$0x10F00] =	vst v0;
	v2 =	vld [tilespmem:s1+$0x310]  }
0x827: {  	[tilespmem:s28+$0x10F00] =	vst v5;
	v0 =	vld [tilespmem:s6+$0x3C0]  }
0x828: {  	[tilespmem:s3+$0x80] =	vst v3  }
0x829: {  	v5 =	vld [tilespmem:s31+$0x3B0];
	[tilespmem:s3+$0x100] =	vst v4  }
0x82a: {  	v3 =	vld [tilespmem:s20+$0x310];
	[tilespmem:s3+$0x190] =	vst v1  }
0x82b: {  	s12 =	sor.u32 $0x440, s9;
	v1 =	vld [tilespmem:s0+$0x320];
	[tilespmem:s3+$0x10] =	vst v2  }
0x82c: {  	v2 =	vld [tilespmem:s2+$0x310];
	[tilespmem:s12+$0x10F00] =	vst v0  }
0x82d: {  	s13 =	sor.u32 $0x430, s7;
	v0 =	vld [tilespmem:s6+$0x3D0]  }
0x82e: {  	[tilespmem:s13+$0x10F00] =	vst v5;
	v4 =	vld [tilespmem:s1+$0x320]  }
0x82f: {  	v5 =	vld [tilespmem:s24+$0x3B0];
	[tilespmem:s3+$0x90] =	vst v3  }
0x830: {  	v3 =	vld [tilespmem:s20+$0x320];
	[tilespmem:s3+$0x1A0] =	vst v1  }
0x831: {  	s15 =	sor.u32 $0x450, s9;
	[tilespmem:s3+$0x110] =	vst v2;
	v1 =	vld [tilespmem:s0+$0x330]  }
0x832: {  	v2 =	vld [tilespmem:s2+$0x320];
	[tilespmem:s15+$0x10F00] =	vst v0  }
0x833: {  	s16 =	sor.u32 $0x430, s8;
	[tilespmem:s3+$0x20] =	vst v4;
	v0 =	vld [tilespmem:s6+$0x3E0]  }
0x834: {  	[tilespmem:s16+$0x10F00] =	vst v5;
	v4 =	vld [tilespmem:s1+$0x330]  }
0x835: {  	v5 =	vld [tilespmem:s30+$0x3B0];
	[tilespmem:s3+$0xA0] =	vst v3  }
0x836: {  	v3 =	vld [tilespmem:s20+$0x330];
	[tilespmem:s3+$0x1B0] =	vst v1  }
0x837: {  	s17 =	sor.u32 $0x460, s9;
	[tilespmem:s3+$0x120] =	vst v2;
	v1 =	vld [tilespmem:s0+$0x340]  }
0x838: {  	v2 =	vld [tilespmem:s2+$0x330];
	[tilespmem:s17+$0x10F00] =	vst v0  }
0x839: {  	s18 =	sor.u32 $0x430, s14;
	[tilespmem:s3+$0x30] =	vst v4;
	v0 =	vld [tilespmem:s6+$0x3F0]  }
0x83a: {  	[tilespmem:s18+$0x10F00] =	vst v5;
	v4 =	vld [tilespmem:s1+$0x340]  }
0x83b: {  	v5 =	vld [tilespmem:s31+$0x3C0];
	[tilespmem:s3+$0xB0] =	vst v3  }
0x83c: {  	v3 =	vld [tilespmem:s20+$0x340];
	[tilespmem:s3+$0x1C0] =	vst v1  }
0x83d: {  	s19 =	sor.u32 $0x470, s9;
	[tilespmem:s3+$0x130] =	vst v2;
	v1 =	vld [tilespmem:s0+$0x350]  }
0x83e: {  	[tilespmem:s19+$0x10F00] =	vst v0;
	v0 =	vld [tilespmem:s24+$0x3C0]  }
0x83f: {  	s21 =	sor.u32 $0x440, s7;
	[tilespmem:s3+$0x40] =	vst v4;
	v2 =	vld [tilespmem:s2+$0x340]  }
0x840: {  	[tilespmem:s21+$0x10F00] =	vst v5;
	v4 =	vld [tilespmem:s1+$0x350]  }
0x841: {  	[tilespmem:s3+$0xC0] =	vst v3;
	v3 =	vld [tilespmem:s31+$0x3D0]  }
0x842: {  	s22 =	sor.u32 $0x440, s8;
	v5 =	vld [tilespmem:s20+$0x350];
	[tilespmem:s3+$0x1D0] =	vst v1  }
0x843: {  	[tilespmem:s22+$0x10F00] =	vst v0;
	v0 =	vld [tilespmem:s30+$0x3C0]  }
0x844: {  	[tilespmem:s3+$0x140] =	vst v2;
	v2 =	vld [tilespmem:s0+$0x360]  }
0x845: {  	s25 =	sor.u32 $0x450, s7;
	[tilespmem:s3+$0x50] =	vst v4  }
0x846: {  	v4 =	vld [tilespmem:s2+$0x350];
	[tilespmem:s25+$0x10F00] =	vst v3  }
0x847: {  	s23 =	sor.u32 $0x440, s14;
	v6 =	vld [tilespmem:s1+$0x360];
	[tilespmem:s3+$0xD0] =	vst v5  }
0x848: {  	v7 =	vld [tilespmem:s24+$0x3D0];
	[tilespmem:s23+$0x10F00] =	vst v0  }
0x849: {  	s26 =	sor.u32 $0x460, s8;
	v1 =	vld [tilespmem:s20+$0x360];
	[tilespmem:s3+$0x1E0] =	vst v2  }
0x84a: {  	v0 =	vld [tilespmem:s30+$0x3D0];
	[dreg:$0x10] =	wrdreg s26  }
0x84b: {  	s28 =	sor.u32 $0x460, s7;
	[tilespmem:s3+$0x150] =	vst v4  }
0x84c: {  	s29 =	sor.u32 $0x470, s8;
	s13 =	simm.s32 $0x4;
	v3 =	vld [tilespmem:s0+$0x370];
	[dreg:$0x1a] =	wrdreg s28  }
0x84d: {  	s12 =	sor.u32 $0x470, s7;
	s15 =	sor.u32 $0x450, s8;
	s19 =	sor.u32 $0x460, s14;
	[tilespmem:s3+$0x60] =	vst v6;
	v4 =	vld [tilespmem:s2+$0x360]  }
0x84e: {  	s22 =	sor.u32 $0x470, s14;
	s23 =	sor.u32 $0x450, s14;
	s14 =	simm.s32 $0xE0B;
	[tilespmem:s15+$0x10F00] =	vst v7;
	v2 =	vld [tilespmem:s1+$0x370]  }
.LBB2_18:
0x84f: {  	v5 =	vld [tilespmem:s14+$0x0];
	p0 =	por !p0, !p0;
	s6 =	simm.s32 $0x1;
	[tilespmem:s23+$0x10F00] =	vst v0  }
0x850: {  	s6 =	simm.s32 @!p0 $0x0;
	v0 =	vld [tilespmem:s14+$0xFFFFFFFD];
	[tilespmem:s3+$0xE0] =	vst v1  }
0x851: {  	s6 =	sshll.u32 s6, $0x9;
	v1 =	vld [tilespmem:s14+$0xFFFFFFFE]  }
0x852: {  	s8 =	sadd.s32 s6, s4;
	[tilespmem:s3+$0x1F0] =	vst v3  }
0x853: {  	[tilespmem:s3+$0x160] =	vst v4;
	s18 =	sadd.s32 $0x80, s8;
	v3 =	vld [tilespmem:s0+$0x380]  }
0x854: {  	s28 =	sadd.s32 $0x100, s8;
	v4 =	vld [tilespmem:s14+$0xFFFFFFFF];
	(v2sf) =	vpush v5, $0x0;
	s11 =	sor.u32 $0x430, s18  }
0x855: {  	[tilespmem:s3+$0x70] =	vst v2;
	v2 =	vld [tilespmem:s20+$0x370];
	s23 =	sor.u32 $0x430, s28;
	[smem:$0x7A4] =	sst s11;
	(v2sf) =	vpush v0, $0x0  }
0x856: {  	[smem:$0x7A5] =	sst s23;
	s23 =	sor.u32 $0x430, s8;
	(v2sf) =	vpush v1, $0x0;
	v1 =	vld [tilespmem:s1+$0x380]  }
0x857: {  	s17 =	sadd.s32 $0x180, s8;
	s11 =	sor.u32 $0x440, s28;
	[smem:$0x7A3] =	sst s23;
	v0 =	vld [tilespmem:s2+$0x370]  }
0x858: {  	s15 =	sor.u32 $0x400, s17;
	s23 =	sor.u32 $0x440, s18;
	[smem:$0x7A8] =	sst s11  }
0x859: {  	s6 =	smov.u32 s19;
	s11 =	sor.u32 $0x450, s18;
	[smem:$0x7A7] =	sst s23;
	[tilespmem:s15+$0x10F00] =	vst v3;
	v3 =	vld [tilespmem:s31+$0x3E0]  }
0x85a: {  	s21 =	sor.u32 $0x400, s8;
	s23 =	sor.u32 $0x440, s8;
	[smem:$0x7AA] =	sst s11;
	[tilespmem:s3+$0xF0] =	vst v2;
	(v2sf) =	vpush v4, $0x0;
	v4 =	vld [tilespmem:s0+$0x390]  }
0x85b: {  	s19 =	sor.u32 $0x410, s8;
	[smem:$0x7A6] =	sst s23;
	v2 =	vld [tilespmem:s24+$0x3E0];
	[tilespmem:s21+$0x10F00] =	vst v1;
	s21 =	sor.u32 $0x450, s8  }
0x85c: {  	s10 =	sor.u32 $0x400, s28;
	s7 =	sor.u32 $0x410, s28;
	v5 =	vld [tilespmem:s20+$0x380];
	[tilespmem:s3+$0x170] =	vst v0;
	[smem:$0x7A9] =	sst s21  }
0x85d: {  	s25 =	sor.u32 $0x420, s28;
	s11 =	sor.u32 $0x410, s17;
	v0 =	vld [tilespmem:s2+$0x380];
	s21 =	rddreg [dreg:$0x1a]  }
0x85e: {  	s23 =	sor.u32 $0x450, s28;
	s15 =	sor.u32 $0x420, s8;
	v1 =	vld [tilespmem:s1+$0x390];
	[tilespmem:s21+$0x10F00] =	vst v3;
	s21 =	sor.u32 $0x460, s8  }
0x85f: {  	[tilespmem:s11+$0x10F00] =	vst v4;
	s11 =	sor.u32 $0x470, s8;
	s8 =	sor.u32 $0x470, s28;
	[dreg:$0x1a] =	wrdreg s21  }
0x860: {  	v3 =	vld [tilespmem:s30+$0x3E0];
	s21 =	smov.u32 s12;
	s12 =	sor.u32 $0x460, s28;
	s28 =	rddreg [dreg:$0x10]  }
0x861: {  	v4 =	vld [tilespmem:s0+$0x3A0];
	[tilespmem:s28+$0x10F00] =	vst v2  }
0x862: {  	s9 =	sor.u32 $0x400, s18;
	v2 =	vld [tilespmem:s31+$0x3F0];
	[tilespmem:s10+$0x10F00] =	vst v0  }
0x863: {  	[tilespmem:s9+$0x10F00] =	vst v5;
	v0 =	vld [tilespmem:s2+$0x390]  }
0x864: {  	s3 =	sor.u32 $0x460, s18;
	s31 =	smov.u32 s1;
	v5 =	vld [tilespmem:s20+$0x390];
	[tilespmem:s19+$0x10F00] =	vst v1  }
0x865: {  	s28 =	smov.u32 s3;
	s10 =	sor.u32 $0x420, s17;
	v1 =	vld [tilespmem:s31+$0x3A0];
	[tilespmem:s6+$0x10F00] =	vst v3  }
0x866: {  	s5 =	sadd.s32 $0x200, s5;
	[dreg:$0x10] =	wrdreg s28;
	s28 =	spop (v2sf);
	[tilespmem:s10+$0x10F00] =	vst v4;
	v3 =	vld [tilespmem:s24+$0x3F0]  }
0x867: {  	s4 =	sadd.s32 $0x400, s4;
	s6 =	sshll.u32 s28, $0xA;
	s9 =	spop (v2sf);
	v4 =	vld [tilespmem:s0+$0x3B0];
	[tilespmem:s21+$0x10F00] =	vst v2  }
0x868: {  	s16 =	sor.u32 $0x410, s18;
	s28 =	sshra.s32 s6, $0x2;
	s3 =	sshll.u32 s9, $0xA;
	v2 =	vld [tilespmem:s30+$0x3F0];
	[tilespmem:s7+$0x10F00] =	vst v0  }
0x869: {  	s19 =	smov.u32 s12;
	s12 =	smov.u32 s11;
	s1 =	sshra.s32 s3, $0x2;
	[tilespmem:s16+$0x10F00] =	vst v5;
	v5 =	vld [tilespmem:s28+$0x300]  }
0x86a: {  	s24 =	smov.u32 s20;
	s20 =	sand.u32 $0x7800, s4;
	s6 =	sor.u32 $0x430, s17;
	v0 =	vld [tilespmem:s1+$0x300];
	[tilespmem:s15+$0x10F00] =	vst v1  }
0x86b: {  	s30 =	smov.u32 s2;
	s21 =	sand.u32 $0x200, s5;
	s10 =	spop (v2sf);
	v1 =	vld [tilespmem:s24+$0x3A0];
	[tilespmem:s29+$0x10F00] =	vst v3  }
0x86c: {  	s7 =	sor.u32 s21, s20;
	s11 =	sshll.u32 s10, $0xA;
	s16 =	spop (v2sf);
	v3 =	vld [tilespmem:s30+$0x3A0];
	[tilespmem:s6+$0x10F00] =	vst v4  }
0x86d: {  	s3 =	sadd.s32 $0x10F00, s7;
	s20 =	sshra.s32 s11, $0x2;
	s2 =	sshll.u32 s16, $0xA;
	v4 =	vld [tilespmem:s0+$0x3C0];
	[tilespmem:s22+$0x10F00] =	vst v2  }
0x86e: {  	s2 =	sshra.s32 s2, $0x2;
	v2 =	vld [tilespmem:s20+$0x300];
	[tilespmem:s3+$0x180] =	vst v5  }
0x86f: {  	s26 =	sor.u32 $0x420, s18;
	[tilespmem:s7+$0x10F00] =	vst v0;
	v5 =	vld [tilespmem:s2+$0x300]  }
0x870: {  	v0 =	vld [tilespmem:s28+$0x310];
	[tilespmem:s26+$0x10F00] =	vst v1  }
0x871: {  	s22 =	smov.u32 s8;
	s8 =	sor.u32 $0x440, s17;
	v1 =	vld [tilespmem:s1+$0x310];
	[tilespmem:s25+$0x10F00] =	vst v3  }
0x872: {  	[tilespmem:s8+$0x10F00] =	vst v4  }
0x873: {  	v3 =	vld [tilespmem:s31+$0x3B0];
	[tilespmem:s3+$0x80] =	vst v2  }
0x874: {  	v4 =	vld [tilespmem:s20+$0x310];
	[tilespmem:s3+$0x100] =	vst v5  }
0x875: {  	s9 =	sld [smem:$0x7A3];
	v2 =	vld [tilespmem:s0+$0x3D0];
	[tilespmem:s3+$0x190] =	vst v0  }
0x876: {  	[tilespmem:s3+$0x10] =	vst v1;
	v1 =	vld [tilespmem:s2+$0x310]  }
0x877: {  	v0 =	vld [tilespmem:s28+$0x320]  }
0x878: {  	v5 =	vld [tilespmem:s1+$0x320];
	[tilespmem:s9+$0x10F00] =	vst v3  }
0x879: {  	s10 =	sor.u32 $0x450, s17;
	v3 =	vld [tilespmem:s24+$0x3B0];
	[tilespmem:s3+$0x90] =	vst v4  }
0x87a: {  	[tilespmem:s10+$0x10F00] =	vst v2;
	v4 =	vld [tilespmem:s20+$0x320]  }
0x87b: {  	s11 =	sld [smem:$0x7A4];
	v2 =	vld [tilespmem:s0+$0x3E0];
	[tilespmem:s3+$0x110] =	vst v1  }
0x87c: {  	[tilespmem:s3+$0x1A0] =	vst v0;
	v1 =	vld [tilespmem:s2+$0x320]  }
0x87d: {  	[tilespmem:s3+$0x20] =	vst v5;
	v0 =	vld [tilespmem:s28+$0x330]  }
0x87e: {  	[tilespmem:s11+$0x10F00] =	vst v3;
	v5 =	vld [tilespmem:s1+$0x330]  }
0x87f: {  	s15 =	sor.u32 $0x460, s17;
	v3 =	vld [tilespmem:s30+$0x3B0];
	[tilespmem:s3+$0xA0] =	vst v4  }
0x880: {  	[tilespmem:s15+$0x10F00] =	vst v2;
	v4 =	vld [tilespmem:s20+$0x330]  }
0x881: {  	s16 =	sld [smem:$0x7A5];
	v2 =	vld [tilespmem:s0+$0x3F0];
	[tilespmem:s3+$0x120] =	vst v1  }
0x882: {  	s0 =	smov.u32 s28;
	[tilespmem:s3+$0x1B0] =	vst v0;
	v1 =	vld [tilespmem:s2+$0x330]  }
0x883: {  	[tilespmem:s3+$0x30] =	vst v5;
	v0 =	vld [tilespmem:s0+$0x340]  }
0x884: {  	[tilespmem:s16+$0x10F00] =	vst v3;
	v5 =	vld [tilespmem:s1+$0x340]  }
0x885: {  	s17 =	sor.u32 $0x470, s17;
	v3 =	vld [tilespmem:s31+$0x3C0];
	[tilespmem:s3+$0xB0] =	vst v4  }
0x886: {  	s18 =	sor.u32 $0x470, s18;
	[tilespmem:s17+$0x10F00] =	vst v2;
	v2 =	vld [tilespmem:s24+$0x3C0]  }
0x887: {  	s29 =	smov.u32 s18;
	s18 =	sld [smem:$0x7A6];
	v4 =	vld [tilespmem:s20+$0x340];
	[tilespmem:s3+$0x130] =	vst v1  }
0x888: {  	s21 =	sld [smem:$0x7A7];
	[tilespmem:s3+$0x1C0] =	vst v0;
	v1 =	vld [tilespmem:s2+$0x340]  }
0x889: {  	[tilespmem:s3+$0x40] =	vst v5;
	v0 =	vld [tilespmem:s0+$0x350]  }
0x88a: {  	v5 =	vld [tilespmem:s1+$0x350];
	[tilespmem:s18+$0x10F00] =	vst v3  }
0x88b: {  	[tilespmem:s21+$0x10F00] =	vst v2  }
0x88c: {  	v3 =	vld [tilespmem:s31+$0x3D0];
	[tilespmem:s3+$0xC0] =	vst v4  }
0x88d: {  	v2 =	vld [tilespmem:s30+$0x3C0];
	[tilespmem:s3+$0x140] =	vst v1  }
0x88e: {  	s26 =	sld [smem:$0x7A9];
	v4 =	vld [tilespmem:s20+$0x350];
	[tilespmem:s3+$0x1D0] =	vst v0  }
0x88f: {  	s25 =	sld [smem:$0x7A8];
	[tilespmem:s3+$0x50] =	vst v5;
	v5 =	vld [tilespmem:s2+$0x350]  }
0x890: {  	v6 =	vld [tilespmem:s0+$0x360]  }
0x891: {  	s13 =	sadd.s32 $0x4, s13;
	v7 =	vld [tilespmem:s1+$0x360];
	[tilespmem:s26+$0x10F00] =	vst v3  }
0x892: {  	p1 =	slt.u32 s13, $0x7C;
	v8 =	vld [tilespmem:s24+$0x3D0];
	[tilespmem:s25+$0x10F00] =	vst v2  }
.Ltmp8:
0x893: {  	v0 =	vld [tilespmem:s30+$0x3D0];
	[tilespmem:s3+$0xD0] =	vst v4;
	(pc) =	sbr.rel @p1 .LBB2_18-.Ltmp8, $4  }
0x894: {  	s28 =	sld [smem:$0x7AA];
	v1 =	vld [tilespmem:s20+$0x360];
	[tilespmem:s3+$0x150] =	vst v5  }
0x895: {  	[tilespmem:s3+$0x1E0] =	vst v6;
	v4 =	vld [tilespmem:s2+$0x360]  }
0x896: {  	[tilespmem:s3+$0x60] =	vst v7;
	v3 =	vld [tilespmem:s0+$0x370]  }
0x897: {  	s14 =	sadd.s32 $0x4, s14;
	[tilespmem:s28+$0x10F00] =	vst v8;
	v2 =	vld [tilespmem:s1+$0x370]  }
0x898: {  	_ = 	snop  }
0x899: {  	[tilespmem:s3+$0xE0] =	vst v1  }
0x89a: {  	[tilespmem:s3+$0x160] =	vst v4;
	v1 =	vld [tilespmem:s20+$0x370]  }
0x89b: {  	v4 =	vld [tilespmem:s2+$0x370];
	_ =	sdelay $0x1  }
0x89c: {  	p0 =	por !p0, !p0;
	s5 =	simm.s32 $0x1;
	[tilespmem:s3+$0x1F0] =	vst v3  }
0x89d: {  	s5 =	simm.s32 @!p0 $0x0;
	v3 =	vld [tilespmem:s0+$0x380];
	[tilespmem:s3+$0x70] =	vst v2  }
0x89e: {  	s5 =	sshll.u32 s5, $0x9;
	v2 =	vld [tilespmem:s1+$0x380];
	[tilespmem:s3+$0xF0] =	vst v1  }
0x89f: {  	s4 =	sadd.s32 s5, s4;
	v1 =	vld [tilespmem:s20+$0x380];
	[tilespmem:s3+$0x170] =	vst v4  }
0x8a0: {  	s13 =	sadd.s32 $0x180, s4;
	v4 =	vld [tilespmem:s2+$0x380]  }
0x8a1: {  	s6 =	sor.u32 $0x400, s13  }
0x8a2: {  	s7 =	sor.u32 $0x400, s4;
	s3 =	sadd.s32 $0x80, s4;
	[tilespmem:s6+$0x10F00] =	vst v3  }
0x8a3: {  	s5 =	sadd.s32 $0x100, s4;
	s8 =	sor.u32 $0x400, s3;
	[tilespmem:s7+$0x10F00] =	vst v2;
	v49 =	vld [tilespmem:s0+$0x390]  }
0x8a4: {  	s9 =	sor.u32 $0x400, s5;
	v50 =	vld [tilespmem:s1+$0x390];
	[tilespmem:s8+$0x10F00] =	vst v1  }
0x8a5: {  	v51 =	vld [tilespmem:s20+$0x390];
	[tilespmem:s9+$0x10F00] =	vst v4  }
0x8a6: {  	v4 =	vld [tilespmem:s2+$0x390]  }
0x8a7: {  	s10 =	sor.u32 $0x410, s13  }
0x8a8: {  	s11 =	sor.u32 $0x410, s4;
	[tilespmem:s10+$0x10F00] =	vst v49  }
0x8a9: {  	s14 =	sor.u32 $0x410, s3;
	[tilespmem:s11+$0x10F00] =	vst v50;
	v52 =	vld [tilespmem:s0+$0x3A0]  }
0x8aa: {  	s15 =	sor.u32 $0x410, s5;
	v53 =	vld [tilespmem:s1+$0x3A0];
	[tilespmem:s14+$0x10F00] =	vst v51  }
0x8ab: {  	[tilespmem:s15+$0x10F00] =	vst v4;
	v3 =	vld [tilespmem:s20+$0x3A0]  }
0x8ac: {  	v4 =	vld [tilespmem:s2+$0x3A0]  }
0x8ad: {  	s16 =	sor.u32 $0x420, s13  }
0x8ae: {  	s17 =	sor.u32 $0x420, s4;
	[tilespmem:s16+$0x10F00] =	vst v52  }
0x8af: {  	s18 =	sor.u32 $0x420, s3;
	[tilespmem:s17+$0x10F00] =	vst v53;
	v1 =	vld [tilespmem:s0+$0x3B0]  }
0x8b0: {  	s21 =	sor.u32 $0x420, s5;
	v2 =	vld [tilespmem:s1+$0x3B0];
	[tilespmem:s18+$0x10F00] =	vst v3  }
0x8b1: {  	[tilespmem:s21+$0x10F00] =	vst v4;
	v3 =	vld [tilespmem:s20+$0x3B0]  }
0x8b2: {  	v4 =	vld [tilespmem:s2+$0x3B0]  }
0x8b3: {  	s25 =	sor.u32 $0x430, s13  }
0x8b4: {  	s26 =	sor.u32 $0x430, s4;
	[tilespmem:s25+$0x10F00] =	vst v1  }
0x8b5: {  	s28 =	sor.u32 $0x430, s3;
	[tilespmem:s26+$0x10F00] =	vst v2;
	v1 =	vld [tilespmem:s0+$0x3C0]  }
0x8b6: {  	s6 =	sor.u32 $0x430, s5;
	v2 =	vld [tilespmem:s1+$0x3C0];
	[tilespmem:s28+$0x10F00] =	vst v3  }
0x8b7: {  	[tilespmem:s6+$0x10F00] =	vst v4;
	v3 =	vld [tilespmem:s20+$0x3C0]  }
0x8b8: {  	v4 =	vld [tilespmem:s2+$0x3C0]  }
0x8b9: {  	[tilespmem:s23+$0x10F00] =	vst v0;
	s6 =	sor.u32 $0x440, s13  }
0x8ba: {  	v54 =	vld [tilespmem:s31+$0x3E0];
	s8 =	sor.u32 $0x440, s4;
	[tilespmem:s6+$0x10F00] =	vst v1  }
0x8bb: {  	s9 =	sor.u32 $0x440, s3;
	[tilespmem:s8+$0x10F00] =	vst v2;
	v1 =	vld [tilespmem:s0+$0x3D0]  }
0x8bc: {  	s10 =	sor.u32 $0x440, s5;
	v2 =	vld [tilespmem:s1+$0x3D0];
	[tilespmem:s9+$0x10F00] =	vst v3  }
0x8bd: {  	v56 =	vld [tilespmem:s30+$0x3E0];
	[tilespmem:s10+$0x10F00] =	vst v4  }
0x8be: {  	v3 =	vld [tilespmem:s20+$0x3D0];
	s6 =	rddreg [dreg:$0x1a]  }
0x8bf: {  	s11 =	sor.u32 $0x450, s13;
	v55 =	vld [tilespmem:s2+$0x3D0];
	[tilespmem:s6+$0x10F00] =	vst v54  }
0x8c0: {  	v5 =	vld [tilespmem:s24+$0x3E0];
	s14 =	sor.u32 $0x450, s4;
	s6 =	rddreg [dreg:$0x10];
	[tilespmem:s11+$0x10F00] =	vst v1  }
0x8c1: {  	v57 =	vld [tilespmem:s31+$0x3F0];
	[tilespmem:s14+$0x10F00] =	vst v2  }
0x8c2: {  	s15 =	sor.u32 $0x450, s3;
	[tilespmem:s19+$0x10F00] =	vst v56;
	v1 =	vld [tilespmem:s0+$0x3E0]  }
0x8c3: {  	s16 =	sor.u32 $0x450, s5;
	v2 =	vld [tilespmem:s1+$0x3E0];
	[tilespmem:s15+$0x10F00] =	vst v3  }
0x8c4: {  	[tilespmem:s16+$0x10F00] =	vst v55;
	v58 =	vld [tilespmem:s20+$0x3E0]  }
0x8c5: {  	[tilespmem:s6+$0x10F00] =	vst v5;
	v59 =	vld [tilespmem:s2+$0x3E0]  }
0x8c6: {  	s17 =	sor.u32 $0x460, s13;
	v61 =	vld [tilespmem:s30+$0x3F0];
	[tilespmem:s12+$0x10F00] =	vst v57  }
0x8c7: {  	s18 =	sor.u32 $0x460, s4;
	v60 =	vld [tilespmem:s24+$0x3F0];
	[tilespmem:s17+$0x10F00] =	vst v1  }
0x8c8: {  	s19 =	sor.u32 $0x460, s3;
	[tilespmem:s18+$0x10F00] =	vst v2;
	v1 =	vld [tilespmem:s0+$0x3F0]  }
0x8c9: {  	s21 =	sor.u32 $0x460, s5;
	v62 =	vld [tilespmem:s1+$0x3F0];
	[tilespmem:s19+$0x10F00] =	vst v58  }
0x8ca: {  	[tilespmem:s21+$0x10F00] =	vst v59;
	v63 =	vld [tilespmem:s20+$0x3F0]  }
0x8cb: {  	[tilespmem:s22+$0x10F00] =	vst v61;
	v3 =	vld [tilespmem:s2+$0x3F0]  }
0x8cc: {  	s22 =	sor.u32 $0x470, s13;
	[tilespmem:s29+$0x10F00] =	vst v60  }
0x8cd: {  	s23 =	sor.u32 $0x470, s4;
	[tilespmem:s22+$0x10F00] =	vst v1  }
0x8ce: {  	s24 =	sor.u32 $0x470, s3;
	[tilespmem:s23+$0x10F00] =	vst v62  }
0x8cf: {  	s25 =	sor.u32 $0x470, s5;
	[tilespmem:s24+$0x10F00] =	vst v63  }
0x8d0: {  	[tilespmem:s25+$0x10F00] =	vst v3  }
0x8d1: {  	s0 =	sld [smem:$0x7FC];
	_ =	sdelay $0x1  }
0x8d2: {  	s7 =	simm.s32 $0x0;
	s26 =	simm.s32 $0x10F00;
	s28 =	simm.s32 $0x1  }
0x8d3: {  	[hbm4b:s0+s7] =	stream.linear.scatter [tilespmem:s26], [sflag:$0x2], $0x8000, $0x38;
	[tilespmem:$0x18F00] =	vst v63  }
0x8d4: {  	_ =	swait.ge [sflag:s28], $0x8000  }
0x8d5: {  	[sflag:s28] =	ssyncset.done $0x0  }
0x8d6: {  	[sflag:s28] =	ssyncadd.s32 $0xFFFF8000  }
0x8d7: {  	_ =	swait.ge [sflag:s28], $0x8000  }
0x8d8: {  	[sflag:s28] =	ssyncset.done $0x0  }
0x8d9: {  	[sflag:s28] =	ssyncadd.s32 $0xFFFF8000  }
0x8da: {  	_ =	swait.ge [sflag:s28], $0x8000  }
0x8db: {  	[sflag:s28] =	ssyncset.done $0x0  }
0x8dc: {  	[sflag:s28] =	ssyncadd.s32 $0xFFFF8000  }
0x8dd: {  	_ =	swait.ge [sflag:s28], $0x8000  }
0x8de: {  	[sflag:s28] =	ssyncset.done $0x0  }
0x8df: {  	s29 =	simm.s32 $0x2;
	[sflag:s28] =	ssyncadd.s32 $0xFFFF8000  }
0x8e0: {  	_ =	swait.ge [sflag:s29], $0x8000  }
0x8e1: {  	[sflag:s29] =	ssyncset.done $0x0  }
0x8e2: {  	[sflag:s29] =	ssyncadd.s32 $0xFFFF8000  }
0x8e3: {  	_ =	swait.ge [sflag:s29], $0x8000  }
0x8e4: {  	s30 =	sld [smem:$0x7EE]  }
0x8e5: {  	s31 =	sld [smem:$0x7FD];
	_ =	sdelay $0x1  }
0x8e6: {  	s2 =	sadd.s32 $0x1, s30  }
0x8e7: {  	p0 =	sne.s32 s2, s31  }
.Ltmp9:
0x8e8: {  	_ = 	snop;
	(pc) =	sbr.rel @p0 .LBB2_1-.Ltmp9, $3  }
0x8e9: {  	_ =	sdelay $0x1  }
0x8ea: {  	[sflag:s29] =	ssyncset.done $0x0  }
0x8eb: {  	[sflag:s29] =	ssyncadd.s32 $0xFFFF8000  }
0x8ec: {  	_ =	sfence.sel $0x180000  }
0x8ed: {  	[bflag:$0x0] =	sbarrier.arrive $0xFFFF  }
0x8ee: {  	_ =	strace $0x90000047  }
0x8ef: {  	s0 =	stileid.u32;
	[bflag:$0x2] =	sbarrier.arrive $0xFFFF  }
0x8f0: {  	p0 =	sne.s32 s0, $0x0;
	s0 =	rddreg [dreg:$0x4]  }
0x8f1: {  	s0 =	sadd.s32 @!p0 $0x100000, s0  }
0x8f2: {  	[sflag:s0] =	ssyncadd.tile.s32 @!p0 $0x1;
	_ =	shalt  }
.Lfunc_end2:
_tile_overlayer_lowered:
.L_overlay_start_2:
0x8f3: {  	(tag) =	ssettag $0x2  }
0x8f4: {  	s0 =	rddreg [dreg:$0x0];
	s2 =	stileid.u32  }
0x8f5: {  	s1 =	rddreg [dreg:$0x1];
	p0 =	sne.s32 s2, $0x0  }
0x8f6: {  	s3 =	rddreg [dreg:$0x2];
	[bflag:$0x3] =	sbarrier.arrive $0xFFFF;
	s2 =	simm.s32 @!p0 $0x1C03  }
0x8f7: {  	[timem:s3], [sflag:s2] =	dma.local @!p0 [hbm:s0], s1  }
0x8f8: {  	s0 =	simm.s32 @!p0 $0x3  }
0x8f9: {  	_ =	swait.ge @!p0 [sflag:s0], s1  }
0x8fa: {  	s1 =	ssub.s32 @!p0 $0x0, s1;
	[sflag:s0] =	ssyncset.done @!p0 $0x0  }
0x8fb: {  	[sflag:s0] =	ssyncadd.s32 @!p0 s1  }
0x8fc: {  	[bflag:$0x3] =	sbarrier.arrive $0xFFFF  }
0x8fd: {  	_ =	shalt  }

</sc_bundles>
